<compile_context>
chip_gen: v7x
topology: tpu7x:2x2x1
jax: 0.10.2.dev20260603
libtpu: 0.0.44.dev20260713+nightly
codegen_flags: <defaults>
</compile_context>

<pallas_src>
import functools

import jax
import jax.numpy as jnp
from jax import lax
from jax.experimental import pallas as pl
from jax.experimental.pallas import tpu as pltpu
from jax.experimental.pallas import tpu_sc as plsc

NC = 2
NS = 16
L = 16
NW = NC * NS

B = 1024
CHUNK = 128
KSUB = B // CHUNK


@functools.partial(jax.jit, static_argnames=("h", "w"))
def _build_table(zt5, *, h, w):
    yb_n = h // 8
    xb_n = w // 128
    units = yb_n * xb_n
    per_w = units // NW
    mesh = plsc.VectorSubcoreMesh(core_axis_name="c", subcore_axis_name="s")

    @functools.partial(
        pl.kernel,
        out_type=jax.ShapeDtypeStruct((h, xb_n, 1024), jnp.float32),
        mesh=mesh,
        scratch_types=[
            pltpu.VMEM((2, 8, 1033), jnp.float32),
            pltpu.VMEM((2, 8, 1024), jnp.float32),
            pltpu.SemaphoreType.DMA,
            pltpu.SemaphoreType.DMA,
            pltpu.SemaphoreType.DMA,
            pltpu.SemaphoreType.DMA,
        ],
        compiler_params=pltpu.CompilerParams(
            needs_layout_passes=False, use_tc_tiling_on_sc=False),
    )
    def k(zt_hbm, tab_hbm, in_buf, out_buf, sem_i0, sem_i1, sem_o0, sem_o1):
        wid = lax.axis_index("s") * NC + lax.axis_index("c")
        ubase = wid * per_w
        iota = lax.iota(jnp.int32, L)
        cvec = iota % 8
        xpair = iota // 8
        sem_i = [sem_i0, sem_i1]
        sem_o = [sem_o0, sem_o1]

        def unit_yx(u):
            uu = ubase + u
            return uu // xb_n, uu % xb_n

        def make_in(u, p):
            yb, xb = unit_yx(u)
            return pltpu.make_async_copy(
                zt_hbm.at[:, yb, xb], in_buf.at[p, :, pl.ds(0, 1024)], sem_i[p])

        def make_out(u, p):
            yb, xb = unit_yx(u)
            return pltpu.make_async_copy(
                out_buf.at[p], tab_hbm.at[pl.ds(yb * 8, 8), xb], sem_o[p])

        def compute(u, p):
            @pl.loop(0, 8)
            def _yr(yr):
                pos0 = yr * 128 + xpair
                for xp in range(64):
                    g = plsc.load_gather(
                        in_buf.at[p], [cvec, pos0 + 2 * xp])
                    out_buf[p, yr, pl.ds(xp * 2 * 8, L)] = g

        make_in(0, 0).start()
        make_in(1, 1).start()

        @pl.loop(0, per_w, step=2)
        def _u(u):
            for par in range(2):
                cur = u + par
                make_in(cur, par).wait()

                @pl.when(cur >= 2)
                def _():
                    make_out(cur - 2, par).wait()

                compute(cur, par)

                @pl.when(cur + 2 < per_w)
                def _():
                    make_in(cur + 2, par).start()

                make_out(cur, par).start()

        make_out(per_w - 2, 0).wait()
        make_out(per_w - 1, 1).wait()

    return k(zt5)


@functools.partial(jax.jit, static_argnames=("n", "c"))
def _interp(zrs, idx128, w128, *, n, c):
    per_w = n // NW
    nblk = per_w // B
    rows_blk = B * 4 // CHUNK
    mesh = plsc.VectorSubcoreMesh(core_axis_name="c", subcore_axis_name="s")

    @functools.partial(
        pl.kernel,
        out_type=jax.ShapeDtypeStruct((n // CHUNK, c, CHUNK), jnp.float32),
        mesh=mesh,
        scratch_types=[
            pltpu.VMEM((4, 1028), jnp.int32),
            pltpu.VMEM((rows_blk, CHUNK), jnp.int32),
            pltpu.VMEM((4, B), jnp.float32),
            pltpu.VMEM((B * 4, 8), jnp.float32),
            pltpu.VMEM((B, 17), jnp.float32),
            pltpu.VMEM((B, 17), jnp.float32),
            pltpu.VMEM((KSUB, 8, CHUNK), jnp.float32),
            pltpu.SemaphoreType.DMA,
        ],
        compiler_params=pltpu.CompilerParams(
            needs_layout_passes=False, use_tc_tiling_on_sc=False),
    )
    def k(zrs_hbm, idx_hbm, w_hbm, out_hbm,
          idx_buf_t, idx_il, w_buf, g_buf, t_a, t_b, o_buf, sem_g):
        wid = lax.axis_index("s") * NC + lax.axis_index("c")
        base = wid * per_w
        iota = lax.iota(jnp.int32, L)
        rsel = jnp.where(iota < 8, 0, 1).astype(jnp.int32)
        csel = iota % 8
        jsel = iota % 4
        qsel = iota // 4
        csplat = [jnp.full((L,), cc, jnp.int32) for cc in range(8)]

        @pl.loop(0, nblk)
        def _blk(s):
            qoff = pl.multiple_of(base + s * B, B)
            coff = pl.multiple_of(qoff // CHUNK, KSUB)
            pltpu.sync_copy(idx_hbm.at[:, pl.ds(qoff, B)],
                            idx_buf_t.at[:, pl.ds(0, B)])
            pltpu.sync_copy(w_hbm.at[:, pl.ds(qoff, B)], w_buf)

            @pl.loop(0, B * 4 // L, unroll=4)
            def _il(f):
                f0 = f * L
                v = plsc.load_gather(idx_buf_t, [jsel, (f0 // 4) + qsel])
                idx_il[f0 // CHUNK, pl.ds(f0 % CHUNK, L)] = v

            @pl.loop(0, rows_blk)
            def _fire(r):
                pltpu.async_copy(
                    zrs_hbm.at[idx_il.at[r]],
                    g_buf.at[pl.ds(r * CHUNK, CHUNK), :], sem_g)

            @pl.loop(0, rows_blk)
            def _drain(r):
                pltpu.make_async_copy(
                    zrs_hbm.at[idx_il.at[r]],
                    g_buf.at[pl.ds(r * CHUNK, CHUNK), :], sem_g).wait()

            @pl.loop(0, B, unroll=8)
            def _acc(q):
                q4 = q * 4
                t_a[q, pl.ds(0, L)] = plsc.load_gather(g_buf, [q4 + rsel, csel])
                t_b[q, pl.ds(0, L)] = plsc.load_gather(
                    g_buf, [q4 + 2 + rsel, csel])

            @pl.loop(0, B // L, unroll=2)
            def _tr(u):
                kk = u // 8
                t = u - kk * 8
                q0 = u * L
                qv = q0 + iota
                wv = [w_buf[j, pl.ds(q0, L)] for j in range(4)]
                for cc in range(8):
                    o = (wv[0] * plsc.load_gather(t_a, [qv, csplat[cc]])
                         + wv[1] * plsc.load_gather(t_a, [qv, 8 + csplat[cc]])
                         + wv[2] * plsc.load_gather(t_b, [qv, csplat[cc]])
                         + wv[3] * plsc.load_gather(t_b, [qv, 8 + csplat[cc]]))
                    o_buf[kk, cc, pl.ds(t * L, L)] = o

            pltpu.sync_copy(o_buf, out_hbm.at[pl.ds(coff, KSUB)])

    out3 = k(zrs, idx128, w128)
    return out3.transpose(1, 0, 2).reshape(c, n)


def kernel(z, weights, index):
    c, hh, ww = z.shape
    n = index.shape[0]
    zt5 = z.reshape(c, hh // 8, 8, ww // 128, 128).transpose(
        0, 1, 3, 2, 4).reshape(c, hh // 8, ww // 128, 1024)
    tab = _build_table(zt5, h=hh, w=ww)
    zrs = tab.reshape(hh * ww, c)
    return _interp(zrs, index.T, weights.T, n=n, c=c)

# --- scband reference (transcript-rebuilt; emitter-appended) ---
"""Pipeline reference for scband-bilinear-interpolator-3212635538086 (READ-ONLY COPY).

The authoritative reference and input builder live on the scoring server;
editing this copy changes nothing except your own understanding.
"""

import jax, jax.numpy as jnp
import numpy as np

H = 2048
W = 2048
C = 8
N = 2097152


def _build_interp(x_coords, y_coords, x_query, y_query):
    Wn = x_coords.shape[0]
    Hn = y_coords.shape[0]
    x_l = jnp.clip(jnp.searchsorted(x_coords, x_query, side='right') - 1, 0, Wn - 2)
    x_u = x_l + 1
    y_l = jnp.clip(jnp.searchsorted(y_coords, y_query, side='right') - 1, 0, Hn - 2)
    y_u = y_l + 1
    x_lw = (x_coords[x_u] - x_query) / (x_coords[x_u] - x_coords[x_l])
    x_uw = (x_query - x_coords[x_l]) / (x_coords[x_u] - x_coords[x_l])
    y_lw = (y_coords[y_u] - y_query) / (y_coords[y_u] - y_coords[y_l])
    y_uw = (y_query - y_coords[y_l]) / (y_coords[y_u] - y_coords[y_l])
    weights = jnp.stack([x_lw * y_lw, x_uw * y_lw, x_lw * y_uw, x_uw * y_uw], axis=-1)
    stride = Wn
    index = jnp.stack([x_l + stride * y_l, x_u + stride * y_l, x_l + stride * y_u, x_u + stride * y_u], axis=-1)
    return index.astype(jnp.int32), weights.astype(jnp.float32)


def setup_inputs(seed: int = 0) -> dict:
    key = jax.random.key(seed)
    k1, k2, k3, k4, k5 = jax.random.split(key, 5)
    # strictly increasing non-uniform grid coordinates (buffers built in __init__)
    x_coords = jnp.cumsum(jax.random.uniform(k1, (W,), minval=0.5, maxval=1.5)).astype(jnp.float32)
    y_coords = jnp.cumsum(jax.random.uniform(k2, (H,), minval=0.5, maxval=1.5)).astype(jnp.float32)
    x_query = jax.random.uniform(k3, (N,), minval=x_coords[0], maxval=x_coords[-1]).astype(jnp.float32)
    y_query = jax.random.uniform(k4, (N,), minval=y_coords[0], maxval=y_coords[-1]).astype(jnp.float32)
    index, weights = _build_interp(x_coords, y_coords, x_query, y_query)
    z = jax.random.normal(k5, (C, H, W), dtype=jnp.float32)
    return {"z": z, "weights": weights, "index": index}


def reference(z, weights, index):
    # faithful translation of forward(): embedding_bag(index, zrs, per_sample_weights=weights, mode='sum')
    lead = z.shape[:-2]
    y, x = z.shape[-2], z.shape[-1]
    zrs = z.reshape(-1, y * x).T  # [y*x, C]
    gathered = jnp.take(zrs, index, axis=0)  # [N, 4, C]
    interpolated = jnp.sum(gathered * weights[:, :, None], axis=1)  # [N, C]
    return interpolated.T.reshape(*lead, weights.shape[0])

if __name__ == "__main__":
    import jax
    _d = setup_inputs()
    print(jax.jit(kernel)(*tuple(_d.values())))

</pallas_src>

<mosaic_0001>
#map = affine_map<(d0, d1) -> (0, 0, 0, 0)>
#map1 = affine_map<(d0, d1) -> (0, 0, 0)>
module attributes {stable_mosaic.version = 14 : i64} {
  func.func @k(%arg0: i32, %arg1: i32, %arg2: memref<8x256x16x1024xf32, #tpu.memory_space<hbm>>, %arg3: memref<2048x16x1024xf32, #tpu.memory_space<hbm>>, %arg4: memref<2x8x1033xf32, #tpu.memory_space<vmem>>, %arg5: memref<2x8x1024xf32, #tpu.memory_space<vmem>>, %arg6: memref<!tpu.dma_semaphore, #tpu.memory_space<semaphore_mem>>, %arg7: memref<!tpu.dma_semaphore, #tpu.memory_space<semaphore_mem>>, %arg8: memref<!tpu.dma_semaphore, #tpu.memory_space<semaphore_mem>>, %arg9: memref<!tpu.dma_semaphore, #tpu.memory_space<semaphore_mem>>) attributes {dimension_semantics = [#tpu.dimension_semantics<core_parallel>, #tpu.dimension_semantics<subcore_parallel>], iteration_bounds = array<i64: 2, 16>, scalar_prefetch = 0 : i64, scratch_operands = 6 : i64, tpu.core_type = #tpu.core_type<sc_vector_subcore>, window_params = [{transform_indices = #map}, {transform_indices = #map1}]} {
    %mul3A = arith.constant 2 : i32
    %mul3A_0 = arith.muli %arg1, %mul3A : i32
    %add3A = arith.addi %mul3A_0, %arg0 : i32
    %mul3A_1 = arith.constant 128 : i32
    %mul3A_2 = arith.muli %add3A, %mul3A_1 : i32
    %iota3A = tpu.iota {dimensions = array<i32: 0>} : vector<16xi32>
    %jit3A = arith.constant 8 : i32
    %eq3A = arith.constant 0 : i32
    %eq3A_3 = arith.cmpi eq, %jit3A, %eq3A : i32
    %jit3A_4 = arith.constant 1 : i32
    %select_n3A = arith.select %eq3A_3, %jit3A_4, %jit3A : i32
    %rem3A = vector.broadcast %select_n3A : i32 to vector<16xi32>
    %rem3A_5 = arith.remsi %iota3A, %rem3A : vector<16xi32>
    %ne3A = arith.constant 0 : i32
    %ne3A_6 = vector.broadcast %ne3A : i32 to vector<16xi32>
    %ne3A_7 = arith.cmpi ne, %rem3A_5, %ne3A_6 : vector<16xi32>
    %lt3A = arith.constant 0 : i32
    %lt3A_8 = vector.broadcast %lt3A : i32 to vector<16xi32>
    %lt3A_9 = arith.cmpi slt, %rem3A_5, %lt3A_8 : vector<16xi32>
    %lt3A_10 = arith.constant 0 : i32
    %lt3A_11 = arith.cmpi slt, %select_n3A, %lt3A_10 : i32
    %ne3A_12 = vector.broadcast %lt3A_11 : i1 to vector<16xi1>
    %ne3A_13 = vector.broadcast %ne3A_12 : vector<16xi1> to vector<16xi1>
    %ne3A_14 = arith.xori %lt3A_9, %ne3A_13 : vector<16xi1>
    %and3A = arith.andi %ne3A_14, %ne3A_7 : vector<16xi1>
    %add3A_15 = vector.broadcast %select_n3A : i32 to vector<16xi32>
    %add3A_16 = arith.addi %rem3A_5, %add3A_15 : vector<16xi32>
    %select_n3A_17 = arith.select %and3A, %add3A_16, %rem3A_5 : vector<16xi1>, vector<16xi32>
    %jit3A_18 = arith.constant 8 : i32
    %div3A = vector.broadcast %jit3A_18 : i32 to vector<16xi32>
    %div3A_19 = arith.divsi %iota3A, %div3A : vector<16xi32>
    %sign3A = arith.constant 0 : i32
    %sign3A_20 = vector.broadcast %sign3A : i32 to vector<16xi32>
    %sign3A_21 = arith.cmpi sgt, %iota3A, %sign3A_20 : vector<16xi32>
    %sign3A_22 = arith.extui %sign3A_21 : vector<16xi1> to vector<16xi32>
    %sign3A_23 = arith.constant 0 : i32
    %sign3A_24 = vector.broadcast %sign3A_23 : i32 to vector<16xi32>
    %sign3A_25 = arith.cmpi slt, %iota3A, %sign3A_24 : vector<16xi32>
    %sign3A_26 = arith.extui %sign3A_25 : vector<16xi1> to vector<16xi32>
    %sign3A_27 = arith.subi %sign3A_22, %sign3A_26 : vector<16xi32>
    %sign3A_28 = arith.constant 0 : i32
    %sign3A_29 = arith.cmpi sgt, %jit3A_18, %sign3A_28 : i32
    %sign3A_30 = arith.extui %sign3A_29 : i1 to i32
    %sign3A_31 = arith.constant 0 : i32
    %sign3A_32 = arith.cmpi slt, %jit3A_18, %sign3A_31 : i32
    %sign3A_33 = arith.extui %sign3A_32 : i1 to i32
    %sign3A_34 = arith.subi %sign3A_30, %sign3A_33 : i32
    %ne3A_35 = vector.broadcast %sign3A_34 : i32 to vector<16xi32>
    %ne3A_36 = arith.cmpi ne, %sign3A_27, %ne3A_35 : vector<16xi32>
    %rem3A_37 = vector.broadcast %jit3A_18 : i32 to vector<16xi32>
    %rem3A_38 = arith.remsi %iota3A, %rem3A_37 : vector<16xi32>
    %ne3A_39 = arith.constant 0 : i32
    %ne3A_40 = vector.broadcast %ne3A_39 : i32 to vector<16xi32>
    %ne3A_41 = arith.cmpi ne, %rem3A_38, %ne3A_40 : vector<16xi32>
    %and3A_42 = arith.andi %ne3A_36, %ne3A_41 : vector<16xi1>
    %sub3A = arith.constant 1 : i32
    %sub3A_43 = vector.broadcast %sub3A : i32 to vector<16xi32>
    %sub3A_44 = arith.subi %div3A_19, %sub3A_43 : vector<16xi32>
    %select_n3A_45 = arith.select %and3A_42, %sub3A_44, %div3A_19 : vector<16xi1>, vector<16xi32>
    %add3A_46 = arith.constant 0 : i32
    %add3A_47 = arith.addi %mul3A_2, %add3A_46 : i32
    %jit3A_48 = arith.constant 16 : i32
    %div3A_49 = arith.divsi %add3A_47, %jit3A_48 : i32
    %sign3A_50 = arith.constant 0 : i32
    %sign3A_51 = arith.cmpi sgt, %add3A_47, %sign3A_50 : i32
    %sign3A_52 = arith.extui %sign3A_51 : i1 to i32
    %sign3A_53 = arith.constant 0 : i32
    %sign3A_54 = arith.cmpi slt, %add3A_47, %sign3A_53 : i32
    %sign3A_55 = arith.extui %sign3A_54 : i1 to i32
    %sign3A_56 = arith.subi %sign3A_52, %sign3A_55 : i32
    %sign3A_57 = arith.constant 0 : i32
    %sign3A_58 = arith.cmpi sgt, %jit3A_48, %sign3A_57 : i32
    %sign3A_59 = arith.extui %sign3A_58 : i1 to i32
    %sign3A_60 = arith.constant 0 : i32
    %sign3A_61 = arith.cmpi slt, %jit3A_48, %sign3A_60 : i32
    %sign3A_62 = arith.extui %sign3A_61 : i1 to i32
    %sign3A_63 = arith.subi %sign3A_59, %sign3A_62 : i32
    %ne3A_64 = arith.cmpi ne, %sign3A_56, %sign3A_63 : i32
    %rem3A_65 = arith.remsi %add3A_47, %jit3A_48 : i32
    %ne3A_66 = arith.constant 0 : i32
    %ne3A_67 = arith.cmpi ne, %rem3A_65, %ne3A_66 : i32
    %and3A_68 = arith.andi %ne3A_64, %ne3A_67 : i1
    %sub3A_69 = arith.constant 1 : i32
    %sub3A_70 = arith.subi %div3A_49, %sub3A_69 : i32
    %select_n3A_71 = arith.select %and3A_68, %sub3A_70, %div3A_49 : i32
    %jit3A_72 = arith.constant 16 : i32
    %eq3A_73 = arith.constant 0 : i32
    %eq3A_74 = arith.cmpi eq, %jit3A_72, %eq3A_73 : i32
    %jit3A_75 = arith.constant 1 : i32
    %select_n3A_76 = arith.select %eq3A_74, %jit3A_75, %jit3A_72 : i32
    %rem3A_77 = arith.remsi %add3A_47, %select_n3A_76 : i32
    %ne3A_78 = arith.constant 0 : i32
    %ne3A_79 = arith.cmpi ne, %rem3A_77, %ne3A_78 : i32
    %lt3A_80 = arith.constant 0 : i32
    %lt3A_81 = arith.cmpi slt, %rem3A_77, %lt3A_80 : i32
    %lt3A_82 = arith.constant 0 : i32
    %lt3A_83 = arith.cmpi slt, %select_n3A_76, %lt3A_82 : i32
    %ne3A_84 = arith.xori %lt3A_81, %lt3A_83 : i1
    %and3A_85 = arith.andi %ne3A_84, %ne3A_79 : i1
    %add3A_86 = arith.addi %rem3A_77, %select_n3A_76 : i32
    %select_n3A_87 = arith.select %and3A_85, %add3A_86, %rem3A_77 : i32
    %dma_start3A = arith.constant 0 : i32
    %dma_start3A_88 = arith.constant 0 : i32
    %dma_start3A_89 = arith.constant 0 : i32
    %dma_start3A_90 = tpu.memref_slice %arg4[%dma_start3A, %dma_start3A_88, %dma_start3A_89] : memref<2x8x1033xf32, #tpu.memory_space<vmem>> -> memref<1x8x1024xf32, #tpu.memory_space<vmem>>
    %dma_start3A_91 = tpu.memref_squeeze %dma_start3A_90 : memref<1x8x1024xf32, #tpu.memory_space<vmem>> -> memref<8x1024xf32, #tpu.memory_space<vmem>>
    %dma_start3A_92 = arith.constant 0 : i32
    %dma_start3A_93 = arith.constant 0 : i32
    %dma_start3A_94 = tpu.memref_slice %arg2[%dma_start3A_92, %select_n3A_71, %select_n3A_87, %dma_start3A_93] : memref<8x256x16x1024xf32, #tpu.memory_space<hbm>> -> memref<8x1x1x1024xf32, #tpu.memory_space<hbm>>
    %dma_start3A_95 = tpu.memref_squeeze %dma_start3A_94 : memref<8x1x1x1024xf32, #tpu.memory_space<hbm>> -> memref<8x1024xf32, #tpu.memory_space<hbm>>
    %dma_start3A_96 = arith.constant 0 : i32
    %dma_start3A_97 = arith.constant 0 : i32
    %dma_start3A_98 = tpu.memref_slice %arg4[%dma_start3A, %dma_start3A_96, %dma_start3A_97] : memref<2x8x1033xf32, #tpu.memory_space<vmem>> -> memref<1x8x1024xf32, #tpu.memory_space<vmem>>
    %dma_start3A_99 = tpu.memref_squeeze %dma_start3A_98 : memref<1x8x1024xf32, #tpu.memory_space<vmem>> -> memref<8x1024xf32, #tpu.memory_space<vmem>>
    %dma_start3A_100 = arith.constant 0 : i32
    %dma_start3A_101 = arith.constant 0 : i32
    %dma_start3A_102 = tpu.memref_slice %arg2[%dma_start3A_100, %select_n3A_71, %select_n3A_87, %dma_start3A_101] : memref<8x256x16x1024xf32, #tpu.memory_space<hbm>> -> memref<8x1x1x1024xf32, #tpu.memory_space<hbm>>
    %dma_start3A_103 = tpu.memref_squeeze %dma_start3A_102 : memref<8x1x1x1024xf32, #tpu.memory_space<hbm>> -> memref<8x1024xf32, #tpu.memory_space<hbm>>
    tpu.enqueue_dma source(%dma_start3A_103 : memref<8x1024xf32, #tpu.memory_space<hbm>>) target(%dma_start3A_99 : memref<8x1024xf32, #tpu.memory_space<vmem>>) target_semaphore(%arg6 : memref<!tpu.dma_semaphore, #tpu.memory_space<semaphore_mem>>)
    %add3A_104 = arith.constant 1 : i32
    %add3A_105 = arith.addi %mul3A_2, %add3A_104 : i32
    %jit3A_106 = arith.constant 16 : i32
    %div3A_107 = arith.divsi %add3A_105, %jit3A_106 : i32
    %sign3A_108 = arith.constant 0 : i32
    %sign3A_109 = arith.cmpi sgt, %add3A_105, %sign3A_108 : i32
    %sign3A_110 = arith.extui %sign3A_109 : i1 to i32
    %sign3A_111 = arith.constant 0 : i32
    %sign3A_112 = arith.cmpi slt, %add3A_105, %sign3A_111 : i32
    %sign3A_113 = arith.extui %sign3A_112 : i1 to i32
    %sign3A_114 = arith.subi %sign3A_110, %sign3A_113 : i32
    %sign3A_115 = arith.constant 0 : i32
    %sign3A_116 = arith.cmpi sgt, %jit3A_106, %sign3A_115 : i32
    %sign3A_117 = arith.extui %sign3A_116 : i1 to i32
    %sign3A_118 = arith.constant 0 : i32
    %sign3A_119 = arith.cmpi slt, %jit3A_106, %sign3A_118 : i32
    %sign3A_120 = arith.extui %sign3A_119 : i1 to i32
    %sign3A_121 = arith.subi %sign3A_117, %sign3A_120 : i32
    %ne3A_122 = arith.cmpi ne, %sign3A_114, %sign3A_121 : i32
    %rem3A_123 = arith.remsi %add3A_105, %jit3A_106 : i32
    %ne3A_124 = arith.constant 0 : i32
    %ne3A_125 = arith.cmpi ne, %rem3A_123, %ne3A_124 : i32
    %and3A_126 = arith.andi %ne3A_122, %ne3A_125 : i1
    %sub3A_127 = arith.constant 1 : i32
    %sub3A_128 = arith.subi %div3A_107, %sub3A_127 : i32
    %select_n3A_129 = arith.select %and3A_126, %sub3A_128, %div3A_107 : i32
    %jit3A_130 = arith.constant 16 : i32
    %eq3A_131 = arith.constant 0 : i32
    %eq3A_132 = arith.cmpi eq, %jit3A_130, %eq3A_131 : i32
    %jit3A_133 = arith.constant 1 : i32
    %select_n3A_134 = arith.select %eq3A_132, %jit3A_133, %jit3A_130 : i32
    %rem3A_135 = arith.remsi %add3A_105, %select_n3A_134 : i32
    %ne3A_136 = arith.constant 0 : i32
    %ne3A_137 = arith.cmpi ne, %rem3A_135, %ne3A_136 : i32
    %lt3A_138 = arith.constant 0 : i32
    %lt3A_139 = arith.cmpi slt, %rem3A_135, %lt3A_138 : i32
    %lt3A_140 = arith.constant 0 : i32
    %lt3A_141 = arith.cmpi slt, %select_n3A_134, %lt3A_140 : i32
    %ne3A_142 = arith.xori %lt3A_139, %lt3A_141 : i1
    %and3A_143 = arith.andi %ne3A_142, %ne3A_137 : i1
    %add3A_144 = arith.addi %rem3A_135, %select_n3A_134 : i32
    %select_n3A_145 = arith.select %and3A_143, %add3A_144, %rem3A_135 : i32
    %dma_start3A_146 = arith.constant 1 : i32
    %dma_start3A_147 = arith.constant 0 : i32
    %dma_start3A_148 = arith.constant 0 : i32
    %dma_start3A_149 = tpu.memref_slice %arg4[%dma_start3A_146, %dma_start3A_147, %dma_start3A_148] : memref<2x8x1033xf32, #tpu.memory_space<vmem>> -> memref<1x8x1024xf32, #tpu.memory_space<vmem>>
    %dma_start3A_150 = tpu.memref_squeeze %dma_start3A_149 : memref<1x8x1024xf32, #tpu.memory_space<vmem>> -> memref<8x1024xf32, #tpu.memory_space<vmem>>
    %dma_start3A_151 = arith.constant 0 : i32
    %dma_start3A_152 = arith.constant 0 : i32
    %dma_start3A_153 = tpu.memref_slice %arg2[%dma_start3A_151, %select_n3A_129, %select_n3A_145, %dma_start3A_152] : memref<8x256x16x1024xf32, #tpu.memory_space<hbm>> -> memref<8x1x1x1024xf32, #tpu.memory_space<hbm>>
    %dma_start3A_154 = tpu.memref_squeeze %dma_start3A_153 : memref<8x1x1x1024xf32, #tpu.memory_space<hbm>> -> memref<8x1024xf32, #tpu.memory_space<hbm>>
    %dma_start3A_155 = arith.constant 0 : i32
    %dma_start3A_156 = arith.constant 0 : i32
    %dma_start3A_157 = tpu.memref_slice %arg4[%dma_start3A_146, %dma_start3A_155, %dma_start3A_156] : memref<2x8x1033xf32, #tpu.memory_space<vmem>> -> memref<1x8x1024xf32, #tpu.memory_space<vmem>>
    %dma_start3A_158 = tpu.memref_squeeze %dma_start3A_157 : memref<1x8x1024xf32, #tpu.memory_space<vmem>> -> memref<8x1024xf32, #tpu.memory_space<vmem>>
    %dma_start3A_159 = arith.constant 0 : i32
    %dma_start3A_160 = arith.constant 0 : i32
    %dma_start3A_161 = tpu.memref_slice %arg2[%dma_start3A_159, %select_n3A_129, %select_n3A_145, %dma_start3A_160] : memref<8x256x16x1024xf32, #tpu.memory_space<hbm>> -> memref<8x1x1x1024xf32, #tpu.memory_space<hbm>>
    %dma_start3A_162 = tpu.memref_squeeze %dma_start3A_161 : memref<8x1x1x1024xf32, #tpu.memory_space<hbm>> -> memref<8x1024xf32, #tpu.memory_space<hbm>>
    tpu.enqueue_dma source(%dma_start3A_162 : memref<8x1024xf32, #tpu.memory_space<hbm>>) target(%dma_start3A_158 : memref<8x1024xf32, #tpu.memory_space<vmem>>) target_semaphore(%arg7 : memref<!tpu.dma_semaphore, #tpu.memory_space<semaphore_mem>>)
    %scan3A = arith.constant 0 : i32
    %scan3A_163 = arith.constant 64 : i32
    %scan3A_164 = arith.addi %scan3A, %scan3A_163 : i32
    %scan3A_165 = arith.constant 1 : i32
    scf.for %scan3A_284 = %scan3A to %scan3A_164 step %scan3A_165  : i32 {
      %mul3A_285 = arith.constant 2 : i32
      %mul3A_286 = arith.muli %scan3A_284, %mul3A_285 : i32
      %add3A_287 = arith.constant 0 : i32
      %add3A_288 = arith.addi %add3A_287, %mul3A_286 : i32
      %add3A_289 = arith.constant 0 : i32
      %add3A_290 = arith.addi %add3A_288, %add3A_289 : i32
      %add3A_291 = arith.addi %mul3A_2, %add3A_290 : i32
      %jit3A_292 = arith.constant 16 : i32
      %div3A_293 = arith.divsi %add3A_291, %jit3A_292 : i32
      %sign3A_294 = arith.constant 0 : i32
      %sign3A_295 = arith.cmpi sgt, %add3A_291, %sign3A_294 : i32
      %sign3A_296 = arith.extui %sign3A_295 : i1 to i32
      %sign3A_297 = arith.constant 0 : i32
      %sign3A_298 = arith.cmpi slt, %add3A_291, %sign3A_297 : i32
      %sign3A_299 = arith.extui %sign3A_298 : i1 to i32
      %sign3A_300 = arith.subi %sign3A_296, %sign3A_299 : i32
      %sign3A_301 = arith.constant 0 : i32
      %sign3A_302 = arith.cmpi sgt, %jit3A_292, %sign3A_301 : i32
      %sign3A_303 = arith.extui %sign3A_302 : i1 to i32
      %sign3A_304 = arith.constant 0 : i32
      %sign3A_305 = arith.cmpi slt, %jit3A_292, %sign3A_304 : i32
      %sign3A_306 = arith.extui %sign3A_305 : i1 to i32
      %sign3A_307 = arith.subi %sign3A_303, %sign3A_306 : i32
      %ne3A_308 = arith.cmpi ne, %sign3A_300, %sign3A_307 : i32
      %rem3A_309 = arith.remsi %add3A_291, %jit3A_292 : i32
      %ne3A_310 = arith.constant 0 : i32
      %ne3A_311 = arith.cmpi ne, %rem3A_309, %ne3A_310 : i32
      %and3A_312 = arith.andi %ne3A_308, %ne3A_311 : i1
      %sub3A_313 = arith.constant 1 : i32
      %sub3A_314 = arith.subi %div3A_293, %sub3A_313 : i32
      %select_n3A_315 = arith.select %and3A_312, %sub3A_314, %div3A_293 : i32
      %jit3A_316 = arith.constant 16 : i32
      %eq3A_317 = arith.constant 0 : i32
      %eq3A_318 = arith.cmpi eq, %jit3A_316, %eq3A_317 : i32
      %jit3A_319 = arith.constant 1 : i32
      %select_n3A_320 = arith.select %eq3A_318, %jit3A_319, %jit3A_316 : i32
      %rem3A_321 = arith.remsi %add3A_291, %select_n3A_320 : i32
      %ne3A_322 = arith.constant 0 : i32
      %ne3A_323 = arith.cmpi ne, %rem3A_321, %ne3A_322 : i32
      %lt3A_324 = arith.constant 0 : i32
      %lt3A_325 = arith.cmpi slt, %rem3A_321, %lt3A_324 : i32
      %lt3A_326 = arith.constant 0 : i32
      %lt3A_327 = arith.cmpi slt, %select_n3A_320, %lt3A_326 : i32
      %ne3A_328 = arith.xori %lt3A_325, %lt3A_327 : i1
      %and3A_329 = arith.andi %ne3A_328, %ne3A_323 : i1
      %add3A_330 = arith.addi %rem3A_321, %select_n3A_320 : i32
      %select_n3A_331 = arith.select %and3A_329, %add3A_330, %rem3A_321 : i32
      %dma_wait3A_332 = arith.constant 0 : i32
      %dma_wait3A_333 = arith.constant 0 : i32
      %dma_wait3A_334 = arith.constant 0 : i32
      %dma_wait3A_335 = tpu.memref_slice %arg4[%dma_wait3A_332, %dma_wait3A_333, %dma_wait3A_334] : memref<2x8x1033xf32, #tpu.memory_space<vmem>> -> memref<1x8x1024xf32, #tpu.memory_space<vmem>>
      %dma_wait3A_336 = tpu.memref_squeeze %dma_wait3A_335 : memref<1x8x1024xf32, #tpu.memory_space<vmem>> -> memref<8x1024xf32, #tpu.memory_space<vmem>>
      %dma_wait3A_337 = arith.constant 0 : i32
      %dma_wait3A_338 = arith.constant 0 : i32
      %dma_wait3A_339 = tpu.memref_slice %arg2[%dma_wait3A_337, %select_n3A_315, %select_n3A_331, %dma_wait3A_338] : memref<8x256x16x1024xf32, #tpu.memory_space<hbm>> -> memref<8x1x1x1024xf32, #tpu.memory_space<hbm>>
      %dma_wait3A_340 = tpu.memref_squeeze %dma_wait3A_339 : memref<8x1x1x1024xf32, #tpu.memory_space<hbm>> -> memref<8x1024xf32, #tpu.memory_space<hbm>>
      %dma_wait3A_341 = arith.constant 0 : i32
      %dma_wait3A_342 = arith.constant 0 : i32
      %dma_wait3A_343 = tpu.memref_slice %arg4[%dma_wait3A_332, %dma_wait3A_341, %dma_wait3A_342] : memref<2x8x1033xf32, #tpu.memory_space<vmem>> -> memref<1x8x1024xf32, #tpu.memory_space<vmem>>
      %dma_wait3A_344 = tpu.memref_squeeze %dma_wait3A_343 : memref<1x8x1024xf32, #tpu.memory_space<vmem>> -> memref<8x1024xf32, #tpu.memory_space<vmem>>
      %dma_wait3A_345 = arith.constant 0 : i32
      %dma_wait3A_346 = arith.constant 0 : i32
      %dma_wait3A_347 = tpu.memref_slice %arg2[%dma_wait3A_345, %select_n3A_315, %select_n3A_331, %dma_wait3A_346] : memref<8x256x16x1024xf32, #tpu.memory_space<hbm>> -> memref<8x1x1x1024xf32, #tpu.memory_space<hbm>>
      %dma_wait3A_348 = tpu.memref_squeeze %dma_wait3A_347 : memref<8x1x1x1024xf32, #tpu.memory_space<hbm>> -> memref<8x1024xf32, #tpu.memory_space<hbm>>
      tpu.wait_dma2 semaphore(%arg6 : memref<!tpu.dma_semaphore, #tpu.memory_space<semaphore_mem>>) src(%dma_wait3A_348 : memref<8x1024xf32, #tpu.memory_space<hbm>>) dst(%dma_wait3A_344 : memref<8x1024xf32, #tpu.memory_space<vmem>>)
      %ge3A = arith.constant 2 : i32
      %ge3A_349 = arith.cmpi sge, %add3A_290, %ge3A : i32
      %convert_element_type3A = arith.extui %ge3A_349 : i1 to i32
      %cond3A = arith.constant 0 : i32
      %cond3A_350 = arith.cmpi ne, %convert_element_type3A, %cond3A : i32
      scf.if %cond3A_350 {
        %sub3A_556 = arith.constant 2 : i32
        %sub3A_557 = arith.subi %add3A_290, %sub3A_556 : i32
        %add3A_558 = arith.addi %mul3A_2, %sub3A_557 : i32
        %jit3A_559 = arith.constant 16 : i32
        %div3A_560 = arith.divsi %add3A_558, %jit3A_559 : i32
        %sign3A_561 = arith.constant 0 : i32
        %sign3A_562 = arith.cmpi sgt, %add3A_558, %sign3A_561 : i32
        %sign3A_563 = arith.extui %sign3A_562 : i1 to i32
        %sign3A_564 = arith.constant 0 : i32
        %sign3A_565 = arith.cmpi slt, %add3A_558, %sign3A_564 : i32
        %sign3A_566 = arith.extui %sign3A_565 : i1 to i32
        %sign3A_567 = arith.subi %sign3A_563, %sign3A_566 : i32
        %sign3A_568 = arith.constant 0 : i32
        %sign3A_569 = arith.cmpi sgt, %jit3A_559, %sign3A_568 : i32
        %sign3A_570 = arith.extui %sign3A_569 : i1 to i32
        %sign3A_571 = arith.constant 0 : i32
        %sign3A_572 = arith.cmpi slt, %jit3A_559, %sign3A_571 : i32
        %sign3A_573 = arith.extui %sign3A_572 : i1 to i32
        %sign3A_574 = arith.subi %sign3A_570, %sign3A_573 : i32
        %ne3A_575 = arith.cmpi ne, %sign3A_567, %sign3A_574 : i32
        %rem3A_576 = arith.remsi %add3A_558, %jit3A_559 : i32
        %ne3A_577 = arith.constant 0 : i32
        %ne3A_578 = arith.cmpi ne, %rem3A_576, %ne3A_577 : i32
        %and3A_579 = arith.andi %ne3A_575, %ne3A_578 : i1
        %sub3A_580 = arith.constant 1 : i32
        %sub3A_581 = arith.subi %div3A_560, %sub3A_580 : i32
        %select_n3A_582 = arith.select %and3A_579, %sub3A_581, %div3A_560 : i32
        %jit3A_583 = arith.constant 16 : i32
        %eq3A_584 = arith.constant 0 : i32
        %eq3A_585 = arith.cmpi eq, %jit3A_583, %eq3A_584 : i32
        %jit3A_586 = arith.constant 1 : i32
        %select_n3A_587 = arith.select %eq3A_585, %jit3A_586, %jit3A_583 : i32
        %rem3A_588 = arith.remsi %add3A_558, %select_n3A_587 : i32
        %ne3A_589 = arith.constant 0 : i32
        %ne3A_590 = arith.cmpi ne, %rem3A_588, %ne3A_589 : i32
        %lt3A_591 = arith.constant 0 : i32
        %lt3A_592 = arith.cmpi slt, %rem3A_588, %lt3A_591 : i32
        %lt3A_593 = arith.constant 0 : i32
        %lt3A_594 = arith.cmpi slt, %select_n3A_587, %lt3A_593 : i32
        %ne3A_595 = arith.xori %lt3A_592, %lt3A_594 : i1
        %and3A_596 = arith.andi %ne3A_595, %ne3A_590 : i1
        %add3A_597 = arith.addi %rem3A_588, %select_n3A_587 : i32
        %select_n3A_598 = arith.select %and3A_596, %add3A_597, %rem3A_588 : i32
        %mul3A_599 = arith.constant 8 : i32
        %mul3A_600 = arith.muli %select_n3A_582, %mul3A_599 : i32
        %dma_wait3A_601 = arith.constant 0 : i32
        %dma_wait3A_602 = arith.constant 0 : i32
        %dma_wait3A_603 = arith.constant 0 : i32
        %dma_wait3A_604 = tpu.memref_slice %arg5[%dma_wait3A_601, %dma_wait3A_602, %dma_wait3A_603] : memref<2x8x1024xf32, #tpu.memory_space<vmem>> -> memref<1x8x1024xf32, #tpu.memory_space<vmem>>
        %dma_wait3A_605 = tpu.memref_squeeze %dma_wait3A_604 : memref<1x8x1024xf32, #tpu.memory_space<vmem>> -> memref<8x1024xf32, #tpu.memory_space<vmem>>
        %dma_wait3A_606 = arith.constant 0 : i32
        %dma_wait3A_607 = tpu.memref_slice %arg3[%mul3A_600, %select_n3A_598, %dma_wait3A_606] : memref<2048x16x1024xf32, #tpu.memory_space<hbm>> -> memref<8x1x1024xf32, #tpu.memory_space<hbm>>
        %dma_wait3A_608 = tpu.memref_squeeze %dma_wait3A_607 : memref<8x1x1024xf32, #tpu.memory_space<hbm>> -> memref<8x1024xf32, #tpu.memory_space<hbm>>
        %dma_wait3A_609 = arith.constant 0 : i32
        %dma_wait3A_610 = tpu.memref_slice %arg3[%mul3A_600, %select_n3A_598, %dma_wait3A_609] : memref<2048x16x1024xf32, #tpu.memory_space<hbm>> -> memref<8x1x1024xf32, #tpu.memory_space<hbm>>
        %dma_wait3A_611 = tpu.memref_squeeze %dma_wait3A_610 : memref<8x1x1024xf32, #tpu.memory_space<hbm>> -> memref<8x1024xf32, #tpu.memory_space<hbm>>
        %dma_wait3A_612 = arith.constant 0 : i32
        %dma_wait3A_613 = arith.constant 0 : i32
        %dma_wait3A_614 = tpu.memref_slice %arg5[%dma_wait3A_601, %dma_wait3A_612, %dma_wait3A_613] : memref<2x8x1024xf32, #tpu.memory_space<vmem>> -> memref<1x8x1024xf32, #tpu.memory_space<vmem>>
        %dma_wait3A_615 = tpu.memref_squeeze %dma_wait3A_614 : memref<1x8x1024xf32, #tpu.memory_space<vmem>> -> memref<8x1024xf32, #tpu.memory_space<vmem>>
        tpu.wait_dma2 semaphore(%arg8 : memref<!tpu.dma_semaphore, #tpu.memory_space<semaphore_mem>>) src(%dma_wait3A_615 : memref<8x1024xf32, #tpu.memory_space<vmem>>) dst(%dma_wait3A_611 : memref<8x1024xf32, #tpu.memory_space<hbm>>)
      } else {
      }
      %scan3A_351 = arith.constant 0 : i32
      %scan3A_352 = arith.constant 8 : i32
      %scan3A_353 = arith.addi %scan3A_351, %scan3A_352 : i32
      %scan3A_354 = arith.constant 1 : i32
      scf.for %scan3A_556 = %scan3A_351 to %scan3A_353 step %scan3A_354  : i32 {
        %mul3A_557 = arith.constant 1 : i32
        %mul3A_558 = arith.muli %scan3A_556, %mul3A_557 : i32
        %add3A_559 = arith.constant 0 : i32
        %add3A_560 = arith.addi %add3A_559, %mul3A_558 : i32
        %mul3A_561 = arith.constant 128 : i32
        %mul3A_562 = arith.muli %add3A_560, %mul3A_561 : i32
        %add3A_563 = vector.broadcast %mul3A_562 : i32 to vector<16xi32>
        %add3A_564 = arith.addi %add3A_563, %select_n3A_45 : vector<16xi32>
        %add3A_565 = arith.constant 0 : i32
        %add3A_566 = vector.broadcast %add3A_565 : i32 to vector<16xi32>
        %add3A_567 = arith.addi %add3A_564, %add3A_566 : vector<16xi32>
        %gather3A = arith.constant 0 : i32
        %gather3A_568 = arith.constant 0 : i32
        %gather3A_569 = arith.constant 0 : i32
        %gather3A_570 = tpu.memref_slice %arg4[%gather3A, %gather3A_568, %gather3A_569] : memref<2x8x1033xf32, #tpu.memory_space<vmem>> -> memref<1x8x1033xf32, #tpu.memory_space<vmem>>
        %gather3A_571 = tpu.memref_squeeze %gather3A_570 : memref<1x8x1033xf32, #tpu.memory_space<vmem>> -> memref<8x1033xf32, #tpu.memory_space<vmem>>
        %gather3A_572 = tpu.vector_load_idx %gather3A_571[%select_n3A_17, %add3A_567] : memref<8x1033xf32, #tpu.memory_space<vmem>>[vector<16xi32>, vector<16xi32>], vector<16xf32>,
        %swap3A = arith.constant 0 : i32
        %swap3A_573 = arith.index_cast %swap3A : i32 to index
        %swap3A_574 = arith.index_cast %add3A_560 : i32 to index
        %swap3A_575 = arith.constant 0 : index
        %swap3A_576 = tpu.vector_load %arg5[%swap3A_573, %swap3A_574, %swap3A_575] {strides = array<i32>} : memref<2x8x1024xf32, #tpu.memory_space<vmem>>, vector<16xf32>,
        tpu.vector_store %arg5[%swap3A_573, %swap3A_574, %swap3A_575], %gather3A_572 {strides = array<i32>} : memref<2x8x1024xf32, #tpu.memory_space<vmem>>, vector<16xf32>,
        %add3A_577 = arith.constant 2 : i32
        %add3A_578 = vector.broadcast %add3A_577 : i32 to vector<16xi32>
        %add3A_579 = arith.addi %add3A_564, %add3A_578 : vector<16xi32>
        %gather3A_580 = arith.constant 0 : i32
        %gather3A_581 = arith.constant 0 : i32
        %gather3A_582 = arith.constant 0 : i32
        %gather3A_583 = tpu.memref_slice %arg4[%gather3A_580, %gather3A_581, %gather3A_582] : memref<2x8x1033xf32, #tpu.memory_space<vmem>> -> memref<1x8x1033xf32, #tpu.memory_space<vmem>>
        %gather3A_584 = tpu.memref_squeeze %gather3A_583 : memref<1x8x1033xf32, #tpu.memory_space<vmem>> -> memref<8x1033xf32, #tpu.memory_space<vmem>>
        %gather3A_585 = tpu.vector_load_idx %gather3A_584[%select_n3A_17, %add3A_579] : memref<8x1033xf32, #tpu.memory_space<vmem>>[vector<16xi32>, vector<16xi32>], vector<16xf32>,
        %swap3A_586 = arith.constant 0 : i32
        %swap3A_587 = arith.index_cast %swap3A_586 : i32 to index
        %swap3A_588 = arith.index_cast %add3A_560 : i32 to index
        %swap3A_589 = arith.constant 16 : index
        %swap3A_590 = tpu.vector_load %arg5[%swap3A_587, %swap3A_588, %swap3A_589] {strides = array<i32>} : memref<2x8x1024xf32, #tpu.memory_space<vmem>>, vector<16xf32>,
        tpu.vector_store %arg5[%swap3A_587, %swap3A_588, %swap3A_589], %gather3A_585 {strides = array<i32>} : memref<2x8x1024xf32, #tpu.memory_space<vmem>>, vector<16xf32>,
        %add3A_591 = arith.constant 4 : i32
        %add3A_592 = vector.broadcast %add3A_591 : i32 to vector<16xi32>
        %add3A_593 = arith.addi %add3A_564, %add3A_592 : vector<16xi32>
        %gather3A_594 = arith.constant 0 : i32
        %gather3A_595 = arith.constant 0 : i32
        %gather3A_596 = arith.constant 0 : i32
        %gather3A_597 = tpu.memref_slice %arg4[%gather3A_594, %gather3A_595, %gather3A_596] : memref<2x8x1033xf32, #tpu.memory_space<vmem>> -> memref<1x8x1033xf32, #tpu.memory_space<vmem>>
        %gather3A_598 = tpu.memref_squeeze %gather3A_597 : memref<1x8x1033xf32, #tpu.memory_space<vmem>> -> memref<8x1033xf32, #tpu.memory_space<vmem>>
        %gather3A_599 = tpu.vector_load_idx %gather3A_598[%select_n3A_17, %add3A_593] : memref<8x1033xf32, #tpu.memory_space<vmem>>[vector<16xi32>, vector<16xi32>], vector<16xf32>,
        %swap3A_600 = arith.constant 0 : i32
        %swap3A_601 = arith.index_cast %swap3A_600 : i32 to index
        %swap3A_602 = arith.index_cast %add3A_560 : i32 to index
        %swap3A_603 = arith.constant 32 : index
        %swap3A_604 = tpu.vector_load %arg5[%swap3A_601, %swap3A_602, %swap3A_603] {strides = array<i32>} : memref<2x8x1024xf32, #tpu.memory_space<vmem>>, vector<16xf32>,
        tpu.vector_store %arg5[%swap3A_601, %swap3A_602, %swap3A_603], %gather3A_599 {strides = array<i32>} : memref<2x8x1024xf32, #tpu.memory_space<vmem>>, vector<16xf32>,
        %add3A_605 = arith.constant 6 : i32
        %add3A_606 = vector.broadcast %add3A_605 : i32 to vector<16xi32>
        %add3A_607 = arith.addi %add3A_564, %add3A_606 : vector<16xi32>
        %gather3A_608 = arith.constant 0 : i32
        %gather3A_609 = arith.constant 0 : i32
        %gather3A_610 = arith.constant 0 : i32
        %gather3A_611 = tpu.memref_slice %arg4[%gather3A_608, %gather3A_609, %gather3A_610] : memref<2x8x1033xf32, #tpu.memory_space<vmem>> -> memref<1x8x1033xf32, #tpu.memory_space<vmem>>
        %gather3A_612 = tpu.memref_squeeze %gather3A_611 : memref<1x8x1033xf32, #tpu.memory_space<vmem>> -> memref<8x1033xf32, #tpu.memory_space<vmem>>
        %gather3A_613 = tpu.vector_load_idx %gather3A_612[%select_n3A_17, %add3A_607] : memref<8x1033xf32, #tpu.memory_space<vmem>>[vector<16xi32>, vector<16xi32>], vector<16xf32>,
        %swap3A_614 = arith.constant 0 : i32
        %swap3A_615 = arith.index_cast %swap3A_614 : i32 to index
        %swap3A_616 = arith.index_cast %add3A_560 : i32 to index
        %swap3A_617 = arith.constant 48 : index
        %swap3A_618 = tpu.vector_load %arg5[%swap3A_615, %swap3A_616, %swap3A_617] {strides = array<i32>} : memref<2x8x1024xf32, #tpu.memory_space<vmem>>, vector<16xf32>,
        tpu.vector_store %arg5[%swap3A_615, %swap3A_616, %swap3A_617], %gather3A_613 {strides = array<i32>} : memref<2x8x1024xf32, #tpu.memory_space<vmem>>, vector<16xf32>,
        %add3A_619 = arith.constant 8 : i32
        %add3A_620 = vector.broadcast %add3A_619 : i32 to vector<16xi32>
        %add3A_621 = arith.addi %add3A_564, %add3A_620 : vector<16xi32>
        %gather3A_622 = arith.constant 0 : i32
        %gather3A_623 = arith.constant 0 : i32
        %gather3A_624 = arith.constant 0 : i32
        %gather3A_625 = tpu.memref_slice %arg4[%gather3A_622, %gather3A_623, %gather3A_624] : memref<2x8x1033xf32, #tpu.memory_space<vmem>> -> memref<1x8x1033xf32, #tpu.memory_space<vmem>>
        %gather3A_626 = tpu.memref_squeeze %gather3A_625 : memref<1x8x1033xf32, #tpu.memory_space<vmem>> -> memref<8x1033xf32, #tpu.memory_space<vmem>>
        %gather3A_627 = tpu.vector_load_idx %gather3A_626[%select_n3A_17, %add3A_621] : memref<8x1033xf32, #tpu.memory_space<vmem>>[vector<16xi32>, vector<16xi32>], vector<16xf32>,
        %swap3A_628 = arith.constant 0 : i32
        %swap3A_629 = arith.index_cast %swap3A_628 : i32 to index
        %swap3A_630 = arith.index_cast %add3A_560 : i32 to index
        %swap3A_631 = arith.constant 64 : index
        %swap3A_632 = tpu.vector_load %arg5[%swap3A_629, %swap3A_630, %swap3A_631] {strides = array<i32>} : memref<2x8x1024xf32, #tpu.memory_space<vmem>>, vector<16xf32>,
        tpu.vector_store %arg5[%swap3A_629, %swap3A_630, %swap3A_631], %gather3A_627 {strides = array<i32>} : memref<2x8x1024xf32, #tpu.memory_space<vmem>>, vector<16xf32>,
        %add3A_633 = arith.constant 10 : i32
        %add3A_634 = vector.broadcast %add3A_633 : i32 to vector<16xi32>
        %add3A_635 = arith.addi %add3A_564, %add3A_634 : vector<16xi32>
        %gather3A_636 = arith.constant 0 : i32
        %gather3A_637 = arith.constant 0 : i32
        %gather3A_638 = arith.constant 0 : i32
        %gather3A_639 = tpu.memref_slice %arg4[%gather3A_636, %gather3A_637, %gather3A_638] : memref<2x8x1033xf32, #tpu.memory_space<vmem>> -> memref<1x8x1033xf32, #tpu.memory_space<vmem>>
        %gather3A_640 = tpu.memref_squeeze %gather3A_639 : memref<1x8x1033xf32, #tpu.memory_space<vmem>> -> memref<8x1033xf32, #tpu.memory_space<vmem>>
        %gather3A_641 = tpu.vector_load_idx %gather3A_640[%select_n3A_17, %add3A_635] : memref<8x1033xf32, #tpu.memory_space<vmem>>[vector<16xi32>, vector<16xi32>], vector<16xf32>,
        %swap3A_642 = arith.constant 0 : i32
        %swap3A_643 = arith.index_cast %swap3A_642 : i32 to index
        %swap3A_644 = arith.index_cast %add3A_560 : i32 to index
        %swap3A_645 = arith.constant 80 : index
        %swap3A_646 = tpu.vector_load %arg5[%swap3A_643, %swap3A_644, %swap3A_645] {strides = array<i32>} : memref<2x8x1024xf32, #tpu.memory_space<vmem>>, vector<16xf32>,
        tpu.vector_store %arg5[%swap3A_643, %swap3A_644, %swap3A_645], %gather3A_641 {strides = array<i32>} : memref<2x8x1024xf32, #tpu.memory_space<vmem>>, vector<16xf32>,
        %add3A_647 = arith.constant 12 : i32
        %add3A_648 = vector.broadcast %add3A_647 : i32 to vector<16xi32>
        %add3A_649 = arith.addi %add3A_564, %add3A_648 : vector<16xi32>
        %gather3A_650 = arith.constant 0 : i32
        %gather3A_651 = arith.constant 0 : i32
        %gather3A_652 = arith.constant 0 : i32
        %gather3A_653 = tpu.memref_slice %arg4[%gather3A_650, %gather3A_651, %gather3A_652] : memref<2x8x1033xf32, #tpu.memory_space<vmem>> -> memref<1x8x1033xf32, #tpu.memory_space<vmem>>
        %gather3A_654 = tpu.memref_squeeze %gather3A_653 : memref<1x8x1033xf32, #tpu.memory_space<vmem>> -> memref<8x1033xf32, #tpu.memory_space<vmem>>
        %gather3A_655 = tpu.vector_load_idx %gather3A_654[%select_n3A_17, %add3A_649] : memref<8x1033xf32, #tpu.memory_space<vmem>>[vector<16xi32>, vector<16xi32>], vector<16xf32>,
        %swap3A_656 = arith.constant 0 : i32
        %swap3A_657 = arith.index_cast %swap3A_656 : i32 to index
        %swap3A_658 = arith.index_cast %add3A_560 : i32 to index
        %swap3A_659 = arith.constant 96 : index
        %swap3A_660 = tpu.vector_load %arg5[%swap3A_657, %swap3A_658, %swap3A_659] {strides = array<i32>} : memref<2x8x1024xf32, #tpu.memory_space<vmem>>, vector<16xf32>,
        tpu.vector_store %arg5[%swap3A_657, %swap3A_658, %swap3A_659], %gather3A_655 {strides = array<i32>} : memref<2x8x1024xf32, #tpu.memory_space<vmem>>, vector<16xf32>,
        %add3A_661 = arith.constant 14 : i32
        %add3A_662 = vector.broadcast %add3A_661 : i32 to vector<16xi32>
        %add3A_663 = arith.addi %add3A_564, %add3A_662 : vector<16xi32>
        %gather3A_664 = arith.constant 0 : i32
        %gather3A_665 = arith.constant 0 : i32
        %gather3A_666 = arith.constant 0 : i32
        %gather3A_667 = tpu.memref_slice %arg4[%gather3A_664, %gather3A_665, %gather3A_666] : memref<2x8x1033xf32, #tpu.memory_space<vmem>> -> memref<1x8x1033xf32, #tpu.memory_space<vmem>>
        %gather3A_668 = tpu.memref_squeeze %gather3A_667 : memref<1x8x1033xf32, #tpu.memory_space<vmem>> -> memref<8x1033xf32, #tpu.memory_space<vmem>>
        %gather3A_669 = tpu.vector_load_idx %gather3A_668[%select_n3A_17, %add3A_663] : memref<8x1033xf32, #tpu.memory_space<vmem>>[vector<16xi32>, vector<16xi32>], vector<16xf32>,
        %swap3A_670 = arith.constant 0 : i32
        %swap3A_671 = arith.index_cast %swap3A_670 : i32 to index
        %swap3A_672 = arith.index_cast %add3A_560 : i32 to index
        %swap3A_673 = arith.constant 112 : index
        %swap3A_674 = tpu.vector_load %arg5[%swap3A_671, %swap3A_672, %swap3A_673] {strides = array<i32>} : memref<2x8x1024xf32, #tpu.memory_space<vmem>>, vector<16xf32>,
        tpu.vector_store %arg5[%swap3A_671, %swap3A_672, %swap3A_673], %gather3A_669 {strides = array<i32>} : memref<2x8x1024xf32, #tpu.memory_space<vmem>>, vector<16xf32>,
        %add3A_675 = arith.constant 16 : i32
        %add3A_676 = vector.broadcast %add3A_675 : i32 to vector<16xi32>
        %add3A_677 = arith.addi %add3A_564, %add3A_676 : vector<16xi32>
        %gather3A_678 = arith.constant 0 : i32
        %gather3A_679 = arith.constant 0 : i32
        %gather3A_680 = arith.constant 0 : i32
        %gather3A_681 = tpu.memref_slice %arg4[%gather3A_678, %gather3A_679, %gather3A_680] : memref<2x8x1033xf32, #tpu.memory_space<vmem>> -> memref<1x8x1033xf32, #tpu.memory_space<vmem>>
        %gather3A_682 = tpu.memref_squeeze %gather3A_681 : memref<1x8x1033xf32, #tpu.memory_space<vmem>> -> memref<8x1033xf32, #tpu.memory_space<vmem>>
        %gather3A_683 = tpu.vector_load_idx %gather3A_682[%select_n3A_17, %add3A_677] : memref<8x1033xf32, #tpu.memory_space<vmem>>[vector<16xi32>, vector<16xi32>], vector<16xf32>,
        %swap3A_684 = arith.constant 0 : i32
        %swap3A_685 = arith.index_cast %swap3A_684 : i32 to index
        %swap3A_686 = arith.index_cast %add3A_560 : i32 to index
        %swap3A_687 = arith.constant 128 : index
        %swap3A_688 = tpu.vector_load %arg5[%swap3A_685, %swap3A_686, %swap3A_687] {strides = array<i32>} : memref<2x8x1024xf32, #tpu.memory_space<vmem>>, vector<16xf32>,
        tpu.vector_store %arg5[%swap3A_685, %swap3A_686, %swap3A_687], %gather3A_683 {strides = array<i32>} : memref<2x8x1024xf32, #tpu.memory_space<vmem>>, vector<16xf32>,
        %add3A_689 = arith.constant 18 : i32
        %add3A_690 = vector.broadcast %add3A_689 : i32 to vector<16xi32>
        %add3A_691 = arith.addi %add3A_564, %add3A_690 : vector<16xi32>
        %gather3A_692 = arith.constant 0 : i32
        %gather3A_693 = arith.constant 0 : i32
        %gather3A_694 = arith.constant 0 : i32
        %gather3A_695 = tpu.memref_slice %arg4[%gather3A_692, %gather3A_693, %gather3A_694] : memref<2x8x1033xf32, #tpu.memory_space<vmem>> -> memref<1x8x1033xf32, #tpu.memory_space<vmem>>
        %gather3A_696 = tpu.memref_squeeze %gather3A_695 : memref<1x8x1033xf32, #tpu.memory_space<vmem>> -> memref<8x1033xf32, #tpu.memory_space<vmem>>
        %gather3A_697 = tpu.vector_load_idx %gather3A_696[%select_n3A_17, %add3A_691] : memref<8x1033xf32, #tpu.memory_space<vmem>>[vector<16xi32>, vector<16xi32>], vector<16xf32>,
        %swap3A_698 = arith.constant 0 : i32
        %swap3A_699 = arith.index_cast %swap3A_698 : i32 to index
        %swap3A_700 = arith.index_cast %add3A_560 : i32 to index
        %swap3A_701 = arith.constant 144 : index
        %swap3A_702 = tpu.vector_load %arg5[%swap3A_699, %swap3A_700, %swap3A_701] {strides = array<i32>} : memref<2x8x1024xf32, #tpu.memory_space<vmem>>, vector<16xf32>,
        tpu.vector_store %arg5[%swap3A_699, %swap3A_700, %swap3A_701], %gather3A_697 {strides = array<i32>} : memref<2x8x1024xf32, #tpu.memory_space<vmem>>, vector<16xf32>,
        %add3A_703 = arith.constant 20 : i32
        %add3A_704 = vector.broadcast %add3A_703 : i32 to vector<16xi32>
        %add3A_705 = arith.addi %add3A_564, %add3A_704 : vector<16xi32>
        %gather3A_706 = arith.constant 0 : i32
        %gather3A_707 = arith.constant 0 : i32
        %gather3A_708 = arith.constant 0 : i32
        %gather3A_709 = tpu.memref_slice %arg4[%gather3A_706, %gather3A_707, %gather3A_708] : memref<2x8x1033xf32, #tpu.memory_space<vmem>> -> memref<1x8x1033xf32, #tpu.memory_space<vmem>>
        %gather3A_710 = tpu.memref_squeeze %gather3A_709 : memref<1x8x1033xf32, #tpu.memory_space<vmem>> -> memref<8x1033xf32, #tpu.memory_space<vmem>>
        %gather3A_711 = tpu.vector_load_idx %gather3A_710[%select_n3A_17, %add3A_705] : memref<8x1033xf32, #tpu.memory_space<vmem>>[vector<16xi32>, vector<16xi32>], vector<16xf32>,
        %swap3A_712 = arith.constant 0 : i32
        %swap3A_713 = arith.index_cast %swap3A_712 : i32 to index
        %swap3A_714 = arith.index_cast %add3A_560 : i32 to index
        %swap3A_715 = arith.constant 160 : index
        %swap3A_716 = tpu.vector_load %arg5[%swap3A_713, %swap3A_714, %swap3A_715] {strides = array<i32>} : memref<2x8x1024xf32, #tpu.memory_space<vmem>>, vector<16xf32>,
        tpu.vector_store %arg5[%swap3A_713, %swap3A_714, %swap3A_715], %gather3A_711 {strides = array<i32>} : memref<2x8x1024xf32, #tpu.memory_space<vmem>>, vector<16xf32>,
        %add3A_717 = arith.constant 22 : i32
        %add3A_718 = vector.broadcast %add3A_717 : i32 to vector<16xi32>
        %add3A_719 = arith.addi %add3A_564, %add3A_718 : vector<16xi32>
        %gather3A_720 = arith.constant 0 : i32
        %gather3A_721 = arith.constant 0 : i32
        %gather3A_722 = arith.constant 0 : i32
        %gather3A_723 = tpu.memref_slice %arg4[%gather3A_720, %gather3A_721, %gather3A_722] : memref<2x8x1033xf32, #tpu.memory_space<vmem>> -> memref<1x8x1033xf32, #tpu.memory_space<vmem>>
        %gather3A_724 = tpu.memref_squeeze %gather3A_723 : memref<1x8x1033xf32, #tpu.memory_space<vmem>> -> memref<8x1033xf32, #tpu.memory_space<vmem>>
        %gather3A_725 = tpu.vector_load_idx %gather3A_724[%select_n3A_17, %add3A_719] : memref<8x1033xf32, #tpu.memory_space<vmem>>[vector<16xi32>, vector<16xi32>], vector<16xf32>,
        %swap3A_726 = arith.constant 0 : i32
        %swap3A_727 = arith.index_cast %swap3A_726 : i32 to index
        %swap3A_728 = arith.index_cast %add3A_560 : i32 to index
        %swap3A_729 = arith.constant 176 : index
        %swap3A_730 = tpu.vector_load %arg5[%swap3A_727, %swap3A_728, %swap3A_729] {strides = array<i32>} : memref<2x8x1024xf32, #tpu.memory_space<vmem>>, vector<16xf32>,
        tpu.vector_store %arg5[%swap3A_727, %swap3A_728, %swap3A_729], %gather3A_725 {strides = array<i32>} : memref<2x8x1024xf32, #tpu.memory_space<vmem>>, vector<16xf32>,
        %add3A_731 = arith.constant 24 : i32
        %add3A_732 = vector.broadcast %add3A_731 : i32 to vector<16xi32>
        %add3A_733 = arith.addi %add3A_564, %add3A_732 : vector<16xi32>
        %gather3A_734 = arith.constant 0 : i32
        %gather3A_735 = arith.constant 0 : i32
        %gather3A_736 = arith.constant 0 : i32
        %gather3A_737 = tpu.memref_slice %arg4[%gather3A_734, %gather3A_735, %gather3A_736] : memref<2x8x1033xf32, #tpu.memory_space<vmem>> -> memref<1x8x1033xf32, #tpu.memory_space<vmem>>
        %gather3A_738 = tpu.memref_squeeze %gather3A_737 : memref<1x8x1033xf32, #tpu.memory_space<vmem>> -> memref<8x1033xf32, #tpu.memory_space<vmem>>
        %gather3A_739 = tpu.vector_load_idx %gather3A_738[%select_n3A_17, %add3A_733] : memref<8x1033xf32, #tpu.memory_space<vmem>>[vector<16xi32>, vector<16xi32>], vector<16xf32>,
        %swap3A_740 = arith.constant 0 : i32
        %swap3A_741 = arith.index_cast %swap3A_740 : i32 to index
        %swap3A_742 = arith.index_cast %add3A_560 : i32 to index
        %swap3A_743 = arith.constant 192 : index
        %swap3A_744 = tpu.vector_load %arg5[%swap3A_741, %swap3A_742, %swap3A_743] {strides = array<i32>} : memref<2x8x1024xf32, #tpu.memory_space<vmem>>, vector<16xf32>,
        tpu.vector_store %arg5[%swap3A_741, %swap3A_742, %swap3A_743], %gather3A_739 {strides = array<i32>} : memref<2x8x1024xf32, #tpu.memory_space<vmem>>, vector<16xf32>,
        %add3A_745 = arith.constant 26 : i32
        %add3A_746 = vector.broadcast %add3A_745 : i32 to vector<16xi32>
        %add3A_747 = arith.addi %add3A_564, %add3A_746 : vector<16xi32>
        %gather3A_748 = arith.constant 0 : i32
        %gather3A_749 = arith.constant 0 : i32
        %gather3A_750 = arith.constant 0 : i32
        %gather3A_751 = tpu.memref_slice %arg4[%gather3A_748, %gather3A_749, %gather3A_750] : memref<2x8x1033xf32, #tpu.memory_space<vmem>> -> memref<1x8x1033xf32, #tpu.memory_space<vmem>>
        %gather3A_752 = tpu.memref_squeeze %gather3A_751 : memref<1x8x1033xf32, #tpu.memory_space<vmem>> -> memref<8x1033xf32, #tpu.memory_space<vmem>>
        %gather3A_753 = tpu.vector_load_idx %gather3A_752[%select_n3A_17, %add3A_747] : memref<8x1033xf32, #tpu.memory_space<vmem>>[vector<16xi32>, vector<16xi32>], vector<16xf32>,
        %swap3A_754 = arith.constant 0 : i32
        %swap3A_755 = arith.index_cast %swap3A_754 : i32 to index
        %swap3A_756 = arith.index_cast %add3A_560 : i32 to index
        %swap3A_757 = arith.constant 208 : index
        %swap3A_758 = tpu.vector_load %arg5[%swap3A_755, %swap3A_756, %swap3A_757] {strides = array<i32>} : memref<2x8x1024xf32, #tpu.memory_space<vmem>>, vector<16xf32>,
        tpu.vector_store %arg5[%swap3A_755, %swap3A_756, %swap3A_757], %gather3A_753 {strides = array<i32>} : memref<2x8x1024xf32, #tpu.memory_space<vmem>>, vector<16xf32>,
        %add3A_759 = arith.constant 28 : i32
        %add3A_760 = vector.broadcast %add3A_759 : i32 to vector<16xi32>
        %add3A_761 = arith.addi %add3A_564, %add3A_760 : vector<16xi32>
        %gather3A_762 = arith.constant 0 : i32
        %gather3A_763 = arith.constant 0 : i32
        %gather3A_764 = arith.constant 0 : i32
        %gather3A_765 = tpu.memref_slice %arg4[%gather3A_762, %gather3A_763, %gather3A_764] : memref<2x8x1033xf32, #tpu.memory_space<vmem>> -> memref<1x8x1033xf32, #tpu.memory_space<vmem>>
        %gather3A_766 = tpu.memref_squeeze %gather3A_765 : memref<1x8x1033xf32, #tpu.memory_space<vmem>> -> memref<8x1033xf32, #tpu.memory_space<vmem>>
        %gather3A_767 = tpu.vector_load_idx %gather3A_766[%select_n3A_17, %add3A_761] : memref<8x1033xf32, #tpu.memory_space<vmem>>[vector<16xi32>, vector<16xi32>], vector<16xf32>,
        %swap3A_768 = arith.constant 0 : i32
        %swap3A_769 = arith.index_cast %swap3A_768 : i32 to index
        %swap3A_770 = arith.index_cast %add3A_560 : i32 to index
        %swap3A_771 = arith.constant 224 : index
        %swap3A_772 = tpu.vector_load %arg5[%swap3A_769, %swap3A_770, %swap3A_771] {strides = array<i32>} : memref<2x8x1024xf32, #tpu.memory_space<vmem>>, vector<16xf32>,
        tpu.vector_store %arg5[%swap3A_769, %swap3A_770, %swap3A_771], %gather3A_767 {strides = array<i32>} : memref<2x8x1024xf32, #tpu.memory_space<vmem>>, vector<16xf32>,
        %add3A_773 = arith.constant 30 : i32
        %add3A_774 = vector.broadcast %add3A_773 : i32 to vector<16xi32>
        %add3A_775 = arith.addi %add3A_564, %add3A_774 : vector<16xi32>
        %gather3A_776 = arith.constant 0 : i32
        %gather3A_777 = arith.constant 0 : i32
        %gather3A_778 = arith.constant 0 : i32
        %gather3A_779 = tpu.memref_slice %arg4[%gather3A_776, %gather3A_777, %gather3A_778] : memref<2x8x1033xf32, #tpu.memory_space<vmem>> -> memref<1x8x1033xf32, #tpu.memory_space<vmem>>
        %gather3A_780 = tpu.memref_squeeze %gather3A_779 : memref<1x8x1033xf32, #tpu.memory_space<vmem>> -> memref<8x1033xf32, #tpu.memory_space<vmem>>
        %gather3A_781 = tpu.vector_load_idx %gather3A_780[%select_n3A_17, %add3A_775] : memref<8x1033xf32, #tpu.memory_space<vmem>>[vector<16xi32>, vector<16xi32>], vector<16xf32>,
        %swap3A_782 = arith.constant 0 : i32
        %swap3A_783 = arith.index_cast %swap3A_782 : i32 to index
        %swap3A_784 = arith.index_cast %add3A_560 : i32 to index
        %swap3A_785 = arith.constant 240 : index
        %swap3A_786 = tpu.vector_load %arg5[%swap3A_783, %swap3A_784, %swap3A_785] {strides = array<i32>} : memref<2x8x1024xf32, #tpu.memory_space<vmem>>, vector<16xf32>,
        tpu.vector_store %arg5[%swap3A_783, %swap3A_784, %swap3A_785], %gather3A_781 {strides = array<i32>} : memref<2x8x1024xf32, #tpu.memory_space<vmem>>, vector<16xf32>,
        %add3A_787 = arith.constant 32 : i32
        %add3A_788 = vector.broadcast %add3A_787 : i32 to vector<16xi32>
        %add3A_789 = arith.addi %add3A_564, %add3A_788 : vector<16xi32>
        %gather3A_790 = arith.constant 0 : i32
        %gather3A_791 = arith.constant 0 : i32
        %gather3A_792 = arith.constant 0 : i32
        %gather3A_793 = tpu.memref_slice %arg4[%gather3A_790, %gather3A_791, %gather3A_792] : memref<2x8x1033xf32, #tpu.memory_space<vmem>> -> memref<1x8x1033xf32, #tpu.memory_space<vmem>>
        %gather3A_794 = tpu.memref_squeeze %gather3A_793 : memref<1x8x1033xf32, #tpu.memory_space<vmem>> -> memref<8x1033xf32, #tpu.memory_space<vmem>>
        %gather3A_795 = tpu.vector_load_idx %gather3A_794[%select_n3A_17, %add3A_789] : memref<8x1033xf32, #tpu.memory_space<vmem>>[vector<16xi32>, vector<16xi32>], vector<16xf32>,
        %swap3A_796 = arith.constant 0 : i32
        %swap3A_797 = arith.index_cast %swap3A_796 : i32 to index
        %swap3A_798 = arith.index_cast %add3A_560 : i32 to index
        %swap3A_799 = arith.constant 256 : index
        %swap3A_800 = tpu.vector_load %arg5[%swap3A_797, %swap3A_798, %swap3A_799] {strides = array<i32>} : memref<2x8x1024xf32, #tpu.memory_space<vmem>>, vector<16xf32>,
        tpu.vector_store %arg5[%swap3A_797, %swap3A_798, %swap3A_799], %gather3A_795 {strides = array<i32>} : memref<2x8x1024xf32, #tpu.memory_space<vmem>>, vector<16xf32>,
        %add3A_801 = arith.constant 34 : i32
        %add3A_802 = vector.broadcast %add3A_801 : i32 to vector<16xi32>
        %add3A_803 = arith.addi %add3A_564, %add3A_802 : vector<16xi32>
        %gather3A_804 = arith.constant 0 : i32
        %gather3A_805 = arith.constant 0 : i32
        %gather3A_806 = arith.constant 0 : i32
        %gather3A_807 = tpu.memref_slice %arg4[%gather3A_804, %gather3A_805, %gather3A_806] : memref<2x8x1033xf32, #tpu.memory_space<vmem>> -> memref<1x8x1033xf32, #tpu.memory_space<vmem>>
        %gather3A_808 = tpu.memref_squeeze %gather3A_807 : memref<1x8x1033xf32, #tpu.memory_space<vmem>> -> memref<8x1033xf32, #tpu.memory_space<vmem>>
        %gather3A_809 = tpu.vector_load_idx %gather3A_808[%select_n3A_17, %add3A_803] : memref<8x1033xf32, #tpu.memory_space<vmem>>[vector<16xi32>, vector<16xi32>], vector<16xf32>,
        %swap3A_810 = arith.constant 0 : i32
        %swap3A_811 = arith.index_cast %swap3A_810 : i32 to index
        %swap3A_812 = arith.index_cast %add3A_560 : i32 to index
        %swap3A_813 = arith.constant 272 : index
        %swap3A_814 = tpu.vector_load %arg5[%swap3A_811, %swap3A_812, %swap3A_813] {strides = array<i32>} : memref<2x8x1024xf32, #tpu.memory_space<vmem>>, vector<16xf32>,
        tpu.vector_store %arg5[%swap3A_811, %swap3A_812, %swap3A_813], %gather3A_809 {strides = array<i32>} : memref<2x8x1024xf32, #tpu.memory_space<vmem>>, vector<16xf32>,
        %add3A_815 = arith.constant 36 : i32
        %add3A_816 = vector.broadcast %add3A_815 : i32 to vector<16xi32>
        %add3A_817 = arith.addi %add3A_564, %add3A_816 : vector<16xi32>
        %gather3A_818 = arith.constant 0 : i32
        %gather3A_819 = arith.constant 0 : i32
        %gather3A_820 = arith.constant 0 : i32
        %gather3A_821 = tpu.memref_slice %arg4[%gather3A_818, %gather3A_819, %gather3A_820] : memref<2x8x1033xf32, #tpu.memory_space<vmem>> -> memref<1x8x1033xf32, #tpu.memory_space<vmem>>
        %gather3A_822 = tpu.memref_squeeze %gather3A_821 : memref<1x8x1033xf32, #tpu.memory_space<vmem>> -> memref<8x1033xf32, #tpu.memory_space<vmem>>
        %gather3A_823 = tpu.vector_load_idx %gather3A_822[%select_n3A_17, %add3A_817] : memref<8x1033xf32, #tpu.memory_space<vmem>>[vector<16xi32>, vector<16xi32>], vector<16xf32>,
        %swap3A_824 = arith.constant 0 : i32
        %swap3A_825 = arith.index_cast %swap3A_824 : i32 to index
        %swap3A_826 = arith.index_cast %add3A_560 : i32 to index
        %swap3A_827 = arith.constant 288 : index
        %swap3A_828 = tpu.vector_load %arg5[%swap3A_825, %swap3A_826, %swap3A_827] {strides = array<i32>} : memref<2x8x1024xf32, #tpu.memory_space<vmem>>, vector<16xf32>,
        tpu.vector_store %arg5[%swap3A_825, %swap3A_826, %swap3A_827], %gather3A_823 {strides = array<i32>} : memref<2x8x1024xf32, #tpu.memory_space<vmem>>, vector<16xf32>,
        %add3A_829 = arith.constant 38 : i32
        %add3A_830 = vector.broadcast %add3A_829 : i32 to vector<16xi32>
        %add3A_831 = arith.addi %add3A_564, %add3A_830 : vector<16xi32>
        %gather3A_832 = arith.constant 0 : i32
        %gather3A_833 = arith.constant 0 : i32
        %gather3A_834 = arith.constant 0 : i32
        %gather3A_835 = tpu.memref_slice %arg4[%gather3A_832, %gather3A_833, %gather3A_834] : memref<2x8x1033xf32, #tpu.memory_space<vmem>> -> memref<1x8x1033xf32, #tpu.memory_space<vmem>>
        %gather3A_836 = tpu.memref_squeeze %gather3A_835 : memref<1x8x1033xf32, #tpu.memory_space<vmem>> -> memref<8x1033xf32, #tpu.memory_space<vmem>>
        %gather3A_837 = tpu.vector_load_idx %gather3A_836[%select_n3A_17, %add3A_831] : memref<8x1033xf32, #tpu.memory_space<vmem>>[vector<16xi32>, vector<16xi32>], vector<16xf32>,
        %swap3A_838 = arith.constant 0 : i32
        %swap3A_839 = arith.index_cast %swap3A_838 : i32 to index
        %swap3A_840 = arith.index_cast %add3A_560 : i32 to index
        %swap3A_841 = arith.constant 304 : index
        %swap3A_842 = tpu.vector_load %arg5[%swap3A_839, %swap3A_840, %swap3A_841] {strides = array<i32>} : memref<2x8x1024xf32, #tpu.memory_space<vmem>>, vector<16xf32>,
        tpu.vector_store %arg5[%swap3A_839, %swap3A_840, %swap3A_841], %gather3A_837 {strides = array<i32>} : memref<2x8x1024xf32, #tpu.memory_space<vmem>>, vector<16xf32>,
        %add3A_843 = arith.constant 40 : i32
        %add3A_844 = vector.broadcast %add3A_843 : i32 to vector<16xi32>
        %add3A_845 = arith.addi %add3A_564, %add3A_844 : vector<16xi32>
        %gather3A_846 = arith.constant 0 : i32
        %gather3A_847 = arith.constant 0 : i32
        %gather3A_848 = arith.constant 0 : i32
        %gather3A_849 = tpu.memref_slice %arg4[%gather3A_846, %gather3A_847, %gather3A_848] : memref<2x8x1033xf32, #tpu.memory_space<vmem>> -> memref<1x8x1033xf32, #tpu.memory_space<vmem>>
        %gather3A_850 = tpu.memref_squeeze %gather3A_849 : memref<1x8x1033xf32, #tpu.memory_space<vmem>> -> memref<8x1033xf32, #tpu.memory_space<vmem>>
        %gather3A_851 = tpu.vector_load_idx %gather3A_850[%select_n3A_17, %add3A_845] : memref<8x1033xf32, #tpu.memory_space<vmem>>[vector<16xi32>, vector<16xi32>], vector<16xf32>,
        %swap3A_852 = arith.constant 0 : i32
        %swap3A_853 = arith.index_cast %swap3A_852 : i32 to index
        %swap3A_854 = arith.index_cast %add3A_560 : i32 to index
        %swap3A_855 = arith.constant 320 : index
        %swap3A_856 = tpu.vector_load %arg5[%swap3A_853, %swap3A_854, %swap3A_855] {strides = array<i32>} : memref<2x8x1024xf32, #tpu.memory_space<vmem>>, vector<16xf32>,
        tpu.vector_store %arg5[%swap3A_853, %swap3A_854, %swap3A_855], %gather3A_851 {strides = array<i32>} : memref<2x8x1024xf32, #tpu.memory_space<vmem>>, vector<16xf32>,
        %add3A_857 = arith.constant 42 : i32
        %add3A_858 = vector.broadcast %add3A_857 : i32 to vector<16xi32>
        %add3A_859 = arith.addi %add3A_564, %add3A_858 : vector<16xi32>
        %gather3A_860 = arith.constant 0 : i32
        %gather3A_861 = arith.constant 0 : i32
        %gather3A_862 = arith.constant 0 : i32
        %gather3A_863 = tpu.memref_slice %arg4[%gather3A_860, %gather3A_861, %gather3A_862] : memref<2x8x1033xf32, #tpu.memory_space<vmem>> -> memref<1x8x1033xf32, #tpu.memory_space<vmem>>
        %gather3A_864 = tpu.memref_squeeze %gather3A_863 : memref<1x8x1033xf32, #tpu.memory_space<vmem>> -> memref<8x1033xf32, #tpu.memory_space<vmem>>
        %gather3A_865 = tpu.vector_load_idx %gather3A_864[%select_n3A_17, %add3A_859] : memref<8x1033xf32, #tpu.memory_space<vmem>>[vector<16xi32>, vector<16xi32>], vector<16xf32>,
        %swap3A_866 = arith.constant 0 : i32
        %swap3A_867 = arith.index_cast %swap3A_866 : i32 to index
        %swap3A_868 = arith.index_cast %add3A_560 : i32 to index
        %swap3A_869 = arith.constant 336 : index
        %swap3A_870 = tpu.vector_load %arg5[%swap3A_867, %swap3A_868, %swap3A_869] {strides = array<i32>} : memref<2x8x1024xf32, #tpu.memory_space<vmem>>, vector<16xf32>,
        tpu.vector_store %arg5[%swap3A_867, %swap3A_868, %swap3A_869], %gather3A_865 {strides = array<i32>} : memref<2x8x1024xf32, #tpu.memory_space<vmem>>, vector<16xf32>,
        %add3A_871 = arith.constant 44 : i32
        %add3A_872 = vector.broadcast %add3A_871 : i32 to vector<16xi32>
        %add3A_873 = arith.addi %add3A_564, %add3A_872 : vector<16xi32>
        %gather3A_874 = arith.constant 0 : i32
        %gather3A_875 = arith.constant 0 : i32
        %gather3A_876 = arith.constant 0 : i32
        %gather3A_877 = tpu.memref_slice %arg4[%gather3A_874, %gather3A_875, %gather3A_876] : memref<2x8x1033xf32, #tpu.memory_space<vmem>> -> memref<1x8x1033xf32, #tpu.memory_space<vmem>>
        %gather3A_878 = tpu.memref_squeeze %gather3A_877 : memref<1x8x1033xf32, #tpu.memory_space<vmem>> -> memref<8x1033xf32, #tpu.memory_space<vmem>>
        %gather3A_879 = tpu.vector_load_idx %gather3A_878[%select_n3A_17, %add3A_873] : memref<8x1033xf32, #tpu.memory_space<vmem>>[vector<16xi32>, vector<16xi32>], vector<16xf32>,
        %swap3A_880 = arith.constant 0 : i32
        %swap3A_881 = arith.index_cast %swap3A_880 : i32 to index
        %swap3A_882 = arith.index_cast %add3A_560 : i32 to index
        %swap3A_883 = arith.constant 352 : index
        %swap3A_884 = tpu.vector_load %arg5[%swap3A_881, %swap3A_882, %swap3A_883] {strides = array<i32>} : memref<2x8x1024xf32, #tpu.memory_space<vmem>>, vector<16xf32>,
        tpu.vector_store %arg5[%swap3A_881, %swap3A_882, %swap3A_883], %gather3A_879 {strides = array<i32>} : memref<2x8x1024xf32, #tpu.memory_space<vmem>>, vector<16xf32>,
        %add3A_885 = arith.constant 46 : i32
        %add3A_886 = vector.broadcast %add3A_885 : i32 to vector<16xi32>
        %add3A_887 = arith.addi %add3A_564, %add3A_886 : vector<16xi32>
        %gather3A_888 = arith.constant 0 : i32
        %gather3A_889 = arith.constant 0 : i32
        %gather3A_890 = arith.constant 0 : i32
        %gather3A_891 = tpu.memref_slice %arg4[%gather3A_888, %gather3A_889, %gather3A_890] : memref<2x8x1033xf32, #tpu.memory_space<vmem>> -> memref<1x8x1033xf32, #tpu.memory_space<vmem>>
        %gather3A_892 = tpu.memref_squeeze %gather3A_891 : memref<1x8x1033xf32, #tpu.memory_space<vmem>> -> memref<8x1033xf32, #tpu.memory_space<vmem>>
        %gather3A_893 = tpu.vector_load_idx %gather3A_892[%select_n3A_17, %add3A_887] : memref<8x1033xf32, #tpu.memory_space<vmem>>[vector<16xi32>, vector<16xi32>], vector<16xf32>,
        %swap3A_894 = arith.constant 0 : i32
        %swap3A_895 = arith.index_cast %swap3A_894 : i32 to index
        %swap3A_896 = arith.index_cast %add3A_560 : i32 to index
        %swap3A_897 = arith.constant 368 : index
        %swap3A_898 = tpu.vector_load %arg5[%swap3A_895, %swap3A_896, %swap3A_897] {strides = array<i32>} : memref<2x8x1024xf32, #tpu.memory_space<vmem>>, vector<16xf32>,
        tpu.vector_store %arg5[%swap3A_895, %swap3A_896, %swap3A_897], %gather3A_893 {strides = array<i32>} : memref<2x8x1024xf32, #tpu.memory_space<vmem>>, vector<16xf32>,
        %add3A_899 = arith.constant 48 : i32
        %add3A_900 = vector.broadcast %add3A_899 : i32 to vector<16xi32>
        %add3A_901 = arith.addi %add3A_564, %add3A_900 : vector<16xi32>
        %gather3A_902 = arith.constant 0 : i32
        %gather3A_903 = arith.constant 0 : i32
        %gather3A_904 = arith.constant 0 : i32
        %gather3A_905 = tpu.memref_slice %arg4[%gather3A_902, %gather3A_903, %gather3A_904] : memref<2x8x1033xf32, #tpu.memory_space<vmem>> -> memref<1x8x1033xf32, #tpu.memory_space<vmem>>
        %gather3A_906 = tpu.memref_squeeze %gather3A_905 : memref<1x8x1033xf32, #tpu.memory_space<vmem>> -> memref<8x1033xf32, #tpu.memory_space<vmem>>
        %gather3A_907 = tpu.vector_load_idx %gather3A_906[%select_n3A_17, %add3A_901] : memref<8x1033xf32, #tpu.memory_space<vmem>>[vector<16xi32>, vector<16xi32>], vector<16xf32>,
        %swap3A_908 = arith.constant 0 : i32
        %swap3A_909 = arith.index_cast %swap3A_908 : i32 to index
        %swap3A_910 = arith.index_cast %add3A_560 : i32 to index
        %swap3A_911 = arith.constant 384 : index
        %swap3A_912 = tpu.vector_load %arg5[%swap3A_909, %swap3A_910, %swap3A_911] {strides = array<i32>} : memref<2x8x1024xf32, #tpu.memory_space<vmem>>, vector<16xf32>,
        tpu.vector_store %arg5[%swap3A_909, %swap3A_910, %swap3A_911], %gather3A_907 {strides = array<i32>} : memref<2x8x1024xf32, #tpu.memory_space<vmem>>, vector<16xf32>,
        %add3A_913 = arith.constant 50 : i32
        %add3A_914 = vector.broadcast %add3A_913 : i32 to vector<16xi32>
        %add3A_915 = arith.addi %add3A_564, %add3A_914 : vector<16xi32>
        %gather3A_916 = arith.constant 0 : i32
        %gather3A_917 = arith.constant 0 : i32
        %gather3A_918 = arith.constant 0 : i32
        %gather3A_919 = tpu.memref_slice %arg4[%gather3A_916, %gather3A_917, %gather3A_918] : memref<2x8x1033xf32, #tpu.memory_space<vmem>> -> memref<1x8x1033xf32, #tpu.memory_space<vmem>>
        %gather3A_920 = tpu.memref_squeeze %gather3A_919 : memref<1x8x1033xf32, #tpu.memory_space<vmem>> -> memref<8x1033xf32, #tpu.memory_space<vmem>>
        %gather3A_921 = tpu.vector_load_idx %gather3A_920[%select_n3A_17, %add3A_915] : memref<8x1033xf32, #tpu.memory_space<vmem>>[vector<16xi32>, vector<16xi32>], vector<16xf32>,
        %swap3A_922 = arith.constant 0 : i32
        %swap3A_923 = arith.index_cast %swap3A_922 : i32 to index
        %swap3A_924 = arith.index_cast %add3A_560 : i32 to index
        %swap3A_925 = arith.constant 400 : index
        %swap3A_926 = tpu.vector_load %arg5[%swap3A_923, %swap3A_924, %swap3A_925] {strides = array<i32>} : memref<2x8x1024xf32, #tpu.memory_space<vmem>>, vector<16xf32>,
        tpu.vector_store %arg5[%swap3A_923, %swap3A_924, %swap3A_925], %gather3A_921 {strides = array<i32>} : memref<2x8x1024xf32, #tpu.memory_space<vmem>>, vector<16xf32>,
        %add3A_927 = arith.constant 52 : i32
        %add3A_928 = vector.broadcast %add3A_927 : i32 to vector<16xi32>
        %add3A_929 = arith.addi %add3A_564, %add3A_928 : vector<16xi32>
        %gather3A_930 = arith.constant 0 : i32
        %gather3A_931 = arith.constant 0 : i32
        %gather3A_932 = arith.constant 0 : i32
        %gather3A_933 = tpu.memref_slice %arg4[%gather3A_930, %gather3A_931, %gather3A_932] : memref<2x8x1033xf32, #tpu.memory_space<vmem>> -> memref<1x8x1033xf32, #tpu.memory_space<vmem>>
        %gather3A_934 = tpu.memref_squeeze %gather3A_933 : memref<1x8x1033xf32, #tpu.memory_space<vmem>> -> memref<8x1033xf32, #tpu.memory_space<vmem>>
        %gather3A_935 = tpu.vector_load_idx %gather3A_934[%select_n3A_17, %add3A_929] : memref<8x1033xf32, #tpu.memory_space<vmem>>[vector<16xi32>, vector<16xi32>], vector<16xf32>,
        %swap3A_936 = arith.constant 0 : i32
        %swap3A_937 = arith.index_cast %swap3A_936 : i32 to index
        %swap3A_938 = arith.index_cast %add3A_560 : i32 to index
        %swap3A_939 = arith.constant 416 : index
        %swap3A_940 = tpu.vector_load %arg5[%swap3A_937, %swap3A_938, %swap3A_939] {strides = array<i32>} : memref<2x8x1024xf32, #tpu.memory_space<vmem>>, vector<16xf32>,
        tpu.vector_store %arg5[%swap3A_937, %swap3A_938, %swap3A_939], %gather3A_935 {strides = array<i32>} : memref<2x8x1024xf32, #tpu.memory_space<vmem>>, vector<16xf32>,
        %add3A_941 = arith.constant 54 : i32
        %add3A_942 = vector.broadcast %add3A_941 : i32 to vector<16xi32>
        %add3A_943 = arith.addi %add3A_564, %add3A_942 : vector<16xi32>
        %gather3A_944 = arith.constant 0 : i32
        %gather3A_945 = arith.constant 0 : i32
        %gather3A_946 = arith.constant 0 : i32
        %gather3A_947 = tpu.memref_slice %arg4[%gather3A_944, %gather3A_945, %gather3A_946] : memref<2x8x1033xf32, #tpu.memory_space<vmem>> -> memref<1x8x1033xf32, #tpu.memory_space<vmem>>
        %gather3A_948 = tpu.memref_squeeze %gather3A_947 : memref<1x8x1033xf32, #tpu.memory_space<vmem>> -> memref<8x1033xf32, #tpu.memory_space<vmem>>
        %gather3A_949 = tpu.vector_load_idx %gather3A_948[%select_n3A_17, %add3A_943] : memref<8x1033xf32, #tpu.memory_space<vmem>>[vector<16xi32>, vector<16xi32>], vector<16xf32>,
        %swap3A_950 = arith.constant 0 : i32
        %swap3A_951 = arith.index_cast %swap3A_950 : i32 to index
        %swap3A_952 = arith.index_cast %add3A_560 : i32 to index
        %swap3A_953 = arith.constant 432 : index
        %swap3A_954 = tpu.vector_load %arg5[%swap3A_951, %swap3A_952, %swap3A_953] {strides = array<i32>} : memref<2x8x1024xf32, #tpu.memory_space<vmem>>, vector<16xf32>,
        tpu.vector_store %arg5[%swap3A_951, %swap3A_952, %swap3A_953], %gather3A_949 {strides = array<i32>} : memref<2x8x1024xf32, #tpu.memory_space<vmem>>, vector<16xf32>,
        %add3A_955 = arith.constant 56 : i32
        %add3A_956 = vector.broadcast %add3A_955 : i32 to vector<16xi32>
        %add3A_957 = arith.addi %add3A_564, %add3A_956 : vector<16xi32>
        %gather3A_958 = arith.constant 0 : i32
        %gather3A_959 = arith.constant 0 : i32
        %gather3A_960 = arith.constant 0 : i32
        %gather3A_961 = tpu.memref_slice %arg4[%gather3A_958, %gather3A_959, %gather3A_960] : memref<2x8x1033xf32, #tpu.memory_space<vmem>> -> memref<1x8x1033xf32, #tpu.memory_space<vmem>>
        %gather3A_962 = tpu.memref_squeeze %gather3A_961 : memref<1x8x1033xf32, #tpu.memory_space<vmem>> -> memref<8x1033xf32, #tpu.memory_space<vmem>>
        %gather3A_963 = tpu.vector_load_idx %gather3A_962[%select_n3A_17, %add3A_957] : memref<8x1033xf32, #tpu.memory_space<vmem>>[vector<16xi32>, vector<16xi32>], vector<16xf32>,
        %swap3A_964 = arith.constant 0 : i32
        %swap3A_965 = arith.index_cast %swap3A_964 : i32 to index
        %swap3A_966 = arith.index_cast %add3A_560 : i32 to index
        %swap3A_967 = arith.constant 448 : index
        %swap3A_968 = tpu.vector_load %arg5[%swap3A_965, %swap3A_966, %swap3A_967] {strides = array<i32>} : memref<2x8x1024xf32, #tpu.memory_space<vmem>>, vector<16xf32>,
        tpu.vector_store %arg5[%swap3A_965, %swap3A_966, %swap3A_967], %gather3A_963 {strides = array<i32>} : memref<2x8x1024xf32, #tpu.memory_space<vmem>>, vector<16xf32>,
        %add3A_969 = arith.constant 58 : i32
        %add3A_970 = vector.broadcast %add3A_969 : i32 to vector<16xi32>
        %add3A_971 = arith.addi %add3A_564, %add3A_970 : vector<16xi32>
        %gather3A_972 = arith.constant 0 : i32
        %gather3A_973 = arith.constant 0 : i32
        %gather3A_974 = arith.constant 0 : i32
        %gather3A_975 = tpu.memref_slice %arg4[%gather3A_972, %gather3A_973, %gather3A_974] : memref<2x8x1033xf32, #tpu.memory_space<vmem>> -> memref<1x8x1033xf32, #tpu.memory_space<vmem>>
        %gather3A_976 = tpu.memref_squeeze %gather3A_975 : memref<1x8x1033xf32, #tpu.memory_space<vmem>> -> memref<8x1033xf32, #tpu.memory_space<vmem>>
        %gather3A_977 = tpu.vector_load_idx %gather3A_976[%select_n3A_17, %add3A_971] : memref<8x1033xf32, #tpu.memory_space<vmem>>[vector<16xi32>, vector<16xi32>], vector<16xf32>,
        %swap3A_978 = arith.constant 0 : i32
        %swap3A_979 = arith.index_cast %swap3A_978 : i32 to index
        %swap3A_980 = arith.index_cast %add3A_560 : i32 to index
        %swap3A_981 = arith.constant 464 : index
        %swap3A_982 = tpu.vector_load %arg5[%swap3A_979, %swap3A_980, %swap3A_981] {strides = array<i32>} : memref<2x8x1024xf32, #tpu.memory_space<vmem>>, vector<16xf32>,
        tpu.vector_store %arg5[%swap3A_979, %swap3A_980, %swap3A_981], %gather3A_977 {strides = array<i32>} : memref<2x8x1024xf32, #tpu.memory_space<vmem>>, vector<16xf32>,
        %add3A_983 = arith.constant 60 : i32
        %add3A_984 = vector.broadcast %add3A_983 : i32 to vector<16xi32>
        %add3A_985 = arith.addi %add3A_564, %add3A_984 : vector<16xi32>
        %gather3A_986 = arith.constant 0 : i32
        %gather3A_987 = arith.constant 0 : i32
        %gather3A_988 = arith.constant 0 : i32
        %gather3A_989 = tpu.memref_slice %arg4[%gather3A_986, %gather3A_987, %gather3A_988] : memref<2x8x1033xf32, #tpu.memory_space<vmem>> -> memref<1x8x1033xf32, #tpu.memory_space<vmem>>
        %gather3A_990 = tpu.memref_squeeze %gather3A_989 : memref<1x8x1033xf32, #tpu.memory_space<vmem>> -> memref<8x1033xf32, #tpu.memory_space<vmem>>
        %gather3A_991 = tpu.vector_load_idx %gather3A_990[%select_n3A_17, %add3A_985] : memref<8x1033xf32, #tpu.memory_space<vmem>>[vector<16xi32>, vector<16xi32>], vector<16xf32>,
        %swap3A_992 = arith.constant 0 : i32
        %swap3A_993 = arith.index_cast %swap3A_992 : i32 to index
        %swap3A_994 = arith.index_cast %add3A_560 : i32 to index
        %swap3A_995 = arith.constant 480 : index
        %swap3A_996 = tpu.vector_load %arg5[%swap3A_993, %swap3A_994, %swap3A_995] {strides = array<i32>} : memref<2x8x1024xf32, #tpu.memory_space<vmem>>, vector<16xf32>,
        tpu.vector_store %arg5[%swap3A_993, %swap3A_994, %swap3A_995], %gather3A_991 {strides = array<i32>} : memref<2x8x1024xf32, #tpu.memory_space<vmem>>, vector<16xf32>,
        %add3A_997 = arith.constant 62 : i32
        %add3A_998 = vector.broadcast %add3A_997 : i32 to vector<16xi32>
        %add3A_999 = arith.addi %add3A_564, %add3A_998 : vector<16xi32>
        %gather3A_1000 = arith.constant 0 : i32
        %gather3A_1001 = arith.constant 0 : i32
        %gather3A_1002 = arith.constant 0 : i32
        %gather3A_1003 = tpu.memref_slice %arg4[%gather3A_1000, %gather3A_1001, %gather3A_1002] : memref<2x8x1033xf32, #tpu.memory_space<vmem>> -> memref<1x8x1033xf32, #tpu.memory_space<vmem>>
        %gather3A_1004 = tpu.memref_squeeze %gather3A_1003 : memref<1x8x1033xf32, #tpu.memory_space<vmem>> -> memref<8x1033xf32, #tpu.memory_space<vmem>>
        %gather3A_1005 = tpu.vector_load_idx %gather3A_1004[%select_n3A_17, %add3A_999] : memref<8x1033xf32, #tpu.memory_space<vmem>>[vector<16xi32>, vector<16xi32>], vector<16xf32>,
        %swap3A_1006 = arith.constant 0 : i32
        %swap3A_1007 = arith.index_cast %swap3A_1006 : i32 to index
        %swap3A_1008 = arith.index_cast %add3A_560 : i32 to index
        %swap3A_1009 = arith.constant 496 : index
        %swap3A_1010 = tpu.vector_load %arg5[%swap3A_1007, %swap3A_1008, %swap3A_1009] {strides = array<i32>} : memref<2x8x1024xf32, #tpu.memory_space<vmem>>, vector<16xf32>,
        tpu.vector_store %arg5[%swap3A_1007, %swap3A_1008, %swap3A_1009], %gather3A_1005 {strides = array<i32>} : memref<2x8x1024xf32, #tpu.memory_space<vmem>>, vector<16xf32>,
        %add3A_1011 = arith.constant 64 : i32
        %add3A_1012 = vector.broadcast %add3A_1011 : i32 to vector<16xi32>
        %add3A_1013 = arith.addi %add3A_564, %add3A_1012 : vector<16xi32>
        %gather3A_1014 = arith.constant 0 : i32
        %gather3A_1015 = arith.constant 0 : i32
        %gather3A_1016 = arith.constant 0 : i32
        %gather3A_1017 = tpu.memref_slice %arg4[%gather3A_1014, %gather3A_1015, %gather3A_1016] : memref<2x8x1033xf32, #tpu.memory_space<vmem>> -> memref<1x8x1033xf32, #tpu.memory_space<vmem>>
        %gather3A_1018 = tpu.memref_squeeze %gather3A_1017 : memref<1x8x1033xf32, #tpu.memory_space<vmem>> -> memref<8x1033xf32, #tpu.memory_space<vmem>>
        %gather3A_1019 = tpu.vector_load_idx %gather3A_1018[%select_n3A_17, %add3A_1013] : memref<8x1033xf32, #tpu.memory_space<vmem>>[vector<16xi32>, vector<16xi32>], vector<16xf32>,
        %swap3A_1020 = arith.constant 0 : i32
        %swap3A_1021 = arith.index_cast %swap3A_1020 : i32 to index
        %swap3A_1022 = arith.index_cast %add3A_560 : i32 to index
        %swap3A_1023 = arith.constant 512 : index
        %swap3A_1024 = tpu.vector_load %arg5[%swap3A_1021, %swap3A_1022, %swap3A_1023] {strides = array<i32>} : memref<2x8x1024xf32, #tpu.memory_space<vmem>>, vector<16xf32>,
        tpu.vector_store %arg5[%swap3A_1021, %swap3A_1022, %swap3A_1023], %gather3A_1019 {strides = array<i32>} : memref<2x8x1024xf32, #tpu.memory_space<vmem>>, vector<16xf32>,
        %add3A_1025 = arith.constant 66 : i32
        %add3A_1026 = vector.broadcast %add3A_1025 : i32 to vector<16xi32>
        %add3A_1027 = arith.addi %add3A_564, %add3A_1026 : vector<16xi32>
        %gather3A_1028 = arith.constant 0 : i32
        %gather3A_1029 = arith.constant 0 : i32
        %gather3A_1030 = arith.constant 0 : i32
        %gather3A_1031 = tpu.memref_slice %arg4[%gather3A_1028, %gather3A_1029, %gather3A_1030] : memref<2x8x1033xf32, #tpu.memory_space<vmem>> -> memref<1x8x1033xf32, #tpu.memory_space<vmem>>
        %gather3A_1032 = tpu.memref_squeeze %gather3A_1031 : memref<1x8x1033xf32, #tpu.memory_space<vmem>> -> memref<8x1033xf32, #tpu.memory_space<vmem>>
        %gather3A_1033 = tpu.vector_load_idx %gather3A_1032[%select_n3A_17, %add3A_1027] : memref<8x1033xf32, #tpu.memory_space<vmem>>[vector<16xi32>, vector<16xi32>], vector<16xf32>,
        %swap3A_1034 = arith.constant 0 : i32
        %swap3A_1035 = arith.index_cast %swap3A_1034 : i32 to index
        %swap3A_1036 = arith.index_cast %add3A_560 : i32 to index
        %swap3A_1037 = arith.constant 528 : index
        %swap3A_1038 = tpu.vector_load %arg5[%swap3A_1035, %swap3A_1036, %swap3A_1037] {strides = array<i32>} : memref<2x8x1024xf32, #tpu.memory_space<vmem>>, vector<16xf32>,
        tpu.vector_store %arg5[%swap3A_1035, %swap3A_1036, %swap3A_1037], %gather3A_1033 {strides = array<i32>} : memref<2x8x1024xf32, #tpu.memory_space<vmem>>, vector<16xf32>,
        %add3A_1039 = arith.constant 68 : i32
        %add3A_1040 = vector.broadcast %add3A_1039 : i32 to vector<16xi32>
        %add3A_1041 = arith.addi %add3A_564, %add3A_1040 : vector<16xi32>
        %gather3A_1042 = arith.constant 0 : i32
        %gather3A_1043 = arith.constant 0 : i32
        %gather3A_1044 = arith.constant 0 : i32
        %gather3A_1045 = tpu.memref_slice %arg4[%gather3A_1042, %gather3A_1043, %gather3A_1044] : memref<2x8x1033xf32, #tpu.memory_space<vmem>> -> memref<1x8x1033xf32, #tpu.memory_space<vmem>>
        %gather3A_1046 = tpu.memref_squeeze %gather3A_1045 : memref<1x8x1033xf32, #tpu.memory_space<vmem>> -> memref<8x1033xf32, #tpu.memory_space<vmem>>
        %gather3A_1047 = tpu.vector_load_idx %gather3A_1046[%select_n3A_17, %add3A_1041] : memref<8x1033xf32, #tpu.memory_space<vmem>>[vector<16xi32>, vector<16xi32>], vector<16xf32>,
        %swap3A_1048 = arith.constant 0 : i32
        %swap3A_1049 = arith.index_cast %swap3A_1048 : i32 to index
        %swap3A_1050 = arith.index_cast %add3A_560 : i32 to index
        %swap3A_1051 = arith.constant 544 : index
        %swap3A_1052 = tpu.vector_load %arg5[%swap3A_1049, %swap3A_1050, %swap3A_1051] {strides = array<i32>} : memref<2x8x1024xf32, #tpu.memory_space<vmem>>, vector<16xf32>,
        tpu.vector_store %arg5[%swap3A_1049, %swap3A_1050, %swap3A_1051], %gather3A_1047 {strides = array<i32>} : memref<2x8x1024xf32, #tpu.memory_space<vmem>>, vector<16xf32>,
        %add3A_1053 = arith.constant 70 : i32
        %add3A_1054 = vector.broadcast %add3A_1053 : i32 to vector<16xi32>
        %add3A_1055 = arith.addi %add3A_564, %add3A_1054 : vector<16xi32>
        %gather3A_1056 = arith.constant 0 : i32
        %gather3A_1057 = arith.constant 0 : i32
        %gather3A_1058 = arith.constant 0 : i32
        %gather3A_1059 = tpu.memref_slice %arg4[%gather3A_1056, %gather3A_1057, %gather3A_1058] : memref<2x8x1033xf32, #tpu.memory_space<vmem>> -> memref<1x8x1033xf32, #tpu.memory_space<vmem>>
        %gather3A_1060 = tpu.memref_squeeze %gather3A_1059 : memref<1x8x1033xf32, #tpu.memory_space<vmem>> -> memref<8x1033xf32, #tpu.memory_space<vmem>>
        %gather3A_1061 = tpu.vector_load_idx %gather3A_1060[%select_n3A_17, %add3A_1055] : memref<8x1033xf32, #tpu.memory_space<vmem>>[vector<16xi32>, vector<16xi32>], vector<16xf32>,
        %swap3A_1062 = arith.constant 0 : i32
        %swap3A_1063 = arith.index_cast %swap3A_1062 : i32 to index
        %swap3A_1064 = arith.index_cast %add3A_560 : i32 to index
        %swap3A_1065 = arith.constant 560 : index
        %swap3A_1066 = tpu.vector_load %arg5[%swap3A_1063, %swap3A_1064, %swap3A_1065] {strides = array<i32>} : memref<2x8x1024xf32, #tpu.memory_space<vmem>>, vector<16xf32>,
        tpu.vector_store %arg5[%swap3A_1063, %swap3A_1064, %swap3A_1065], %gather3A_1061 {strides = array<i32>} : memref<2x8x1024xf32, #tpu.memory_space<vmem>>, vector<16xf32>,
        %add3A_1067 = arith.constant 72 : i32
        %add3A_1068 = vector.broadcast %add3A_1067 : i32 to vector<16xi32>
        %add3A_1069 = arith.addi %add3A_564, %add3A_1068 : vector<16xi32>
        %gather3A_1070 = arith.constant 0 : i32
        %gather3A_1071 = arith.constant 0 : i32
        %gather3A_1072 = arith.constant 0 : i32
        %gather3A_1073 = tpu.memref_slice %arg4[%gather3A_1070, %gather3A_1071, %gather3A_1072] : memref<2x8x1033xf32, #tpu.memory_space<vmem>> -> memref<1x8x1033xf32, #tpu.memory_space<vmem>>
        %gather3A_1074 = tpu.memref_squeeze %gather3A_1073 : memref<1x8x1033xf32, #tpu.memory_space<vmem>> -> memref<8x1033xf32, #tpu.memory_space<vmem>>
        %gather3A_1075 = tpu.vector_load_idx %gather3A_1074[%select_n3A_17, %add3A_1069] : memref<8x1033xf32, #tpu.memory_space<vmem>>[vector<16xi32>, vector<16xi32>], vector<16xf32>,
        %swap3A_1076 = arith.constant 0 : i32
        %swap3A_1077 = arith.index_cast %swap3A_1076 : i32 to index
        %swap3A_1078 = arith.index_cast %add3A_560 : i32 to index
        %swap3A_1079 = arith.constant 576 : index
        %swap3A_1080 = tpu.vector_load %arg5[%swap3A_1077, %swap3A_1078, %swap3A_1079] {strides = array<i32>} : memref<2x8x1024xf32, #tpu.memory_space<vmem>>, vector<16xf32>,
        tpu.vector_store %arg5[%swap3A_1077, %swap3A_1078, %swap3A_1079], %gather3A_1075 {strides = array<i32>} : memref<2x8x1024xf32, #tpu.memory_space<vmem>>, vector<16xf32>,
        %add3A_1081 = arith.constant 74 : i32
        %add3A_1082 = vector.broadcast %add3A_1081 : i32 to vector<16xi32>
        %add3A_1083 = arith.addi %add3A_564, %add3A_1082 : vector<16xi32>
        %gather3A_1084 = arith.constant 0 : i32
        %gather3A_1085 = arith.constant 0 : i32
        %gather3A_1086 = arith.constant 0 : i32
        %gather3A_1087 = tpu.memref_slice %arg4[%gather3A_1084, %gather3A_1085, %gather3A_1086] : memref<2x8x1033xf32, #tpu.memory_space<vmem>> -> memref<1x8x1033xf32, #tpu.memory_space<vmem>>
        %gather3A_1088 = tpu.memref_squeeze %gather3A_1087 : memref<1x8x1033xf32, #tpu.memory_space<vmem>> -> memref<8x1033xf32, #tpu.memory_space<vmem>>
        %gather3A_1089 = tpu.vector_load_idx %gather3A_1088[%select_n3A_17, %add3A_1083] : memref<8x1033xf32, #tpu.memory_space<vmem>>[vector<16xi32>, vector<16xi32>], vector<16xf32>,
        %swap3A_1090 = arith.constant 0 : i32
        %swap3A_1091 = arith.index_cast %swap3A_1090 : i32 to index
        %swap3A_1092 = arith.index_cast %add3A_560 : i32 to index
        %swap3A_1093 = arith.constant 592 : index
        %swap3A_1094 = tpu.vector_load %arg5[%swap3A_1091, %swap3A_1092, %swap3A_1093] {strides = array<i32>} : memref<2x8x1024xf32, #tpu.memory_space<vmem>>, vector<16xf32>,
        tpu.vector_store %arg5[%swap3A_1091, %swap3A_1092, %swap3A_1093], %gather3A_1089 {strides = array<i32>} : memref<2x8x1024xf32, #tpu.memory_space<vmem>>, vector<16xf32>,
        %add3A_1095 = arith.constant 76 : i32
        %add3A_1096 = vector.broadcast %add3A_1095 : i32 to vector<16xi32>
        %add3A_1097 = arith.addi %add3A_564, %add3A_1096 : vector<16xi32>
        %gather3A_1098 = arith.constant 0 : i32
        %gather3A_1099 = arith.constant 0 : i32
        %gather3A_1100 = arith.constant 0 : i32
        %gather3A_1101 = tpu.memref_slice %arg4[%gather3A_1098, %gather3A_1099, %gather3A_1100] : memref<2x8x1033xf32, #tpu.memory_space<vmem>> -> memref<1x8x1033xf32, #tpu.memory_space<vmem>>
        %gather3A_1102 = tpu.memref_squeeze %gather3A_1101 : memref<1x8x1033xf32, #tpu.memory_space<vmem>> -> memref<8x1033xf32, #tpu.memory_space<vmem>>
        %gather3A_1103 = tpu.vector_load_idx %gather3A_1102[%select_n3A_17, %add3A_1097] : memref<8x1033xf32, #tpu.memory_space<vmem>>[vector<16xi32>, vector<16xi32>], vector<16xf32>,
        %swap3A_1104 = arith.constant 0 : i32
        %swap3A_1105 = arith.index_cast %swap3A_1104 : i32 to index
        %swap3A_1106 = arith.index_cast %add3A_560 : i32 to index
        %swap3A_1107 = arith.constant 608 : index
        %swap3A_1108 = tpu.vector_load %arg5[%swap3A_1105, %swap3A_1106, %swap3A_1107] {strides = array<i32>} : memref<2x8x1024xf32, #tpu.memory_space<vmem>>, vector<16xf32>,
        tpu.vector_store %arg5[%swap3A_1105, %swap3A_1106, %swap3A_1107], %gather3A_1103 {strides = array<i32>} : memref<2x8x1024xf32, #tpu.memory_space<vmem>>, vector<16xf32>,
        %add3A_1109 = arith.constant 78 : i32
        %add3A_1110 = vector.broadcast %add3A_1109 : i32 to vector<16xi32>
        %add3A_1111 = arith.addi %add3A_564, %add3A_1110 : vector<16xi32>
        %gather3A_1112 = arith.constant 0 : i32
        %gather3A_1113 = arith.constant 0 : i32
        %gather3A_1114 = arith.constant 0 : i32
        %gather3A_1115 = tpu.memref_slice %arg4[%gather3A_1112, %gather3A_1113, %gather3A_1114] : memref<2x8x1033xf32, #tpu.memory_space<vmem>> -> memref<1x8x1033xf32, #tpu.memory_space<vmem>>
        %gather3A_1116 = tpu.memref_squeeze %gather3A_1115 : memref<1x8x1033xf32, #tpu.memory_space<vmem>> -> memref<8x1033xf32, #tpu.memory_space<vmem>>
        %gather3A_1117 = tpu.vector_load_idx %gather3A_1116[%select_n3A_17, %add3A_1111] : memref<8x1033xf32, #tpu.memory_space<vmem>>[vector<16xi32>, vector<16xi32>], vector<16xf32>,
        %swap3A_1118 = arith.constant 0 : i32
        %swap3A_1119 = arith.index_cast %swap3A_1118 : i32 to index
        %swap3A_1120 = arith.index_cast %add3A_560 : i32 to index
        %swap3A_1121 = arith.constant 624 : index
        %swap3A_1122 = tpu.vector_load %arg5[%swap3A_1119, %swap3A_1120, %swap3A_1121] {strides = array<i32>} : memref<2x8x1024xf32, #tpu.memory_space<vmem>>, vector<16xf32>,
        tpu.vector_store %arg5[%swap3A_1119, %swap3A_1120, %swap3A_1121], %gather3A_1117 {strides = array<i32>} : memref<2x8x1024xf32, #tpu.memory_space<vmem>>, vector<16xf32>,
        %add3A_1123 = arith.constant 80 : i32
        %add3A_1124 = vector.broadcast %add3A_1123 : i32 to vector<16xi32>
        %add3A_1125 = arith.addi %add3A_564, %add3A_1124 : vector<16xi32>
        %gather3A_1126 = arith.constant 0 : i32
        %gather3A_1127 = arith.constant 0 : i32
        %gather3A_1128 = arith.constant 0 : i32
        %gather3A_1129 = tpu.memref_slice %arg4[%gather3A_1126, %gather3A_1127, %gather3A_1128] : memref<2x8x1033xf32, #tpu.memory_space<vmem>> -> memref<1x8x1033xf32, #tpu.memory_space<vmem>>
        %gather3A_1130 = tpu.memref_squeeze %gather3A_1129 : memref<1x8x1033xf32, #tpu.memory_space<vmem>> -> memref<8x1033xf32, #tpu.memory_space<vmem>>
        %gather3A_1131 = tpu.vector_load_idx %gather3A_1130[%select_n3A_17, %add3A_1125] : memref<8x1033xf32, #tpu.memory_space<vmem>>[vector<16xi32>, vector<16xi32>], vector<16xf32>,
        %swap3A_1132 = arith.constant 0 : i32
        %swap3A_1133 = arith.index_cast %swap3A_1132 : i32 to index
        %swap3A_1134 = arith.index_cast %add3A_560 : i32 to index
        %swap3A_1135 = arith.constant 640 : index
        %swap3A_1136 = tpu.vector_load %arg5[%swap3A_1133, %swap3A_1134, %swap3A_1135] {strides = array<i32>} : memref<2x8x1024xf32, #tpu.memory_space<vmem>>, vector<16xf32>,
        tpu.vector_store %arg5[%swap3A_1133, %swap3A_1134, %swap3A_1135], %gather3A_1131 {strides = array<i32>} : memref<2x8x1024xf32, #tpu.memory_space<vmem>>, vector<16xf32>,
        %add3A_1137 = arith.constant 82 : i32
        %add3A_1138 = vector.broadcast %add3A_1137 : i32 to vector<16xi32>
        %add3A_1139 = arith.addi %add3A_564, %add3A_1138 : vector<16xi32>
        %gather3A_1140 = arith.constant 0 : i32
        %gather3A_1141 = arith.constant 0 : i32
        %gather3A_1142 = arith.constant 0 : i32
        %gather3A_1143 = tpu.memref_slice %arg4[%gather3A_1140, %gather3A_1141, %gather3A_1142] : memref<2x8x1033xf32, #tpu.memory_space<vmem>> -> memref<1x8x1033xf32, #tpu.memory_space<vmem>>
        %gather3A_1144 = tpu.memref_squeeze %gather3A_1143 : memref<1x8x1033xf32, #tpu.memory_space<vmem>> -> memref<8x1033xf32, #tpu.memory_space<vmem>>
        %gather3A_1145 = tpu.vector_load_idx %gather3A_1144[%select_n3A_17, %add3A_1139] : memref<8x1033xf32, #tpu.memory_space<vmem>>[vector<16xi32>, vector<16xi32>], vector<16xf32>,
        %swap3A_1146 = arith.constant 0 : i32
        %swap3A_1147 = arith.index_cast %swap3A_1146 : i32 to index
        %swap3A_1148 = arith.index_cast %add3A_560 : i32 to index
        %swap3A_1149 = arith.constant 656 : index
        %swap3A_1150 = tpu.vector_load %arg5[%swap3A_1147, %swap3A_1148, %swap3A_1149] {strides = array<i32>} : memref<2x8x1024xf32, #tpu.memory_space<vmem>>, vector<16xf32>,
        tpu.vector_store %arg5[%swap3A_1147, %swap3A_1148, %swap3A_1149], %gather3A_1145 {strides = array<i32>} : memref<2x8x1024xf32, #tpu.memory_space<vmem>>, vector<16xf32>,
        %add3A_1151 = arith.constant 84 : i32
        %add3A_1152 = vector.broadcast %add3A_1151 : i32 to vector<16xi32>
        %add3A_1153 = arith.addi %add3A_564, %add3A_1152 : vector<16xi32>
        %gather3A_1154 = arith.constant 0 : i32
        %gather3A_1155 = arith.constant 0 : i32
        %gather3A_1156 = arith.constant 0 : i32
        %gather3A_1157 = tpu.memref_slice %arg4[%gather3A_1154, %gather3A_1155, %gather3A_1156] : memref<2x8x1033xf32, #tpu.memory_space<vmem>> -> memref<1x8x1033xf32, #tpu.memory_space<vmem>>
        %gather3A_1158 = tpu.memref_squeeze %gather3A_1157 : memref<1x8x1033xf32, #tpu.memory_space<vmem>> -> memref<8x1033xf32, #tpu.memory_space<vmem>>
        %gather3A_1159 = tpu.vector_load_idx %gather3A_1158[%select_n3A_17, %add3A_1153] : memref<8x1033xf32, #tpu.memory_space<vmem>>[vector<16xi32>, vector<16xi32>], vector<16xf32>,
        %swap3A_1160 = arith.constant 0 : i32
        %swap3A_1161 = arith.index_cast %swap3A_1160 : i32 to index
        %swap3A_1162 = arith.index_cast %add3A_560 : i32 to index
        %swap3A_1163 = arith.constant 672 : index
        %swap3A_1164 = tpu.vector_load %arg5[%swap3A_1161, %swap3A_1162, %swap3A_1163] {strides = array<i32>} : memref<2x8x1024xf32, #tpu.memory_space<vmem>>, vector<16xf32>,
        tpu.vector_store %arg5[%swap3A_1161, %swap3A_1162, %swap3A_1163], %gather3A_1159 {strides = array<i32>} : memref<2x8x1024xf32, #tpu.memory_space<vmem>>, vector<16xf32>,
        %add3A_1165 = arith.constant 86 : i32
        %add3A_1166 = vector.broadcast %add3A_1165 : i32 to vector<16xi32>
        %add3A_1167 = arith.addi %add3A_564, %add3A_1166 : vector<16xi32>
        %gather3A_1168 = arith.constant 0 : i32
        %gather3A_1169 = arith.constant 0 : i32
        %gather3A_1170 = arith.constant 0 : i32
        %gather3A_1171 = tpu.memref_slice %arg4[%gather3A_1168, %gather3A_1169, %gather3A_1170] : memref<2x8x1033xf32, #tpu.memory_space<vmem>> -> memref<1x8x1033xf32, #tpu.memory_space<vmem>>
        %gather3A_1172 = tpu.memref_squeeze %gather3A_1171 : memref<1x8x1033xf32, #tpu.memory_space<vmem>> -> memref<8x1033xf32, #tpu.memory_space<vmem>>
        %gather3A_1173 = tpu.vector_load_idx %gather3A_1172[%select_n3A_17, %add3A_1167] : memref<8x1033xf32, #tpu.memory_space<vmem>>[vector<16xi32>, vector<16xi32>], vector<16xf32>,
        %swap3A_1174 = arith.constant 0 : i32
        %swap3A_1175 = arith.index_cast %swap3A_1174 : i32 to index
        %swap3A_1176 = arith.index_cast %add3A_560 : i32 to index
        %swap3A_1177 = arith.constant 688 : index
        %swap3A_1178 = tpu.vector_load %arg5[%swap3A_1175, %swap3A_1176, %swap3A_1177] {strides = array<i32>} : memref<2x8x1024xf32, #tpu.memory_space<vmem>>, vector<16xf32>,
        tpu.vector_store %arg5[%swap3A_1175, %swap3A_1176, %swap3A_1177], %gather3A_1173 {strides = array<i32>} : memref<2x8x1024xf32, #tpu.memory_space<vmem>>, vector<16xf32>,
        %add3A_1179 = arith.constant 88 : i32
        %add3A_1180 = vector.broadcast %add3A_1179 : i32 to vector<16xi32>
        %add3A_1181 = arith.addi %add3A_564, %add3A_1180 : vector<16xi32>
        %gather3A_1182 = arith.constant 0 : i32
        %gather3A_1183 = arith.constant 0 : i32
        %gather3A_1184 = arith.constant 0 : i32
        %gather3A_1185 = tpu.memref_slice %arg4[%gather3A_1182, %gather3A_1183, %gather3A_1184] : memref<2x8x1033xf32, #tpu.memory_space<vmem>> -> memref<1x8x1033xf32, #tpu.memory_space<vmem>>
        %gather3A_1186 = tpu.memref_squeeze %gather3A_1185 : memref<1x8x1033xf32, #tpu.memory_space<vmem>> -> memref<8x1033xf32, #tpu.memory_space<vmem>>
        %gather3A_1187 = tpu.vector_load_idx %gather3A_1186[%select_n3A_17, %add3A_1181] : memref<8x1033xf32, #tpu.memory_space<vmem>>[vector<16xi32>, vector<16xi32>], vector<16xf32>,
        %swap3A_1188 = arith.constant 0 : i32
        %swap3A_1189 = arith.index_cast %swap3A_1188 : i32 to index
        %swap3A_1190 = arith.index_cast %add3A_560 : i32 to index
        %swap3A_1191 = arith.constant 704 : index
        %swap3A_1192 = tpu.vector_load %arg5[%swap3A_1189, %swap3A_1190, %swap3A_1191] {strides = array<i32>} : memref<2x8x1024xf32, #tpu.memory_space<vmem>>, vector<16xf32>,
        tpu.vector_store %arg5[%swap3A_1189, %swap3A_1190, %swap3A_1191], %gather3A_1187 {strides = array<i32>} : memref<2x8x1024xf32, #tpu.memory_space<vmem>>, vector<16xf32>,
        %add3A_1193 = arith.constant 90 : i32
        %add3A_1194 = vector.broadcast %add3A_1193 : i32 to vector<16xi32>
        %add3A_1195 = arith.addi %add3A_564, %add3A_1194 : vector<16xi32>
        %gather3A_1196 = arith.constant 0 : i32
        %gather3A_1197 = arith.constant 0 : i32
        %gather3A_1198 = arith.constant 0 : i32
        %gather3A_1199 = tpu.memref_slice %arg4[%gather3A_1196, %gather3A_1197, %gather3A_1198] : memref<2x8x1033xf32, #tpu.memory_space<vmem>> -> memref<1x8x1033xf32, #tpu.memory_space<vmem>>
        %gather3A_1200 = tpu.memref_squeeze %gather3A_1199 : memref<1x8x1033xf32, #tpu.memory_space<vmem>> -> memref<8x1033xf32, #tpu.memory_space<vmem>>
        %gather3A_1201 = tpu.vector_load_idx %gather3A_1200[%select_n3A_17, %add3A_1195] : memref<8x1033xf32, #tpu.memory_space<vmem>>[vector<16xi32>, vector<16xi32>], vector<16xf32>,
        %swap3A_1202 = arith.constant 0 : i32
        %swap3A_1203 = arith.index_cast %swap3A_1202 : i32 to index
        %swap3A_1204 = arith.index_cast %add3A_560 : i32 to index
        %swap3A_1205 = arith.constant 720 : index
        %swap3A_1206 = tpu.vector_load %arg5[%swap3A_1203, %swap3A_1204, %swap3A_1205] {strides = array<i32>} : memref<2x8x1024xf32, #tpu.memory_space<vmem>>, vector<16xf32>,
        tpu.vector_store %arg5[%swap3A_1203, %swap3A_1204, %swap3A_1205], %gather3A_1201 {strides = array<i32>} : memref<2x8x1024xf32, #tpu.memory_space<vmem>>, vector<16xf32>,
        %add3A_1207 = arith.constant 92 : i32
        %add3A_1208 = vector.broadcast %add3A_1207 : i32 to vector<16xi32>
        %add3A_1209 = arith.addi %add3A_564, %add3A_1208 : vector<16xi32>
        %gather3A_1210 = arith.constant 0 : i32
        %gather3A_1211 = arith.constant 0 : i32
        %gather3A_1212 = arith.constant 0 : i32
        %gather3A_1213 = tpu.memref_slice %arg4[%gather3A_1210, %gather3A_1211, %gather3A_1212] : memref<2x8x1033xf32, #tpu.memory_space<vmem>> -> memref<1x8x1033xf32, #tpu.memory_space<vmem>>
        %gather3A_1214 = tpu.memref_squeeze %gather3A_1213 : memref<1x8x1033xf32, #tpu.memory_space<vmem>> -> memref<8x1033xf32, #tpu.memory_space<vmem>>
        %gather3A_1215 = tpu.vector_load_idx %gather3A_1214[%select_n3A_17, %add3A_1209] : memref<8x1033xf32, #tpu.memory_space<vmem>>[vector<16xi32>, vector<16xi32>], vector<16xf32>,
        %swap3A_1216 = arith.constant 0 : i32
        %swap3A_1217 = arith.index_cast %swap3A_1216 : i32 to index
        %swap3A_1218 = arith.index_cast %add3A_560 : i32 to index
        %swap3A_1219 = arith.constant 736 : index
        %swap3A_1220 = tpu.vector_load %arg5[%swap3A_1217, %swap3A_1218, %swap3A_1219] {strides = array<i32>} : memref<2x8x1024xf32, #tpu.memory_space<vmem>>, vector<16xf32>,
        tpu.vector_store %arg5[%swap3A_1217, %swap3A_1218, %swap3A_1219], %gather3A_1215 {strides = array<i32>} : memref<2x8x1024xf32, #tpu.memory_space<vmem>>, vector<16xf32>,
        %add3A_1221 = arith.constant 94 : i32
        %add3A_1222 = vector.broadcast %add3A_1221 : i32 to vector<16xi32>
        %add3A_1223 = arith.addi %add3A_564, %add3A_1222 : vector<16xi32>
        %gather3A_1224 = arith.constant 0 : i32
        %gather3A_1225 = arith.constant 0 : i32
        %gather3A_1226 = arith.constant 0 : i32
        %gather3A_1227 = tpu.memref_slice %arg4[%gather3A_1224, %gather3A_1225, %gather3A_1226] : memref<2x8x1033xf32, #tpu.memory_space<vmem>> -> memref<1x8x1033xf32, #tpu.memory_space<vmem>>
        %gather3A_1228 = tpu.memref_squeeze %gather3A_1227 : memref<1x8x1033xf32, #tpu.memory_space<vmem>> -> memref<8x1033xf32, #tpu.memory_space<vmem>>
        %gather3A_1229 = tpu.vector_load_idx %gather3A_1228[%select_n3A_17, %add3A_1223] : memref<8x1033xf32, #tpu.memory_space<vmem>>[vector<16xi32>, vector<16xi32>], vector<16xf32>,
        %swap3A_1230 = arith.constant 0 : i32
        %swap3A_1231 = arith.index_cast %swap3A_1230 : i32 to index
        %swap3A_1232 = arith.index_cast %add3A_560 : i32 to index
        %swap3A_1233 = arith.constant 752 : index
        %swap3A_1234 = tpu.vector_load %arg5[%swap3A_1231, %swap3A_1232, %swap3A_1233] {strides = array<i32>} : memref<2x8x1024xf32, #tpu.memory_space<vmem>>, vector<16xf32>,
        tpu.vector_store %arg5[%swap3A_1231, %swap3A_1232, %swap3A_1233], %gather3A_1229 {strides = array<i32>} : memref<2x8x1024xf32, #tpu.memory_space<vmem>>, vector<16xf32>,
        %add3A_1235 = arith.constant 96 : i32
        %add3A_1236 = vector.broadcast %add3A_1235 : i32 to vector<16xi32>
        %add3A_1237 = arith.addi %add3A_564, %add3A_1236 : vector<16xi32>
        %gather3A_1238 = arith.constant 0 : i32
        %gather3A_1239 = arith.constant 0 : i32
        %gather3A_1240 = arith.constant 0 : i32
        %gather3A_1241 = tpu.memref_slice %arg4[%gather3A_1238, %gather3A_1239, %gather3A_1240] : memref<2x8x1033xf32, #tpu.memory_space<vmem>> -> memref<1x8x1033xf32, #tpu.memory_space<vmem>>
        %gather3A_1242 = tpu.memref_squeeze %gather3A_1241 : memref<1x8x1033xf32, #tpu.memory_space<vmem>> -> memref<8x1033xf32, #tpu.memory_space<vmem>>
        %gather3A_1243 = tpu.vector_load_idx %gather3A_1242[%select_n3A_17, %add3A_1237] : memref<8x1033xf32, #tpu.memory_space<vmem>>[vector<16xi32>, vector<16xi32>], vector<16xf32>,
        %swap3A_1244 = arith.constant 0 : i32
        %swap3A_1245 = arith.index_cast %swap3A_1244 : i32 to index
        %swap3A_1246 = arith.index_cast %add3A_560 : i32 to index
        %swap3A_1247 = arith.constant 768 : index
        %swap3A_1248 = tpu.vector_load %arg5[%swap3A_1245, %swap3A_1246, %swap3A_1247] {strides = array<i32>} : memref<2x8x1024xf32, #tpu.memory_space<vmem>>, vector<16xf32>,
        tpu.vector_store %arg5[%swap3A_1245, %swap3A_1246, %swap3A_1247], %gather3A_1243 {strides = array<i32>} : memref<2x8x1024xf32, #tpu.memory_space<vmem>>, vector<16xf32>,
        %add3A_1249 = arith.constant 98 : i32
        %add3A_1250 = vector.broadcast %add3A_1249 : i32 to vector<16xi32>
        %add3A_1251 = arith.addi %add3A_564, %add3A_1250 : vector<16xi32>
        %gather3A_1252 = arith.constant 0 : i32
        %gather3A_1253 = arith.constant 0 : i32
        %gather3A_1254 = arith.constant 0 : i32
        %gather3A_1255 = tpu.memref_slice %arg4[%gather3A_1252, %gather3A_1253, %gather3A_1254] : memref<2x8x1033xf32, #tpu.memory_space<vmem>> -> memref<1x8x1033xf32, #tpu.memory_space<vmem>>
        %gather3A_1256 = tpu.memref_squeeze %gather3A_1255 : memref<1x8x1033xf32, #tpu.memory_space<vmem>> -> memref<8x1033xf32, #tpu.memory_space<vmem>>
        %gather3A_1257 = tpu.vector_load_idx %gather3A_1256[%select_n3A_17, %add3A_1251] : memref<8x1033xf32, #tpu.memory_space<vmem>>[vector<16xi32>, vector<16xi32>], vector<16xf32>,
        %swap3A_1258 = arith.constant 0 : i32
        %swap3A_1259 = arith.index_cast %swap3A_1258 : i32 to index
        %swap3A_1260 = arith.index_cast %add3A_560 : i32 to index
        %swap3A_1261 = arith.constant 784 : index
        %swap3A_1262 = tpu.vector_load %arg5[%swap3A_1259, %swap3A_1260, %swap3A_1261] {strides = array<i32>} : memref<2x8x1024xf32, #tpu.memory_space<vmem>>, vector<16xf32>,
        tpu.vector_store %arg5[%swap3A_1259, %swap3A_1260, %swap3A_1261], %gather3A_1257 {strides = array<i32>} : memref<2x8x1024xf32, #tpu.memory_space<vmem>>, vector<16xf32>,
        %add3A_1263 = arith.constant 100 : i32
        %add3A_1264 = vector.broadcast %add3A_1263 : i32 to vector<16xi32>
        %add3A_1265 = arith.addi %add3A_564, %add3A_1264 : vector<16xi32>
        %gather3A_1266 = arith.constant 0 : i32
        %gather3A_1267 = arith.constant 0 : i32
        %gather3A_1268 = arith.constant 0 : i32
        %gather3A_1269 = tpu.memref_slice %arg4[%gather3A_1266, %gather3A_1267, %gather3A_1268] : memref<2x8x1033xf32, #tpu.memory_space<vmem>> -> memref<1x8x1033xf32, #tpu.memory_space<vmem>>
        %gather3A_1270 = tpu.memref_squeeze %gather3A_1269 : memref<1x8x1033xf32, #tpu.memory_space<vmem>> -> memref<8x1033xf32, #tpu.memory_space<vmem>>
        %gather3A_1271 = tpu.vector_load_idx %gather3A_1270[%select_n3A_17, %add3A_1265] : memref<8x1033xf32, #tpu.memory_space<vmem>>[vector<16xi32>, vector<16xi32>], vector<16xf32>,
        %swap3A_1272 = arith.constant 0 : i32
        %swap3A_1273 = arith.index_cast %swap3A_1272 : i32 to index
        %swap3A_1274 = arith.index_cast %add3A_560 : i32 to index
        %swap3A_1275 = arith.constant 800 : index
        %swap3A_1276 = tpu.vector_load %arg5[%swap3A_1273, %swap3A_1274, %swap3A_1275] {strides = array<i32>} : memref<2x8x1024xf32, #tpu.memory_space<vmem>>, vector<16xf32>,
        tpu.vector_store %arg5[%swap3A_1273, %swap3A_1274, %swap3A_1275], %gather3A_1271 {strides = array<i32>} : memref<2x8x1024xf32, #tpu.memory_space<vmem>>, vector<16xf32>,
        %add3A_1277 = arith.constant 102 : i32
        %add3A_1278 = vector.broadcast %add3A_1277 : i32 to vector<16xi32>
        %add3A_1279 = arith.addi %add3A_564, %add3A_1278 : vector<16xi32>
        %gather3A_1280 = arith.constant 0 : i32
        %gather3A_1281 = arith.constant 0 : i32
        %gather3A_1282 = arith.constant 0 : i32
        %gather3A_1283 = tpu.memref_slice %arg4[%gather3A_1280, %gather3A_1281, %gather3A_1282] : memref<2x8x1033xf32, #tpu.memory_space<vmem>> -> memref<1x8x1033xf32, #tpu.memory_space<vmem>>
        %gather3A_1284 = tpu.memref_squeeze %gather3A_1283 : memref<1x8x1033xf32, #tpu.memory_space<vmem>> -> memref<8x1033xf32, #tpu.memory_space<vmem>>
        %gather3A_1285 = tpu.vector_load_idx %gather3A_1284[%select_n3A_17, %add3A_1279] : memref<8x1033xf32, #tpu.memory_space<vmem>>[vector<16xi32>, vector<16xi32>], vector<16xf32>,
        %swap3A_1286 = arith.constant 0 : i32
        %swap3A_1287 = arith.index_cast %swap3A_1286 : i32 to index
        %swap3A_1288 = arith.index_cast %add3A_560 : i32 to index
        %swap3A_1289 = arith.constant 816 : index
        %swap3A_1290 = tpu.vector_load %arg5[%swap3A_1287, %swap3A_1288, %swap3A_1289] {strides = array<i32>} : memref<2x8x1024xf32, #tpu.memory_space<vmem>>, vector<16xf32>,
        tpu.vector_store %arg5[%swap3A_1287, %swap3A_1288, %swap3A_1289], %gather3A_1285 {strides = array<i32>} : memref<2x8x1024xf32, #tpu.memory_space<vmem>>, vector<16xf32>,
        %add3A_1291 = arith.constant 104 : i32
        %add3A_1292 = vector.broadcast %add3A_1291 : i32 to vector<16xi32>
        %add3A_1293 = arith.addi %add3A_564, %add3A_1292 : vector<16xi32>
        %gather3A_1294 = arith.constant 0 : i32
        %gather3A_1295 = arith.constant 0 : i32
        %gather3A_1296 = arith.constant 0 : i32
        %gather3A_1297 = tpu.memref_slice %arg4[%gather3A_1294, %gather3A_1295, %gather3A_1296] : memref<2x8x1033xf32, #tpu.memory_space<vmem>> -> memref<1x8x1033xf32, #tpu.memory_space<vmem>>
        %gather3A_1298 = tpu.memref_squeeze %gather3A_1297 : memref<1x8x1033xf32, #tpu.memory_space<vmem>> -> memref<8x1033xf32, #tpu.memory_space<vmem>>
        %gather3A_1299 = tpu.vector_load_idx %gather3A_1298[%select_n3A_17, %add3A_1293] : memref<8x1033xf32, #tpu.memory_space<vmem>>[vector<16xi32>, vector<16xi32>], vector<16xf32>,
        %swap3A_1300 = arith.constant 0 : i32
        %swap3A_1301 = arith.index_cast %swap3A_1300 : i32 to index
        %swap3A_1302 = arith.index_cast %add3A_560 : i32 to index
        %swap3A_1303 = arith.constant 832 : index
        %swap3A_1304 = tpu.vector_load %arg5[%swap3A_1301, %swap3A_1302, %swap3A_1303] {strides = array<i32>} : memref<2x8x1024xf32, #tpu.memory_space<vmem>>, vector<16xf32>,
        tpu.vector_store %arg5[%swap3A_1301, %swap3A_1302, %swap3A_1303], %gather3A_1299 {strides = array<i32>} : memref<2x8x1024xf32, #tpu.memory_space<vmem>>, vector<16xf32>,
        %add3A_1305 = arith.constant 106 : i32
        %add3A_1306 = vector.broadcast %add3A_1305 : i32 to vector<16xi32>
        %add3A_1307 = arith.addi %add3A_564, %add3A_1306 : vector<16xi32>
        %gather3A_1308 = arith.constant 0 : i32
        %gather3A_1309 = arith.constant 0 : i32
        %gather3A_1310 = arith.constant 0 : i32
        %gather3A_1311 = tpu.memref_slice %arg4[%gather3A_1308, %gather3A_1309, %gather3A_1310] : memref<2x8x1033xf32, #tpu.memory_space<vmem>> -> memref<1x8x1033xf32, #tpu.memory_space<vmem>>
        %gather3A_1312 = tpu.memref_squeeze %gather3A_1311 : memref<1x8x1033xf32, #tpu.memory_space<vmem>> -> memref<8x1033xf32, #tpu.memory_space<vmem>>
        %gather3A_1313 = tpu.vector_load_idx %gather3A_1312[%select_n3A_17, %add3A_1307] : memref<8x1033xf32, #tpu.memory_space<vmem>>[vector<16xi32>, vector<16xi32>], vector<16xf32>,
        %swap3A_1314 = arith.constant 0 : i32
        %swap3A_1315 = arith.index_cast %swap3A_1314 : i32 to index
        %swap3A_1316 = arith.index_cast %add3A_560 : i32 to index
        %swap3A_1317 = arith.constant 848 : index
        %swap3A_1318 = tpu.vector_load %arg5[%swap3A_1315, %swap3A_1316, %swap3A_1317] {strides = array<i32>} : memref<2x8x1024xf32, #tpu.memory_space<vmem>>, vector<16xf32>,
        tpu.vector_store %arg5[%swap3A_1315, %swap3A_1316, %swap3A_1317], %gather3A_1313 {strides = array<i32>} : memref<2x8x1024xf32, #tpu.memory_space<vmem>>, vector<16xf32>,
        %add3A_1319 = arith.constant 108 : i32
        %add3A_1320 = vector.broadcast %add3A_1319 : i32 to vector<16xi32>
        %add3A_1321 = arith.addi %add3A_564, %add3A_1320 : vector<16xi32>
        %gather3A_1322 = arith.constant 0 : i32
        %gather3A_1323 = arith.constant 0 : i32
        %gather3A_1324 = arith.constant 0 : i32
        %gather3A_1325 = tpu.memref_slice %arg4[%gather3A_1322, %gather3A_1323, %gather3A_1324] : memref<2x8x1033xf32, #tpu.memory_space<vmem>> -> memref<1x8x1033xf32, #tpu.memory_space<vmem>>
        %gather3A_1326 = tpu.memref_squeeze %gather3A_1325 : memref<1x8x1033xf32, #tpu.memory_space<vmem>> -> memref<8x1033xf32, #tpu.memory_space<vmem>>
        %gather3A_1327 = tpu.vector_load_idx %gather3A_1326[%select_n3A_17, %add3A_1321] : memref<8x1033xf32, #tpu.memory_space<vmem>>[vector<16xi32>, vector<16xi32>], vector<16xf32>,
        %swap3A_1328 = arith.constant 0 : i32
        %swap3A_1329 = arith.index_cast %swap3A_1328 : i32 to index
        %swap3A_1330 = arith.index_cast %add3A_560 : i32 to index
        %swap3A_1331 = arith.constant 864 : index
        %swap3A_1332 = tpu.vector_load %arg5[%swap3A_1329, %swap3A_1330, %swap3A_1331] {strides = array<i32>} : memref<2x8x1024xf32, #tpu.memory_space<vmem>>, vector<16xf32>,
        tpu.vector_store %arg5[%swap3A_1329, %swap3A_1330, %swap3A_1331], %gather3A_1327 {strides = array<i32>} : memref<2x8x1024xf32, #tpu.memory_space<vmem>>, vector<16xf32>,
        %add3A_1333 = arith.constant 110 : i32
        %add3A_1334 = vector.broadcast %add3A_1333 : i32 to vector<16xi32>
        %add3A_1335 = arith.addi %add3A_564, %add3A_1334 : vector<16xi32>
        %gather3A_1336 = arith.constant 0 : i32
        %gather3A_1337 = arith.constant 0 : i32
        %gather3A_1338 = arith.constant 0 : i32
        %gather3A_1339 = tpu.memref_slice %arg4[%gather3A_1336, %gather3A_1337, %gather3A_1338] : memref<2x8x1033xf32, #tpu.memory_space<vmem>> -> memref<1x8x1033xf32, #tpu.memory_space<vmem>>
        %gather3A_1340 = tpu.memref_squeeze %gather3A_1339 : memref<1x8x1033xf32, #tpu.memory_space<vmem>> -> memref<8x1033xf32, #tpu.memory_space<vmem>>
        %gather3A_1341 = tpu.vector_load_idx %gather3A_1340[%select_n3A_17, %add3A_1335] : memref<8x1033xf32, #tpu.memory_space<vmem>>[vector<16xi32>, vector<16xi32>], vector<16xf32>,
        %swap3A_1342 = arith.constant 0 : i32
        %swap3A_1343 = arith.index_cast %swap3A_1342 : i32 to index
        %swap3A_1344 = arith.index_cast %add3A_560 : i32 to index
        %swap3A_1345 = arith.constant 880 : index
        %swap3A_1346 = tpu.vector_load %arg5[%swap3A_1343, %swap3A_1344, %swap3A_1345] {strides = array<i32>} : memref<2x8x1024xf32, #tpu.memory_space<vmem>>, vector<16xf32>,
        tpu.vector_store %arg5[%swap3A_1343, %swap3A_1344, %swap3A_1345], %gather3A_1341 {strides = array<i32>} : memref<2x8x1024xf32, #tpu.memory_space<vmem>>, vector<16xf32>,
        %add3A_1347 = arith.constant 112 : i32
        %add3A_1348 = vector.broadcast %add3A_1347 : i32 to vector<16xi32>
        %add3A_1349 = arith.addi %add3A_564, %add3A_1348 : vector<16xi32>
        %gather3A_1350 = arith.constant 0 : i32
        %gather3A_1351 = arith.constant 0 : i32
        %gather3A_1352 = arith.constant 0 : i32
        %gather3A_1353 = tpu.memref_slice %arg4[%gather3A_1350, %gather3A_1351, %gather3A_1352] : memref<2x8x1033xf32, #tpu.memory_space<vmem>> -> memref<1x8x1033xf32, #tpu.memory_space<vmem>>
        %gather3A_1354 = tpu.memref_squeeze %gather3A_1353 : memref<1x8x1033xf32, #tpu.memory_space<vmem>> -> memref<8x1033xf32, #tpu.memory_space<vmem>>
        %gather3A_1355 = tpu.vector_load_idx %gather3A_1354[%select_n3A_17, %add3A_1349] : memref<8x1033xf32, #tpu.memory_space<vmem>>[vector<16xi32>, vector<16xi32>], vector<16xf32>,
        %swap3A_1356 = arith.constant 0 : i32
        %swap3A_1357 = arith.index_cast %swap3A_1356 : i32 to index
        %swap3A_1358 = arith.index_cast %add3A_560 : i32 to index
        %swap3A_1359 = arith.constant 896 : index
        %swap3A_1360 = tpu.vector_load %arg5[%swap3A_1357, %swap3A_1358, %swap3A_1359] {strides = array<i32>} : memref<2x8x1024xf32, #tpu.memory_space<vmem>>, vector<16xf32>,
        tpu.vector_store %arg5[%swap3A_1357, %swap3A_1358, %swap3A_1359], %gather3A_1355 {strides = array<i32>} : memref<2x8x1024xf32, #tpu.memory_space<vmem>>, vector<16xf32>,
        %add3A_1361 = arith.constant 114 : i32
        %add3A_1362 = vector.broadcast %add3A_1361 : i32 to vector<16xi32>
        %add3A_1363 = arith.addi %add3A_564, %add3A_1362 : vector<16xi32>
        %gather3A_1364 = arith.constant 0 : i32
        %gather3A_1365 = arith.constant 0 : i32
        %gather3A_1366 = arith.constant 0 : i32
        %gather3A_1367 = tpu.memref_slice %arg4[%gather3A_1364, %gather3A_1365, %gather3A_1366] : memref<2x8x1033xf32, #tpu.memory_space<vmem>> -> memref<1x8x1033xf32, #tpu.memory_space<vmem>>
        %gather3A_1368 = tpu.memref_squeeze %gather3A_1367 : memref<1x8x1033xf32, #tpu.memory_space<vmem>> -> memref<8x1033xf32, #tpu.memory_space<vmem>>
        %gather3A_1369 = tpu.vector_load_idx %gather3A_1368[%select_n3A_17, %add3A_1363] : memref<8x1033xf32, #tpu.memory_space<vmem>>[vector<16xi32>, vector<16xi32>], vector<16xf32>,
        %swap3A_1370 = arith.constant 0 : i32
        %swap3A_1371 = arith.index_cast %swap3A_1370 : i32 to index
        %swap3A_1372 = arith.index_cast %add3A_560 : i32 to index
        %swap3A_1373 = arith.constant 912 : index
        %swap3A_1374 = tpu.vector_load %arg5[%swap3A_1371, %swap3A_1372, %swap3A_1373] {strides = array<i32>} : memref<2x8x1024xf32, #tpu.memory_space<vmem>>, vector<16xf32>,
        tpu.vector_store %arg5[%swap3A_1371, %swap3A_1372, %swap3A_1373], %gather3A_1369 {strides = array<i32>} : memref<2x8x1024xf32, #tpu.memory_space<vmem>>, vector<16xf32>,
        %add3A_1375 = arith.constant 116 : i32
        %add3A_1376 = vector.broadcast %add3A_1375 : i32 to vector<16xi32>
        %add3A_1377 = arith.addi %add3A_564, %add3A_1376 : vector<16xi32>
        %gather3A_1378 = arith.constant 0 : i32
        %gather3A_1379 = arith.constant 0 : i32
        %gather3A_1380 = arith.constant 0 : i32
        %gather3A_1381 = tpu.memref_slice %arg4[%gather3A_1378, %gather3A_1379, %gather3A_1380] : memref<2x8x1033xf32, #tpu.memory_space<vmem>> -> memref<1x8x1033xf32, #tpu.memory_space<vmem>>
        %gather3A_1382 = tpu.memref_squeeze %gather3A_1381 : memref<1x8x1033xf32, #tpu.memory_space<vmem>> -> memref<8x1033xf32, #tpu.memory_space<vmem>>
        %gather3A_1383 = tpu.vector_load_idx %gather3A_1382[%select_n3A_17, %add3A_1377] : memref<8x1033xf32, #tpu.memory_space<vmem>>[vector<16xi32>, vector<16xi32>], vector<16xf32>,
        %swap3A_1384 = arith.constant 0 : i32
        %swap3A_1385 = arith.index_cast %swap3A_1384 : i32 to index
        %swap3A_1386 = arith.index_cast %add3A_560 : i32 to index
        %swap3A_1387 = arith.constant 928 : index
        %swap3A_1388 = tpu.vector_load %arg5[%swap3A_1385, %swap3A_1386, %swap3A_1387] {strides = array<i32>} : memref<2x8x1024xf32, #tpu.memory_space<vmem>>, vector<16xf32>,
        tpu.vector_store %arg5[%swap3A_1385, %swap3A_1386, %swap3A_1387], %gather3A_1383 {strides = array<i32>} : memref<2x8x1024xf32, #tpu.memory_space<vmem>>, vector<16xf32>,
        %add3A_1389 = arith.constant 118 : i32
        %add3A_1390 = vector.broadcast %add3A_1389 : i32 to vector<16xi32>
        %add3A_1391 = arith.addi %add3A_564, %add3A_1390 : vector<16xi32>
        %gather3A_1392 = arith.constant 0 : i32
        %gather3A_1393 = arith.constant 0 : i32
        %gather3A_1394 = arith.constant 0 : i32
        %gather3A_1395 = tpu.memref_slice %arg4[%gather3A_1392, %gather3A_1393, %gather3A_1394] : memref<2x8x1033xf32, #tpu.memory_space<vmem>> -> memref<1x8x1033xf32, #tpu.memory_space<vmem>>
        %gather3A_1396 = tpu.memref_squeeze %gather3A_1395 : memref<1x8x1033xf32, #tpu.memory_space<vmem>> -> memref<8x1033xf32, #tpu.memory_space<vmem>>
        %gather3A_1397 = tpu.vector_load_idx %gather3A_1396[%select_n3A_17, %add3A_1391] : memref<8x1033xf32, #tpu.memory_space<vmem>>[vector<16xi32>, vector<16xi32>], vector<16xf32>,
        %swap3A_1398 = arith.constant 0 : i32
        %swap3A_1399 = arith.index_cast %swap3A_1398 : i32 to index
        %swap3A_1400 = arith.index_cast %add3A_560 : i32 to index
        %swap3A_1401 = arith.constant 944 : index
        %swap3A_1402 = tpu.vector_load %arg5[%swap3A_1399, %swap3A_1400, %swap3A_1401] {strides = array<i32>} : memref<2x8x1024xf32, #tpu.memory_space<vmem>>, vector<16xf32>,
        tpu.vector_store %arg5[%swap3A_1399, %swap3A_1400, %swap3A_1401], %gather3A_1397 {strides = array<i32>} : memref<2x8x1024xf32, #tpu.memory_space<vmem>>, vector<16xf32>,
        %add3A_1403 = arith.constant 120 : i32
        %add3A_1404 = vector.broadcast %add3A_1403 : i32 to vector<16xi32>
        %add3A_1405 = arith.addi %add3A_564, %add3A_1404 : vector<16xi32>
        %gather3A_1406 = arith.constant 0 : i32
        %gather3A_1407 = arith.constant 0 : i32
        %gather3A_1408 = arith.constant 0 : i32
        %gather3A_1409 = tpu.memref_slice %arg4[%gather3A_1406, %gather3A_1407, %gather3A_1408] : memref<2x8x1033xf32, #tpu.memory_space<vmem>> -> memref<1x8x1033xf32, #tpu.memory_space<vmem>>
        %gather3A_1410 = tpu.memref_squeeze %gather3A_1409 : memref<1x8x1033xf32, #tpu.memory_space<vmem>> -> memref<8x1033xf32, #tpu.memory_space<vmem>>
        %gather3A_1411 = tpu.vector_load_idx %gather3A_1410[%select_n3A_17, %add3A_1405] : memref<8x1033xf32, #tpu.memory_space<vmem>>[vector<16xi32>, vector<16xi32>], vector<16xf32>,
        %swap3A_1412 = arith.constant 0 : i32
        %swap3A_1413 = arith.index_cast %swap3A_1412 : i32 to index
        %swap3A_1414 = arith.index_cast %add3A_560 : i32 to index
        %swap3A_1415 = arith.constant 960 : index
        %swap3A_1416 = tpu.vector_load %arg5[%swap3A_1413, %swap3A_1414, %swap3A_1415] {strides = array<i32>} : memref<2x8x1024xf32, #tpu.memory_space<vmem>>, vector<16xf32>,
        tpu.vector_store %arg5[%swap3A_1413, %swap3A_1414, %swap3A_1415], %gather3A_1411 {strides = array<i32>} : memref<2x8x1024xf32, #tpu.memory_space<vmem>>, vector<16xf32>,
        %add3A_1417 = arith.constant 122 : i32
        %add3A_1418 = vector.broadcast %add3A_1417 : i32 to vector<16xi32>
        %add3A_1419 = arith.addi %add3A_564, %add3A_1418 : vector<16xi32>
        %gather3A_1420 = arith.constant 0 : i32
        %gather3A_1421 = arith.constant 0 : i32
        %gather3A_1422 = arith.constant 0 : i32
        %gather3A_1423 = tpu.memref_slice %arg4[%gather3A_1420, %gather3A_1421, %gather3A_1422] : memref<2x8x1033xf32, #tpu.memory_space<vmem>> -> memref<1x8x1033xf32, #tpu.memory_space<vmem>>
        %gather3A_1424 = tpu.memref_squeeze %gather3A_1423 : memref<1x8x1033xf32, #tpu.memory_space<vmem>> -> memref<8x1033xf32, #tpu.memory_space<vmem>>
        %gather3A_1425 = tpu.vector_load_idx %gather3A_1424[%select_n3A_17, %add3A_1419] : memref<8x1033xf32, #tpu.memory_space<vmem>>[vector<16xi32>, vector<16xi32>], vector<16xf32>,
        %swap3A_1426 = arith.constant 0 : i32
        %swap3A_1427 = arith.index_cast %swap3A_1426 : i32 to index
        %swap3A_1428 = arith.index_cast %add3A_560 : i32 to index
        %swap3A_1429 = arith.constant 976 : index
        %swap3A_1430 = tpu.vector_load %arg5[%swap3A_1427, %swap3A_1428, %swap3A_1429] {strides = array<i32>} : memref<2x8x1024xf32, #tpu.memory_space<vmem>>, vector<16xf32>,
        tpu.vector_store %arg5[%swap3A_1427, %swap3A_1428, %swap3A_1429], %gather3A_1425 {strides = array<i32>} : memref<2x8x1024xf32, #tpu.memory_space<vmem>>, vector<16xf32>,
        %add3A_1431 = arith.constant 124 : i32
        %add3A_1432 = vector.broadcast %add3A_1431 : i32 to vector<16xi32>
        %add3A_1433 = arith.addi %add3A_564, %add3A_1432 : vector<16xi32>
        %gather3A_1434 = arith.constant 0 : i32
        %gather3A_1435 = arith.constant 0 : i32
        %gather3A_1436 = arith.constant 0 : i32
        %gather3A_1437 = tpu.memref_slice %arg4[%gather3A_1434, %gather3A_1435, %gather3A_1436] : memref<2x8x1033xf32, #tpu.memory_space<vmem>> -> memref<1x8x1033xf32, #tpu.memory_space<vmem>>
        %gather3A_1438 = tpu.memref_squeeze %gather3A_1437 : memref<1x8x1033xf32, #tpu.memory_space<vmem>> -> memref<8x1033xf32, #tpu.memory_space<vmem>>
        %gather3A_1439 = tpu.vector_load_idx %gather3A_1438[%select_n3A_17, %add3A_1433] : memref<8x1033xf32, #tpu.memory_space<vmem>>[vector<16xi32>, vector<16xi32>], vector<16xf32>,
        %swap3A_1440 = arith.constant 0 : i32
        %swap3A_1441 = arith.index_cast %swap3A_1440 : i32 to index
        %swap3A_1442 = arith.index_cast %add3A_560 : i32 to index
        %swap3A_1443 = arith.constant 992 : index
        %swap3A_1444 = tpu.vector_load %arg5[%swap3A_1441, %swap3A_1442, %swap3A_1443] {strides = array<i32>} : memref<2x8x1024xf32, #tpu.memory_space<vmem>>, vector<16xf32>,
        tpu.vector_store %arg5[%swap3A_1441, %swap3A_1442, %swap3A_1443], %gather3A_1439 {strides = array<i32>} : memref<2x8x1024xf32, #tpu.memory_space<vmem>>, vector<16xf32>,
        %add3A_1445 = arith.constant 126 : i32
        %add3A_1446 = vector.broadcast %add3A_1445 : i32 to vector<16xi32>
        %add3A_1447 = arith.addi %add3A_564, %add3A_1446 : vector<16xi32>
        %gather3A_1448 = arith.constant 0 : i32
        %gather3A_1449 = arith.constant 0 : i32
        %gather3A_1450 = arith.constant 0 : i32
        %gather3A_1451 = tpu.memref_slice %arg4[%gather3A_1448, %gather3A_1449, %gather3A_1450] : memref<2x8x1033xf32, #tpu.memory_space<vmem>> -> memref<1x8x1033xf32, #tpu.memory_space<vmem>>
        %gather3A_1452 = tpu.memref_squeeze %gather3A_1451 : memref<1x8x1033xf32, #tpu.memory_space<vmem>> -> memref<8x1033xf32, #tpu.memory_space<vmem>>
        %gather3A_1453 = tpu.vector_load_idx %gather3A_1452[%select_n3A_17, %add3A_1447] : memref<8x1033xf32, #tpu.memory_space<vmem>>[vector<16xi32>, vector<16xi32>], vector<16xf32>,
        %swap3A_1454 = arith.constant 0 : i32
        %swap3A_1455 = arith.index_cast %swap3A_1454 : i32 to index
        %swap3A_1456 = arith.index_cast %add3A_560 : i32 to index
        %swap3A_1457 = arith.constant 1008 : index
        %swap3A_1458 = tpu.vector_load %arg5[%swap3A_1455, %swap3A_1456, %swap3A_1457] {strides = array<i32>} : memref<2x8x1024xf32, #tpu.memory_space<vmem>>, vector<16xf32>,
        tpu.vector_store %arg5[%swap3A_1455, %swap3A_1456, %swap3A_1457], %gather3A_1453 {strides = array<i32>} : memref<2x8x1024xf32, #tpu.memory_space<vmem>>, vector<16xf32>,
      }
      %scan3A_355 = arith.constant 8 : i32
      %add3A_356 = arith.constant 2 : i32
      %add3A_357 = arith.addi %add3A_290, %add3A_356 : i32
      %lt3A_358 = arith.constant 128 : i32
      %lt3A_359 = arith.cmpi slt, %add3A_357, %lt3A_358 : i32
      %convert_element_type3A_360 = arith.extui %lt3A_359 : i1 to i32
      %cond3A_361 = arith.constant 0 : i32
      %cond3A_362 = arith.cmpi ne, %convert_element_type3A_360, %cond3A_361 : i32
      scf.if %cond3A_362 {
        %add3A_556 = arith.constant 2 : i32
        %add3A_557 = arith.addi %add3A_290, %add3A_556 : i32
        %add3A_558 = arith.addi %mul3A_2, %add3A_557 : i32
        %jit3A_559 = arith.constant 16 : i32
        %div3A_560 = arith.divsi %add3A_558, %jit3A_559 : i32
        %sign3A_561 = arith.constant 0 : i32
        %sign3A_562 = arith.cmpi sgt, %add3A_558, %sign3A_561 : i32
        %sign3A_563 = arith.extui %sign3A_562 : i1 to i32
        %sign3A_564 = arith.constant 0 : i32
        %sign3A_565 = arith.cmpi slt, %add3A_558, %sign3A_564 : i32
        %sign3A_566 = arith.extui %sign3A_565 : i1 to i32
        %sign3A_567 = arith.subi %sign3A_563, %sign3A_566 : i32
        %sign3A_568 = arith.constant 0 : i32
        %sign3A_569 = arith.cmpi sgt, %jit3A_559, %sign3A_568 : i32
        %sign3A_570 = arith.extui %sign3A_569 : i1 to i32
        %sign3A_571 = arith.constant 0 : i32
        %sign3A_572 = arith.cmpi slt, %jit3A_559, %sign3A_571 : i32
        %sign3A_573 = arith.extui %sign3A_572 : i1 to i32
        %sign3A_574 = arith.subi %sign3A_570, %sign3A_573 : i32
        %ne3A_575 = arith.cmpi ne, %sign3A_567, %sign3A_574 : i32
        %rem3A_576 = arith.remsi %add3A_558, %jit3A_559 : i32
        %ne3A_577 = arith.constant 0 : i32
        %ne3A_578 = arith.cmpi ne, %rem3A_576, %ne3A_577 : i32
        %and3A_579 = arith.andi %ne3A_575, %ne3A_578 : i1
        %sub3A_580 = arith.constant 1 : i32
        %sub3A_581 = arith.subi %div3A_560, %sub3A_580 : i32
        %select_n3A_582 = arith.select %and3A_579, %sub3A_581, %div3A_560 : i32
        %jit3A_583 = arith.constant 16 : i32
        %eq3A_584 = arith.constant 0 : i32
        %eq3A_585 = arith.cmpi eq, %jit3A_583, %eq3A_584 : i32
        %jit3A_586 = arith.constant 1 : i32
        %select_n3A_587 = arith.select %eq3A_585, %jit3A_586, %jit3A_583 : i32
        %rem3A_588 = arith.remsi %add3A_558, %select_n3A_587 : i32
        %ne3A_589 = arith.constant 0 : i32
        %ne3A_590 = arith.cmpi ne, %rem3A_588, %ne3A_589 : i32
        %lt3A_591 = arith.constant 0 : i32
        %lt3A_592 = arith.cmpi slt, %rem3A_588, %lt3A_591 : i32
        %lt3A_593 = arith.constant 0 : i32
        %lt3A_594 = arith.cmpi slt, %select_n3A_587, %lt3A_593 : i32
        %ne3A_595 = arith.xori %lt3A_592, %lt3A_594 : i1
        %and3A_596 = arith.andi %ne3A_595, %ne3A_590 : i1
        %add3A_597 = arith.addi %rem3A_588, %select_n3A_587 : i32
        %select_n3A_598 = arith.select %and3A_596, %add3A_597, %rem3A_588 : i32
        %dma_start3A_599 = arith.constant 0 : i32
        %dma_start3A_600 = arith.constant 0 : i32
        %dma_start3A_601 = arith.constant 0 : i32
        %dma_start3A_602 = tpu.memref_slice %arg4[%dma_start3A_599, %dma_start3A_600, %dma_start3A_601] : memref<2x8x1033xf32, #tpu.memory_space<vmem>> -> memref<1x8x1024xf32, #tpu.memory_space<vmem>>
        %dma_start3A_603 = tpu.memref_squeeze %dma_start3A_602 : memref<1x8x1024xf32, #tpu.memory_space<vmem>> -> memref<8x1024xf32, #tpu.memory_space<vmem>>
        %dma_start3A_604 = arith.constant 0 : i32
        %dma_start3A_605 = arith.constant 0 : i32
        %dma_start3A_606 = tpu.memref_slice %arg2[%dma_start3A_604, %select_n3A_582, %select_n3A_598, %dma_start3A_605] : memref<8x256x16x1024xf32, #tpu.memory_space<hbm>> -> memref<8x1x1x1024xf32, #tpu.memory_space<hbm>>
        %dma_start3A_607 = tpu.memref_squeeze %dma_start3A_606 : memref<8x1x1x1024xf32, #tpu.memory_space<hbm>> -> memref<8x1024xf32, #tpu.memory_space<hbm>>
        %dma_start3A_608 = arith.constant 0 : i32
        %dma_start3A_609 = arith.constant 0 : i32
        %dma_start3A_610 = tpu.memref_slice %arg4[%dma_start3A_599, %dma_start3A_608, %dma_start3A_609] : memref<2x8x1033xf32, #tpu.memory_space<vmem>> -> memref<1x8x1024xf32, #tpu.memory_space<vmem>>
        %dma_start3A_611 = tpu.memref_squeeze %dma_start3A_610 : memref<1x8x1024xf32, #tpu.memory_space<vmem>> -> memref<8x1024xf32, #tpu.memory_space<vmem>>
        %dma_start3A_612 = arith.constant 0 : i32
        %dma_start3A_613 = arith.constant 0 : i32
        %dma_start3A_614 = tpu.memref_slice %arg2[%dma_start3A_612, %select_n3A_582, %select_n3A_598, %dma_start3A_613] : memref<8x256x16x1024xf32, #tpu.memory_space<hbm>> -> memref<8x1x1x1024xf32, #tpu.memory_space<hbm>>
        %dma_start3A_615 = tpu.memref_squeeze %dma_start3A_614 : memref<8x1x1x1024xf32, #tpu.memory_space<hbm>> -> memref<8x1024xf32, #tpu.memory_space<hbm>>
        tpu.enqueue_dma source(%dma_start3A_615 : memref<8x1024xf32, #tpu.memory_space<hbm>>) target(%dma_start3A_611 : memref<8x1024xf32, #tpu.memory_space<vmem>>) target_semaphore(%arg6 : memref<!tpu.dma_semaphore, #tpu.memory_space<semaphore_mem>>)
      } else {
      }
      %add3A_363 = arith.addi %mul3A_2, %add3A_290 : i32
      %jit3A_364 = arith.constant 16 : i32
      %div3A_365 = arith.divsi %add3A_363, %jit3A_364 : i32
      %sign3A_366 = arith.constant 0 : i32
      %sign3A_367 = arith.cmpi sgt, %add3A_363, %sign3A_366 : i32
      %sign3A_368 = arith.extui %sign3A_367 : i1 to i32
      %sign3A_369 = arith.constant 0 : i32
      %sign3A_370 = arith.cmpi slt, %add3A_363, %sign3A_369 : i32
      %sign3A_371 = arith.extui %sign3A_370 : i1 to i32
      %sign3A_372 = arith.subi %sign3A_368, %sign3A_371 : i32
      %sign3A_373 = arith.constant 0 : i32
      %sign3A_374 = arith.cmpi sgt, %jit3A_364, %sign3A_373 : i32
      %sign3A_375 = arith.extui %sign3A_374 : i1 to i32
      %sign3A_376 = arith.constant 0 : i32
      %sign3A_377 = arith.cmpi slt, %jit3A_364, %sign3A_376 : i32
      %sign3A_378 = arith.extui %sign3A_377 : i1 to i32
      %sign3A_379 = arith.subi %sign3A_375, %sign3A_378 : i32
      %ne3A_380 = arith.cmpi ne, %sign3A_372, %sign3A_379 : i32
      %rem3A_381 = arith.remsi %add3A_363, %jit3A_364 : i32
      %ne3A_382 = arith.constant 0 : i32
      %ne3A_383 = arith.cmpi ne, %rem3A_381, %ne3A_382 : i32
      %and3A_384 = arith.andi %ne3A_380, %ne3A_383 : i1
      %sub3A_385 = arith.constant 1 : i32
      %sub3A_386 = arith.subi %div3A_365, %sub3A_385 : i32
      %select_n3A_387 = arith.select %and3A_384, %sub3A_386, %div3A_365 : i32
      %jit3A_388 = arith.constant 16 : i32
      %eq3A_389 = arith.constant 0 : i32
      %eq3A_390 = arith.cmpi eq, %jit3A_388, %eq3A_389 : i32
      %jit3A_391 = arith.constant 1 : i32
      %select_n3A_392 = arith.select %eq3A_390, %jit3A_391, %jit3A_388 : i32
      %rem3A_393 = arith.remsi %add3A_363, %select_n3A_392 : i32
      %ne3A_394 = arith.constant 0 : i32
      %ne3A_395 = arith.cmpi ne, %rem3A_393, %ne3A_394 : i32
      %lt3A_396 = arith.constant 0 : i32
      %lt3A_397 = arith.cmpi slt, %rem3A_393, %lt3A_396 : i32
      %lt3A_398 = arith.constant 0 : i32
      %lt3A_399 = arith.cmpi slt, %select_n3A_392, %lt3A_398 : i32
      %ne3A_400 = arith.xori %lt3A_397, %lt3A_399 : i1
      %and3A_401 = arith.andi %ne3A_400, %ne3A_395 : i1
      %add3A_402 = arith.addi %rem3A_393, %select_n3A_392 : i32
      %select_n3A_403 = arith.select %and3A_401, %add3A_402, %rem3A_393 : i32
      %mul3A_404 = arith.constant 8 : i32
      %mul3A_405 = arith.muli %select_n3A_387, %mul3A_404 : i32
      %dma_start3A_406 = arith.constant 0 : i32
      %dma_start3A_407 = arith.constant 0 : i32
      %dma_start3A_408 = arith.constant 0 : i32
      %dma_start3A_409 = tpu.memref_slice %arg5[%dma_start3A_406, %dma_start3A_407, %dma_start3A_408] : memref<2x8x1024xf32, #tpu.memory_space<vmem>> -> memref<1x8x1024xf32, #tpu.memory_space<vmem>>
      %dma_start3A_410 = tpu.memref_squeeze %dma_start3A_409 : memref<1x8x1024xf32, #tpu.memory_space<vmem>> -> memref<8x1024xf32, #tpu.memory_space<vmem>>
      %dma_start3A_411 = arith.constant 0 : i32
      %dma_start3A_412 = tpu.memref_slice %arg3[%mul3A_405, %select_n3A_403, %dma_start3A_411] : memref<2048x16x1024xf32, #tpu.memory_space<hbm>> -> memref<8x1x1024xf32, #tpu.memory_space<hbm>>
      %dma_start3A_413 = tpu.memref_squeeze %dma_start3A_412 : memref<8x1x1024xf32, #tpu.memory_space<hbm>> -> memref<8x1024xf32, #tpu.memory_space<hbm>>
      %dma_start3A_414 = arith.constant 0 : i32
      %dma_start3A_415 = tpu.memref_slice %arg3[%mul3A_405, %select_n3A_403, %dma_start3A_414] : memref<2048x16x1024xf32, #tpu.memory_space<hbm>> -> memref<8x1x1024xf32, #tpu.memory_space<hbm>>
      %dma_start3A_416 = tpu.memref_squeeze %dma_start3A_415 : memref<8x1x1024xf32, #tpu.memory_space<hbm>> -> memref<8x1024xf32, #tpu.memory_space<hbm>>
      %dma_start3A_417 = arith.constant 0 : i32
      %dma_start3A_418 = arith.constant 0 : i32
      %dma_start3A_419 = tpu.memref_slice %arg5[%dma_start3A_406, %dma_start3A_417, %dma_start3A_418] : memref<2x8x1024xf32, #tpu.memory_space<vmem>> -> memref<1x8x1024xf32, #tpu.memory_space<vmem>>
      %dma_start3A_420 = tpu.memref_squeeze %dma_start3A_419 : memref<1x8x1024xf32, #tpu.memory_space<vmem>> -> memref<8x1024xf32, #tpu.memory_space<vmem>>
      tpu.enqueue_dma source(%dma_start3A_420 : memref<8x1024xf32, #tpu.memory_space<vmem>>) target(%dma_start3A_416 : memref<8x1024xf32, #tpu.memory_space<hbm>>) target_semaphore(%arg8 : memref<!tpu.dma_semaphore, #tpu.memory_space<semaphore_mem>>)
      %add3A_421 = arith.constant 1 : i32
      %add3A_422 = arith.addi %add3A_288, %add3A_421 : i32
      %add3A_423 = arith.addi %mul3A_2, %add3A_422 : i32
      %jit3A_424 = arith.constant 16 : i32
      %div3A_425 = arith.divsi %add3A_423, %jit3A_424 : i32
      %sign3A_426 = arith.constant 0 : i32
      %sign3A_427 = arith.cmpi sgt, %add3A_423, %sign3A_426 : i32
      %sign3A_428 = arith.extui %sign3A_427 : i1 to i32
      %sign3A_429 = arith.constant 0 : i32
      %sign3A_430 = arith.cmpi slt, %add3A_423, %sign3A_429 : i32
      %sign3A_431 = arith.extui %sign3A_430 : i1 to i32
      %sign3A_432 = arith.subi %sign3A_428, %sign3A_431 : i32
      %sign3A_433 = arith.constant 0 : i32
      %sign3A_434 = arith.cmpi sgt, %jit3A_424, %sign3A_433 : i32
      %sign3A_435 = arith.extui %sign3A_434 : i1 to i32
      %sign3A_436 = arith.constant 0 : i32
      %sign3A_437 = arith.cmpi slt, %jit3A_424, %sign3A_436 : i32
      %sign3A_438 = arith.extui %sign3A_437 : i1 to i32
      %sign3A_439 = arith.subi %sign3A_435, %sign3A_438 : i32
      %ne3A_440 = arith.cmpi ne, %sign3A_432, %sign3A_439 : i32
      %rem3A_441 = arith.remsi %add3A_423, %jit3A_424 : i32
      %ne3A_442 = arith.constant 0 : i32
      %ne3A_443 = arith.cmpi ne, %rem3A_441, %ne3A_442 : i32
      %and3A_444 = arith.andi %ne3A_440, %ne3A_443 : i1
      %sub3A_445 = arith.constant 1 : i32
      %sub3A_446 = arith.subi %div3A_425, %sub3A_445 : i32
      %select_n3A_447 = arith.select %and3A_444, %sub3A_446, %div3A_425 : i32
      %jit3A_448 = arith.constant 16 : i32
      %eq3A_449 = arith.constant 0 : i32
      %eq3A_450 = arith.cmpi eq, %jit3A_448, %eq3A_449 : i32
      %jit3A_451 = arith.constant 1 : i32
      %select_n3A_452 = arith.select %eq3A_450, %jit3A_451, %jit3A_448 : i32
      %rem3A_453 = arith.remsi %add3A_423, %select_n3A_452 : i32
      %ne3A_454 = arith.constant 0 : i32
      %ne3A_455 = arith.cmpi ne, %rem3A_453, %ne3A_454 : i32
      %lt3A_456 = arith.constant 0 : i32
      %lt3A_457 = arith.cmpi slt, %rem3A_453, %lt3A_456 : i32
      %lt3A_458 = arith.constant 0 : i32
      %lt3A_459 = arith.cmpi slt, %select_n3A_452, %lt3A_458 : i32
      %ne3A_460 = arith.xori %lt3A_457, %lt3A_459 : i1
      %and3A_461 = arith.andi %ne3A_460, %ne3A_455 : i1
      %add3A_462 = arith.addi %rem3A_453, %select_n3A_452 : i32
      %select_n3A_463 = arith.select %and3A_461, %add3A_462, %rem3A_453 : i32
      %dma_wait3A_464 = arith.constant 1 : i32
      %dma_wait3A_465 = arith.constant 0 : i32
      %dma_wait3A_466 = arith.constant 0 : i32
      %dma_wait3A_467 = tpu.memref_slice %arg4[%dma_wait3A_464, %dma_wait3A_465, %dma_wait3A_466] : memref<2x8x1033xf32, #tpu.memory_space<vmem>> -> memref<1x8x1024xf32, #tpu.memory_space<vmem>>
      %dma_wait3A_468 = tpu.memref_squeeze %dma_wait3A_467 : memref<1x8x1024xf32, #tpu.memory_space<vmem>> -> memref<8x1024xf32, #tpu.memory_space<vmem>>
      %dma_wait3A_469 = arith.constant 0 : i32
      %dma_wait3A_470 = arith.constant 0 : i32
      %dma_wait3A_471 = tpu.memref_slice %arg2[%dma_wait3A_469, %select_n3A_447, %select_n3A_463, %dma_wait3A_470] : memref<8x256x16x1024xf32, #tpu.memory_space<hbm>> -> memref<8x1x1x1024xf32, #tpu.memory_space<hbm>>
      %dma_wait3A_472 = tpu.memref_squeeze %dma_wait3A_471 : memref<8x1x1x1024xf32, #tpu.memory_space<hbm>> -> memref<8x1024xf32, #tpu.memory_space<hbm>>
      %dma_wait3A_473 = arith.constant 0 : i32
      %dma_wait3A_474 = arith.constant 0 : i32
      %dma_wait3A_475 = tpu.memref_slice %arg4[%dma_wait3A_464, %dma_wait3A_473, %dma_wait3A_474] : memref<2x8x1033xf32, #tpu.memory_space<vmem>> -> memref<1x8x1024xf32, #tpu.memory_space<vmem>>
      %dma_wait3A_476 = tpu.memref_squeeze %dma_wait3A_475 : memref<1x8x1024xf32, #tpu.memory_space<vmem>> -> memref<8x1024xf32, #tpu.memory_space<vmem>>
      %dma_wait3A_477 = arith.constant 0 : i32
      %dma_wait3A_478 = arith.constant 0 : i32
      %dma_wait3A_479 = tpu.memref_slice %arg2[%dma_wait3A_477, %select_n3A_447, %select_n3A_463, %dma_wait3A_478] : memref<8x256x16x1024xf32, #tpu.memory_space<hbm>> -> memref<8x1x1x1024xf32, #tpu.memory_space<hbm>>
      %dma_wait3A_480 = tpu.memref_squeeze %dma_wait3A_479 : memref<8x1x1x1024xf32, #tpu.memory_space<hbm>> -> memref<8x1024xf32, #tpu.memory_space<hbm>>
      tpu.wait_dma2 semaphore(%arg7 : memref<!tpu.dma_semaphore, #tpu.memory_space<semaphore_mem>>) src(%dma_wait3A_480 : memref<8x1024xf32, #tpu.memory_space<hbm>>) dst(%dma_wait3A_476 : memref<8x1024xf32, #tpu.memory_space<vmem>>)
      %ge3A_481 = arith.constant 2 : i32
      %ge3A_482 = arith.cmpi sge, %add3A_422, %ge3A_481 : i32
      %convert_element_type3A_483 = arith.extui %ge3A_482 : i1 to i32
      %cond3A_484 = arith.constant 0 : i32
      %cond3A_485 = arith.cmpi ne, %convert_element_type3A_483, %cond3A_484 : i32
      scf.if %cond3A_485 {
        %sub3A_556 = arith.constant 2 : i32
        %sub3A_557 = arith.subi %add3A_422, %sub3A_556 : i32
        %add3A_558 = arith.addi %mul3A_2, %sub3A_557 : i32
        %jit3A_559 = arith.constant 16 : i32
        %div3A_560 = arith.divsi %add3A_558, %jit3A_559 : i32
        %sign3A_561 = arith.constant 0 : i32
        %sign3A_562 = arith.cmpi sgt, %add3A_558, %sign3A_561 : i32
        %sign3A_563 = arith.extui %sign3A_562 : i1 to i32
        %sign3A_564 = arith.constant 0 : i32
        %sign3A_565 = arith.cmpi slt, %add3A_558, %sign3A_564 : i32
        %sign3A_566 = arith.extui %sign3A_565 : i1 to i32
        %sign3A_567 = arith.subi %sign3A_563, %sign3A_566 : i32
        %sign3A_568 = arith.constant 0 : i32
        %sign3A_569 = arith.cmpi sgt, %jit3A_559, %sign3A_568 : i32
        %sign3A_570 = arith.extui %sign3A_569 : i1 to i32
        %sign3A_571 = arith.constant 0 : i32
        %sign3A_572 = arith.cmpi slt, %jit3A_559, %sign3A_571 : i32
        %sign3A_573 = arith.extui %sign3A_572 : i1 to i32
        %sign3A_574 = arith.subi %sign3A_570, %sign3A_573 : i32
        %ne3A_575 = arith.cmpi ne, %sign3A_567, %sign3A_574 : i32
        %rem3A_576 = arith.remsi %add3A_558, %jit3A_559 : i32
        %ne3A_577 = arith.constant 0 : i32
        %ne3A_578 = arith.cmpi ne, %rem3A_576, %ne3A_577 : i32
        %and3A_579 = arith.andi %ne3A_575, %ne3A_578 : i1
        %sub3A_580 = arith.constant 1 : i32
        %sub3A_581 = arith.subi %div3A_560, %sub3A_580 : i32
        %select_n3A_582 = arith.select %and3A_579, %sub3A_581, %div3A_560 : i32
        %jit3A_583 = arith.constant 16 : i32
        %eq3A_584 = arith.constant 0 : i32
        %eq3A_585 = arith.cmpi eq, %jit3A_583, %eq3A_584 : i32
        %jit3A_586 = arith.constant 1 : i32
        %select_n3A_587 = arith.select %eq3A_585, %jit3A_586, %jit3A_583 : i32
        %rem3A_588 = arith.remsi %add3A_558, %select_n3A_587 : i32
        %ne3A_589 = arith.constant 0 : i32
        %ne3A_590 = arith.cmpi ne, %rem3A_588, %ne3A_589 : i32
        %lt3A_591 = arith.constant 0 : i32
        %lt3A_592 = arith.cmpi slt, %rem3A_588, %lt3A_591 : i32
        %lt3A_593 = arith.constant 0 : i32
        %lt3A_594 = arith.cmpi slt, %select_n3A_587, %lt3A_593 : i32
        %ne3A_595 = arith.xori %lt3A_592, %lt3A_594 : i1
        %and3A_596 = arith.andi %ne3A_595, %ne3A_590 : i1
        %add3A_597 = arith.addi %rem3A_588, %select_n3A_587 : i32
        %select_n3A_598 = arith.select %and3A_596, %add3A_597, %rem3A_588 : i32
        %mul3A_599 = arith.constant 8 : i32
        %mul3A_600 = arith.muli %select_n3A_582, %mul3A_599 : i32
        %dma_wait3A_601 = arith.constant 1 : i32
        %dma_wait3A_602 = arith.constant 0 : i32
        %dma_wait3A_603 = arith.constant 0 : i32
        %dma_wait3A_604 = tpu.memref_slice %arg5[%dma_wait3A_601, %dma_wait3A_602, %dma_wait3A_603] : memref<2x8x1024xf32, #tpu.memory_space<vmem>> -> memref<1x8x1024xf32, #tpu.memory_space<vmem>>
        %dma_wait3A_605 = tpu.memref_squeeze %dma_wait3A_604 : memref<1x8x1024xf32, #tpu.memory_space<vmem>> -> memref<8x1024xf32, #tpu.memory_space<vmem>>
        %dma_wait3A_606 = arith.constant 0 : i32
        %dma_wait3A_607 = tpu.memref_slice %arg3[%mul3A_600, %select_n3A_598, %dma_wait3A_606] : memref<2048x16x1024xf32, #tpu.memory_space<hbm>> -> memref<8x1x1024xf32, #tpu.memory_space<hbm>>
        %dma_wait3A_608 = tpu.memref_squeeze %dma_wait3A_607 : memref<8x1x1024xf32, #tpu.memory_space<hbm>> -> memref<8x1024xf32, #tpu.memory_space<hbm>>
        %dma_wait3A_609 = arith.constant 0 : i32
        %dma_wait3A_610 = tpu.memref_slice %arg3[%mul3A_600, %select_n3A_598, %dma_wait3A_609] : memref<2048x16x1024xf32, #tpu.memory_space<hbm>> -> memref<8x1x1024xf32, #tpu.memory_space<hbm>>
        %dma_wait3A_611 = tpu.memref_squeeze %dma_wait3A_610 : memref<8x1x1024xf32, #tpu.memory_space<hbm>> -> memref<8x1024xf32, #tpu.memory_space<hbm>>
        %dma_wait3A_612 = arith.constant 0 : i32
        %dma_wait3A_613 = arith.constant 0 : i32
        %dma_wait3A_614 = tpu.memref_slice %arg5[%dma_wait3A_601, %dma_wait3A_612, %dma_wait3A_613] : memref<2x8x1024xf32, #tpu.memory_space<vmem>> -> memref<1x8x1024xf32, #tpu.memory_space<vmem>>
        %dma_wait3A_615 = tpu.memref_squeeze %dma_wait3A_614 : memref<1x8x1024xf32, #tpu.memory_space<vmem>> -> memref<8x1024xf32, #tpu.memory_space<vmem>>
        tpu.wait_dma2 semaphore(%arg9 : memref<!tpu.dma_semaphore, #tpu.memory_space<semaphore_mem>>) src(%dma_wait3A_615 : memref<8x1024xf32, #tpu.memory_space<vmem>>) dst(%dma_wait3A_611 : memref<8x1024xf32, #tpu.memory_space<hbm>>)
      } else {
      }
      %scan3A_486 = arith.constant 0 : i32
      %scan3A_487 = arith.constant 8 : i32
      %scan3A_488 = arith.addi %scan3A_486, %scan3A_487 : i32
      %scan3A_489 = arith.constant 1 : i32
      scf.for %scan3A_556 = %scan3A_486 to %scan3A_488 step %scan3A_489  : i32 {
        %mul3A_557 = arith.constant 1 : i32
        %mul3A_558 = arith.muli %scan3A_556, %mul3A_557 : i32
        %add3A_559 = arith.constant 0 : i32
        %add3A_560 = arith.addi %add3A_559, %mul3A_558 : i32
        %mul3A_561 = arith.constant 128 : i32
        %mul3A_562 = arith.muli %add3A_560, %mul3A_561 : i32
        %add3A_563 = vector.broadcast %mul3A_562 : i32 to vector<16xi32>
        %add3A_564 = arith.addi %add3A_563, %select_n3A_45 : vector<16xi32>
        %add3A_565 = arith.constant 0 : i32
        %add3A_566 = vector.broadcast %add3A_565 : i32 to vector<16xi32>
        %add3A_567 = arith.addi %add3A_564, %add3A_566 : vector<16xi32>
        %gather3A = arith.constant 1 : i32
        %gather3A_568 = arith.constant 0 : i32
        %gather3A_569 = arith.constant 0 : i32
        %gather3A_570 = tpu.memref_slice %arg4[%gather3A, %gather3A_568, %gather3A_569] : memref<2x8x1033xf32, #tpu.memory_space<vmem>> -> memref<1x8x1033xf32, #tpu.memory_space<vmem>>
        %gather3A_571 = tpu.memref_squeeze %gather3A_570 : memref<1x8x1033xf32, #tpu.memory_space<vmem>> -> memref<8x1033xf32, #tpu.memory_space<vmem>>
        %gather3A_572 = tpu.vector_load_idx %gather3A_571[%select_n3A_17, %add3A_567] : memref<8x1033xf32, #tpu.memory_space<vmem>>[vector<16xi32>, vector<16xi32>], vector<16xf32>,
        %swap3A = arith.constant 1 : i32
        %swap3A_573 = arith.index_cast %swap3A : i32 to index
        %swap3A_574 = arith.index_cast %add3A_560 : i32 to index
        %swap3A_575 = arith.constant 0 : index
        %swap3A_576 = tpu.vector_load %arg5[%swap3A_573, %swap3A_574, %swap3A_575] {strides = array<i32>} : memref<2x8x1024xf32, #tpu.memory_space<vmem>>, vector<16xf32>,
        tpu.vector_store %arg5[%swap3A_573, %swap3A_574, %swap3A_575], %gather3A_572 {strides = array<i32>} : memref<2x8x1024xf32, #tpu.memory_space<vmem>>, vector<16xf32>,
        %add3A_577 = arith.constant 2 : i32
        %add3A_578 = vector.broadcast %add3A_577 : i32 to vector<16xi32>
        %add3A_579 = arith.addi %add3A_564, %add3A_578 : vector<16xi32>
        %gather3A_580 = arith.constant 1 : i32
        %gather3A_581 = arith.constant 0 : i32
        %gather3A_582 = arith.constant 0 : i32
        %gather3A_583 = tpu.memref_slice %arg4[%gather3A_580, %gather3A_581, %gather3A_582] : memref<2x8x1033xf32, #tpu.memory_space<vmem>> -> memref<1x8x1033xf32, #tpu.memory_space<vmem>>
        %gather3A_584 = tpu.memref_squeeze %gather3A_583 : memref<1x8x1033xf32, #tpu.memory_space<vmem>> -> memref<8x1033xf32, #tpu.memory_space<vmem>>
        %gather3A_585 = tpu.vector_load_idx %gather3A_584[%select_n3A_17, %add3A_579] : memref<8x1033xf32, #tpu.memory_space<vmem>>[vector<16xi32>, vector<16xi32>], vector<16xf32>,
        %swap3A_586 = arith.constant 1 : i32
        %swap3A_587 = arith.index_cast %swap3A_586 : i32 to index
        %swap3A_588 = arith.index_cast %add3A_560 : i32 to index
        %swap3A_589 = arith.constant 16 : index
        %swap3A_590 = tpu.vector_load %arg5[%swap3A_587, %swap3A_588, %swap3A_589] {strides = array<i32>} : memref<2x8x1024xf32, #tpu.memory_space<vmem>>, vector<16xf32>,
        tpu.vector_store %arg5[%swap3A_587, %swap3A_588, %swap3A_589], %gather3A_585 {strides = array<i32>} : memref<2x8x1024xf32, #tpu.memory_space<vmem>>, vector<16xf32>,
        %add3A_591 = arith.constant 4 : i32
        %add3A_592 = vector.broadcast %add3A_591 : i32 to vector<16xi32>
        %add3A_593 = arith.addi %add3A_564, %add3A_592 : vector<16xi32>
        %gather3A_594 = arith.constant 1 : i32
        %gather3A_595 = arith.constant 0 : i32
        %gather3A_596 = arith.constant 0 : i32
        %gather3A_597 = tpu.memref_slice %arg4[%gather3A_594, %gather3A_595, %gather3A_596] : memref<2x8x1033xf32, #tpu.memory_space<vmem>> -> memref<1x8x1033xf32, #tpu.memory_space<vmem>>
        %gather3A_598 = tpu.memref_squeeze %gather3A_597 : memref<1x8x1033xf32, #tpu.memory_space<vmem>> -> memref<8x1033xf32, #tpu.memory_space<vmem>>
        %gather3A_599 = tpu.vector_load_idx %gather3A_598[%select_n3A_17, %add3A_593] : memref<8x1033xf32, #tpu.memory_space<vmem>>[vector<16xi32>, vector<16xi32>], vector<16xf32>,
        %swap3A_600 = arith.constant 1 : i32
        %swap3A_601 = arith.index_cast %swap3A_600 : i32 to index
        %swap3A_602 = arith.index_cast %add3A_560 : i32 to index
        %swap3A_603 = arith.constant 32 : index
        %swap3A_604 = tpu.vector_load %arg5[%swap3A_601, %swap3A_602, %swap3A_603] {strides = array<i32>} : memref<2x8x1024xf32, #tpu.memory_space<vmem>>, vector<16xf32>,
        tpu.vector_store %arg5[%swap3A_601, %swap3A_602, %swap3A_603], %gather3A_599 {strides = array<i32>} : memref<2x8x1024xf32, #tpu.memory_space<vmem>>, vector<16xf32>,
        %add3A_605 = arith.constant 6 : i32
        %add3A_606 = vector.broadcast %add3A_605 : i32 to vector<16xi32>
        %add3A_607 = arith.addi %add3A_564, %add3A_606 : vector<16xi32>
        %gather3A_608 = arith.constant 1 : i32
        %gather3A_609 = arith.constant 0 : i32
        %gather3A_610 = arith.constant 0 : i32
        %gather3A_611 = tpu.memref_slice %arg4[%gather3A_608, %gather3A_609, %gather3A_610] : memref<2x8x1033xf32, #tpu.memory_space<vmem>> -> memref<1x8x1033xf32, #tpu.memory_space<vmem>>
        %gather3A_612 = tpu.memref_squeeze %gather3A_611 : memref<1x8x1033xf32, #tpu.memory_space<vmem>> -> memref<8x1033xf32, #tpu.memory_space<vmem>>
        %gather3A_613 = tpu.vector_load_idx %gather3A_612[%select_n3A_17, %add3A_607] : memref<8x1033xf32, #tpu.memory_space<vmem>>[vector<16xi32>, vector<16xi32>], vector<16xf32>,
        %swap3A_614 = arith.constant 1 : i32
        %swap3A_615 = arith.index_cast %swap3A_614 : i32 to index
        %swap3A_616 = arith.index_cast %add3A_560 : i32 to index
        %swap3A_617 = arith.constant 48 : index
        %swap3A_618 = tpu.vector_load %arg5[%swap3A_615, %swap3A_616, %swap3A_617] {strides = array<i32>} : memref<2x8x1024xf32, #tpu.memory_space<vmem>>, vector<16xf32>,
        tpu.vector_store %arg5[%swap3A_615, %swap3A_616, %swap3A_617], %gather3A_613 {strides = array<i32>} : memref<2x8x1024xf32, #tpu.memory_space<vmem>>, vector<16xf32>,
        %add3A_619 = arith.constant 8 : i32
        %add3A_620 = vector.broadcast %add3A_619 : i32 to vector<16xi32>
        %add3A_621 = arith.addi %add3A_564, %add3A_620 : vector<16xi32>
        %gather3A_622 = arith.constant 1 : i32
        %gather3A_623 = arith.constant 0 : i32
        %gather3A_624 = arith.constant 0 : i32
        %gather3A_625 = tpu.memref_slice %arg4[%gather3A_622, %gather3A_623, %gather3A_624] : memref<2x8x1033xf32, #tpu.memory_space<vmem>> -> memref<1x8x1033xf32, #tpu.memory_space<vmem>>
        %gather3A_626 = tpu.memref_squeeze %gather3A_625 : memref<1x8x1033xf32, #tpu.memory_space<vmem>> -> memref<8x1033xf32, #tpu.memory_space<vmem>>
        %gather3A_627 = tpu.vector_load_idx %gather3A_626[%select_n3A_17, %add3A_621] : memref<8x1033xf32, #tpu.memory_space<vmem>>[vector<16xi32>, vector<16xi32>], vector<16xf32>,
        %swap3A_628 = arith.constant 1 : i32
        %swap3A_629 = arith.index_cast %swap3A_628 : i32 to index
        %swap3A_630 = arith.index_cast %add3A_560 : i32 to index
        %swap3A_631 = arith.constant 64 : index
        %swap3A_632 = tpu.vector_load %arg5[%swap3A_629, %swap3A_630, %swap3A_631] {strides = array<i32>} : memref<2x8x1024xf32, #tpu.memory_space<vmem>>, vector<16xf32>,
        tpu.vector_store %arg5[%swap3A_629, %swap3A_630, %swap3A_631], %gather3A_627 {strides = array<i32>} : memref<2x8x1024xf32, #tpu.memory_space<vmem>>, vector<16xf32>,
        %add3A_633 = arith.constant 10 : i32
        %add3A_634 = vector.broadcast %add3A_633 : i32 to vector<16xi32>
        %add3A_635 = arith.addi %add3A_564, %add3A_634 : vector<16xi32>
        %gather3A_636 = arith.constant 1 : i32
        %gather3A_637 = arith.constant 0 : i32
        %gather3A_638 = arith.constant 0 : i32
        %gather3A_639 = tpu.memref_slice %arg4[%gather3A_636, %gather3A_637, %gather3A_638] : memref<2x8x1033xf32, #tpu.memory_space<vmem>> -> memref<1x8x1033xf32, #tpu.memory_space<vmem>>
        %gather3A_640 = tpu.memref_squeeze %gather3A_639 : memref<1x8x1033xf32, #tpu.memory_space<vmem>> -> memref<8x1033xf32, #tpu.memory_space<vmem>>
        %gather3A_641 = tpu.vector_load_idx %gather3A_640[%select_n3A_17, %add3A_635] : memref<8x1033xf32, #tpu.memory_space<vmem>>[vector<16xi32>, vector<16xi32>], vector<16xf32>,
        %swap3A_642 = arith.constant 1 : i32
        %swap3A_643 = arith.index_cast %swap3A_642 : i32 to index
        %swap3A_644 = arith.index_cast %add3A_560 : i32 to index
        %swap3A_645 = arith.constant 80 : index
        %swap3A_646 = tpu.vector_load %arg5[%swap3A_643, %swap3A_644, %swap3A_645] {strides = array<i32>} : memref<2x8x1024xf32, #tpu.memory_space<vmem>>, vector<16xf32>,
        tpu.vector_store %arg5[%swap3A_643, %swap3A_644, %swap3A_645], %gather3A_641 {strides = array<i32>} : memref<2x8x1024xf32, #tpu.memory_space<vmem>>, vector<16xf32>,
        %add3A_647 = arith.constant 12 : i32
        %add3A_648 = vector.broadcast %add3A_647 : i32 to vector<16xi32>
        %add3A_649 = arith.addi %add3A_564, %add3A_648 : vector<16xi32>
        %gather3A_650 = arith.constant 1 : i32
        %gather3A_651 = arith.constant 0 : i32
        %gather3A_652 = arith.constant 0 : i32
        %gather3A_653 = tpu.memref_slice %arg4[%gather3A_650, %gather3A_651, %gather3A_652] : memref<2x8x1033xf32, #tpu.memory_space<vmem>> -> memref<1x8x1033xf32, #tpu.memory_space<vmem>>
        %gather3A_654 = tpu.memref_squeeze %gather3A_653 : memref<1x8x1033xf32, #tpu.memory_space<vmem>> -> memref<8x1033xf32, #tpu.memory_space<vmem>>
        %gather3A_655 = tpu.vector_load_idx %gather3A_654[%select_n3A_17, %add3A_649] : memref<8x1033xf32, #tpu.memory_space<vmem>>[vector<16xi32>, vector<16xi32>], vector<16xf32>,
        %swap3A_656 = arith.constant 1 : i32
        %swap3A_657 = arith.index_cast %swap3A_656 : i32 to index
        %swap3A_658 = arith.index_cast %add3A_560 : i32 to index
        %swap3A_659 = arith.constant 96 : index
        %swap3A_660 = tpu.vector_load %arg5[%swap3A_657, %swap3A_658, %swap3A_659] {strides = array<i32>} : memref<2x8x1024xf32, #tpu.memory_space<vmem>>, vector<16xf32>,
        tpu.vector_store %arg5[%swap3A_657, %swap3A_658, %swap3A_659], %gather3A_655 {strides = array<i32>} : memref<2x8x1024xf32, #tpu.memory_space<vmem>>, vector<16xf32>,
        %add3A_661 = arith.constant 14 : i32
        %add3A_662 = vector.broadcast %add3A_661 : i32 to vector<16xi32>
        %add3A_663 = arith.addi %add3A_564, %add3A_662 : vector<16xi32>
        %gather3A_664 = arith.constant 1 : i32
        %gather3A_665 = arith.constant 0 : i32
        %gather3A_666 = arith.constant 0 : i32
        %gather3A_667 = tpu.memref_slice %arg4[%gather3A_664, %gather3A_665, %gather3A_666] : memref<2x8x1033xf32, #tpu.memory_space<vmem>> -> memref<1x8x1033xf32, #tpu.memory_space<vmem>>
        %gather3A_668 = tpu.memref_squeeze %gather3A_667 : memref<1x8x1033xf32, #tpu.memory_space<vmem>> -> memref<8x1033xf32, #tpu.memory_space<vmem>>
        %gather3A_669 = tpu.vector_load_idx %gather3A_668[%select_n3A_17, %add3A_663] : memref<8x1033xf32, #tpu.memory_space<vmem>>[vector<16xi32>, vector<16xi32>], vector<16xf32>,
        %swap3A_670 = arith.constant 1 : i32
        %swap3A_671 = arith.index_cast %swap3A_670 : i32 to index
        %swap3A_672 = arith.index_cast %add3A_560 : i32 to index
        %swap3A_673 = arith.constant 112 : index
        %swap3A_674 = tpu.vector_load %arg5[%swap3A_671, %swap3A_672, %swap3A_673] {strides = array<i32>} : memref<2x8x1024xf32, #tpu.memory_space<vmem>>, vector<16xf32>,
        tpu.vector_store %arg5[%swap3A_671, %swap3A_672, %swap3A_673], %gather3A_669 {strides = array<i32>} : memref<2x8x1024xf32, #tpu.memory_space<vmem>>, vector<16xf32>,
        %add3A_675 = arith.constant 16 : i32
        %add3A_676 = vector.broadcast %add3A_675 : i32 to vector<16xi32>
        %add3A_677 = arith.addi %add3A_564, %add3A_676 : vector<16xi32>
        %gather3A_678 = arith.constant 1 : i32
        %gather3A_679 = arith.constant 0 : i32
        %gather3A_680 = arith.constant 0 : i32
        %gather3A_681 = tpu.memref_slice %arg4[%gather3A_678, %gather3A_679, %gather3A_680] : memref<2x8x1033xf32, #tpu.memory_space<vmem>> -> memref<1x8x1033xf32, #tpu.memory_space<vmem>>
        %gather3A_682 = tpu.memref_squeeze %gather3A_681 : memref<1x8x1033xf32, #tpu.memory_space<vmem>> -> memref<8x1033xf32, #tpu.memory_space<vmem>>
        %gather3A_683 = tpu.vector_load_idx %gather3A_682[%select_n3A_17, %add3A_677] : memref<8x1033xf32, #tpu.memory_space<vmem>>[vector<16xi32>, vector<16xi32>], vector<16xf32>,
        %swap3A_684 = arith.constant 1 : i32
        %swap3A_685 = arith.index_cast %swap3A_684 : i32 to index
        %swap3A_686 = arith.index_cast %add3A_560 : i32 to index
        %swap3A_687 = arith.constant 128 : index
        %swap3A_688 = tpu.vector_load %arg5[%swap3A_685, %swap3A_686, %swap3A_687] {strides = array<i32>} : memref<2x8x1024xf32, #tpu.memory_space<vmem>>, vector<16xf32>,
        tpu.vector_store %arg5[%swap3A_685, %swap3A_686, %swap3A_687], %gather3A_683 {strides = array<i32>} : memref<2x8x1024xf32, #tpu.memory_space<vmem>>, vector<16xf32>,
        %add3A_689 = arith.constant 18 : i32
        %add3A_690 = vector.broadcast %add3A_689 : i32 to vector<16xi32>
        %add3A_691 = arith.addi %add3A_564, %add3A_690 : vector<16xi32>
        %gather3A_692 = arith.constant 1 : i32
        %gather3A_693 = arith.constant 0 : i32
        %gather3A_694 = arith.constant 0 : i32
        %gather3A_695 = tpu.memref_slice %arg4[%gather3A_692, %gather3A_693, %gather3A_694] : memref<2x8x1033xf32, #tpu.memory_space<vmem>> -> memref<1x8x1033xf32, #tpu.memory_space<vmem>>
        %gather3A_696 = tpu.memref_squeeze %gather3A_695 : memref<1x8x1033xf32, #tpu.memory_space<vmem>> -> memref<8x1033xf32, #tpu.memory_space<vmem>>
        %gather3A_697 = tpu.vector_load_idx %gather3A_696[%select_n3A_17, %add3A_691] : memref<8x1033xf32, #tpu.memory_space<vmem>>[vector<16xi32>, vector<16xi32>], vector<16xf32>,
        %swap3A_698 = arith.constant 1 : i32
        %swap3A_699 = arith.index_cast %swap3A_698 : i32 to index
        %swap3A_700 = arith.index_cast %add3A_560 : i32 to index
        %swap3A_701 = arith.constant 144 : index
        %swap3A_702 = tpu.vector_load %arg5[%swap3A_699, %swap3A_700, %swap3A_701] {strides = array<i32>} : memref<2x8x1024xf32, #tpu.memory_space<vmem>>, vector<16xf32>,
        tpu.vector_store %arg5[%swap3A_699, %swap3A_700, %swap3A_701], %gather3A_697 {strides = array<i32>} : memref<2x8x1024xf32, #tpu.memory_space<vmem>>, vector<16xf32>,
        %add3A_703 = arith.constant 20 : i32
        %add3A_704 = vector.broadcast %add3A_703 : i32 to vector<16xi32>
        %add3A_705 = arith.addi %add3A_564, %add3A_704 : vector<16xi32>
        %gather3A_706 = arith.constant 1 : i32
        %gather3A_707 = arith.constant 0 : i32
        %gather3A_708 = arith.constant 0 : i32
        %gather3A_709 = tpu.memref_slice %arg4[%gather3A_706, %gather3A_707, %gather3A_708] : memref<2x8x1033xf32, #tpu.memory_space<vmem>> -> memref<1x8x1033xf32, #tpu.memory_space<vmem>>
        %gather3A_710 = tpu.memref_squeeze %gather3A_709 : memref<1x8x1033xf32, #tpu.memory_space<vmem>> -> memref<8x1033xf32, #tpu.memory_space<vmem>>
        %gather3A_711 = tpu.vector_load_idx %gather3A_710[%select_n3A_17, %add3A_705] : memref<8x1033xf32, #tpu.memory_space<vmem>>[vector<16xi32>, vector<16xi32>], vector<16xf32>,
        %swap3A_712 = arith.constant 1 : i32
        %swap3A_713 = arith.index_cast %swap3A_712 : i32 to index
        %swap3A_714 = arith.index_cast %add3A_560 : i32 to index
        %swap3A_715 = arith.constant 160 : index
        %swap3A_716 = tpu.vector_load %arg5[%swap3A_713, %swap3A_714, %swap3A_715] {strides = array<i32>} : memref<2x8x1024xf32, #tpu.memory_space<vmem>>, vector<16xf32>,
        tpu.vector_store %arg5[%swap3A_713, %swap3A_714, %swap3A_715], %gather3A_711 {strides = array<i32>} : memref<2x8x1024xf32, #tpu.memory_space<vmem>>, vector<16xf32>,
        %add3A_717 = arith.constant 22 : i32
        %add3A_718 = vector.broadcast %add3A_717 : i32 to vector<16xi32>
        %add3A_719 = arith.addi %add3A_564, %add3A_718 : vector<16xi32>
        %gather3A_720 = arith.constant 1 : i32
        %gather3A_721 = arith.constant 0 : i32
        %gather3A_722 = arith.constant 0 : i32
        %gather3A_723 = tpu.memref_slice %arg4[%gather3A_720, %gather3A_721, %gather3A_722] : memref<2x8x1033xf32, #tpu.memory_space<vmem>> -> memref<1x8x1033xf32, #tpu.memory_space<vmem>>
        %gather3A_724 = tpu.memref_squeeze %gather3A_723 : memref<1x8x1033xf32, #tpu.memory_space<vmem>> -> memref<8x1033xf32, #tpu.memory_space<vmem>>
        %gather3A_725 = tpu.vector_load_idx %gather3A_724[%select_n3A_17, %add3A_719] : memref<8x1033xf32, #tpu.memory_space<vmem>>[vector<16xi32>, vector<16xi32>], vector<16xf32>,
        %swap3A_726 = arith.constant 1 : i32
        %swap3A_727 = arith.index_cast %swap3A_726 : i32 to index
        %swap3A_728 = arith.index_cast %add3A_560 : i32 to index
        %swap3A_729 = arith.constant 176 : index
        %swap3A_730 = tpu.vector_load %arg5[%swap3A_727, %swap3A_728, %swap3A_729] {strides = array<i32>} : memref<2x8x1024xf32, #tpu.memory_space<vmem>>, vector<16xf32>,
        tpu.vector_store %arg5[%swap3A_727, %swap3A_728, %swap3A_729], %gather3A_725 {strides = array<i32>} : memref<2x8x1024xf32, #tpu.memory_space<vmem>>, vector<16xf32>,
        %add3A_731 = arith.constant 24 : i32
        %add3A_732 = vector.broadcast %add3A_731 : i32 to vector<16xi32>
        %add3A_733 = arith.addi %add3A_564, %add3A_732 : vector<16xi32>
        %gather3A_734 = arith.constant 1 : i32
        %gather3A_735 = arith.constant 0 : i32
        %gather3A_736 = arith.constant 0 : i32
        %gather3A_737 = tpu.memref_slice %arg4[%gather3A_734, %gather3A_735, %gather3A_736] : memref<2x8x1033xf32, #tpu.memory_space<vmem>> -> memref<1x8x1033xf32, #tpu.memory_space<vmem>>
        %gather3A_738 = tpu.memref_squeeze %gather3A_737 : memref<1x8x1033xf32, #tpu.memory_space<vmem>> -> memref<8x1033xf32, #tpu.memory_space<vmem>>
        %gather3A_739 = tpu.vector_load_idx %gather3A_738[%select_n3A_17, %add3A_733] : memref<8x1033xf32, #tpu.memory_space<vmem>>[vector<16xi32>, vector<16xi32>], vector<16xf32>,
        %swap3A_740 = arith.constant 1 : i32
        %swap3A_741 = arith.index_cast %swap3A_740 : i32 to index
        %swap3A_742 = arith.index_cast %add3A_560 : i32 to index
        %swap3A_743 = arith.constant 192 : index
        %swap3A_744 = tpu.vector_load %arg5[%swap3A_741, %swap3A_742, %swap3A_743] {strides = array<i32>} : memref<2x8x1024xf32, #tpu.memory_space<vmem>>, vector<16xf32>,
        tpu.vector_store %arg5[%swap3A_741, %swap3A_742, %swap3A_743], %gather3A_739 {strides = array<i32>} : memref<2x8x1024xf32, #tpu.memory_space<vmem>>, vector<16xf32>,
        %add3A_745 = arith.constant 26 : i32
        %add3A_746 = vector.broadcast %add3A_745 : i32 to vector<16xi32>
        %add3A_747 = arith.addi %add3A_564, %add3A_746 : vector<16xi32>
        %gather3A_748 = arith.constant 1 : i32
        %gather3A_749 = arith.constant 0 : i32
        %gather3A_750 = arith.constant 0 : i32
        %gather3A_751 = tpu.memref_slice %arg4[%gather3A_748, %gather3A_749, %gather3A_750] : memref<2x8x1033xf32, #tpu.memory_space<vmem>> -> memref<1x8x1033xf32, #tpu.memory_space<vmem>>
        %gather3A_752 = tpu.memref_squeeze %gather3A_751 : memref<1x8x1033xf32, #tpu.memory_space<vmem>> -> memref<8x1033xf32, #tpu.memory_space<vmem>>
        %gather3A_753 = tpu.vector_load_idx %gather3A_752[%select_n3A_17, %add3A_747] : memref<8x1033xf32, #tpu.memory_space<vmem>>[vector<16xi32>, vector<16xi32>], vector<16xf32>,
        %swap3A_754 = arith.constant 1 : i32
        %swap3A_755 = arith.index_cast %swap3A_754 : i32 to index
        %swap3A_756 = arith.index_cast %add3A_560 : i32 to index
        %swap3A_757 = arith.constant 208 : index
        %swap3A_758 = tpu.vector_load %arg5[%swap3A_755, %swap3A_756, %swap3A_757] {strides = array<i32>} : memref<2x8x1024xf32, #tpu.memory_space<vmem>>, vector<16xf32>,
        tpu.vector_store %arg5[%swap3A_755, %swap3A_756, %swap3A_757], %gather3A_753 {strides = array<i32>} : memref<2x8x1024xf32, #tpu.memory_space<vmem>>, vector<16xf32>,
        %add3A_759 = arith.constant 28 : i32
        %add3A_760 = vector.broadcast %add3A_759 : i32 to vector<16xi32>
        %add3A_761 = arith.addi %add3A_564, %add3A_760 : vector<16xi32>
        %gather3A_762 = arith.constant 1 : i32
        %gather3A_763 = arith.constant 0 : i32
        %gather3A_764 = arith.constant 0 : i32
        %gather3A_765 = tpu.memref_slice %arg4[%gather3A_762, %gather3A_763, %gather3A_764] : memref<2x8x1033xf32, #tpu.memory_space<vmem>> -> memref<1x8x1033xf32, #tpu.memory_space<vmem>>
        %gather3A_766 = tpu.memref_squeeze %gather3A_765 : memref<1x8x1033xf32, #tpu.memory_space<vmem>> -> memref<8x1033xf32, #tpu.memory_space<vmem>>
        %gather3A_767 = tpu.vector_load_idx %gather3A_766[%select_n3A_17, %add3A_761] : memref<8x1033xf32, #tpu.memory_space<vmem>>[vector<16xi32>, vector<16xi32>], vector<16xf32>,
        %swap3A_768 = arith.constant 1 : i32
        %swap3A_769 = arith.index_cast %swap3A_768 : i32 to index
        %swap3A_770 = arith.index_cast %add3A_560 : i32 to index
        %swap3A_771 = arith.constant 224 : index
        %swap3A_772 = tpu.vector_load %arg5[%swap3A_769, %swap3A_770, %swap3A_771] {strides = array<i32>} : memref<2x8x1024xf32, #tpu.memory_space<vmem>>, vector<16xf32>,
        tpu.vector_store %arg5[%swap3A_769, %swap3A_770, %swap3A_771], %gather3A_767 {strides = array<i32>} : memref<2x8x1024xf32, #tpu.memory_space<vmem>>, vector<16xf32>,
        %add3A_773 = arith.constant 30 : i32
        %add3A_774 = vector.broadcast %add3A_773 : i32 to vector<16xi32>
        %add3A_775 = arith.addi %add3A_564, %add3A_774 : vector<16xi32>
        %gather3A_776 = arith.constant 1 : i32
        %gather3A_777 = arith.constant 0 : i32
        %gather3A_778 = arith.constant 0 : i32
        %gather3A_779 = tpu.memref_slice %arg4[%gather3A_776, %gather3A_777, %gather3A_778] : memref<2x8x1033xf32, #tpu.memory_space<vmem>> -> memref<1x8x1033xf32, #tpu.memory_space<vmem>>
        %gather3A_780 = tpu.memref_squeeze %gather3A_779 : memref<1x8x1033xf32, #tpu.memory_space<vmem>> -> memref<8x1033xf32, #tpu.memory_space<vmem>>
        %gather3A_781 = tpu.vector_load_idx %gather3A_780[%select_n3A_17, %add3A_775] : memref<8x1033xf32, #tpu.memory_space<vmem>>[vector<16xi32>, vector<16xi32>], vector<16xf32>,
        %swap3A_782 = arith.constant 1 : i32
        %swap3A_783 = arith.index_cast %swap3A_782 : i32 to index
        %swap3A_784 = arith.index_cast %add3A_560 : i32 to index
        %swap3A_785 = arith.constant 240 : index
        %swap3A_786 = tpu.vector_load %arg5[%swap3A_783, %swap3A_784, %swap3A_785] {strides = array<i32>} : memref<2x8x1024xf32, #tpu.memory_space<vmem>>, vector<16xf32>,
        tpu.vector_store %arg5[%swap3A_783, %swap3A_784, %swap3A_785], %gather3A_781 {strides = array<i32>} : memref<2x8x1024xf32, #tpu.memory_space<vmem>>, vector<16xf32>,
        %add3A_787 = arith.constant 32 : i32
        %add3A_788 = vector.broadcast %add3A_787 : i32 to vector<16xi32>
        %add3A_789 = arith.addi %add3A_564, %add3A_788 : vector<16xi32>
        %gather3A_790 = arith.constant 1 : i32
        %gather3A_791 = arith.constant 0 : i32
        %gather3A_792 = arith.constant 0 : i32
        %gather3A_793 = tpu.memref_slice %arg4[%gather3A_790, %gather3A_791, %gather3A_792] : memref<2x8x1033xf32, #tpu.memory_space<vmem>> -> memref<1x8x1033xf32, #tpu.memory_space<vmem>>
        %gather3A_794 = tpu.memref_squeeze %gather3A_793 : memref<1x8x1033xf32, #tpu.memory_space<vmem>> -> memref<8x1033xf32, #tpu.memory_space<vmem>>
        %gather3A_795 = tpu.vector_load_idx %gather3A_794[%select_n3A_17, %add3A_789] : memref<8x1033xf32, #tpu.memory_space<vmem>>[vector<16xi32>, vector<16xi32>], vector<16xf32>,
        %swap3A_796 = arith.constant 1 : i32
        %swap3A_797 = arith.index_cast %swap3A_796 : i32 to index
        %swap3A_798 = arith.index_cast %add3A_560 : i32 to index
        %swap3A_799 = arith.constant 256 : index
        %swap3A_800 = tpu.vector_load %arg5[%swap3A_797, %swap3A_798, %swap3A_799] {strides = array<i32>} : memref<2x8x1024xf32, #tpu.memory_space<vmem>>, vector<16xf32>,
        tpu.vector_store %arg5[%swap3A_797, %swap3A_798, %swap3A_799], %gather3A_795 {strides = array<i32>} : memref<2x8x1024xf32, #tpu.memory_space<vmem>>, vector<16xf32>,
        %add3A_801 = arith.constant 34 : i32
        %add3A_802 = vector.broadcast %add3A_801 : i32 to vector<16xi32>
        %add3A_803 = arith.addi %add3A_564, %add3A_802 : vector<16xi32>
        %gather3A_804 = arith.constant 1 : i32
        %gather3A_805 = arith.constant 0 : i32
        %gather3A_806 = arith.constant 0 : i32
        %gather3A_807 = tpu.memref_slice %arg4[%gather3A_804, %gather3A_805, %gather3A_806] : memref<2x8x1033xf32, #tpu.memory_space<vmem>> -> memref<1x8x1033xf32, #tpu.memory_space<vmem>>
        %gather3A_808 = tpu.memref_squeeze %gather3A_807 : memref<1x8x1033xf32, #tpu.memory_space<vmem>> -> memref<8x1033xf32, #tpu.memory_space<vmem>>
        %gather3A_809 = tpu.vector_load_idx %gather3A_808[%select_n3A_17, %add3A_803] : memref<8x1033xf32, #tpu.memory_space<vmem>>[vector<16xi32>, vector<16xi32>], vector<16xf32>,
        %swap3A_810 = arith.constant 1 : i32
        %swap3A_811 = arith.index_cast %swap3A_810 : i32 to index
        %swap3A_812 = arith.index_cast %add3A_560 : i32 to index
        %swap3A_813 = arith.constant 272 : index
        %swap3A_814 = tpu.vector_load %arg5[%swap3A_811, %swap3A_812, %swap3A_813] {strides = array<i32>} : memref<2x8x1024xf32, #tpu.memory_space<vmem>>, vector<16xf32>,
        tpu.vector_store %arg5[%swap3A_811, %swap3A_812, %swap3A_813], %gather3A_809 {strides = array<i32>} : memref<2x8x1024xf32, #tpu.memory_space<vmem>>, vector<16xf32>,
        %add3A_815 = arith.constant 36 : i32
        %add3A_816 = vector.broadcast %add3A_815 : i32 to vector<16xi32>
        %add3A_817 = arith.addi %add3A_564, %add3A_816 : vector<16xi32>
        %gather3A_818 = arith.constant 1 : i32
        %gather3A_819 = arith.constant 0 : i32
        %gather3A_820 = arith.constant 0 : i32
        %gather3A_821 = tpu.memref_slice %arg4[%gather3A_818, %gather3A_819, %gather3A_820] : memref<2x8x1033xf32, #tpu.memory_space<vmem>> -> memref<1x8x1033xf32, #tpu.memory_space<vmem>>
        %gather3A_822 = tpu.memref_squeeze %gather3A_821 : memref<1x8x1033xf32, #tpu.memory_space<vmem>> -> memref<8x1033xf32, #tpu.memory_space<vmem>>
        %gather3A_823 = tpu.vector_load_idx %gather3A_822[%select_n3A_17, %add3A_817] : memref<8x1033xf32, #tpu.memory_space<vmem>>[vector<16xi32>, vector<16xi32>], vector<16xf32>,
        %swap3A_824 = arith.constant 1 : i32
        %swap3A_825 = arith.index_cast %swap3A_824 : i32 to index
        %swap3A_826 = arith.index_cast %add3A_560 : i32 to index
        %swap3A_827 = arith.constant 288 : index
        %swap3A_828 = tpu.vector_load %arg5[%swap3A_825, %swap3A_826, %swap3A_827] {strides = array<i32>} : memref<2x8x1024xf32, #tpu.memory_space<vmem>>, vector<16xf32>,
        tpu.vector_store %arg5[%swap3A_825, %swap3A_826, %swap3A_827], %gather3A_823 {strides = array<i32>} : memref<2x8x1024xf32, #tpu.memory_space<vmem>>, vector<16xf32>,
        %add3A_829 = arith.constant 38 : i32
        %add3A_830 = vector.broadcast %add3A_829 : i32 to vector<16xi32>
        %add3A_831 = arith.addi %add3A_564, %add3A_830 : vector<16xi32>
        %gather3A_832 = arith.constant 1 : i32
        %gather3A_833 = arith.constant 0 : i32
        %gather3A_834 = arith.constant 0 : i32
        %gather3A_835 = tpu.memref_slice %arg4[%gather3A_832, %gather3A_833, %gather3A_834] : memref<2x8x1033xf32, #tpu.memory_space<vmem>> -> memref<1x8x1033xf32, #tpu.memory_space<vmem>>
        %gather3A_836 = tpu.memref_squeeze %gather3A_835 : memref<1x8x1033xf32, #tpu.memory_space<vmem>> -> memref<8x1033xf32, #tpu.memory_space<vmem>>
        %gather3A_837 = tpu.vector_load_idx %gather3A_836[%select_n3A_17, %add3A_831] : memref<8x1033xf32, #tpu.memory_space<vmem>>[vector<16xi32>, vector<16xi32>], vector<16xf32>,
        %swap3A_838 = arith.constant 1 : i32
        %swap3A_839 = arith.index_cast %swap3A_838 : i32 to index
        %swap3A_840 = arith.index_cast %add3A_560 : i32 to index
        %swap3A_841 = arith.constant 304 : index
        %swap3A_842 = tpu.vector_load %arg5[%swap3A_839, %swap3A_840, %swap3A_841] {strides = array<i32>} : memref<2x8x1024xf32, #tpu.memory_space<vmem>>, vector<16xf32>,
        tpu.vector_store %arg5[%swap3A_839, %swap3A_840, %swap3A_841], %gather3A_837 {strides = array<i32>} : memref<2x8x1024xf32, #tpu.memory_space<vmem>>, vector<16xf32>,
        %add3A_843 = arith.constant 40 : i32
        %add3A_844 = vector.broadcast %add3A_843 : i32 to vector<16xi32>
        %add3A_845 = arith.addi %add3A_564, %add3A_844 : vector<16xi32>
        %gather3A_846 = arith.constant 1 : i32
        %gather3A_847 = arith.constant 0 : i32
        %gather3A_848 = arith.constant 0 : i32
        %gather3A_849 = tpu.memref_slice %arg4[%gather3A_846, %gather3A_847, %gather3A_848] : memref<2x8x1033xf32, #tpu.memory_space<vmem>> -> memref<1x8x1033xf32, #tpu.memory_space<vmem>>
        %gather3A_850 = tpu.memref_squeeze %gather3A_849 : memref<1x8x1033xf32, #tpu.memory_space<vmem>> -> memref<8x1033xf32, #tpu.memory_space<vmem>>
        %gather3A_851 = tpu.vector_load_idx %gather3A_850[%select_n3A_17, %add3A_845] : memref<8x1033xf32, #tpu.memory_space<vmem>>[vector<16xi32>, vector<16xi32>], vector<16xf32>,
        %swap3A_852 = arith.constant 1 : i32
        %swap3A_853 = arith.index_cast %swap3A_852 : i32 to index
        %swap3A_854 = arith.index_cast %add3A_560 : i32 to index
        %swap3A_855 = arith.constant 320 : index
        %swap3A_856 = tpu.vector_load %arg5[%swap3A_853, %swap3A_854, %swap3A_855] {strides = array<i32>} : memref<2x8x1024xf32, #tpu.memory_space<vmem>>, vector<16xf32>,
        tpu.vector_store %arg5[%swap3A_853, %swap3A_854, %swap3A_855], %gather3A_851 {strides = array<i32>} : memref<2x8x1024xf32, #tpu.memory_space<vmem>>, vector<16xf32>,
        %add3A_857 = arith.constant 42 : i32
        %add3A_858 = vector.broadcast %add3A_857 : i32 to vector<16xi32>
        %add3A_859 = arith.addi %add3A_564, %add3A_858 : vector<16xi32>
        %gather3A_860 = arith.constant 1 : i32
        %gather3A_861 = arith.constant 0 : i32
        %gather3A_862 = arith.constant 0 : i32
        %gather3A_863 = tpu.memref_slice %arg4[%gather3A_860, %gather3A_861, %gather3A_862] : memref<2x8x1033xf32, #tpu.memory_space<vmem>> -> memref<1x8x1033xf32, #tpu.memory_space<vmem>>
        %gather3A_864 = tpu.memref_squeeze %gather3A_863 : memref<1x8x1033xf32, #tpu.memory_space<vmem>> -> memref<8x1033xf32, #tpu.memory_space<vmem>>
        %gather3A_865 = tpu.vector_load_idx %gather3A_864[%select_n3A_17, %add3A_859] : memref<8x1033xf32, #tpu.memory_space<vmem>>[vector<16xi32>, vector<16xi32>], vector<16xf32>,
        %swap3A_866 = arith.constant 1 : i32
        %swap3A_867 = arith.index_cast %swap3A_866 : i32 to index
        %swap3A_868 = arith.index_cast %add3A_560 : i32 to index
        %swap3A_869 = arith.constant 336 : index
        %swap3A_870 = tpu.vector_load %arg5[%swap3A_867, %swap3A_868, %swap3A_869] {strides = array<i32>} : memref<2x8x1024xf32, #tpu.memory_space<vmem>>, vector<16xf32>,
        tpu.vector_store %arg5[%swap3A_867, %swap3A_868, %swap3A_869], %gather3A_865 {strides = array<i32>} : memref<2x8x1024xf32, #tpu.memory_space<vmem>>, vector<16xf32>,
        %add3A_871 = arith.constant 44 : i32
        %add3A_872 = vector.broadcast %add3A_871 : i32 to vector<16xi32>
        %add3A_873 = arith.addi %add3A_564, %add3A_872 : vector<16xi32>
        %gather3A_874 = arith.constant 1 : i32
        %gather3A_875 = arith.constant 0 : i32
        %gather3A_876 = arith.constant 0 : i32
        %gather3A_877 = tpu.memref_slice %arg4[%gather3A_874, %gather3A_875, %gather3A_876] : memref<2x8x1033xf32, #tpu.memory_space<vmem>> -> memref<1x8x1033xf32, #tpu.memory_space<vmem>>
        %gather3A_878 = tpu.memref_squeeze %gather3A_877 : memref<1x8x1033xf32, #tpu.memory_space<vmem>> -> memref<8x1033xf32, #tpu.memory_space<vmem>>
        %gather3A_879 = tpu.vector_load_idx %gather3A_878[%select_n3A_17, %add3A_873] : memref<8x1033xf32, #tpu.memory_space<vmem>>[vector<16xi32>, vector<16xi32>], vector<16xf32>,
        %swap3A_880 = arith.constant 1 : i32
        %swap3A_881 = arith.index_cast %swap3A_880 : i32 to index
        %swap3A_882 = arith.index_cast %add3A_560 : i32 to index
        %swap3A_883 = arith.constant 352 : index
        %swap3A_884 = tpu.vector_load %arg5[%swap3A_881, %swap3A_882, %swap3A_883] {strides = array<i32>} : memref<2x8x1024xf32, #tpu.memory_space<vmem>>, vector<16xf32>,
        tpu.vector_store %arg5[%swap3A_881, %swap3A_882, %swap3A_883], %gather3A_879 {strides = array<i32>} : memref<2x8x1024xf32, #tpu.memory_space<vmem>>, vector<16xf32>,
        %add3A_885 = arith.constant 46 : i32
        %add3A_886 = vector.broadcast %add3A_885 : i32 to vector<16xi32>
        %add3A_887 = arith.addi %add3A_564, %add3A_886 : vector<16xi32>
        %gather3A_888 = arith.constant 1 : i32
        %gather3A_889 = arith.constant 0 : i32
        %gather3A_890 = arith.constant 0 : i32
        %gather3A_891 = tpu.memref_slice %arg4[%gather3A_888, %gather3A_889, %gather3A_890] : memref<2x8x1033xf32, #tpu.memory_space<vmem>> -> memref<1x8x1033xf32, #tpu.memory_space<vmem>>
        %gather3A_892 = tpu.memref_squeeze %gather3A_891 : memref<1x8x1033xf32, #tpu.memory_space<vmem>> -> memref<8x1033xf32, #tpu.memory_space<vmem>>
        %gather3A_893 = tpu.vector_load_idx %gather3A_892[%select_n3A_17, %add3A_887] : memref<8x1033xf32, #tpu.memory_space<vmem>>[vector<16xi32>, vector<16xi32>], vector<16xf32>,
        %swap3A_894 = arith.constant 1 : i32
        %swap3A_895 = arith.index_cast %swap3A_894 : i32 to index
        %swap3A_896 = arith.index_cast %add3A_560 : i32 to index
        %swap3A_897 = arith.constant 368 : index
        %swap3A_898 = tpu.vector_load %arg5[%swap3A_895, %swap3A_896, %swap3A_897] {strides = array<i32>} : memref<2x8x1024xf32, #tpu.memory_space<vmem>>, vector<16xf32>,
        tpu.vector_store %arg5[%swap3A_895, %swap3A_896, %swap3A_897], %gather3A_893 {strides = array<i32>} : memref<2x8x1024xf32, #tpu.memory_space<vmem>>, vector<16xf32>,
        %add3A_899 = arith.constant 48 : i32
        %add3A_900 = vector.broadcast %add3A_899 : i32 to vector<16xi32>
        %add3A_901 = arith.addi %add3A_564, %add3A_900 : vector<16xi32>
        %gather3A_902 = arith.constant 1 : i32
        %gather3A_903 = arith.constant 0 : i32
        %gather3A_904 = arith.constant 0 : i32
        %gather3A_905 = tpu.memref_slice %arg4[%gather3A_902, %gather3A_903, %gather3A_904] : memref<2x8x1033xf32, #tpu.memory_space<vmem>> -> memref<1x8x1033xf32, #tpu.memory_space<vmem>>
        %gather3A_906 = tpu.memref_squeeze %gather3A_905 : memref<1x8x1033xf32, #tpu.memory_space<vmem>> -> memref<8x1033xf32, #tpu.memory_space<vmem>>
        %gather3A_907 = tpu.vector_load_idx %gather3A_906[%select_n3A_17, %add3A_901] : memref<8x1033xf32, #tpu.memory_space<vmem>>[vector<16xi32>, vector<16xi32>], vector<16xf32>,
        %swap3A_908 = arith.constant 1 : i32
        %swap3A_909 = arith.index_cast %swap3A_908 : i32 to index
        %swap3A_910 = arith.index_cast %add3A_560 : i32 to index
        %swap3A_911 = arith.constant 384 : index
        %swap3A_912 = tpu.vector_load %arg5[%swap3A_909, %swap3A_910, %swap3A_911] {strides = array<i32>} : memref<2x8x1024xf32, #tpu.memory_space<vmem>>, vector<16xf32>,
        tpu.vector_store %arg5[%swap3A_909, %swap3A_910, %swap3A_911], %gather3A_907 {strides = array<i32>} : memref<2x8x1024xf32, #tpu.memory_space<vmem>>, vector<16xf32>,
        %add3A_913 = arith.constant 50 : i32
        %add3A_914 = vector.broadcast %add3A_913 : i32 to vector<16xi32>
        %add3A_915 = arith.addi %add3A_564, %add3A_914 : vector<16xi32>
        %gather3A_916 = arith.constant 1 : i32
        %gather3A_917 = arith.constant 0 : i32
        %gather3A_918 = arith.constant 0 : i32
        %gather3A_919 = tpu.memref_slice %arg4[%gather3A_916, %gather3A_917, %gather3A_918] : memref<2x8x1033xf32, #tpu.memory_space<vmem>> -> memref<1x8x1033xf32, #tpu.memory_space<vmem>>
        %gather3A_920 = tpu.memref_squeeze %gather3A_919 : memref<1x8x1033xf32, #tpu.memory_space<vmem>> -> memref<8x1033xf32, #tpu.memory_space<vmem>>
        %gather3A_921 = tpu.vector_load_idx %gather3A_920[%select_n3A_17, %add3A_915] : memref<8x1033xf32, #tpu.memory_space<vmem>>[vector<16xi32>, vector<16xi32>], vector<16xf32>,
        %swap3A_922 = arith.constant 1 : i32
        %swap3A_923 = arith.index_cast %swap3A_922 : i32 to index
        %swap3A_924 = arith.index_cast %add3A_560 : i32 to index
        %swap3A_925 = arith.constant 400 : index
        %swap3A_926 = tpu.vector_load %arg5[%swap3A_923, %swap3A_924, %swap3A_925] {strides = array<i32>} : memref<2x8x1024xf32, #tpu.memory_space<vmem>>, vector<16xf32>,
        tpu.vector_store %arg5[%swap3A_923, %swap3A_924, %swap3A_925], %gather3A_921 {strides = array<i32>} : memref<2x8x1024xf32, #tpu.memory_space<vmem>>, vector<16xf32>,
        %add3A_927 = arith.constant 52 : i32
        %add3A_928 = vector.broadcast %add3A_927 : i32 to vector<16xi32>
        %add3A_929 = arith.addi %add3A_564, %add3A_928 : vector<16xi32>
        %gather3A_930 = arith.constant 1 : i32
        %gather3A_931 = arith.constant 0 : i32
        %gather3A_932 = arith.constant 0 : i32
        %gather3A_933 = tpu.memref_slice %arg4[%gather3A_930, %gather3A_931, %gather3A_932] : memref<2x8x1033xf32, #tpu.memory_space<vmem>> -> memref<1x8x1033xf32, #tpu.memory_space<vmem>>
        %gather3A_934 = tpu.memref_squeeze %gather3A_933 : memref<1x8x1033xf32, #tpu.memory_space<vmem>> -> memref<8x1033xf32, #tpu.memory_space<vmem>>
        %gather3A_935 = tpu.vector_load_idx %gather3A_934[%select_n3A_17, %add3A_929] : memref<8x1033xf32, #tpu.memory_space<vmem>>[vector<16xi32>, vector<16xi32>], vector<16xf32>,
        %swap3A_936 = arith.constant 1 : i32
        %swap3A_937 = arith.index_cast %swap3A_936 : i32 to index
        %swap3A_938 = arith.index_cast %add3A_560 : i32 to index
        %swap3A_939 = arith.constant 416 : index
        %swap3A_940 = tpu.vector_load %arg5[%swap3A_937, %swap3A_938, %swap3A_939] {strides = array<i32>} : memref<2x8x1024xf32, #tpu.memory_space<vmem>>, vector<16xf32>,
        tpu.vector_store %arg5[%swap3A_937, %swap3A_938, %swap3A_939], %gather3A_935 {strides = array<i32>} : memref<2x8x1024xf32, #tpu.memory_space<vmem>>, vector<16xf32>,
        %add3A_941 = arith.constant 54 : i32
        %add3A_942 = vector.broadcast %add3A_941 : i32 to vector<16xi32>
        %add3A_943 = arith.addi %add3A_564, %add3A_942 : vector<16xi32>
        %gather3A_944 = arith.constant 1 : i32
        %gather3A_945 = arith.constant 0 : i32
        %gather3A_946 = arith.constant 0 : i32
        %gather3A_947 = tpu.memref_slice %arg4[%gather3A_944, %gather3A_945, %gather3A_946] : memref<2x8x1033xf32, #tpu.memory_space<vmem>> -> memref<1x8x1033xf32, #tpu.memory_space<vmem>>
        %gather3A_948 = tpu.memref_squeeze %gather3A_947 : memref<1x8x1033xf32, #tpu.memory_space<vmem>> -> memref<8x1033xf32, #tpu.memory_space<vmem>>
        %gather3A_949 = tpu.vector_load_idx %gather3A_948[%select_n3A_17, %add3A_943] : memref<8x1033xf32, #tpu.memory_space<vmem>>[vector<16xi32>, vector<16xi32>], vector<16xf32>,
        %swap3A_950 = arith.constant 1 : i32
        %swap3A_951 = arith.index_cast %swap3A_950 : i32 to index
        %swap3A_952 = arith.index_cast %add3A_560 : i32 to index
        %swap3A_953 = arith.constant 432 : index
        %swap3A_954 = tpu.vector_load %arg5[%swap3A_951, %swap3A_952, %swap3A_953] {strides = array<i32>} : memref<2x8x1024xf32, #tpu.memory_space<vmem>>, vector<16xf32>,
        tpu.vector_store %arg5[%swap3A_951, %swap3A_952, %swap3A_953], %gather3A_949 {strides = array<i32>} : memref<2x8x1024xf32, #tpu.memory_space<vmem>>, vector<16xf32>,
        %add3A_955 = arith.constant 56 : i32
        %add3A_956 = vector.broadcast %add3A_955 : i32 to vector<16xi32>
        %add3A_957 = arith.addi %add3A_564, %add3A_956 : vector<16xi32>
        %gather3A_958 = arith.constant 1 : i32
        %gather3A_959 = arith.constant 0 : i32
        %gather3A_960 = arith.constant 0 : i32
        %gather3A_961 = tpu.memref_slice %arg4[%gather3A_958, %gather3A_959, %gather3A_960] : memref<2x8x1033xf32, #tpu.memory_space<vmem>> -> memref<1x8x1033xf32, #tpu.memory_space<vmem>>
        %gather3A_962 = tpu.memref_squeeze %gather3A_961 : memref<1x8x1033xf32, #tpu.memory_space<vmem>> -> memref<8x1033xf32, #tpu.memory_space<vmem>>
        %gather3A_963 = tpu.vector_load_idx %gather3A_962[%select_n3A_17, %add3A_957] : memref<8x1033xf32, #tpu.memory_space<vmem>>[vector<16xi32>, vector<16xi32>], vector<16xf32>,
        %swap3A_964 = arith.constant 1 : i32
        %swap3A_965 = arith.index_cast %swap3A_964 : i32 to index
        %swap3A_966 = arith.index_cast %add3A_560 : i32 to index
        %swap3A_967 = arith.constant 448 : index
        %swap3A_968 = tpu.vector_load %arg5[%swap3A_965, %swap3A_966, %swap3A_967] {strides = array<i32>} : memref<2x8x1024xf32, #tpu.memory_space<vmem>>, vector<16xf32>,
        tpu.vector_store %arg5[%swap3A_965, %swap3A_966, %swap3A_967], %gather3A_963 {strides = array<i32>} : memref<2x8x1024xf32, #tpu.memory_space<vmem>>, vector<16xf32>,
        %add3A_969 = arith.constant 58 : i32
        %add3A_970 = vector.broadcast %add3A_969 : i32 to vector<16xi32>
        %add3A_971 = arith.addi %add3A_564, %add3A_970 : vector<16xi32>
        %gather3A_972 = arith.constant 1 : i32
        %gather3A_973 = arith.constant 0 : i32
        %gather3A_974 = arith.constant 0 : i32
        %gather3A_975 = tpu.memref_slice %arg4[%gather3A_972, %gather3A_973, %gather3A_974] : memref<2x8x1033xf32, #tpu.memory_space<vmem>> -> memref<1x8x1033xf32, #tpu.memory_space<vmem>>
        %gather3A_976 = tpu.memref_squeeze %gather3A_975 : memref<1x8x1033xf32, #tpu.memory_space<vmem>> -> memref<8x1033xf32, #tpu.memory_space<vmem>>
        %gather3A_977 = tpu.vector_load_idx %gather3A_976[%select_n3A_17, %add3A_971] : memref<8x1033xf32, #tpu.memory_space<vmem>>[vector<16xi32>, vector<16xi32>], vector<16xf32>,
        %swap3A_978 = arith.constant 1 : i32
        %swap3A_979 = arith.index_cast %swap3A_978 : i32 to index
        %swap3A_980 = arith.index_cast %add3A_560 : i32 to index
        %swap3A_981 = arith.constant 464 : index
        %swap3A_982 = tpu.vector_load %arg5[%swap3A_979, %swap3A_980, %swap3A_981] {strides = array<i32>} : memref<2x8x1024xf32, #tpu.memory_space<vmem>>, vector<16xf32>,
        tpu.vector_store %arg5[%swap3A_979, %swap3A_980, %swap3A_981], %gather3A_977 {strides = array<i32>} : memref<2x8x1024xf32, #tpu.memory_space<vmem>>, vector<16xf32>,
        %add3A_983 = arith.constant 60 : i32
        %add3A_984 = vector.broadcast %add3A_983 : i32 to vector<16xi32>
        %add3A_985 = arith.addi %add3A_564, %add3A_984 : vector<16xi32>
        %gather3A_986 = arith.constant 1 : i32
        %gather3A_987 = arith.constant 0 : i32
        %gather3A_988 = arith.constant 0 : i32
        %gather3A_989 = tpu.memref_slice %arg4[%gather3A_986, %gather3A_987, %gather3A_988] : memref<2x8x1033xf32, #tpu.memory_space<vmem>> -> memref<1x8x1033xf32, #tpu.memory_space<vmem>>
        %gather3A_990 = tpu.memref_squeeze %gather3A_989 : memref<1x8x1033xf32, #tpu.memory_space<vmem>> -> memref<8x1033xf32, #tpu.memory_space<vmem>>
        %gather3A_991 = tpu.vector_load_idx %gather3A_990[%select_n3A_17, %add3A_985] : memref<8x1033xf32, #tpu.memory_space<vmem>>[vector<16xi32>, vector<16xi32>], vector<16xf32>,
        %swap3A_992 = arith.constant 1 : i32
        %swap3A_993 = arith.index_cast %swap3A_992 : i32 to index
        %swap3A_994 = arith.index_cast %add3A_560 : i32 to index
        %swap3A_995 = arith.constant 480 : index
        %swap3A_996 = tpu.vector_load %arg5[%swap3A_993, %swap3A_994, %swap3A_995] {strides = array<i32>} : memref<2x8x1024xf32, #tpu.memory_space<vmem>>, vector<16xf32>,
        tpu.vector_store %arg5[%swap3A_993, %swap3A_994, %swap3A_995], %gather3A_991 {strides = array<i32>} : memref<2x8x1024xf32, #tpu.memory_space<vmem>>, vector<16xf32>,
        %add3A_997 = arith.constant 62 : i32
        %add3A_998 = vector.broadcast %add3A_997 : i32 to vector<16xi32>
        %add3A_999 = arith.addi %add3A_564, %add3A_998 : vector<16xi32>
        %gather3A_1000 = arith.constant 1 : i32
        %gather3A_1001 = arith.constant 0 : i32
        %gather3A_1002 = arith.constant 0 : i32
        %gather3A_1003 = tpu.memref_slice %arg4[%gather3A_1000, %gather3A_1001, %gather3A_1002] : memref<2x8x1033xf32, #tpu.memory_space<vmem>> -> memref<1x8x1033xf32, #tpu.memory_space<vmem>>
        %gather3A_1004 = tpu.memref_squeeze %gather3A_1003 : memref<1x8x1033xf32, #tpu.memory_space<vmem>> -> memref<8x1033xf32, #tpu.memory_space<vmem>>
        %gather3A_1005 = tpu.vector_load_idx %gather3A_1004[%select_n3A_17, %add3A_999] : memref<8x1033xf32, #tpu.memory_space<vmem>>[vector<16xi32>, vector<16xi32>], vector<16xf32>,
        %swap3A_1006 = arith.constant 1 : i32
        %swap3A_1007 = arith.index_cast %swap3A_1006 : i32 to index
        %swap3A_1008 = arith.index_cast %add3A_560 : i32 to index
        %swap3A_1009 = arith.constant 496 : index
        %swap3A_1010 = tpu.vector_load %arg5[%swap3A_1007, %swap3A_1008, %swap3A_1009] {strides = array<i32>} : memref<2x8x1024xf32, #tpu.memory_space<vmem>>, vector<16xf32>,
        tpu.vector_store %arg5[%swap3A_1007, %swap3A_1008, %swap3A_1009], %gather3A_1005 {strides = array<i32>} : memref<2x8x1024xf32, #tpu.memory_space<vmem>>, vector<16xf32>,
        %add3A_1011 = arith.constant 64 : i32
        %add3A_1012 = vector.broadcast %add3A_1011 : i32 to vector<16xi32>
        %add3A_1013 = arith.addi %add3A_564, %add3A_1012 : vector<16xi32>
        %gather3A_1014 = arith.constant 1 : i32
        %gather3A_1015 = arith.constant 0 : i32
        %gather3A_1016 = arith.constant 0 : i32
        %gather3A_1017 = tpu.memref_slice %arg4[%gather3A_1014, %gather3A_1015, %gather3A_1016] : memref<2x8x1033xf32, #tpu.memory_space<vmem>> -> memref<1x8x1033xf32, #tpu.memory_space<vmem>>
        %gather3A_1018 = tpu.memref_squeeze %gather3A_1017 : memref<1x8x1033xf32, #tpu.memory_space<vmem>> -> memref<8x1033xf32, #tpu.memory_space<vmem>>
        %gather3A_1019 = tpu.vector_load_idx %gather3A_1018[%select_n3A_17, %add3A_1013] : memref<8x1033xf32, #tpu.memory_space<vmem>>[vector<16xi32>, vector<16xi32>], vector<16xf32>,
        %swap3A_1020 = arith.constant 1 : i32
        %swap3A_1021 = arith.index_cast %swap3A_1020 : i32 to index
        %swap3A_1022 = arith.index_cast %add3A_560 : i32 to index
        %swap3A_1023 = arith.constant 512 : index
        %swap3A_1024 = tpu.vector_load %arg5[%swap3A_1021, %swap3A_1022, %swap3A_1023] {strides = array<i32>} : memref<2x8x1024xf32, #tpu.memory_space<vmem>>, vector<16xf32>,
        tpu.vector_store %arg5[%swap3A_1021, %swap3A_1022, %swap3A_1023], %gather3A_1019 {strides = array<i32>} : memref<2x8x1024xf32, #tpu.memory_space<vmem>>, vector<16xf32>,
        %add3A_1025 = arith.constant 66 : i32
        %add3A_1026 = vector.broadcast %add3A_1025 : i32 to vector<16xi32>
        %add3A_1027 = arith.addi %add3A_564, %add3A_1026 : vector<16xi32>
        %gather3A_1028 = arith.constant 1 : i32
        %gather3A_1029 = arith.constant 0 : i32
        %gather3A_1030 = arith.constant 0 : i32
        %gather3A_1031 = tpu.memref_slice %arg4[%gather3A_1028, %gather3A_1029, %gather3A_1030] : memref<2x8x1033xf32, #tpu.memory_space<vmem>> -> memref<1x8x1033xf32, #tpu.memory_space<vmem>>
        %gather3A_1032 = tpu.memref_squeeze %gather3A_1031 : memref<1x8x1033xf32, #tpu.memory_space<vmem>> -> memref<8x1033xf32, #tpu.memory_space<vmem>>
        %gather3A_1033 = tpu.vector_load_idx %gather3A_1032[%select_n3A_17, %add3A_1027] : memref<8x1033xf32, #tpu.memory_space<vmem>>[vector<16xi32>, vector<16xi32>], vector<16xf32>,
        %swap3A_1034 = arith.constant 1 : i32
        %swap3A_1035 = arith.index_cast %swap3A_1034 : i32 to index
        %swap3A_1036 = arith.index_cast %add3A_560 : i32 to index
        %swap3A_1037 = arith.constant 528 : index
        %swap3A_1038 = tpu.vector_load %arg5[%swap3A_1035, %swap3A_1036, %swap3A_1037] {strides = array<i32>} : memref<2x8x1024xf32, #tpu.memory_space<vmem>>, vector<16xf32>,
        tpu.vector_store %arg5[%swap3A_1035, %swap3A_1036, %swap3A_1037], %gather3A_1033 {strides = array<i32>} : memref<2x8x1024xf32, #tpu.memory_space<vmem>>, vector<16xf32>,
        %add3A_1039 = arith.constant 68 : i32
        %add3A_1040 = vector.broadcast %add3A_1039 : i32 to vector<16xi32>
        %add3A_1041 = arith.addi %add3A_564, %add3A_1040 : vector<16xi32>
        %gather3A_1042 = arith.constant 1 : i32
        %gather3A_1043 = arith.constant 0 : i32
        %gather3A_1044 = arith.constant 0 : i32
        %gather3A_1045 = tpu.memref_slice %arg4[%gather3A_1042, %gather3A_1043, %gather3A_1044] : memref<2x8x1033xf32, #tpu.memory_space<vmem>> -> memref<1x8x1033xf32, #tpu.memory_space<vmem>>
        %gather3A_1046 = tpu.memref_squeeze %gather3A_1045 : memref<1x8x1033xf32, #tpu.memory_space<vmem>> -> memref<8x1033xf32, #tpu.memory_space<vmem>>
        %gather3A_1047 = tpu.vector_load_idx %gather3A_1046[%select_n3A_17, %add3A_1041] : memref<8x1033xf32, #tpu.memory_space<vmem>>[vector<16xi32>, vector<16xi32>], vector<16xf32>,
        %swap3A_1048 = arith.constant 1 : i32
        %swap3A_1049 = arith.index_cast %swap3A_1048 : i32 to index
        %swap3A_1050 = arith.index_cast %add3A_560 : i32 to index
        %swap3A_1051 = arith.constant 544 : index
        %swap3A_1052 = tpu.vector_load %arg5[%swap3A_1049, %swap3A_1050, %swap3A_1051] {strides = array<i32>} : memref<2x8x1024xf32, #tpu.memory_space<vmem>>, vector<16xf32>,
        tpu.vector_store %arg5[%swap3A_1049, %swap3A_1050, %swap3A_1051], %gather3A_1047 {strides = array<i32>} : memref<2x8x1024xf32, #tpu.memory_space<vmem>>, vector<16xf32>,
        %add3A_1053 = arith.constant 70 : i32
        %add3A_1054 = vector.broadcast %add3A_1053 : i32 to vector<16xi32>
        %add3A_1055 = arith.addi %add3A_564, %add3A_1054 : vector<16xi32>
        %gather3A_1056 = arith.constant 1 : i32
        %gather3A_1057 = arith.constant 0 : i32
        %gather3A_1058 = arith.constant 0 : i32
        %gather3A_1059 = tpu.memref_slice %arg4[%gather3A_1056, %gather3A_1057, %gather3A_1058] : memref<2x8x1033xf32, #tpu.memory_space<vmem>> -> memref<1x8x1033xf32, #tpu.memory_space<vmem>>
        %gather3A_1060 = tpu.memref_squeeze %gather3A_1059 : memref<1x8x1033xf32, #tpu.memory_space<vmem>> -> memref<8x1033xf32, #tpu.memory_space<vmem>>
        %gather3A_1061 = tpu.vector_load_idx %gather3A_1060[%select_n3A_17, %add3A_1055] : memref<8x1033xf32, #tpu.memory_space<vmem>>[vector<16xi32>, vector<16xi32>], vector<16xf32>,
        %swap3A_1062 = arith.constant 1 : i32
        %swap3A_1063 = arith.index_cast %swap3A_1062 : i32 to index
        %swap3A_1064 = arith.index_cast %add3A_560 : i32 to index
        %swap3A_1065 = arith.constant 560 : index
        %swap3A_1066 = tpu.vector_load %arg5[%swap3A_1063, %swap3A_1064, %swap3A_1065] {strides = array<i32>} : memref<2x8x1024xf32, #tpu.memory_space<vmem>>, vector<16xf32>,
        tpu.vector_store %arg5[%swap3A_1063, %swap3A_1064, %swap3A_1065], %gather3A_1061 {strides = array<i32>} : memref<2x8x1024xf32, #tpu.memory_space<vmem>>, vector<16xf32>,
        %add3A_1067 = arith.constant 72 : i32
        %add3A_1068 = vector.broadcast %add3A_1067 : i32 to vector<16xi32>
        %add3A_1069 = arith.addi %add3A_564, %add3A_1068 : vector<16xi32>
        %gather3A_1070 = arith.constant 1 : i32
        %gather3A_1071 = arith.constant 0 : i32
        %gather3A_1072 = arith.constant 0 : i32
        %gather3A_1073 = tpu.memref_slice %arg4[%gather3A_1070, %gather3A_1071, %gather3A_1072] : memref<2x8x1033xf32, #tpu.memory_space<vmem>> -> memref<1x8x1033xf32, #tpu.memory_space<vmem>>
        %gather3A_1074 = tpu.memref_squeeze %gather3A_1073 : memref<1x8x1033xf32, #tpu.memory_space<vmem>> -> memref<8x1033xf32, #tpu.memory_space<vmem>>
        %gather3A_1075 = tpu.vector_load_idx %gather3A_1074[%select_n3A_17, %add3A_1069] : memref<8x1033xf32, #tpu.memory_space<vmem>>[vector<16xi32>, vector<16xi32>], vector<16xf32>,
        %swap3A_1076 = arith.constant 1 : i32
        %swap3A_1077 = arith.index_cast %swap3A_1076 : i32 to index
        %swap3A_1078 = arith.index_cast %add3A_560 : i32 to index
        %swap3A_1079 = arith.constant 576 : index
        %swap3A_1080 = tpu.vector_load %arg5[%swap3A_1077, %swap3A_1078, %swap3A_1079] {strides = array<i32>} : memref<2x8x1024xf32, #tpu.memory_space<vmem>>, vector<16xf32>,
        tpu.vector_store %arg5[%swap3A_1077, %swap3A_1078, %swap3A_1079], %gather3A_1075 {strides = array<i32>} : memref<2x8x1024xf32, #tpu.memory_space<vmem>>, vector<16xf32>,
        %add3A_1081 = arith.constant 74 : i32
        %add3A_1082 = vector.broadcast %add3A_1081 : i32 to vector<16xi32>
        %add3A_1083 = arith.addi %add3A_564, %add3A_1082 : vector<16xi32>
        %gather3A_1084 = arith.constant 1 : i32
        %gather3A_1085 = arith.constant 0 : i32
        %gather3A_1086 = arith.constant 0 : i32
        %gather3A_1087 = tpu.memref_slice %arg4[%gather3A_1084, %gather3A_1085, %gather3A_1086] : memref<2x8x1033xf32, #tpu.memory_space<vmem>> -> memref<1x8x1033xf32, #tpu.memory_space<vmem>>
        %gather3A_1088 = tpu.memref_squeeze %gather3A_1087 : memref<1x8x1033xf32, #tpu.memory_space<vmem>> -> memref<8x1033xf32, #tpu.memory_space<vmem>>
        %gather3A_1089 = tpu.vector_load_idx %gather3A_1088[%select_n3A_17, %add3A_1083] : memref<8x1033xf32, #tpu.memory_space<vmem>>[vector<16xi32>, vector<16xi32>], vector<16xf32>,
        %swap3A_1090 = arith.constant 1 : i32
        %swap3A_1091 = arith.index_cast %swap3A_1090 : i32 to index
        %swap3A_1092 = arith.index_cast %add3A_560 : i32 to index
        %swap3A_1093 = arith.constant 592 : index
        %swap3A_1094 = tpu.vector_load %arg5[%swap3A_1091, %swap3A_1092, %swap3A_1093] {strides = array<i32>} : memref<2x8x1024xf32, #tpu.memory_space<vmem>>, vector<16xf32>,
        tpu.vector_store %arg5[%swap3A_1091, %swap3A_1092, %swap3A_1093], %gather3A_1089 {strides = array<i32>} : memref<2x8x1024xf32, #tpu.memory_space<vmem>>, vector<16xf32>,
        %add3A_1095 = arith.constant 76 : i32
        %add3A_1096 = vector.broadcast %add3A_1095 : i32 to vector<16xi32>
        %add3A_1097 = arith.addi %add3A_564, %add3A_1096 : vector<16xi32>
        %gather3A_1098 = arith.constant 1 : i32
        %gather3A_1099 = arith.constant 0 : i32
        %gather3A_1100 = arith.constant 0 : i32
        %gather3A_1101 = tpu.memref_slice %arg4[%gather3A_1098, %gather3A_1099, %gather3A_1100] : memref<2x8x1033xf32, #tpu.memory_space<vmem>> -> memref<1x8x1033xf32, #tpu.memory_space<vmem>>
        %gather3A_1102 = tpu.memref_squeeze %gather3A_1101 : memref<1x8x1033xf32, #tpu.memory_space<vmem>> -> memref<8x1033xf32, #tpu.memory_space<vmem>>
        %gather3A_1103 = tpu.vector_load_idx %gather3A_1102[%select_n3A_17, %add3A_1097] : memref<8x1033xf32, #tpu.memory_space<vmem>>[vector<16xi32>, vector<16xi32>], vector<16xf32>,
        %swap3A_1104 = arith.constant 1 : i32
        %swap3A_1105 = arith.index_cast %swap3A_1104 : i32 to index
        %swap3A_1106 = arith.index_cast %add3A_560 : i32 to index
        %swap3A_1107 = arith.constant 608 : index
        %swap3A_1108 = tpu.vector_load %arg5[%swap3A_1105, %swap3A_1106, %swap3A_1107] {strides = array<i32>} : memref<2x8x1024xf32, #tpu.memory_space<vmem>>, vector<16xf32>,
        tpu.vector_store %arg5[%swap3A_1105, %swap3A_1106, %swap3A_1107], %gather3A_1103 {strides = array<i32>} : memref<2x8x1024xf32, #tpu.memory_space<vmem>>, vector<16xf32>,
        %add3A_1109 = arith.constant 78 : i32
        %add3A_1110 = vector.broadcast %add3A_1109 : i32 to vector<16xi32>
        %add3A_1111 = arith.addi %add3A_564, %add3A_1110 : vector<16xi32>
        %gather3A_1112 = arith.constant 1 : i32
        %gather3A_1113 = arith.constant 0 : i32
        %gather3A_1114 = arith.constant 0 : i32
        %gather3A_1115 = tpu.memref_slice %arg4[%gather3A_1112, %gather3A_1113, %gather3A_1114] : memref<2x8x1033xf32, #tpu.memory_space<vmem>> -> memref<1x8x1033xf32, #tpu.memory_space<vmem>>
        %gather3A_1116 = tpu.memref_squeeze %gather3A_1115 : memref<1x8x1033xf32, #tpu.memory_space<vmem>> -> memref<8x1033xf32, #tpu.memory_space<vmem>>
        %gather3A_1117 = tpu.vector_load_idx %gather3A_1116[%select_n3A_17, %add3A_1111] : memref<8x1033xf32, #tpu.memory_space<vmem>>[vector<16xi32>, vector<16xi32>], vector<16xf32>,
        %swap3A_1118 = arith.constant 1 : i32
        %swap3A_1119 = arith.index_cast %swap3A_1118 : i32 to index
        %swap3A_1120 = arith.index_cast %add3A_560 : i32 to index
        %swap3A_1121 = arith.constant 624 : index
        %swap3A_1122 = tpu.vector_load %arg5[%swap3A_1119, %swap3A_1120, %swap3A_1121] {strides = array<i32>} : memref<2x8x1024xf32, #tpu.memory_space<vmem>>, vector<16xf32>,
        tpu.vector_store %arg5[%swap3A_1119, %swap3A_1120, %swap3A_1121], %gather3A_1117 {strides = array<i32>} : memref<2x8x1024xf32, #tpu.memory_space<vmem>>, vector<16xf32>,
        %add3A_1123 = arith.constant 80 : i32
        %add3A_1124 = vector.broadcast %add3A_1123 : i32 to vector<16xi32>
        %add3A_1125 = arith.addi %add3A_564, %add3A_1124 : vector<16xi32>
        %gather3A_1126 = arith.constant 1 : i32
        %gather3A_1127 = arith.constant 0 : i32
        %gather3A_1128 = arith.constant 0 : i32
        %gather3A_1129 = tpu.memref_slice %arg4[%gather3A_1126, %gather3A_1127, %gather3A_1128] : memref<2x8x1033xf32, #tpu.memory_space<vmem>> -> memref<1x8x1033xf32, #tpu.memory_space<vmem>>
        %gather3A_1130 = tpu.memref_squeeze %gather3A_1129 : memref<1x8x1033xf32, #tpu.memory_space<vmem>> -> memref<8x1033xf32, #tpu.memory_space<vmem>>
        %gather3A_1131 = tpu.vector_load_idx %gather3A_1130[%select_n3A_17, %add3A_1125] : memref<8x1033xf32, #tpu.memory_space<vmem>>[vector<16xi32>, vector<16xi32>], vector<16xf32>,
        %swap3A_1132 = arith.constant 1 : i32
        %swap3A_1133 = arith.index_cast %swap3A_1132 : i32 to index
        %swap3A_1134 = arith.index_cast %add3A_560 : i32 to index
        %swap3A_1135 = arith.constant 640 : index
        %swap3A_1136 = tpu.vector_load %arg5[%swap3A_1133, %swap3A_1134, %swap3A_1135] {strides = array<i32>} : memref<2x8x1024xf32, #tpu.memory_space<vmem>>, vector<16xf32>,
        tpu.vector_store %arg5[%swap3A_1133, %swap3A_1134, %swap3A_1135], %gather3A_1131 {strides = array<i32>} : memref<2x8x1024xf32, #tpu.memory_space<vmem>>, vector<16xf32>,
        %add3A_1137 = arith.constant 82 : i32
        %add3A_1138 = vector.broadcast %add3A_1137 : i32 to vector<16xi32>
        %add3A_1139 = arith.addi %add3A_564, %add3A_1138 : vector<16xi32>
        %gather3A_1140 = arith.constant 1 : i32
        %gather3A_1141 = arith.constant 0 : i32
        %gather3A_1142 = arith.constant 0 : i32
        %gather3A_1143 = tpu.memref_slice %arg4[%gather3A_1140, %gather3A_1141, %gather3A_1142] : memref<2x8x1033xf32, #tpu.memory_space<vmem>> -> memref<1x8x1033xf32, #tpu.memory_space<vmem>>
        %gather3A_1144 = tpu.memref_squeeze %gather3A_1143 : memref<1x8x1033xf32, #tpu.memory_space<vmem>> -> memref<8x1033xf32, #tpu.memory_space<vmem>>
        %gather3A_1145 = tpu.vector_load_idx %gather3A_1144[%select_n3A_17, %add3A_1139] : memref<8x1033xf32, #tpu.memory_space<vmem>>[vector<16xi32>, vector<16xi32>], vector<16xf32>,
        %swap3A_1146 = arith.constant 1 : i32
        %swap3A_1147 = arith.index_cast %swap3A_1146 : i32 to index
        %swap3A_1148 = arith.index_cast %add3A_560 : i32 to index
        %swap3A_1149 = arith.constant 656 : index
        %swap3A_1150 = tpu.vector_load %arg5[%swap3A_1147, %swap3A_1148, %swap3A_1149] {strides = array<i32>} : memref<2x8x1024xf32, #tpu.memory_space<vmem>>, vector<16xf32>,
        tpu.vector_store %arg5[%swap3A_1147, %swap3A_1148, %swap3A_1149], %gather3A_1145 {strides = array<i32>} : memref<2x8x1024xf32, #tpu.memory_space<vmem>>, vector<16xf32>,
        %add3A_1151 = arith.constant 84 : i32
        %add3A_1152 = vector.broadcast %add3A_1151 : i32 to vector<16xi32>
        %add3A_1153 = arith.addi %add3A_564, %add3A_1152 : vector<16xi32>
        %gather3A_1154 = arith.constant 1 : i32
        %gather3A_1155 = arith.constant 0 : i32
        %gather3A_1156 = arith.constant 0 : i32
        %gather3A_1157 = tpu.memref_slice %arg4[%gather3A_1154, %gather3A_1155, %gather3A_1156] : memref<2x8x1033xf32, #tpu.memory_space<vmem>> -> memref<1x8x1033xf32, #tpu.memory_space<vmem>>
        %gather3A_1158 = tpu.memref_squeeze %gather3A_1157 : memref<1x8x1033xf32, #tpu.memory_space<vmem>> -> memref<8x1033xf32, #tpu.memory_space<vmem>>
        %gather3A_1159 = tpu.vector_load_idx %gather3A_1158[%select_n3A_17, %add3A_1153] : memref<8x1033xf32, #tpu.memory_space<vmem>>[vector<16xi32>, vector<16xi32>], vector<16xf32>,
        %swap3A_1160 = arith.constant 1 : i32
        %swap3A_1161 = arith.index_cast %swap3A_1160 : i32 to index
        %swap3A_1162 = arith.index_cast %add3A_560 : i32 to index
        %swap3A_1163 = arith.constant 672 : index
        %swap3A_1164 = tpu.vector_load %arg5[%swap3A_1161, %swap3A_1162, %swap3A_1163] {strides = array<i32>} : memref<2x8x1024xf32, #tpu.memory_space<vmem>>, vector<16xf32>,
        tpu.vector_store %arg5[%swap3A_1161, %swap3A_1162, %swap3A_1163], %gather3A_1159 {strides = array<i32>} : memref<2x8x1024xf32, #tpu.memory_space<vmem>>, vector<16xf32>,
        %add3A_1165 = arith.constant 86 : i32
        %add3A_1166 = vector.broadcast %add3A_1165 : i32 to vector<16xi32>
        %add3A_1167 = arith.addi %add3A_564, %add3A_1166 : vector<16xi32>
        %gather3A_1168 = arith.constant 1 : i32
        %gather3A_1169 = arith.constant 0 : i32
        %gather3A_1170 = arith.constant 0 : i32
        %gather3A_1171 = tpu.memref_slice %arg4[%gather3A_1168, %gather3A_1169, %gather3A_1170] : memref<2x8x1033xf32, #tpu.memory_space<vmem>> -> memref<1x8x1033xf32, #tpu.memory_space<vmem>>
        %gather3A_1172 = tpu.memref_squeeze %gather3A_1171 : memref<1x8x1033xf32, #tpu.memory_space<vmem>> -> memref<8x1033xf32, #tpu.memory_space<vmem>>
        %gather3A_1173 = tpu.vector_load_idx %gather3A_1172[%select_n3A_17, %add3A_1167] : memref<8x1033xf32, #tpu.memory_space<vmem>>[vector<16xi32>, vector<16xi32>], vector<16xf32>,
        %swap3A_1174 = arith.constant 1 : i32
        %swap3A_1175 = arith.index_cast %swap3A_1174 : i32 to index
        %swap3A_1176 = arith.index_cast %add3A_560 : i32 to index
        %swap3A_1177 = arith.constant 688 : index
        %swap3A_1178 = tpu.vector_load %arg5[%swap3A_1175, %swap3A_1176, %swap3A_1177] {strides = array<i32>} : memref<2x8x1024xf32, #tpu.memory_space<vmem>>, vector<16xf32>,
        tpu.vector_store %arg5[%swap3A_1175, %swap3A_1176, %swap3A_1177], %gather3A_1173 {strides = array<i32>} : memref<2x8x1024xf32, #tpu.memory_space<vmem>>, vector<16xf32>,
        %add3A_1179 = arith.constant 88 : i32
        %add3A_1180 = vector.broadcast %add3A_1179 : i32 to vector<16xi32>
        %add3A_1181 = arith.addi %add3A_564, %add3A_1180 : vector<16xi32>
        %gather3A_1182 = arith.constant 1 : i32
        %gather3A_1183 = arith.constant 0 : i32
        %gather3A_1184 = arith.constant 0 : i32
        %gather3A_1185 = tpu.memref_slice %arg4[%gather3A_1182, %gather3A_1183, %gather3A_1184] : memref<2x8x1033xf32, #tpu.memory_space<vmem>> -> memref<1x8x1033xf32, #tpu.memory_space<vmem>>
        %gather3A_1186 = tpu.memref_squeeze %gather3A_1185 : memref<1x8x1033xf32, #tpu.memory_space<vmem>> -> memref<8x1033xf32, #tpu.memory_space<vmem>>
        %gather3A_1187 = tpu.vector_load_idx %gather3A_1186[%select_n3A_17, %add3A_1181] : memref<8x1033xf32, #tpu.memory_space<vmem>>[vector<16xi32>, vector<16xi32>], vector<16xf32>,
        %swap3A_1188 = arith.constant 1 : i32
        %swap3A_1189 = arith.index_cast %swap3A_1188 : i32 to index
        %swap3A_1190 = arith.index_cast %add3A_560 : i32 to index
        %swap3A_1191 = arith.constant 704 : index
        %swap3A_1192 = tpu.vector_load %arg5[%swap3A_1189, %swap3A_1190, %swap3A_1191] {strides = array<i32>} : memref<2x8x1024xf32, #tpu.memory_space<vmem>>, vector<16xf32>,
        tpu.vector_store %arg5[%swap3A_1189, %swap3A_1190, %swap3A_1191], %gather3A_1187 {strides = array<i32>} : memref<2x8x1024xf32, #tpu.memory_space<vmem>>, vector<16xf32>,
        %add3A_1193 = arith.constant 90 : i32
        %add3A_1194 = vector.broadcast %add3A_1193 : i32 to vector<16xi32>
        %add3A_1195 = arith.addi %add3A_564, %add3A_1194 : vector<16xi32>
        %gather3A_1196 = arith.constant 1 : i32
        %gather3A_1197 = arith.constant 0 : i32
        %gather3A_1198 = arith.constant 0 : i32
        %gather3A_1199 = tpu.memref_slice %arg4[%gather3A_1196, %gather3A_1197, %gather3A_1198] : memref<2x8x1033xf32, #tpu.memory_space<vmem>> -> memref<1x8x1033xf32, #tpu.memory_space<vmem>>
        %gather3A_1200 = tpu.memref_squeeze %gather3A_1199 : memref<1x8x1033xf32, #tpu.memory_space<vmem>> -> memref<8x1033xf32, #tpu.memory_space<vmem>>
        %gather3A_1201 = tpu.vector_load_idx %gather3A_1200[%select_n3A_17, %add3A_1195] : memref<8x1033xf32, #tpu.memory_space<vmem>>[vector<16xi32>, vector<16xi32>], vector<16xf32>,
        %swap3A_1202 = arith.constant 1 : i32
        %swap3A_1203 = arith.index_cast %swap3A_1202 : i32 to index
        %swap3A_1204 = arith.index_cast %add3A_560 : i32 to index
        %swap3A_1205 = arith.constant 720 : index
        %swap3A_1206 = tpu.vector_load %arg5[%swap3A_1203, %swap3A_1204, %swap3A_1205] {strides = array<i32>} : memref<2x8x1024xf32, #tpu.memory_space<vmem>>, vector<16xf32>,
        tpu.vector_store %arg5[%swap3A_1203, %swap3A_1204, %swap3A_1205], %gather3A_1201 {strides = array<i32>} : memref<2x8x1024xf32, #tpu.memory_space<vmem>>, vector<16xf32>,
        %add3A_1207 = arith.constant 92 : i32
        %add3A_1208 = vector.broadcast %add3A_1207 : i32 to vector<16xi32>
        %add3A_1209 = arith.addi %add3A_564, %add3A_1208 : vector<16xi32>
        %gather3A_1210 = arith.constant 1 : i32
        %gather3A_1211 = arith.constant 0 : i32
        %gather3A_1212 = arith.constant 0 : i32
        %gather3A_1213 = tpu.memref_slice %arg4[%gather3A_1210, %gather3A_1211, %gather3A_1212] : memref<2x8x1033xf32, #tpu.memory_space<vmem>> -> memref<1x8x1033xf32, #tpu.memory_space<vmem>>
        %gather3A_1214 = tpu.memref_squeeze %gather3A_1213 : memref<1x8x1033xf32, #tpu.memory_space<vmem>> -> memref<8x1033xf32, #tpu.memory_space<vmem>>
        %gather3A_1215 = tpu.vector_load_idx %gather3A_1214[%select_n3A_17, %add3A_1209] : memref<8x1033xf32, #tpu.memory_space<vmem>>[vector<16xi32>, vector<16xi32>], vector<16xf32>,
        %swap3A_1216 = arith.constant 1 : i32
        %swap3A_1217 = arith.index_cast %swap3A_1216 : i32 to index
        %swap3A_1218 = arith.index_cast %add3A_560 : i32 to index
        %swap3A_1219 = arith.constant 736 : index
        %swap3A_1220 = tpu.vector_load %arg5[%swap3A_1217, %swap3A_1218, %swap3A_1219] {strides = array<i32>} : memref<2x8x1024xf32, #tpu.memory_space<vmem>>, vector<16xf32>,
        tpu.vector_store %arg5[%swap3A_1217, %swap3A_1218, %swap3A_1219], %gather3A_1215 {strides = array<i32>} : memref<2x8x1024xf32, #tpu.memory_space<vmem>>, vector<16xf32>,
        %add3A_1221 = arith.constant 94 : i32
        %add3A_1222 = vector.broadcast %add3A_1221 : i32 to vector<16xi32>
        %add3A_1223 = arith.addi %add3A_564, %add3A_1222 : vector<16xi32>
        %gather3A_1224 = arith.constant 1 : i32
        %gather3A_1225 = arith.constant 0 : i32
        %gather3A_1226 = arith.constant 0 : i32
        %gather3A_1227 = tpu.memref_slice %arg4[%gather3A_1224, %gather3A_1225, %gather3A_1226] : memref<2x8x1033xf32, #tpu.memory_space<vmem>> -> memref<1x8x1033xf32, #tpu.memory_space<vmem>>
        %gather3A_1228 = tpu.memref_squeeze %gather3A_1227 : memref<1x8x1033xf32, #tpu.memory_space<vmem>> -> memref<8x1033xf32, #tpu.memory_space<vmem>>
        %gather3A_1229 = tpu.vector_load_idx %gather3A_1228[%select_n3A_17, %add3A_1223] : memref<8x1033xf32, #tpu.memory_space<vmem>>[vector<16xi32>, vector<16xi32>], vector<16xf32>,
        %swap3A_1230 = arith.constant 1 : i32
        %swap3A_1231 = arith.index_cast %swap3A_1230 : i32 to index
        %swap3A_1232 = arith.index_cast %add3A_560 : i32 to index
        %swap3A_1233 = arith.constant 752 : index
        %swap3A_1234 = tpu.vector_load %arg5[%swap3A_1231, %swap3A_1232, %swap3A_1233] {strides = array<i32>} : memref<2x8x1024xf32, #tpu.memory_space<vmem>>, vector<16xf32>,
        tpu.vector_store %arg5[%swap3A_1231, %swap3A_1232, %swap3A_1233], %gather3A_1229 {strides = array<i32>} : memref<2x8x1024xf32, #tpu.memory_space<vmem>>, vector<16xf32>,
        %add3A_1235 = arith.constant 96 : i32
        %add3A_1236 = vector.broadcast %add3A_1235 : i32 to vector<16xi32>
        %add3A_1237 = arith.addi %add3A_564, %add3A_1236 : vector<16xi32>
        %gather3A_1238 = arith.constant 1 : i32
        %gather3A_1239 = arith.constant 0 : i32
        %gather3A_1240 = arith.constant 0 : i32
        %gather3A_1241 = tpu.memref_slice %arg4[%gather3A_1238, %gather3A_1239, %gather3A_1240] : memref<2x8x1033xf32, #tpu.memory_space<vmem>> -> memref<1x8x1033xf32, #tpu.memory_space<vmem>>
        %gather3A_1242 = tpu.memref_squeeze %gather3A_1241 : memref<1x8x1033xf32, #tpu.memory_space<vmem>> -> memref<8x1033xf32, #tpu.memory_space<vmem>>
        %gather3A_1243 = tpu.vector_load_idx %gather3A_1242[%select_n3A_17, %add3A_1237] : memref<8x1033xf32, #tpu.memory_space<vmem>>[vector<16xi32>, vector<16xi32>], vector<16xf32>,
        %swap3A_1244 = arith.constant 1 : i32
        %swap3A_1245 = arith.index_cast %swap3A_1244 : i32 to index
        %swap3A_1246 = arith.index_cast %add3A_560 : i32 to index
        %swap3A_1247 = arith.constant 768 : index
        %swap3A_1248 = tpu.vector_load %arg5[%swap3A_1245, %swap3A_1246, %swap3A_1247] {strides = array<i32>} : memref<2x8x1024xf32, #tpu.memory_space<vmem>>, vector<16xf32>,
        tpu.vector_store %arg5[%swap3A_1245, %swap3A_1246, %swap3A_1247], %gather3A_1243 {strides = array<i32>} : memref<2x8x1024xf32, #tpu.memory_space<vmem>>, vector<16xf32>,
        %add3A_1249 = arith.constant 98 : i32
        %add3A_1250 = vector.broadcast %add3A_1249 : i32 to vector<16xi32>
        %add3A_1251 = arith.addi %add3A_564, %add3A_1250 : vector<16xi32>
        %gather3A_1252 = arith.constant 1 : i32
        %gather3A_1253 = arith.constant 0 : i32
        %gather3A_1254 = arith.constant 0 : i32
        %gather3A_1255 = tpu.memref_slice %arg4[%gather3A_1252, %gather3A_1253, %gather3A_1254] : memref<2x8x1033xf32, #tpu.memory_space<vmem>> -> memref<1x8x1033xf32, #tpu.memory_space<vmem>>
        %gather3A_1256 = tpu.memref_squeeze %gather3A_1255 : memref<1x8x1033xf32, #tpu.memory_space<vmem>> -> memref<8x1033xf32, #tpu.memory_space<vmem>>
        %gather3A_1257 = tpu.vector_load_idx %gather3A_1256[%select_n3A_17, %add3A_1251] : memref<8x1033xf32, #tpu.memory_space<vmem>>[vector<16xi32>, vector<16xi32>], vector<16xf32>,
        %swap3A_1258 = arith.constant 1 : i32
        %swap3A_1259 = arith.index_cast %swap3A_1258 : i32 to index
        %swap3A_1260 = arith.index_cast %add3A_560 : i32 to index
        %swap3A_1261 = arith.constant 784 : index
        %swap3A_1262 = tpu.vector_load %arg5[%swap3A_1259, %swap3A_1260, %swap3A_1261] {strides = array<i32>} : memref<2x8x1024xf32, #tpu.memory_space<vmem>>, vector<16xf32>,
        tpu.vector_store %arg5[%swap3A_1259, %swap3A_1260, %swap3A_1261], %gather3A_1257 {strides = array<i32>} : memref<2x8x1024xf32, #tpu.memory_space<vmem>>, vector<16xf32>,
        %add3A_1263 = arith.constant 100 : i32
        %add3A_1264 = vector.broadcast %add3A_1263 : i32 to vector<16xi32>
        %add3A_1265 = arith.addi %add3A_564, %add3A_1264 : vector<16xi32>
        %gather3A_1266 = arith.constant 1 : i32
        %gather3A_1267 = arith.constant 0 : i32
        %gather3A_1268 = arith.constant 0 : i32
        %gather3A_1269 = tpu.memref_slice %arg4[%gather3A_1266, %gather3A_1267, %gather3A_1268] : memref<2x8x1033xf32, #tpu.memory_space<vmem>> -> memref<1x8x1033xf32, #tpu.memory_space<vmem>>
        %gather3A_1270 = tpu.memref_squeeze %gather3A_1269 : memref<1x8x1033xf32, #tpu.memory_space<vmem>> -> memref<8x1033xf32, #tpu.memory_space<vmem>>
        %gather3A_1271 = tpu.vector_load_idx %gather3A_1270[%select_n3A_17, %add3A_1265] : memref<8x1033xf32, #tpu.memory_space<vmem>>[vector<16xi32>, vector<16xi32>], vector<16xf32>,
        %swap3A_1272 = arith.constant 1 : i32
        %swap3A_1273 = arith.index_cast %swap3A_1272 : i32 to index
        %swap3A_1274 = arith.index_cast %add3A_560 : i32 to index
        %swap3A_1275 = arith.constant 800 : index
        %swap3A_1276 = tpu.vector_load %arg5[%swap3A_1273, %swap3A_1274, %swap3A_1275] {strides = array<i32>} : memref<2x8x1024xf32, #tpu.memory_space<vmem>>, vector<16xf32>,
        tpu.vector_store %arg5[%swap3A_1273, %swap3A_1274, %swap3A_1275], %gather3A_1271 {strides = array<i32>} : memref<2x8x1024xf32, #tpu.memory_space<vmem>>, vector<16xf32>,
        %add3A_1277 = arith.constant 102 : i32
        %add3A_1278 = vector.broadcast %add3A_1277 : i32 to vector<16xi32>
        %add3A_1279 = arith.addi %add3A_564, %add3A_1278 : vector<16xi32>
        %gather3A_1280 = arith.constant 1 : i32
        %gather3A_1281 = arith.constant 0 : i32
        %gather3A_1282 = arith.constant 0 : i32
        %gather3A_1283 = tpu.memref_slice %arg4[%gather3A_1280, %gather3A_1281, %gather3A_1282] : memref<2x8x1033xf32, #tpu.memory_space<vmem>> -> memref<1x8x1033xf32, #tpu.memory_space<vmem>>
        %gather3A_1284 = tpu.memref_squeeze %gather3A_1283 : memref<1x8x1033xf32, #tpu.memory_space<vmem>> -> memref<8x1033xf32, #tpu.memory_space<vmem>>
        %gather3A_1285 = tpu.vector_load_idx %gather3A_1284[%select_n3A_17, %add3A_1279] : memref<8x1033xf32, #tpu.memory_space<vmem>>[vector<16xi32>, vector<16xi32>], vector<16xf32>,
        %swap3A_1286 = arith.constant 1 : i32
        %swap3A_1287 = arith.index_cast %swap3A_1286 : i32 to index
        %swap3A_1288 = arith.index_cast %add3A_560 : i32 to index
        %swap3A_1289 = arith.constant 816 : index
        %swap3A_1290 = tpu.vector_load %arg5[%swap3A_1287, %swap3A_1288, %swap3A_1289] {strides = array<i32>} : memref<2x8x1024xf32, #tpu.memory_space<vmem>>, vector<16xf32>,
        tpu.vector_store %arg5[%swap3A_1287, %swap3A_1288, %swap3A_1289], %gather3A_1285 {strides = array<i32>} : memref<2x8x1024xf32, #tpu.memory_space<vmem>>, vector<16xf32>,
        %add3A_1291 = arith.constant 104 : i32
        %add3A_1292 = vector.broadcast %add3A_1291 : i32 to vector<16xi32>
        %add3A_1293 = arith.addi %add3A_564, %add3A_1292 : vector<16xi32>
        %gather3A_1294 = arith.constant 1 : i32
        %gather3A_1295 = arith.constant 0 : i32
        %gather3A_1296 = arith.constant 0 : i32
        %gather3A_1297 = tpu.memref_slice %arg4[%gather3A_1294, %gather3A_1295, %gather3A_1296] : memref<2x8x1033xf32, #tpu.memory_space<vmem>> -> memref<1x8x1033xf32, #tpu.memory_space<vmem>>
        %gather3A_1298 = tpu.memref_squeeze %gather3A_1297 : memref<1x8x1033xf32, #tpu.memory_space<vmem>> -> memref<8x1033xf32, #tpu.memory_space<vmem>>
        %gather3A_1299 = tpu.vector_load_idx %gather3A_1298[%select_n3A_17, %add3A_1293] : memref<8x1033xf32, #tpu.memory_space<vmem>>[vector<16xi32>, vector<16xi32>], vector<16xf32>,
        %swap3A_1300 = arith.constant 1 : i32
        %swap3A_1301 = arith.index_cast %swap3A_1300 : i32 to index
        %swap3A_1302 = arith.index_cast %add3A_560 : i32 to index
        %swap3A_1303 = arith.constant 832 : index
        %swap3A_1304 = tpu.vector_load %arg5[%swap3A_1301, %swap3A_1302, %swap3A_1303] {strides = array<i32>} : memref<2x8x1024xf32, #tpu.memory_space<vmem>>, vector<16xf32>,
        tpu.vector_store %arg5[%swap3A_1301, %swap3A_1302, %swap3A_1303], %gather3A_1299 {strides = array<i32>} : memref<2x8x1024xf32, #tpu.memory_space<vmem>>, vector<16xf32>,
        %add3A_1305 = arith.constant 106 : i32
        %add3A_1306 = vector.broadcast %add3A_1305 : i32 to vector<16xi32>
        %add3A_1307 = arith.addi %add3A_564, %add3A_1306 : vector<16xi32>
        %gather3A_1308 = arith.constant 1 : i32
        %gather3A_1309 = arith.constant 0 : i32
        %gather3A_1310 = arith.constant 0 : i32
        %gather3A_1311 = tpu.memref_slice %arg4[%gather3A_1308, %gather3A_1309, %gather3A_1310] : memref<2x8x1033xf32, #tpu.memory_space<vmem>> -> memref<1x8x1033xf32, #tpu.memory_space<vmem>>
        %gather3A_1312 = tpu.memref_squeeze %gather3A_1311 : memref<1x8x1033xf32, #tpu.memory_space<vmem>> -> memref<8x1033xf32, #tpu.memory_space<vmem>>
        %gather3A_1313 = tpu.vector_load_idx %gather3A_1312[%select_n3A_17, %add3A_1307] : memref<8x1033xf32, #tpu.memory_space<vmem>>[vector<16xi32>, vector<16xi32>], vector<16xf32>,
        %swap3A_1314 = arith.constant 1 : i32
        %swap3A_1315 = arith.index_cast %swap3A_1314 : i32 to index
        %swap3A_1316 = arith.index_cast %add3A_560 : i32 to index
        %swap3A_1317 = arith.constant 848 : index
        %swap3A_1318 = tpu.vector_load %arg5[%swap3A_1315, %swap3A_1316, %swap3A_1317] {strides = array<i32>} : memref<2x8x1024xf32, #tpu.memory_space<vmem>>, vector<16xf32>,
        tpu.vector_store %arg5[%swap3A_1315, %swap3A_1316, %swap3A_1317], %gather3A_1313 {strides = array<i32>} : memref<2x8x1024xf32, #tpu.memory_space<vmem>>, vector<16xf32>,
        %add3A_1319 = arith.constant 108 : i32
        %add3A_1320 = vector.broadcast %add3A_1319 : i32 to vector<16xi32>
        %add3A_1321 = arith.addi %add3A_564, %add3A_1320 : vector<16xi32>
        %gather3A_1322 = arith.constant 1 : i32
        %gather3A_1323 = arith.constant 0 : i32
        %gather3A_1324 = arith.constant 0 : i32
        %gather3A_1325 = tpu.memref_slice %arg4[%gather3A_1322, %gather3A_1323, %gather3A_1324] : memref<2x8x1033xf32, #tpu.memory_space<vmem>> -> memref<1x8x1033xf32, #tpu.memory_space<vmem>>
        %gather3A_1326 = tpu.memref_squeeze %gather3A_1325 : memref<1x8x1033xf32, #tpu.memory_space<vmem>> -> memref<8x1033xf32, #tpu.memory_space<vmem>>
        %gather3A_1327 = tpu.vector_load_idx %gather3A_1326[%select_n3A_17, %add3A_1321] : memref<8x1033xf32, #tpu.memory_space<vmem>>[vector<16xi32>, vector<16xi32>], vector<16xf32>,
        %swap3A_1328 = arith.constant 1 : i32
        %swap3A_1329 = arith.index_cast %swap3A_1328 : i32 to index
        %swap3A_1330 = arith.index_cast %add3A_560 : i32 to index
        %swap3A_1331 = arith.constant 864 : index
        %swap3A_1332 = tpu.vector_load %arg5[%swap3A_1329, %swap3A_1330, %swap3A_1331] {strides = array<i32>} : memref<2x8x1024xf32, #tpu.memory_space<vmem>>, vector<16xf32>,
        tpu.vector_store %arg5[%swap3A_1329, %swap3A_1330, %swap3A_1331], %gather3A_1327 {strides = array<i32>} : memref<2x8x1024xf32, #tpu.memory_space<vmem>>, vector<16xf32>,
        %add3A_1333 = arith.constant 110 : i32
        %add3A_1334 = vector.broadcast %add3A_1333 : i32 to vector<16xi32>
        %add3A_1335 = arith.addi %add3A_564, %add3A_1334 : vector<16xi32>
        %gather3A_1336 = arith.constant 1 : i32
        %gather3A_1337 = arith.constant 0 : i32
        %gather3A_1338 = arith.constant 0 : i32
        %gather3A_1339 = tpu.memref_slice %arg4[%gather3A_1336, %gather3A_1337, %gather3A_1338] : memref<2x8x1033xf32, #tpu.memory_space<vmem>> -> memref<1x8x1033xf32, #tpu.memory_space<vmem>>
        %gather3A_1340 = tpu.memref_squeeze %gather3A_1339 : memref<1x8x1033xf32, #tpu.memory_space<vmem>> -> memref<8x1033xf32, #tpu.memory_space<vmem>>
        %gather3A_1341 = tpu.vector_load_idx %gather3A_1340[%select_n3A_17, %add3A_1335] : memref<8x1033xf32, #tpu.memory_space<vmem>>[vector<16xi32>, vector<16xi32>], vector<16xf32>,
        %swap3A_1342 = arith.constant 1 : i32
        %swap3A_1343 = arith.index_cast %swap3A_1342 : i32 to index
        %swap3A_1344 = arith.index_cast %add3A_560 : i32 to index
        %swap3A_1345 = arith.constant 880 : index
        %swap3A_1346 = tpu.vector_load %arg5[%swap3A_1343, %swap3A_1344, %swap3A_1345] {strides = array<i32>} : memref<2x8x1024xf32, #tpu.memory_space<vmem>>, vector<16xf32>,
        tpu.vector_store %arg5[%swap3A_1343, %swap3A_1344, %swap3A_1345], %gather3A_1341 {strides = array<i32>} : memref<2x8x1024xf32, #tpu.memory_space<vmem>>, vector<16xf32>,
        %add3A_1347 = arith.constant 112 : i32
        %add3A_1348 = vector.broadcast %add3A_1347 : i32 to vector<16xi32>
        %add3A_1349 = arith.addi %add3A_564, %add3A_1348 : vector<16xi32>
        %gather3A_1350 = arith.constant 1 : i32
        %gather3A_1351 = arith.constant 0 : i32
        %gather3A_1352 = arith.constant 0 : i32
        %gather3A_1353 = tpu.memref_slice %arg4[%gather3A_1350, %gather3A_1351, %gather3A_1352] : memref<2x8x1033xf32, #tpu.memory_space<vmem>> -> memref<1x8x1033xf32, #tpu.memory_space<vmem>>
        %gather3A_1354 = tpu.memref_squeeze %gather3A_1353 : memref<1x8x1033xf32, #tpu.memory_space<vmem>> -> memref<8x1033xf32, #tpu.memory_space<vmem>>
        %gather3A_1355 = tpu.vector_load_idx %gather3A_1354[%select_n3A_17, %add3A_1349] : memref<8x1033xf32, #tpu.memory_space<vmem>>[vector<16xi32>, vector<16xi32>], vector<16xf32>,
        %swap3A_1356 = arith.constant 1 : i32
        %swap3A_1357 = arith.index_cast %swap3A_1356 : i32 to index
        %swap3A_1358 = arith.index_cast %add3A_560 : i32 to index
        %swap3A_1359 = arith.constant 896 : index
        %swap3A_1360 = tpu.vector_load %arg5[%swap3A_1357, %swap3A_1358, %swap3A_1359] {strides = array<i32>} : memref<2x8x1024xf32, #tpu.memory_space<vmem>>, vector<16xf32>,
        tpu.vector_store %arg5[%swap3A_1357, %swap3A_1358, %swap3A_1359], %gather3A_1355 {strides = array<i32>} : memref<2x8x1024xf32, #tpu.memory_space<vmem>>, vector<16xf32>,
        %add3A_1361 = arith.constant 114 : i32
        %add3A_1362 = vector.broadcast %add3A_1361 : i32 to vector<16xi32>
        %add3A_1363 = arith.addi %add3A_564, %add3A_1362 : vector<16xi32>
        %gather3A_1364 = arith.constant 1 : i32
        %gather3A_1365 = arith.constant 0 : i32
        %gather3A_1366 = arith.constant 0 : i32
        %gather3A_1367 = tpu.memref_slice %arg4[%gather3A_1364, %gather3A_1365, %gather3A_1366] : memref<2x8x1033xf32, #tpu.memory_space<vmem>> -> memref<1x8x1033xf32, #tpu.memory_space<vmem>>
        %gather3A_1368 = tpu.memref_squeeze %gather3A_1367 : memref<1x8x1033xf32, #tpu.memory_space<vmem>> -> memref<8x1033xf32, #tpu.memory_space<vmem>>
        %gather3A_1369 = tpu.vector_load_idx %gather3A_1368[%select_n3A_17, %add3A_1363] : memref<8x1033xf32, #tpu.memory_space<vmem>>[vector<16xi32>, vector<16xi32>], vector<16xf32>,
        %swap3A_1370 = arith.constant 1 : i32
        %swap3A_1371 = arith.index_cast %swap3A_1370 : i32 to index
        %swap3A_1372 = arith.index_cast %add3A_560 : i32 to index
        %swap3A_1373 = arith.constant 912 : index
        %swap3A_1374 = tpu.vector_load %arg5[%swap3A_1371, %swap3A_1372, %swap3A_1373] {strides = array<i32>} : memref<2x8x1024xf32, #tpu.memory_space<vmem>>, vector<16xf32>,
        tpu.vector_store %arg5[%swap3A_1371, %swap3A_1372, %swap3A_1373], %gather3A_1369 {strides = array<i32>} : memref<2x8x1024xf32, #tpu.memory_space<vmem>>, vector<16xf32>,
        %add3A_1375 = arith.constant 116 : i32
        %add3A_1376 = vector.broadcast %add3A_1375 : i32 to vector<16xi32>
        %add3A_1377 = arith.addi %add3A_564, %add3A_1376 : vector<16xi32>
        %gather3A_1378 = arith.constant 1 : i32
        %gather3A_1379 = arith.constant 0 : i32
        %gather3A_1380 = arith.constant 0 : i32
        %gather3A_1381 = tpu.memref_slice %arg4[%gather3A_1378, %gather3A_1379, %gather3A_1380] : memref<2x8x1033xf32, #tpu.memory_space<vmem>> -> memref<1x8x1033xf32, #tpu.memory_space<vmem>>
        %gather3A_1382 = tpu.memref_squeeze %gather3A_1381 : memref<1x8x1033xf32, #tpu.memory_space<vmem>> -> memref<8x1033xf32, #tpu.memory_space<vmem>>
        %gather3A_1383 = tpu.vector_load_idx %gather3A_1382[%select_n3A_17, %add3A_1377] : memref<8x1033xf32, #tpu.memory_space<vmem>>[vector<16xi32>, vector<16xi32>], vector<16xf32>,
        %swap3A_1384 = arith.constant 1 : i32
        %swap3A_1385 = arith.index_cast %swap3A_1384 : i32 to index
        %swap3A_1386 = arith.index_cast %add3A_560 : i32 to index
        %swap3A_1387 = arith.constant 928 : index
        %swap3A_1388 = tpu.vector_load %arg5[%swap3A_1385, %swap3A_1386, %swap3A_1387] {strides = array<i32>} : memref<2x8x1024xf32, #tpu.memory_space<vmem>>, vector<16xf32>,
        tpu.vector_store %arg5[%swap3A_1385, %swap3A_1386, %swap3A_1387], %gather3A_1383 {strides = array<i32>} : memref<2x8x1024xf32, #tpu.memory_space<vmem>>, vector<16xf32>,
        %add3A_1389 = arith.constant 118 : i32
        %add3A_1390 = vector.broadcast %add3A_1389 : i32 to vector<16xi32>
        %add3A_1391 = arith.addi %add3A_564, %add3A_1390 : vector<16xi32>
        %gather3A_1392 = arith.constant 1 : i32
        %gather3A_1393 = arith.constant 0 : i32
        %gather3A_1394 = arith.constant 0 : i32
        %gather3A_1395 = tpu.memref_slice %arg4[%gather3A_1392, %gather3A_1393, %gather3A_1394] : memref<2x8x1033xf32, #tpu.memory_space<vmem>> -> memref<1x8x1033xf32, #tpu.memory_space<vmem>>
        %gather3A_1396 = tpu.memref_squeeze %gather3A_1395 : memref<1x8x1033xf32, #tpu.memory_space<vmem>> -> memref<8x1033xf32, #tpu.memory_space<vmem>>
        %gather3A_1397 = tpu.vector_load_idx %gather3A_1396[%select_n3A_17, %add3A_1391] : memref<8x1033xf32, #tpu.memory_space<vmem>>[vector<16xi32>, vector<16xi32>], vector<16xf32>,
        %swap3A_1398 = arith.constant 1 : i32
        %swap3A_1399 = arith.index_cast %swap3A_1398 : i32 to index
        %swap3A_1400 = arith.index_cast %add3A_560 : i32 to index
        %swap3A_1401 = arith.constant 944 : index
        %swap3A_1402 = tpu.vector_load %arg5[%swap3A_1399, %swap3A_1400, %swap3A_1401] {strides = array<i32>} : memref<2x8x1024xf32, #tpu.memory_space<vmem>>, vector<16xf32>,
        tpu.vector_store %arg5[%swap3A_1399, %swap3A_1400, %swap3A_1401], %gather3A_1397 {strides = array<i32>} : memref<2x8x1024xf32, #tpu.memory_space<vmem>>, vector<16xf32>,
        %add3A_1403 = arith.constant 120 : i32
        %add3A_1404 = vector.broadcast %add3A_1403 : i32 to vector<16xi32>
        %add3A_1405 = arith.addi %add3A_564, %add3A_1404 : vector<16xi32>
        %gather3A_1406 = arith.constant 1 : i32
        %gather3A_1407 = arith.constant 0 : i32
        %gather3A_1408 = arith.constant 0 : i32
        %gather3A_1409 = tpu.memref_slice %arg4[%gather3A_1406, %gather3A_1407, %gather3A_1408] : memref<2x8x1033xf32, #tpu.memory_space<vmem>> -> memref<1x8x1033xf32, #tpu.memory_space<vmem>>
        %gather3A_1410 = tpu.memref_squeeze %gather3A_1409 : memref<1x8x1033xf32, #tpu.memory_space<vmem>> -> memref<8x1033xf32, #tpu.memory_space<vmem>>
        %gather3A_1411 = tpu.vector_load_idx %gather3A_1410[%select_n3A_17, %add3A_1405] : memref<8x1033xf32, #tpu.memory_space<vmem>>[vector<16xi32>, vector<16xi32>], vector<16xf32>,
        %swap3A_1412 = arith.constant 1 : i32
        %swap3A_1413 = arith.index_cast %swap3A_1412 : i32 to index
        %swap3A_1414 = arith.index_cast %add3A_560 : i32 to index
        %swap3A_1415 = arith.constant 960 : index
        %swap3A_1416 = tpu.vector_load %arg5[%swap3A_1413, %swap3A_1414, %swap3A_1415] {strides = array<i32>} : memref<2x8x1024xf32, #tpu.memory_space<vmem>>, vector<16xf32>,
        tpu.vector_store %arg5[%swap3A_1413, %swap3A_1414, %swap3A_1415], %gather3A_1411 {strides = array<i32>} : memref<2x8x1024xf32, #tpu.memory_space<vmem>>, vector<16xf32>,
        %add3A_1417 = arith.constant 122 : i32
        %add3A_1418 = vector.broadcast %add3A_1417 : i32 to vector<16xi32>
        %add3A_1419 = arith.addi %add3A_564, %add3A_1418 : vector<16xi32>
        %gather3A_1420 = arith.constant 1 : i32
        %gather3A_1421 = arith.constant 0 : i32
        %gather3A_1422 = arith.constant 0 : i32
        %gather3A_1423 = tpu.memref_slice %arg4[%gather3A_1420, %gather3A_1421, %gather3A_1422] : memref<2x8x1033xf32, #tpu.memory_space<vmem>> -> memref<1x8x1033xf32, #tpu.memory_space<vmem>>
        %gather3A_1424 = tpu.memref_squeeze %gather3A_1423 : memref<1x8x1033xf32, #tpu.memory_space<vmem>> -> memref<8x1033xf32, #tpu.memory_space<vmem>>
        %gather3A_1425 = tpu.vector_load_idx %gather3A_1424[%select_n3A_17, %add3A_1419] : memref<8x1033xf32, #tpu.memory_space<vmem>>[vector<16xi32>, vector<16xi32>], vector<16xf32>,
        %swap3A_1426 = arith.constant 1 : i32
        %swap3A_1427 = arith.index_cast %swap3A_1426 : i32 to index
        %swap3A_1428 = arith.index_cast %add3A_560 : i32 to index
        %swap3A_1429 = arith.constant 976 : index
        %swap3A_1430 = tpu.vector_load %arg5[%swap3A_1427, %swap3A_1428, %swap3A_1429] {strides = array<i32>} : memref<2x8x1024xf32, #tpu.memory_space<vmem>>, vector<16xf32>,
        tpu.vector_store %arg5[%swap3A_1427, %swap3A_1428, %swap3A_1429], %gather3A_1425 {strides = array<i32>} : memref<2x8x1024xf32, #tpu.memory_space<vmem>>, vector<16xf32>,
        %add3A_1431 = arith.constant 124 : i32
        %add3A_1432 = vector.broadcast %add3A_1431 : i32 to vector<16xi32>
        %add3A_1433 = arith.addi %add3A_564, %add3A_1432 : vector<16xi32>
        %gather3A_1434 = arith.constant 1 : i32
        %gather3A_1435 = arith.constant 0 : i32
        %gather3A_1436 = arith.constant 0 : i32
        %gather3A_1437 = tpu.memref_slice %arg4[%gather3A_1434, %gather3A_1435, %gather3A_1436] : memref<2x8x1033xf32, #tpu.memory_space<vmem>> -> memref<1x8x1033xf32, #tpu.memory_space<vmem>>
        %gather3A_1438 = tpu.memref_squeeze %gather3A_1437 : memref<1x8x1033xf32, #tpu.memory_space<vmem>> -> memref<8x1033xf32, #tpu.memory_space<vmem>>
        %gather3A_1439 = tpu.vector_load_idx %gather3A_1438[%select_n3A_17, %add3A_1433] : memref<8x1033xf32, #tpu.memory_space<vmem>>[vector<16xi32>, vector<16xi32>], vector<16xf32>,
        %swap3A_1440 = arith.constant 1 : i32
        %swap3A_1441 = arith.index_cast %swap3A_1440 : i32 to index
        %swap3A_1442 = arith.index_cast %add3A_560 : i32 to index
        %swap3A_1443 = arith.constant 992 : index
        %swap3A_1444 = tpu.vector_load %arg5[%swap3A_1441, %swap3A_1442, %swap3A_1443] {strides = array<i32>} : memref<2x8x1024xf32, #tpu.memory_space<vmem>>, vector<16xf32>,
        tpu.vector_store %arg5[%swap3A_1441, %swap3A_1442, %swap3A_1443], %gather3A_1439 {strides = array<i32>} : memref<2x8x1024xf32, #tpu.memory_space<vmem>>, vector<16xf32>,
        %add3A_1445 = arith.constant 126 : i32
        %add3A_1446 = vector.broadcast %add3A_1445 : i32 to vector<16xi32>
        %add3A_1447 = arith.addi %add3A_564, %add3A_1446 : vector<16xi32>
        %gather3A_1448 = arith.constant 1 : i32
        %gather3A_1449 = arith.constant 0 : i32
        %gather3A_1450 = arith.constant 0 : i32
        %gather3A_1451 = tpu.memref_slice %arg4[%gather3A_1448, %gather3A_1449, %gather3A_1450] : memref<2x8x1033xf32, #tpu.memory_space<vmem>> -> memref<1x8x1033xf32, #tpu.memory_space<vmem>>
        %gather3A_1452 = tpu.memref_squeeze %gather3A_1451 : memref<1x8x1033xf32, #tpu.memory_space<vmem>> -> memref<8x1033xf32, #tpu.memory_space<vmem>>
        %gather3A_1453 = tpu.vector_load_idx %gather3A_1452[%select_n3A_17, %add3A_1447] : memref<8x1033xf32, #tpu.memory_space<vmem>>[vector<16xi32>, vector<16xi32>], vector<16xf32>,
        %swap3A_1454 = arith.constant 1 : i32
        %swap3A_1455 = arith.index_cast %swap3A_1454 : i32 to index
        %swap3A_1456 = arith.index_cast %add3A_560 : i32 to index
        %swap3A_1457 = arith.constant 1008 : index
        %swap3A_1458 = tpu.vector_load %arg5[%swap3A_1455, %swap3A_1456, %swap3A_1457] {strides = array<i32>} : memref<2x8x1024xf32, #tpu.memory_space<vmem>>, vector<16xf32>,
        tpu.vector_store %arg5[%swap3A_1455, %swap3A_1456, %swap3A_1457], %gather3A_1453 {strides = array<i32>} : memref<2x8x1024xf32, #tpu.memory_space<vmem>>, vector<16xf32>,
      }
      %scan3A_490 = arith.constant 8 : i32
      %add3A_491 = arith.constant 2 : i32
      %add3A_492 = arith.addi %add3A_422, %add3A_491 : i32
      %lt3A_493 = arith.constant 128 : i32
      %lt3A_494 = arith.cmpi slt, %add3A_492, %lt3A_493 : i32
      %convert_element_type3A_495 = arith.extui %lt3A_494 : i1 to i32
      %cond3A_496 = arith.constant 0 : i32
      %cond3A_497 = arith.cmpi ne, %convert_element_type3A_495, %cond3A_496 : i32
      scf.if %cond3A_497 {
        %add3A_556 = arith.constant 2 : i32
        %add3A_557 = arith.addi %add3A_422, %add3A_556 : i32
        %add3A_558 = arith.addi %mul3A_2, %add3A_557 : i32
        %jit3A_559 = arith.constant 16 : i32
        %div3A_560 = arith.divsi %add3A_558, %jit3A_559 : i32
        %sign3A_561 = arith.constant 0 : i32
        %sign3A_562 = arith.cmpi sgt, %add3A_558, %sign3A_561 : i32
        %sign3A_563 = arith.extui %sign3A_562 : i1 to i32
        %sign3A_564 = arith.constant 0 : i32
        %sign3A_565 = arith.cmpi slt, %add3A_558, %sign3A_564 : i32
        %sign3A_566 = arith.extui %sign3A_565 : i1 to i32
        %sign3A_567 = arith.subi %sign3A_563, %sign3A_566 : i32
        %sign3A_568 = arith.constant 0 : i32
        %sign3A_569 = arith.cmpi sgt, %jit3A_559, %sign3A_568 : i32
        %sign3A_570 = arith.extui %sign3A_569 : i1 to i32
        %sign3A_571 = arith.constant 0 : i32
        %sign3A_572 = arith.cmpi slt, %jit3A_559, %sign3A_571 : i32
        %sign3A_573 = arith.extui %sign3A_572 : i1 to i32
        %sign3A_574 = arith.subi %sign3A_570, %sign3A_573 : i32
        %ne3A_575 = arith.cmpi ne, %sign3A_567, %sign3A_574 : i32
        %rem3A_576 = arith.remsi %add3A_558, %jit3A_559 : i32
        %ne3A_577 = arith.constant 0 : i32
        %ne3A_578 = arith.cmpi ne, %rem3A_576, %ne3A_577 : i32
        %and3A_579 = arith.andi %ne3A_575, %ne3A_578 : i1
        %sub3A_580 = arith.constant 1 : i32
        %sub3A_581 = arith.subi %div3A_560, %sub3A_580 : i32
        %select_n3A_582 = arith.select %and3A_579, %sub3A_581, %div3A_560 : i32
        %jit3A_583 = arith.constant 16 : i32
        %eq3A_584 = arith.constant 0 : i32
        %eq3A_585 = arith.cmpi eq, %jit3A_583, %eq3A_584 : i32
        %jit3A_586 = arith.constant 1 : i32
        %select_n3A_587 = arith.select %eq3A_585, %jit3A_586, %jit3A_583 : i32
        %rem3A_588 = arith.remsi %add3A_558, %select_n3A_587 : i32
        %ne3A_589 = arith.constant 0 : i32
        %ne3A_590 = arith.cmpi ne, %rem3A_588, %ne3A_589 : i32
        %lt3A_591 = arith.constant 0 : i32
        %lt3A_592 = arith.cmpi slt, %rem3A_588, %lt3A_591 : i32
        %lt3A_593 = arith.constant 0 : i32
        %lt3A_594 = arith.cmpi slt, %select_n3A_587, %lt3A_593 : i32
        %ne3A_595 = arith.xori %lt3A_592, %lt3A_594 : i1
        %and3A_596 = arith.andi %ne3A_595, %ne3A_590 : i1
        %add3A_597 = arith.addi %rem3A_588, %select_n3A_587 : i32
        %select_n3A_598 = arith.select %and3A_596, %add3A_597, %rem3A_588 : i32
        %dma_start3A_599 = arith.constant 1 : i32
        %dma_start3A_600 = arith.constant 0 : i32
        %dma_start3A_601 = arith.constant 0 : i32
        %dma_start3A_602 = tpu.memref_slice %arg4[%dma_start3A_599, %dma_start3A_600, %dma_start3A_601] : memref<2x8x1033xf32, #tpu.memory_space<vmem>> -> memref<1x8x1024xf32, #tpu.memory_space<vmem>>
        %dma_start3A_603 = tpu.memref_squeeze %dma_start3A_602 : memref<1x8x1024xf32, #tpu.memory_space<vmem>> -> memref<8x1024xf32, #tpu.memory_space<vmem>>
        %dma_start3A_604 = arith.constant 0 : i32
        %dma_start3A_605 = arith.constant 0 : i32
        %dma_start3A_606 = tpu.memref_slice %arg2[%dma_start3A_604, %select_n3A_582, %select_n3A_598, %dma_start3A_605] : memref<8x256x16x1024xf32, #tpu.memory_space<hbm>> -> memref<8x1x1x1024xf32, #tpu.memory_space<hbm>>
        %dma_start3A_607 = tpu.memref_squeeze %dma_start3A_606 : memref<8x1x1x1024xf32, #tpu.memory_space<hbm>> -> memref<8x1024xf32, #tpu.memory_space<hbm>>
        %dma_start3A_608 = arith.constant 0 : i32
        %dma_start3A_609 = arith.constant 0 : i32
        %dma_start3A_610 = tpu.memref_slice %arg4[%dma_start3A_599, %dma_start3A_608, %dma_start3A_609] : memref<2x8x1033xf32, #tpu.memory_space<vmem>> -> memref<1x8x1024xf32, #tpu.memory_space<vmem>>
        %dma_start3A_611 = tpu.memref_squeeze %dma_start3A_610 : memref<1x8x1024xf32, #tpu.memory_space<vmem>> -> memref<8x1024xf32, #tpu.memory_space<vmem>>
        %dma_start3A_612 = arith.constant 0 : i32
        %dma_start3A_613 = arith.constant 0 : i32
        %dma_start3A_614 = tpu.memref_slice %arg2[%dma_start3A_612, %select_n3A_582, %select_n3A_598, %dma_start3A_613] : memref<8x256x16x1024xf32, #tpu.memory_space<hbm>> -> memref<8x1x1x1024xf32, #tpu.memory_space<hbm>>
        %dma_start3A_615 = tpu.memref_squeeze %dma_start3A_614 : memref<8x1x1x1024xf32, #tpu.memory_space<hbm>> -> memref<8x1024xf32, #tpu.memory_space<hbm>>
        tpu.enqueue_dma source(%dma_start3A_615 : memref<8x1024xf32, #tpu.memory_space<hbm>>) target(%dma_start3A_611 : memref<8x1024xf32, #tpu.memory_space<vmem>>) target_semaphore(%arg7 : memref<!tpu.dma_semaphore, #tpu.memory_space<semaphore_mem>>)
      } else {
      }
      %add3A_498 = arith.addi %mul3A_2, %add3A_422 : i32
      %jit3A_499 = arith.constant 16 : i32
      %div3A_500 = arith.divsi %add3A_498, %jit3A_499 : i32
      %sign3A_501 = arith.constant 0 : i32
      %sign3A_502 = arith.cmpi sgt, %add3A_498, %sign3A_501 : i32
      %sign3A_503 = arith.extui %sign3A_502 : i1 to i32
      %sign3A_504 = arith.constant 0 : i32
      %sign3A_505 = arith.cmpi slt, %add3A_498, %sign3A_504 : i32
      %sign3A_506 = arith.extui %sign3A_505 : i1 to i32
      %sign3A_507 = arith.subi %sign3A_503, %sign3A_506 : i32
      %sign3A_508 = arith.constant 0 : i32
      %sign3A_509 = arith.cmpi sgt, %jit3A_499, %sign3A_508 : i32
      %sign3A_510 = arith.extui %sign3A_509 : i1 to i32
      %sign3A_511 = arith.constant 0 : i32
      %sign3A_512 = arith.cmpi slt, %jit3A_499, %sign3A_511 : i32
      %sign3A_513 = arith.extui %sign3A_512 : i1 to i32
      %sign3A_514 = arith.subi %sign3A_510, %sign3A_513 : i32
      %ne3A_515 = arith.cmpi ne, %sign3A_507, %sign3A_514 : i32
      %rem3A_516 = arith.remsi %add3A_498, %jit3A_499 : i32
      %ne3A_517 = arith.constant 0 : i32
      %ne3A_518 = arith.cmpi ne, %rem3A_516, %ne3A_517 : i32
      %and3A_519 = arith.andi %ne3A_515, %ne3A_518 : i1
      %sub3A_520 = arith.constant 1 : i32
      %sub3A_521 = arith.subi %div3A_500, %sub3A_520 : i32
      %select_n3A_522 = arith.select %and3A_519, %sub3A_521, %div3A_500 : i32
      %jit3A_523 = arith.constant 16 : i32
      %eq3A_524 = arith.constant 0 : i32
      %eq3A_525 = arith.cmpi eq, %jit3A_523, %eq3A_524 : i32
      %jit3A_526 = arith.constant 1 : i32
      %select_n3A_527 = arith.select %eq3A_525, %jit3A_526, %jit3A_523 : i32
      %rem3A_528 = arith.remsi %add3A_498, %select_n3A_527 : i32
      %ne3A_529 = arith.constant 0 : i32
      %ne3A_530 = arith.cmpi ne, %rem3A_528, %ne3A_529 : i32
      %lt3A_531 = arith.constant 0 : i32
      %lt3A_532 = arith.cmpi slt, %rem3A_528, %lt3A_531 : i32
      %lt3A_533 = arith.constant 0 : i32
      %lt3A_534 = arith.cmpi slt, %select_n3A_527, %lt3A_533 : i32
      %ne3A_535 = arith.xori %lt3A_532, %lt3A_534 : i1
      %and3A_536 = arith.andi %ne3A_535, %ne3A_530 : i1
      %add3A_537 = arith.addi %rem3A_528, %select_n3A_527 : i32
      %select_n3A_538 = arith.select %and3A_536, %add3A_537, %rem3A_528 : i32
      %mul3A_539 = arith.constant 8 : i32
      %mul3A_540 = arith.muli %select_n3A_522, %mul3A_539 : i32
      %dma_start3A_541 = arith.constant 1 : i32
      %dma_start3A_542 = arith.constant 0 : i32
      %dma_start3A_543 = arith.constant 0 : i32
      %dma_start3A_544 = tpu.memref_slice %arg5[%dma_start3A_541, %dma_start3A_542, %dma_start3A_543] : memref<2x8x1024xf32, #tpu.memory_space<vmem>> -> memref<1x8x1024xf32, #tpu.memory_space<vmem>>
      %dma_start3A_545 = tpu.memref_squeeze %dma_start3A_544 : memref<1x8x1024xf32, #tpu.memory_space<vmem>> -> memref<8x1024xf32, #tpu.memory_space<vmem>>
      %dma_start3A_546 = arith.constant 0 : i32
      %dma_start3A_547 = tpu.memref_slice %arg3[%mul3A_540, %select_n3A_538, %dma_start3A_546] : memref<2048x16x1024xf32, #tpu.memory_space<hbm>> -> memref<8x1x1024xf32, #tpu.memory_space<hbm>>
      %dma_start3A_548 = tpu.memref_squeeze %dma_start3A_547 : memref<8x1x1024xf32, #tpu.memory_space<hbm>> -> memref<8x1024xf32, #tpu.memory_space<hbm>>
      %dma_start3A_549 = arith.constant 0 : i32
      %dma_start3A_550 = tpu.memref_slice %arg3[%mul3A_540, %select_n3A_538, %dma_start3A_549] : memref<2048x16x1024xf32, #tpu.memory_space<hbm>> -> memref<8x1x1024xf32, #tpu.memory_space<hbm>>
      %dma_start3A_551 = tpu.memref_squeeze %dma_start3A_550 : memref<8x1x1024xf32, #tpu.memory_space<hbm>> -> memref<8x1024xf32, #tpu.memory_space<hbm>>
      %dma_start3A_552 = arith.constant 0 : i32
      %dma_start3A_553 = arith.constant 0 : i32
      %dma_start3A_554 = tpu.memref_slice %arg5[%dma_start3A_541, %dma_start3A_552, %dma_start3A_553] : memref<2x8x1024xf32, #tpu.memory_space<vmem>> -> memref<1x8x1024xf32, #tpu.memory_space<vmem>>
      %dma_start3A_555 = tpu.memref_squeeze %dma_start3A_554 : memref<1x8x1024xf32, #tpu.memory_space<vmem>> -> memref<8x1024xf32, #tpu.memory_space<vmem>>
      tpu.enqueue_dma source(%dma_start3A_555 : memref<8x1024xf32, #tpu.memory_space<vmem>>) target(%dma_start3A_551 : memref<8x1024xf32, #tpu.memory_space<hbm>>) target_semaphore(%arg9 : memref<!tpu.dma_semaphore, #tpu.memory_space<semaphore_mem>>)
    }
    %scan3A_166 = arith.constant 64 : i32
    %add3A_167 = arith.constant 126 : i32
    %add3A_168 = arith.addi %mul3A_2, %add3A_167 : i32
    %jit3A_169 = arith.constant 16 : i32
    %div3A_170 = arith.divsi %add3A_168, %jit3A_169 : i32
    %sign3A_171 = arith.constant 0 : i32
    %sign3A_172 = arith.cmpi sgt, %add3A_168, %sign3A_171 : i32
    %sign3A_173 = arith.extui %sign3A_172 : i1 to i32
    %sign3A_174 = arith.constant 0 : i32
    %sign3A_175 = arith.cmpi slt, %add3A_168, %sign3A_174 : i32
    %sign3A_176 = arith.extui %sign3A_175 : i1 to i32
    %sign3A_177 = arith.subi %sign3A_173, %sign3A_176 : i32
    %sign3A_178 = arith.constant 0 : i32
    %sign3A_179 = arith.cmpi sgt, %jit3A_169, %sign3A_178 : i32
    %sign3A_180 = arith.extui %sign3A_179 : i1 to i32
    %sign3A_181 = arith.constant 0 : i32
    %sign3A_182 = arith.cmpi slt, %jit3A_169, %sign3A_181 : i32
    %sign3A_183 = arith.extui %sign3A_182 : i1 to i32
    %sign3A_184 = arith.subi %sign3A_180, %sign3A_183 : i32
    %ne3A_185 = arith.cmpi ne, %sign3A_177, %sign3A_184 : i32
    %rem3A_186 = arith.remsi %add3A_168, %jit3A_169 : i32
    %ne3A_187 = arith.constant 0 : i32
    %ne3A_188 = arith.cmpi ne, %rem3A_186, %ne3A_187 : i32
    %and3A_189 = arith.andi %ne3A_185, %ne3A_188 : i1
    %sub3A_190 = arith.constant 1 : i32
    %sub3A_191 = arith.subi %div3A_170, %sub3A_190 : i32
    %select_n3A_192 = arith.select %and3A_189, %sub3A_191, %div3A_170 : i32
    %jit3A_193 = arith.constant 16 : i32
    %eq3A_194 = arith.constant 0 : i32
    %eq3A_195 = arith.cmpi eq, %jit3A_193, %eq3A_194 : i32
    %jit3A_196 = arith.constant 1 : i32
    %select_n3A_197 = arith.select %eq3A_195, %jit3A_196, %jit3A_193 : i32
    %rem3A_198 = arith.remsi %add3A_168, %select_n3A_197 : i32
    %ne3A_199 = arith.constant 0 : i32
    %ne3A_200 = arith.cmpi ne, %rem3A_198, %ne3A_199 : i32
    %lt3A_201 = arith.constant 0 : i32
    %lt3A_202 = arith.cmpi slt, %rem3A_198, %lt3A_201 : i32
    %lt3A_203 = arith.constant 0 : i32
    %lt3A_204 = arith.cmpi slt, %select_n3A_197, %lt3A_203 : i32
    %ne3A_205 = arith.xori %lt3A_202, %lt3A_204 : i1
    %and3A_206 = arith.andi %ne3A_205, %ne3A_200 : i1
    %add3A_207 = arith.addi %rem3A_198, %select_n3A_197 : i32
    %select_n3A_208 = arith.select %and3A_206, %add3A_207, %rem3A_198 : i32
    %mul3A_209 = arith.constant 8 : i32
    %mul3A_210 = arith.muli %select_n3A_192, %mul3A_209 : i32
    %dma_wait3A = arith.constant 0 : i32
    %dma_wait3A_211 = arith.constant 0 : i32
    %dma_wait3A_212 = arith.constant 0 : i32
    %dma_wait3A_213 = tpu.memref_slice %arg5[%dma_wait3A, %dma_wait3A_211, %dma_wait3A_212] : memref<2x8x1024xf32, #tpu.memory_space<vmem>> -> memref<1x8x1024xf32, #tpu.memory_space<vmem>>
    %dma_wait3A_214 = tpu.memref_squeeze %dma_wait3A_213 : memref<1x8x1024xf32, #tpu.memory_space<vmem>> -> memref<8x1024xf32, #tpu.memory_space<vmem>>
    %dma_wait3A_215 = arith.constant 0 : i32
    %dma_wait3A_216 = tpu.memref_slice %arg3[%mul3A_210, %select_n3A_208, %dma_wait3A_215] : memref<2048x16x1024xf32, #tpu.memory_space<hbm>> -> memref<8x1x1024xf32, #tpu.memory_space<hbm>>
    %dma_wait3A_217 = tpu.memref_squeeze %dma_wait3A_216 : memref<8x1x1024xf32, #tpu.memory_space<hbm>> -> memref<8x1024xf32, #tpu.memory_space<hbm>>
    %dma_wait3A_218 = arith.constant 0 : i32
    %dma_wait3A_219 = tpu.memref_slice %arg3[%mul3A_210, %select_n3A_208, %dma_wait3A_218] : memref<2048x16x1024xf32, #tpu.memory_space<hbm>> -> memref<8x1x1024xf32, #tpu.memory_space<hbm>>
    %dma_wait3A_220 = tpu.memref_squeeze %dma_wait3A_219 : memref<8x1x1024xf32, #tpu.memory_space<hbm>> -> memref<8x1024xf32, #tpu.memory_space<hbm>>
    %dma_wait3A_221 = arith.constant 0 : i32
    %dma_wait3A_222 = arith.constant 0 : i32
    %dma_wait3A_223 = tpu.memref_slice %arg5[%dma_wait3A, %dma_wait3A_221, %dma_wait3A_222] : memref<2x8x1024xf32, #tpu.memory_space<vmem>> -> memref<1x8x1024xf32, #tpu.memory_space<vmem>>
    %dma_wait3A_224 = tpu.memref_squeeze %dma_wait3A_223 : memref<1x8x1024xf32, #tpu.memory_space<vmem>> -> memref<8x1024xf32, #tpu.memory_space<vmem>>
    tpu.wait_dma2 semaphore(%arg8 : memref<!tpu.dma_semaphore, #tpu.memory_space<semaphore_mem>>) src(%dma_wait3A_224 : memref<8x1024xf32, #tpu.memory_space<vmem>>) dst(%dma_wait3A_220 : memref<8x1024xf32, #tpu.memory_space<hbm>>)
    %add3A_225 = arith.constant 127 : i32
    %add3A_226 = arith.addi %mul3A_2, %add3A_225 : i32
    %jit3A_227 = arith.constant 16 : i32
    %div3A_228 = arith.divsi %add3A_226, %jit3A_227 : i32
    %sign3A_229 = arith.constant 0 : i32
    %sign3A_230 = arith.cmpi sgt, %add3A_226, %sign3A_229 : i32
    %sign3A_231 = arith.extui %sign3A_230 : i1 to i32
    %sign3A_232 = arith.constant 0 : i32
    %sign3A_233 = arith.cmpi slt, %add3A_226, %sign3A_232 : i32
    %sign3A_234 = arith.extui %sign3A_233 : i1 to i32
    %sign3A_235 = arith.subi %sign3A_231, %sign3A_234 : i32
    %sign3A_236 = arith.constant 0 : i32
    %sign3A_237 = arith.cmpi sgt, %jit3A_227, %sign3A_236 : i32
    %sign3A_238 = arith.extui %sign3A_237 : i1 to i32
    %sign3A_239 = arith.constant 0 : i32
    %sign3A_240 = arith.cmpi slt, %jit3A_227, %sign3A_239 : i32
    %sign3A_241 = arith.extui %sign3A_240 : i1 to i32
    %sign3A_242 = arith.subi %sign3A_238, %sign3A_241 : i32
    %ne3A_243 = arith.cmpi ne, %sign3A_235, %sign3A_242 : i32
    %rem3A_244 = arith.remsi %add3A_226, %jit3A_227 : i32
    %ne3A_245 = arith.constant 0 : i32
    %ne3A_246 = arith.cmpi ne, %rem3A_244, %ne3A_245 : i32
    %and3A_247 = arith.andi %ne3A_243, %ne3A_246 : i1
    %sub3A_248 = arith.constant 1 : i32
    %sub3A_249 = arith.subi %div3A_228, %sub3A_248 : i32
    %select_n3A_250 = arith.select %and3A_247, %sub3A_249, %div3A_228 : i32
    %jit3A_251 = arith.constant 16 : i32
    %eq3A_252 = arith.constant 0 : i32
    %eq3A_253 = arith.cmpi eq, %jit3A_251, %eq3A_252 : i32
    %jit3A_254 = arith.constant 1 : i32
    %select_n3A_255 = arith.select %eq3A_253, %jit3A_254, %jit3A_251 : i32
    %rem3A_256 = arith.remsi %add3A_226, %select_n3A_255 : i32
    %ne3A_257 = arith.constant 0 : i32
    %ne3A_258 = arith.cmpi ne, %rem3A_256, %ne3A_257 : i32
    %lt3A_259 = arith.constant 0 : i32
    %lt3A_260 = arith.cmpi slt, %rem3A_256, %lt3A_259 : i32
    %lt3A_261 = arith.constant 0 : i32
    %lt3A_262 = arith.cmpi slt, %select_n3A_255, %lt3A_261 : i32
    %ne3A_263 = arith.xori %lt3A_260, %lt3A_262 : i1
    %and3A_264 = arith.andi %ne3A_263, %ne3A_258 : i1
    %add3A_265 = arith.addi %rem3A_256, %select_n3A_255 : i32
    %select_n3A_266 = arith.select %and3A_264, %add3A_265, %rem3A_256 : i32
    %mul3A_267 = arith.constant 8 : i32
    %mul3A_268 = arith.muli %select_n3A_250, %mul3A_267 : i32
    %dma_wait3A_269 = arith.constant 1 : i32
    %dma_wait3A_270 = arith.constant 0 : i32
    %dma_wait3A_271 = arith.constant 0 : i32
    %dma_wait3A_272 = tpu.memref_slice %arg5[%dma_wait3A_269, %dma_wait3A_270, %dma_wait3A_271] : memref<2x8x1024xf32, #tpu.memory_space<vmem>> -> memref<1x8x1024xf32, #tpu.memory_space<vmem>>
    %dma_wait3A_273 = tpu.memref_squeeze %dma_wait3A_272 : memref<1x8x1024xf32, #tpu.memory_space<vmem>> -> memref<8x1024xf32, #tpu.memory_space<vmem>>
    %dma_wait3A_274 = arith.constant 0 : i32
    %dma_wait3A_275 = tpu.memref_slice %arg3[%mul3A_268, %select_n3A_266, %dma_wait3A_274] : memref<2048x16x1024xf32, #tpu.memory_space<hbm>> -> memref<8x1x1024xf32, #tpu.memory_space<hbm>>
    %dma_wait3A_276 = tpu.memref_squeeze %dma_wait3A_275 : memref<8x1x1024xf32, #tpu.memory_space<hbm>> -> memref<8x1024xf32, #tpu.memory_space<hbm>>
    %dma_wait3A_277 = arith.constant 0 : i32
    %dma_wait3A_278 = tpu.memref_slice %arg3[%mul3A_268, %select_n3A_266, %dma_wait3A_277] : memref<2048x16x1024xf32, #tpu.memory_space<hbm>> -> memref<8x1x1024xf32, #tpu.memory_space<hbm>>
    %dma_wait3A_279 = tpu.memref_squeeze %dma_wait3A_278 : memref<8x1x1024xf32, #tpu.memory_space<hbm>> -> memref<8x1024xf32, #tpu.memory_space<hbm>>
    %dma_wait3A_280 = arith.constant 0 : i32
    %dma_wait3A_281 = arith.constant 0 : i32
    %dma_wait3A_282 = tpu.memref_slice %arg5[%dma_wait3A_269, %dma_wait3A_280, %dma_wait3A_281] : memref<2x8x1024xf32, #tpu.memory_space<vmem>> -> memref<1x8x1024xf32, #tpu.memory_space<vmem>>
    %dma_wait3A_283 = tpu.memref_squeeze %dma_wait3A_282 : memref<1x8x1024xf32, #tpu.memory_space<vmem>> -> memref<8x1024xf32, #tpu.memory_space<vmem>>
    tpu.wait_dma2 semaphore(%arg9 : memref<!tpu.dma_semaphore, #tpu.memory_space<semaphore_mem>>) src(%dma_wait3A_283 : memref<8x1024xf32, #tpu.memory_space<vmem>>) dst(%dma_wait3A_279 : memref<8x1024xf32, #tpu.memory_space<hbm>>)
    return
  }
}

</mosaic_0001>

<sc_bundles>
// kernel: _build_table.3.cloned.1.call-start
scs
__scs_entry_jumppad:
0x0: {  	(pc) =	sbr.rel $0x88, $3  }
0x1: {  	(tag) =	ssettag $0x0;
	lr =	simm.s32 $0x1  }
0x2: {  	[smem:$0x3FA0] =	sst lr;
	_ =	strace $0xD0000000  }
0x3: {  	_ = 	snop  }
0x4: {  	_ = 	snop  }
0x5: {  	_ = 	snop  }
0x6: {  	_ = 	snop  }
0x7: {  	_ = 	snop  }
__scs_overlays_trampoline_lowered:
0x8: {  	[smem:$0x3FAF] =	sst s0  }
0x9: {  	[smem:$0x3FB0] =	sst s1  }
0xa: {  	[smem:$0x3FB1] =	sst s2  }
0xb: {  	[smem:$0x3FB2] =	sst s3  }
0xc: {  	[smem:$0x3FB3] =	sst s4  }
0xd: {  	[smem:$0x3FB4] =	sst s5  }
0xe: {  	[smem:$0x3FB5] =	sst s6  }
0xf: {  	[smem:$0x3FB6] =	sst s7  }
0x10: {  	[smem:$0x3FB7] =	sst s8  }
0x11: {  	[smem:$0x3FB8] =	sst s9;
	s0 =	simm.s32 @!p0 $0x0  }
0x12: {  	s1 =	sld [smem:$0x3F9E];
	s0 =	simm.s32 @p0 $0x1  }
0x13: {  	[smem:$0x3FB9] =	sst s0;
	s0 =	simm.s32 @!p1 $0x0  }
0x14: {  	s2 =	sld [smem:$0x3F9D];
	s0 =	simm.s32 @p1 $0x1  }
0x15: {  	[smem:$0x3FBA] =	sst s0;
	s0 =	simm.s32 @!p2 $0x0  }
0x16: {  	s3 =	sld [smem:$0x3FDB];
	s0 =	simm.s32 @p2 $0x1  }
0x17: {  	s4 =	simm.s32 $0x1BF5;
	[smem:$0x3FBC] =	sst s0  }
0x18: {  	s0 =	sld [smem:$0x3F9F];
	_ =	swait.ge [sflag:s4], $0x0  }
0x19: {  	s7 =	sld [smem:$0x3FA0]  }
0x1a: {  	s8 =	sadd.s32 $0xFFFFE003, lr  }
0x1b: {  	s9 =	sadd.s32 $0xFFFFFEF7, lr;
	s5 =	simm.s32 $0xFFFFFFFF;
	p2 =	slt.u32 s8, $0xFFFFF086  }
0x1c: {  	p1 =	slt.u32 s9, $0xF7A;
	s5 =	simm.s32 @!p2 $0x0  }
0x1d: {  	s5 =	simm.s32 @p1 $0x1;
	p0 =	seq.s32 s7, s2  }
0x1e: {  	s7 =	smul.u32 @!p0 $0xF7A, s2;
	p2 =	seq.s32 @!p0 s5, $0x0  }
0x1f: {  	s9 =	smul.u32 $0xF7A, s1;
	s8 =	simm.s32 @!p0 $0x1BF5;
	p2 =	por !p2, p0  }
0x20: {  	[sflag:s8] =	ssyncset.s32 @!p0 $0xFFFFF086;
	s6 =	sadd.s32 @!p0 s3, s7;
	s7 =	simm.s32 @!p0 $0x108  }
0x21: {  	s3 =	sadd.s32 s3, s9;
	s6 =	sadd.s32 @!p0 $0x88, s6;
	s7 =	simm.s32 @p2 $0x1082  }
0x22: {  	[simem:s7], [sflag:s8] =	dma.local @!p0 [hbm:s6], $0xF7A  }
0x23: {  	s9 =	sor.u32 $0xD0000000, s2;
	s6 =	simm.s32 $0x108;
	_ =	swait.ge @!p0 [sflag:s8], $0x0  }
0x24: {  	s3 =	sadd.s32 $0x88, s3;
	s6 =	simm.s32 @!p1 $0x1082;
	[sflag:s4] =	ssyncset.s32 $0xFFFFF086  }
0x25: {  	[simem:s6], [sflag:s4] =	dma.local [hbm:s3], $0xF7A  }
0x26: {  	[smem:$0x3FA0] =	sst s1;
	(tag) =	ssettag s2;
	_ =	strace s9  }
0x27: {  	s1 =	sld [smem:$0x3FB0]  }
0x28: {  	s2 =	sld [smem:$0x3FB1]  }
0x29: {  	s4 =	sld [smem:$0x3FB3]  }
0x2a: {  	p0 =	seq.s32 s5, $0x0;
	s5 =	sld [smem:$0x3FB4]  }
0x2b: {  	s6 =	sld [smem:$0x3FB5]  }
0x2c: {  	s7 =	sld [smem:$0x3FB6]  }
0x2d: {  	s3 =	simm.s32 $0x108;
	s8 =	sld [smem:$0x3FB7]  }
0x2e: {  	s3 =	simm.s32 @!p0 $0x1082;
	s9 =	sld [smem:$0x3FB8]  }
0x2f: {  	lr =	sadd.s32 s0, s3;
	s0 =	sld [smem:$0x3FAF]  }
0x30: {  	s3 =	sld [smem:$0x3FB2]  }
0x31: {  	[smem:$0x3FBB] =	sst s10  }
0x32: {  	s10 =	sld [smem:$0x3FB9];
	_ =	sdelay $0x3  }
0x33: {  	p0 =	seq.s32 s10, $0x1;
	s10 =	sld [smem:$0x3FBB];
	_ =	sdelay $0x3  }
0x34: {  	[smem:$0x3FBB] =	sst s10  }
0x35: {  	s10 =	sld [smem:$0x3FBA];
	_ =	sdelay $0x3  }
0x36: {  	p1 =	seq.s32 s10, $0x1;
	s10 =	sld [smem:$0x3FBB];
	_ =	sdelay $0x3  }
0x37: {  	[smem:$0x3FBB] =	sst s10  }
0x38: {  	s10 =	sld [smem:$0x3FBC]  }
0x39: {  	_ = 	snop;
	(pc) =	sbr.ind lr, $3  }
0x3a: {  	_ = 	snop  }
0x3b: {  	_ = 	snop  }
0x3c: {  	p2 =	seq.s32 s10, $0x1;
	s10 =	sld [smem:$0x3FBB]  }
0x3d: {  	_ =	shalt  }
0x3e: {  	_ =	shalt  }
0x3f: {  	_ =	shalt  }
0x40: {  	_ =	shalt  }
0x41: {  	_ =	shalt  }
0x42: {  	_ =	shalt  }
0x43: {  	_ =	shalt  }
0x44: {  	_ =	shalt  }
0x45: {  	_ =	shalt  }
0x46: {  	_ =	shalt  }
0x47: {  	_ =	shalt  }
0x48: {  	_ =	shalt  }
0x49: {  	_ =	shalt  }
0x4a: {  	_ =	shalt  }
0x4b: {  	_ =	shalt  }
0x4c: {  	_ =	shalt  }
0x4d: {  	_ =	shalt  }
0x4e: {  	_ =	shalt  }
0x4f: {  	_ =	shalt  }
0x50: {  	_ =	shalt  }
0x51: {  	_ =	shalt  }
0x52: {  	_ =	shalt  }
0x53: {  	_ =	shalt  }
0x54: {  	_ =	shalt  }
0x55: {  	_ =	shalt  }
0x56: {  	_ =	shalt  }
0x57: {  	_ =	shalt  }
0x58: {  	_ =	shalt  }
0x59: {  	_ =	shalt  }
0x5a: {  	_ =	shalt  }
0x5b: {  	_ =	shalt  }
0x5c: {  	_ =	shalt  }
0x5d: {  	_ =	shalt  }
0x5e: {  	_ =	shalt  }
0x5f: {  	_ =	shalt  }
0x60: {  	_ =	shalt  }
0x61: {  	_ =	shalt  }
0x62: {  	_ =	shalt  }
0x63: {  	_ =	shalt  }
0x64: {  	_ =	shalt  }
0x65: {  	_ =	shalt  }
0x66: {  	_ =	shalt  }
0x67: {  	_ =	shalt  }
0x68: {  	_ =	shalt  }
0x69: {  	_ =	shalt  }
0x6a: {  	_ =	shalt  }
0x6b: {  	_ =	shalt  }
0x6c: {  	_ =	shalt  }
0x6d: {  	_ =	shalt  }
0x6e: {  	_ =	shalt  }
0x6f: {  	_ =	shalt  }
0x70: {  	_ =	shalt  }
0x71: {  	_ =	shalt  }
0x72: {  	_ =	shalt  }
0x73: {  	_ =	shalt  }
0x74: {  	_ =	shalt  }
0x75: {  	_ =	shalt  }
0x76: {  	_ =	shalt  }
0x77: {  	_ =	shalt  }
0x78: {  	_ =	shalt  }
0x79: {  	_ =	shalt  }
0x7a: {  	_ =	shalt  }
0x7b: {  	_ =	shalt  }
0x7c: {  	_ =	shalt  }
0x7d: {  	_ =	shalt  }
0x7e: {  	_ =	shalt  }
0x7f: {  	_ =	shalt  }
0x80: {  	_ =	shalt  }
0x81: {  	_ =	shalt  }
0x82: {  	_ =	shalt  }
0x83: {  	_ =	shalt  }
0x84: {  	_ =	shalt  }
0x85: {  	_ =	shalt  }
0x86: {  	_ =	shalt  }
0x87: {  	_ =	shalt  }
.Lfunc_end0:
.L_simem_size_0:
called_computation.1_lowered:
.L_overlay_start_0:
0x88: {  	s2 =	sld [smem:$0x3FD9]  }
0x89: {  	s3 =	sld [smem:$0x3FFE];
	_ =	sdelay $0x1  }
0x8a: {  	s1 =	srdreg.scid  }
0x8b: {  	s0 =	sand.u32 $0x1, s1  }
0x8c: {  	s17 =	sshll.u32 s0, $0xA;
	s2 =	sadd.s32 s3, s2  }
0x8d: {  	s2 =	sadd.s32 s2, s17  }
0x8e: {  	[smem:$0x3FC7] =	sst s2  }
0x8f: {  	_ = 	snop  }
0x90: {  	s2 =	sld [smem:$0x3FD0];
	(tm) =	ssettm $0x1  }
0x91: {  	s18 =	sld [smem:$0x3FFB];
	_ =	sdelay $0x3  }
0x92: {  	_ =	strace s18  }
0x93: {  	s3 =	sld [smem:$0x3FFC];
	_ =	sdelay $0x3  }
0x94: {  	_ =	strace s3  }
0x95: {  	s3 =	sld [smem:$0x3FFD];
	_ =	sdelay $0x3  }
0x96: {  	_ =	strace s3  }
0x97: {  	_ =	strace $0x8FFFFFFF  }
0x98: {  	s19 =	sld [smem:$0x3FDB];
	_ =	sdelay $0x1  }
0x99: {  	s4 =	simm.s32 $_scs_section_size  }
0x9a: {  	s5 =	simm.s32 $_size__tile_overlayer_lowered;
	s6 =	simm.s32 $_tile_overlayer_lowered  }
0x9b: {  	s22 =	simm.s32 $0x1BFF;
	s21 =	sshll.u32 s6, $0x1;
	s3 =	sadd.s32 s4, s19  }
0x9c: {  	s7 =	simm.s32 $0x0;
	s20 =	sshll.u32 s5, $0x1;
	s5 =	sadd.s32 s21, s3  }
0x9d: {  	[timem:s7], [sflag:s22] =	dma.local [hbm:s5], s20  }
0x9e: {  	_ =	swait.ge [sflag:s22], s20  }
0x9f: {  	s4 =	ssub.s32 $0x0, s20;
	[sflag:s22] =	ssyncset.done $0x0  }
0xa0: {  	[sflag:s22] =	ssyncadd.s32 s4;
	_ =	sdelay $0x1  }
0xa1: {  	s23 =	simm.s32 $0x1B8B  }
0xa2: {  	_ =	swait.ge [sflag:s23], $0x1  }
0xa3: {  	[sflag:s23] =	ssyncset.done $0x0  }
0xa4: {  	s25 =	simm.s32 $0x1B8E;
	s24 =	sld [smem:$0x3FFE];
	[sflag:s23] =	ssyncadd.s32 $0xFFFFFFFF  }
0xa5: {  	s26 =	simm.s32 $execute0_lowered;
	[smem:$0x3FD2] =	sst s25  }
0xa6: {  	s5 =	sshll.u32 s26, $0x1;
	_ =	strace $0x80000049;
	[dreg:$0x1] =	wrdreg $0xFFFFFFFF  }
0xa7: {  	s28 =	simm.s32 $_size_execute0_lowered;
	s3 =	sadd.s32 s3, s5;
	[dreg:$0x0] =	wrdreg $0x0  }
0xa8: {  	s5 =	sshll.u32 s28, $0x1;
	[dreg:$0x2] =	wrdreg s3  }
0xa9: {  	[dreg:$0x3] =	wrdreg s5  }
0xaa: {  	[dreg:$0x4] =	wrdreg $0xC0  }
0xab: {  	_ =	task [dreg:s7], $0x5FFFF  }
0xac: {  	[dreg:$0x1] =	wrdreg $0xFFFFFFFF  }
0xad: {  	[dreg:$0x0] =	wrdreg $0x60  }
0xae: {  	[dreg:$0x2] =	wrdreg s2  }
0xaf: {  	[dreg:$0x3] =	wrdreg s24  }
0xb0: {  	[dreg:$0x4] =	wrdreg $0x9  }
0xb1: {  	_ =	task.clear_ibuf [dreg:s7], $0x5FFFF;
	_ =	strace $0x90000049  }
0xb2: {  	s29 =	simm.s32 $0x9;
	_ =	strace $0x8000004B  }
0xb3: {  	_ =	swait.ge [sflag:s29], $0x1  }
0xb4: {  	[sflag:s29] =	ssyncadd.s32 $0xFFFFFFFF  }
0xb5: {  	_ =	strace $0x9000004B  }
0xb6: {  	_ =	sfence  }
0xb7: {  	s30 =	sld [smem:$0x0];
	_ =	sdelay $0x2  }
0xb8: {  	s31 =	sshll.u32 s1, $0xD;
	s1 =	sshrl.u32 s1, $0x2  }
0xb9: {  	s3 =	sand.u32 $0x4000, s31;
	s1 =	sadd.s32 s1, s30  }
0xba: {  	s0 =	sor.u32 s3, s0;
	s1 =	sshll.u32 s1, $0x11  }
0xbb: {  	s0 =	sor.u32 s1, s0  }
0xbc: {  	s0 =	sadd.s32 $0x8F2B, s0  }
0xbd: {  	[sflag:s0] =	ssyncadd.remote.s32 $0x1  }
0xbe: {  	_ =	sfence.sel $0xFFFF  }
0xbf: {  	[dreg:$0x0] =	wrdreg $0xFFFFFFFF;
	(pc) =	sbr.abs _section_cstart, $3  }
0xc0: {  	[dreg:$0x1] =	wrdreg $0xFFFFFFFF  }
0xc1: {  	_ =	task.clear_ibuf [dreg:s7], $0x2FFFF;
	_ =	strace $0x9FFFFFFF  }
0xc2: {  	(tm) =	ssettm $0x7FFFFFFF  }
0xc3: {  	_ =	shalt  }
tec
execute0_lowered:
.L_overlay_start_1:
0x0: {  	(tag) =	ssettag $0x1  }
0x1: {  	v0 =	vimm.s32 $0x1C71;
	vm14 =	vcmask $0x300  }
0x2: {  	vm13 =	vcmask $0x704;
	v0 =	vsel vm14, $0x0, v0  }
0x3: {  	vm12 =	vcmask $0xB08;
	v0 =	vsel vm13, $0x410, v0  }
0x4: {  	vm11 =	vcmask $0xF0C;
	v0 =	vsel vm12, $0x820, v0  }
0x5: {  	vm10 =	vcmask $0x1310;
	v0 =	vsel vm11, $0xC30, v0  }
0x6: {  	vm9 =	vcmask $0x1714;
	v0 =	vsel vm10, $0x1040, v0  }
0x7: {  	vm8 =	vcmask $0x1B18;
	v0 =	vsel vm9, $0x1450, v0  }
0x8: {  	vm7 =	vcmask $0x1F1C;
	v0 =	vsel vm8, $0x1860, v0  }
0x9: {  	vm6 =	vcmask $0x2320;
	v0 =	vsel vm7, $0x1C70, v0  }
0xa: {  	vm5 =	vcmask $0x2724;
	v0 =	vsel vm6, $0x1, v0  }
0xb: {  	vm4 =	vcmask $0x2B28;
	v0 =	vsel vm5, $0x411, v0  }
0xc: {  	vm3 =	vcmask $0x2F2C;
	v0 =	vsel vm4, $0x821, v0  }
0xd: {  	vm2 =	vcmask $0x3330;
	v0 =	vsel vm3, $0xC31, v0  }
0xe: {  	vm1 =	vcmask $0x3734;
	v0 =	vsel vm2, $0x1041, v0  }
0xf: {  	vm0 =	vcmask $0x3B38;
	v0 =	vsel vm1, $0x1451, v0  }
0x10: {  	v0 =	vsel vm0, $0x1861, v0  }
0x11: {  	v1 =	vimm.s32 $0x1C75;
	[tilespmem:$0x1FC10] =	vst v0;
	v0 =	vimm.s32 $0x1C73  }
0x12: {  	v2 =	vimm.s32 $0x1C77;
	v1 =	vsel vm14, $0x4, v1;
	v0 =	vsel vm14, $0x2, v0  }
0x13: {  	v2 =	vsel vm14, $0x6, v2;
	v1 =	vsel vm13, $0x414, v1;
	v0 =	vsel vm13, $0x412, v0  }
0x14: {  	v2 =	vsel vm13, $0x416, v2;
	v1 =	vsel vm12, $0x824, v1;
	v0 =	vsel vm12, $0x822, v0  }
0x15: {  	v2 =	vsel vm12, $0x826, v2;
	v1 =	vsel vm11, $0xC34, v1;
	v0 =	vsel vm11, $0xC32, v0  }
0x16: {  	v2 =	vsel vm11, $0xC36, v2;
	v1 =	vsel vm10, $0x1044, v1;
	v0 =	vsel vm10, $0x1042, v0  }
0x17: {  	v2 =	vsel vm10, $0x1046, v2;
	v1 =	vsel vm9, $0x1454, v1;
	v0 =	vsel vm9, $0x1452, v0  }
0x18: {  	v2 =	vsel vm9, $0x1456, v2;
	v1 =	vsel vm8, $0x1864, v1;
	v0 =	vsel vm8, $0x1862, v0  }
0x19: {  	v2 =	vsel vm8, $0x1866, v2;
	v1 =	vsel vm7, $0x1C74, v1;
	v0 =	vsel vm7, $0x1C72, v0  }
0x1a: {  	v2 =	vsel vm7, $0x1C76, v2;
	v1 =	vsel vm6, $0x5, v1;
	v0 =	vsel vm6, $0x3, v0  }
0x1b: {  	v2 =	vsel vm6, $0x7, v2;
	v1 =	vsel vm5, $0x415, v1;
	v0 =	vsel vm5, $0x413, v0  }
0x1c: {  	v2 =	vsel vm5, $0x417, v2;
	v1 =	vsel vm4, $0x825, v1;
	v0 =	vsel vm4, $0x823, v0  }
0x1d: {  	v2 =	vsel vm4, $0x827, v2;
	v1 =	vsel vm3, $0xC35, v1;
	v0 =	vsel vm3, $0xC33, v0  }
0x1e: {  	v2 =	vsel vm3, $0xC37, v2;
	v1 =	vsel vm2, $0x1045, v1;
	v0 =	vsel vm2, $0x1043, v0  }
0x1f: {  	v2 =	vsel vm2, $0x1047, v2;
	v1 =	vsel vm1, $0x1455, v1;
	v0 =	vsel vm1, $0x1453, v0  }
0x20: {  	v3 =	vsel vm1, $0x1457, v2;
	v2 =	vsel vm0, $0x1863, v0;
	v0 =	vsel vm0, $0x1865, v1  }
0x21: {  	[tilespmem:$0x1FC20] =	vst v0;
	v0 =	vsel vm0, $0x1867, v3  }
0x22: {  	[tilespmem:$0x1FC30] =	vst v0;
	v0 =	vimm.s32 $0x1C79  }
0x23: {  	v1 =	vimm.s32 $0x1C7B;
	v0 =	vsel vm14, $0x8, v0  }
0x24: {  	v4 =	vimm.s32 $0x1C7D;
	v1 =	vsel vm14, $0xA, v1;
	v0 =	vsel vm13, $0x418, v0  }
0x25: {  	v4 =	vsel vm14, $0xC, v4;
	v1 =	vsel vm13, $0x41A, v1;
	v0 =	vsel vm12, $0x828, v0  }
0x26: {  	v4 =	vsel vm13, $0x41C, v4;
	v1 =	vsel vm12, $0x82A, v1;
	v0 =	vsel vm11, $0xC38, v0  }
0x27: {  	v4 =	vsel vm12, $0x82C, v4;
	v1 =	vsel vm11, $0xC3A, v1;
	v0 =	vsel vm10, $0x1048, v0  }
0x28: {  	v4 =	vsel vm11, $0xC3C, v4;
	v1 =	vsel vm10, $0x104A, v1;
	v0 =	vsel vm9, $0x1458, v0  }
0x29: {  	v4 =	vsel vm10, $0x104C, v4;
	v1 =	vsel vm9, $0x145A, v1;
	v0 =	vsel vm8, $0x1868, v0  }
0x2a: {  	v4 =	vsel vm9, $0x145C, v4;
	v1 =	vsel vm8, $0x186A, v1;
	v0 =	vsel vm7, $0x1C78, v0  }
0x2b: {  	v4 =	vsel vm8, $0x186C, v4;
	v1 =	vsel vm7, $0x1C7A, v1;
	v0 =	vsel vm6, $0x9, v0  }
0x2c: {  	v4 =	vsel vm7, $0x1C7C, v4;
	v1 =	vsel vm6, $0xB, v1;
	v0 =	vsel vm5, $0x419, v0  }
0x2d: {  	v4 =	vsel vm6, $0xD, v4;
	v1 =	vsel vm5, $0x41B, v1;
	v0 =	vsel vm4, $0x829, v0  }
0x2e: {  	v4 =	vsel vm5, $0x41D, v4;
	v1 =	vsel vm4, $0x82B, v1;
	v0 =	vsel vm3, $0xC39, v0  }
0x2f: {  	v4 =	vsel vm4, $0x82D, v4;
	v1 =	vsel vm3, $0xC3B, v1;
	v0 =	vsel vm2, $0x1049, v0  }
0x30: {  	v4 =	vsel vm3, $0xC3D, v4;
	v1 =	vsel vm2, $0x104B, v1;
	v0 =	vsel vm1, $0x1459, v0  }
0x31: {  	v4 =	vsel vm2, $0x104D, v4;
	v1 =	vsel vm1, $0x145B, v1;
	v0 =	vsel vm0, $0x1869, v0  }
0x32: {  	v6 =	vsel vm1, $0x145D, v4;
	[tilespmem:$0x1FC40] =	vst v0;
	v0 =	vsel vm0, $0x186B, v1  }
0x33: {  	[tilespmem:$0x1FC50] =	vst v0;
	v0 =	vsel vm0, $0x186D, v6  }
0x34: {  	[tilespmem:$0x1FC60] =	vst v0;
	v0 =	vimm.s32 $0x1C7F  }
0x35: {  	v1 =	vimm.s32 $0x1C81;
	v0 =	vsel vm14, $0xE, v0  }
0x36: {  	v7 =	vimm.s32 $0x1C83;
	v1 =	vsel vm14, $0x10, v1;
	v0 =	vsel vm13, $0x41E, v0  }
0x37: {  	v7 =	vsel vm14, $0x12, v7;
	v1 =	vsel vm13, $0x420, v1;
	v0 =	vsel vm12, $0x82E, v0  }
0x38: {  	v7 =	vsel vm13, $0x422, v7;
	v1 =	vsel vm12, $0x830, v1;
	v0 =	vsel vm11, $0xC3E, v0  }
0x39: {  	v7 =	vsel vm12, $0x832, v7;
	v1 =	vsel vm11, $0xC40, v1;
	v0 =	vsel vm10, $0x104E, v0  }
0x3a: {  	v7 =	vsel vm11, $0xC42, v7;
	v1 =	vsel vm10, $0x1050, v1;
	v0 =	vsel vm9, $0x145E, v0  }
0x3b: {  	v7 =	vsel vm10, $0x1052, v7;
	v1 =	vsel vm9, $0x1460, v1;
	v0 =	vsel vm8, $0x186E, v0  }
0x3c: {  	v7 =	vsel vm9, $0x1462, v7;
	v1 =	vsel vm8, $0x1870, v1;
	v0 =	vsel vm7, $0x1C7E, v0  }
0x3d: {  	v7 =	vsel vm8, $0x1872, v7;
	v1 =	vsel vm7, $0x1C80, v1;
	v0 =	vsel vm6, $0xF, v0  }
0x3e: {  	v7 =	vsel vm7, $0x1C82, v7;
	v1 =	vsel vm6, $0x11, v1;
	v0 =	vsel vm5, $0x41F, v0  }
0x3f: {  	v7 =	vsel vm6, $0x13, v7;
	v1 =	vsel vm5, $0x421, v1;
	v0 =	vsel vm4, $0x82F, v0  }
0x40: {  	v7 =	vsel vm5, $0x423, v7;
	v1 =	vsel vm4, $0x831, v1;
	v0 =	vsel vm3, $0xC3F, v0  }
0x41: {  	v7 =	vsel vm4, $0x833, v7;
	v1 =	vsel vm3, $0xC41, v1;
	v0 =	vsel vm2, $0x104F, v0  }
0x42: {  	v7 =	vsel vm3, $0xC43, v7;
	v1 =	vsel vm2, $0x1051, v1;
	v0 =	vsel vm1, $0x145F, v0  }
0x43: {  	v7 =	vsel vm2, $0x1053, v7;
	v1 =	vsel vm1, $0x1461, v1;
	v0 =	vsel vm0, $0x186F, v0  }
0x44: {  	v9 =	vsel vm1, $0x1463, v7;
	[tilespmem:$0x1FC70] =	vst v0;
	v0 =	vsel vm0, $0x1871, v1  }
0x45: {  	[tilespmem:$0x1FC80] =	vst v0;
	v0 =	vsel vm0, $0x1873, v9  }
0x46: {  	[tilespmem:$0x1FC90] =	vst v0;
	v0 =	vimm.s32 $0x1C85  }
0x47: {  	v1 =	vimm.s32 $0x1C87;
	v0 =	vsel vm14, $0x14, v0  }
0x48: {  	v10 =	vimm.s32 $0x1C89;
	v1 =	vsel vm14, $0x16, v1;
	v0 =	vsel vm13, $0x424, v0  }
0x49: {  	v10 =	vsel vm14, $0x18, v10;
	v1 =	vsel vm13, $0x426, v1;
	v0 =	vsel vm12, $0x834, v0  }
0x4a: {  	v10 =	vsel vm13, $0x428, v10;
	v1 =	vsel vm12, $0x836, v1;
	v0 =	vsel vm11, $0xC44, v0  }
0x4b: {  	v10 =	vsel vm12, $0x838, v10;
	v1 =	vsel vm11, $0xC46, v1;
	v0 =	vsel vm10, $0x1054, v0  }
0x4c: {  	v10 =	vsel vm11, $0xC48, v10;
	v1 =	vsel vm10, $0x1056, v1;
	v0 =	vsel vm9, $0x1464, v0  }
0x4d: {  	v10 =	vsel vm10, $0x1058, v10;
	v1 =	vsel vm9, $0x1466, v1;
	v0 =	vsel vm8, $0x1874, v0  }
0x4e: {  	v10 =	vsel vm9, $0x1468, v10;
	v1 =	vsel vm8, $0x1876, v1;
	v0 =	vsel vm7, $0x1C84, v0  }
0x4f: {  	v10 =	vsel vm8, $0x1878, v10;
	v1 =	vsel vm7, $0x1C86, v1;
	v0 =	vsel vm6, $0x15, v0  }
0x50: {  	v10 =	vsel vm7, $0x1C88, v10;
	v1 =	vsel vm6, $0x17, v1;
	v0 =	vsel vm5, $0x425, v0  }
0x51: {  	v10 =	vsel vm6, $0x19, v10;
	v1 =	vsel vm5, $0x427, v1;
	v0 =	vsel vm4, $0x835, v0  }
0x52: {  	v10 =	vsel vm5, $0x429, v10;
	v1 =	vsel vm4, $0x837, v1;
	v0 =	vsel vm3, $0xC45, v0  }
0x53: {  	v10 =	vsel vm4, $0x839, v10;
	v1 =	vsel vm3, $0xC47, v1;
	v0 =	vsel vm2, $0x1055, v0  }
0x54: {  	v10 =	vsel vm3, $0xC49, v10;
	v1 =	vsel vm2, $0x1057, v1;
	v0 =	vsel vm1, $0x1465, v0  }
0x55: {  	v10 =	vsel vm2, $0x1059, v10;
	v1 =	vsel vm1, $0x1467, v1;
	v0 =	vsel vm0, $0x1875, v0  }
0x56: {  	v12 =	vsel vm1, $0x1469, v10;
	[tilespmem:$0x1FCA0] =	vst v0;
	v0 =	vsel vm0, $0x1877, v1  }
0x57: {  	[tilespmem:$0x1FCB0] =	vst v0;
	v0 =	vsel vm0, $0x1879, v12  }
0x58: {  	[tilespmem:$0x1FCC0] =	vst v0;
	v0 =	vimm.s32 $0x1C8B  }
0x59: {  	v1 =	vimm.s32 $0x1C8D;
	v0 =	vsel vm14, $0x1A, v0  }
0x5a: {  	v13 =	vimm.s32 $0x1C8F;
	v1 =	vsel vm14, $0x1C, v1;
	v0 =	vsel vm13, $0x42A, v0  }
0x5b: {  	v13 =	vsel vm14, $0x1E, v13;
	v1 =	vsel vm13, $0x42C, v1;
	v0 =	vsel vm12, $0x83A, v0  }
0x5c: {  	v13 =	vsel vm13, $0x42E, v13;
	v1 =	vsel vm12, $0x83C, v1;
	v0 =	vsel vm11, $0xC4A, v0  }
0x5d: {  	v13 =	vsel vm12, $0x83E, v13;
	v1 =	vsel vm11, $0xC4C, v1;
	v0 =	vsel vm10, $0x105A, v0  }
0x5e: {  	v13 =	vsel vm11, $0xC4E, v13;
	v1 =	vsel vm10, $0x105C, v1;
	v0 =	vsel vm9, $0x146A, v0  }
0x5f: {  	v13 =	vsel vm10, $0x105E, v13;
	v1 =	vsel vm9, $0x146C, v1;
	v0 =	vsel vm8, $0x187A, v0  }
0x60: {  	v13 =	vsel vm9, $0x146E, v13;
	v1 =	vsel vm8, $0x187C, v1;
	v0 =	vsel vm7, $0x1C8A, v0  }
0x61: {  	v13 =	vsel vm8, $0x187E, v13;
	v1 =	vsel vm7, $0x1C8C, v1;
	v0 =	vsel vm6, $0x1B, v0  }
0x62: {  	v13 =	vsel vm7, $0x1C8E, v13;
	v1 =	vsel vm6, $0x1D, v1;
	v0 =	vsel vm5, $0x42B, v0  }
0x63: {  	v13 =	vsel vm6, $0x1F, v13;
	v1 =	vsel vm5, $0x42D, v1;
	v0 =	vsel vm4, $0x83B, v0  }
0x64: {  	v13 =	vsel vm5, $0x42F, v13;
	v1 =	vsel vm4, $0x83D, v1;
	v0 =	vsel vm3, $0xC4B, v0  }
0x65: {  	v13 =	vsel vm4, $0x83F, v13;
	v1 =	vsel vm3, $0xC4D, v1;
	v0 =	vsel vm2, $0x105B, v0  }
0x66: {  	v13 =	vsel vm3, $0xC4F, v13;
	v1 =	vsel vm2, $0x105D, v1;
	v0 =	vsel vm1, $0x146B, v0  }
0x67: {  	v13 =	vsel vm2, $0x105F, v13;
	v1 =	vsel vm1, $0x146D, v1;
	v0 =	vsel vm0, $0x187B, v0  }
0x68: {  	v15 =	vsel vm1, $0x146F, v13;
	[tilespmem:$0x1FCD0] =	vst v0;
	v0 =	vsel vm0, $0x187D, v1  }
0x69: {  	[tilespmem:$0x1FCE0] =	vst v0;
	v0 =	vsel vm0, $0x187F, v15  }
0x6a: {  	[tilespmem:$0x1FCF0] =	vst v0;
	v0 =	vimm.s32 $0x1C91  }
0x6b: {  	v1 =	vimm.s32 $0x1C93;
	v0 =	vsel vm14, $0x20, v0  }
0x6c: {  	v16 =	vimm.s32 $0x1C95;
	v1 =	vsel vm14, $0x22, v1;
	v0 =	vsel vm13, $0x430, v0  }
0x6d: {  	v16 =	vsel vm14, $0x24, v16;
	v1 =	vsel vm13, $0x432, v1;
	v0 =	vsel vm12, $0x840, v0  }
0x6e: {  	v16 =	vsel vm13, $0x434, v16;
	v1 =	vsel vm12, $0x842, v1;
	v0 =	vsel vm11, $0xC50, v0  }
0x6f: {  	v16 =	vsel vm12, $0x844, v16;
	v1 =	vsel vm11, $0xC52, v1;
	v0 =	vsel vm10, $0x1060, v0  }
0x70: {  	v16 =	vsel vm11, $0xC54, v16;
	v1 =	vsel vm10, $0x1062, v1;
	v0 =	vsel vm9, $0x1470, v0  }
0x71: {  	v16 =	vsel vm10, $0x1064, v16;
	v1 =	vsel vm9, $0x1472, v1;
	v0 =	vsel vm8, $0x1880, v0  }
0x72: {  	v16 =	vsel vm9, $0x1474, v16;
	v1 =	vsel vm8, $0x1882, v1;
	v0 =	vsel vm7, $0x1C90, v0  }
0x73: {  	v16 =	vsel vm8, $0x1884, v16;
	v1 =	vsel vm7, $0x1C92, v1;
	v0 =	vsel vm6, $0x21, v0  }
0x74: {  	v16 =	vsel vm7, $0x1C94, v16;
	v1 =	vsel vm6, $0x23, v1;
	v0 =	vsel vm5, $0x431, v0  }
0x75: {  	v16 =	vsel vm6, $0x25, v16;
	v1 =	vsel vm5, $0x433, v1;
	v0 =	vsel vm4, $0x841, v0  }
0x76: {  	v16 =	vsel vm5, $0x435, v16;
	v1 =	vsel vm4, $0x843, v1;
	v0 =	vsel vm3, $0xC51, v0  }
0x77: {  	v16 =	vsel vm4, $0x845, v16;
	v1 =	vsel vm3, $0xC53, v1;
	v0 =	vsel vm2, $0x1061, v0  }
0x78: {  	v16 =	vsel vm3, $0xC55, v16;
	v1 =	vsel vm2, $0x1063, v1;
	v0 =	vsel vm1, $0x1471, v0  }
0x79: {  	v16 =	vsel vm2, $0x1065, v16;
	v1 =	vsel vm1, $0x1473, v1;
	v0 =	vsel vm0, $0x1881, v0  }
0x7a: {  	v18 =	vsel vm1, $0x1475, v16;
	[tilespmem:$0x1FD00] =	vst v0;
	v0 =	vsel vm0, $0x1883, v1  }
0x7b: {  	[tilespmem:$0x1FD10] =	vst v0;
	v0 =	vsel vm0, $0x1885, v18  }
0x7c: {  	[tilespmem:$0x1FD20] =	vst v0;
	v0 =	vimm.s32 $0x1C97  }
0x7d: {  	v1 =	vimm.s32 $0x1C99;
	v0 =	vsel vm14, $0x26, v0  }
0x7e: {  	v19 =	vimm.s32 $0x1C9B;
	v1 =	vsel vm14, $0x28, v1;
	v0 =	vsel vm13, $0x436, v0  }
0x7f: {  	v19 =	vsel vm14, $0x2A, v19;
	v1 =	vsel vm13, $0x438, v1;
	v0 =	vsel vm12, $0x846, v0  }
0x80: {  	v19 =	vsel vm13, $0x43A, v19;
	v1 =	vsel vm12, $0x848, v1;
	v0 =	vsel vm11, $0xC56, v0  }
0x81: {  	v19 =	vsel vm12, $0x84A, v19;
	v1 =	vsel vm11, $0xC58, v1;
	v0 =	vsel vm10, $0x1066, v0  }
0x82: {  	v19 =	vsel vm11, $0xC5A, v19;
	v1 =	vsel vm10, $0x1068, v1;
	v0 =	vsel vm9, $0x1476, v0  }
0x83: {  	v19 =	vsel vm10, $0x106A, v19;
	v1 =	vsel vm9, $0x1478, v1;
	v0 =	vsel vm8, $0x1886, v0  }
0x84: {  	v19 =	vsel vm9, $0x147A, v19;
	v1 =	vsel vm8, $0x1888, v1;
	v0 =	vsel vm7, $0x1C96, v0  }
0x85: {  	v19 =	vsel vm8, $0x188A, v19;
	v1 =	vsel vm7, $0x1C98, v1;
	v0 =	vsel vm6, $0x27, v0  }
0x86: {  	v19 =	vsel vm7, $0x1C9A, v19;
	v1 =	vsel vm6, $0x29, v1;
	v0 =	vsel vm5, $0x437, v0  }
0x87: {  	v19 =	vsel vm6, $0x2B, v19;
	v1 =	vsel vm5, $0x439, v1;
	v0 =	vsel vm4, $0x847, v0  }
0x88: {  	v19 =	vsel vm5, $0x43B, v19;
	v1 =	vsel vm4, $0x849, v1;
	v0 =	vsel vm3, $0xC57, v0  }
0x89: {  	v19 =	vsel vm4, $0x84B, v19;
	v1 =	vsel vm3, $0xC59, v1;
	v0 =	vsel vm2, $0x1067, v0  }
0x8a: {  	v19 =	vsel vm3, $0xC5B, v19;
	v1 =	vsel vm2, $0x1069, v1;
	v0 =	vsel vm1, $0x1477, v0  }
0x8b: {  	v19 =	vsel vm2, $0x106B, v19;
	v1 =	vsel vm1, $0x1479, v1;
	v0 =	vsel vm0, $0x1887, v0  }
0x8c: {  	v21 =	vsel vm1, $0x147B, v19;
	[tilespmem:$0x1FD30] =	vst v0;
	v0 =	vsel vm0, $0x1889, v1  }
0x8d: {  	[tilespmem:$0x1FD40] =	vst v0;
	v0 =	vsel vm0, $0x188B, v21  }
0x8e: {  	[tilespmem:$0x1FD50] =	vst v0;
	v0 =	vimm.s32 $0x1C9D  }
0x8f: {  	v1 =	vimm.s32 $0x1C9F;
	v0 =	vsel vm14, $0x2C, v0  }
0x90: {  	v22 =	vimm.s32 $0x1CA1;
	v1 =	vsel vm14, $0x2E, v1;
	v0 =	vsel vm13, $0x43C, v0  }
0x91: {  	v22 =	vsel vm14, $0x30, v22;
	v1 =	vsel vm13, $0x43E, v1;
	v0 =	vsel vm12, $0x84C, v0  }
0x92: {  	v22 =	vsel vm13, $0x440, v22;
	v1 =	vsel vm12, $0x84E, v1;
	v0 =	vsel vm11, $0xC5C, v0  }
0x93: {  	v22 =	vsel vm12, $0x850, v22;
	v1 =	vsel vm11, $0xC5E, v1;
	v0 =	vsel vm10, $0x106C, v0  }
0x94: {  	v22 =	vsel vm11, $0xC60, v22;
	v1 =	vsel vm10, $0x106E, v1;
	v0 =	vsel vm9, $0x147C, v0  }
0x95: {  	v22 =	vsel vm10, $0x1070, v22;
	v1 =	vsel vm9, $0x147E, v1;
	v0 =	vsel vm8, $0x188C, v0  }
0x96: {  	v22 =	vsel vm9, $0x1480, v22;
	v1 =	vsel vm8, $0x188E, v1;
	v0 =	vsel vm7, $0x1C9C, v0  }
0x97: {  	v22 =	vsel vm8, $0x1890, v22;
	v1 =	vsel vm7, $0x1C9E, v1;
	v0 =	vsel vm6, $0x2D, v0  }
0x98: {  	v22 =	vsel vm7, $0x1CA0, v22;
	v1 =	vsel vm6, $0x2F, v1;
	v0 =	vsel vm5, $0x43D, v0  }
0x99: {  	v22 =	vsel vm6, $0x31, v22;
	v1 =	vsel vm5, $0x43F, v1;
	v0 =	vsel vm4, $0x84D, v0  }
0x9a: {  	v22 =	vsel vm5, $0x441, v22;
	v1 =	vsel vm4, $0x84F, v1;
	v0 =	vsel vm3, $0xC5D, v0  }
0x9b: {  	v22 =	vsel vm4, $0x851, v22;
	v1 =	vsel vm3, $0xC5F, v1;
	v0 =	vsel vm2, $0x106D, v0  }
0x9c: {  	v22 =	vsel vm3, $0xC61, v22;
	v1 =	vsel vm2, $0x106F, v1;
	v0 =	vsel vm1, $0x147D, v0  }
0x9d: {  	v22 =	vsel vm2, $0x1071, v22;
	v1 =	vsel vm1, $0x147F, v1;
	v0 =	vsel vm0, $0x188D, v0  }
0x9e: {  	v24 =	vsel vm1, $0x1481, v22;
	[tilespmem:$0x1FD60] =	vst v0;
	v0 =	vsel vm0, $0x188F, v1  }
0x9f: {  	[tilespmem:$0x1FD70] =	vst v0;
	v0 =	vsel vm0, $0x1891, v24  }
0xa0: {  	[tilespmem:$0x1FD80] =	vst v0;
	v0 =	vimm.s32 $0x1CA3  }
0xa1: {  	v1 =	vimm.s32 $0x1CA5;
	v0 =	vsel vm14, $0x32, v0  }
0xa2: {  	v25 =	vimm.s32 $0x1CA7;
	v1 =	vsel vm14, $0x34, v1;
	v0 =	vsel vm13, $0x442, v0  }
0xa3: {  	v25 =	vsel vm14, $0x36, v25;
	v1 =	vsel vm13, $0x444, v1;
	v0 =	vsel vm12, $0x852, v0  }
0xa4: {  	v25 =	vsel vm13, $0x446, v25;
	v1 =	vsel vm12, $0x854, v1;
	v0 =	vsel vm11, $0xC62, v0  }
0xa5: {  	v25 =	vsel vm12, $0x856, v25;
	v1 =	vsel vm11, $0xC64, v1;
	v0 =	vsel vm10, $0x1072, v0  }
0xa6: {  	v25 =	vsel vm11, $0xC66, v25;
	v1 =	vsel vm10, $0x1074, v1;
	v0 =	vsel vm9, $0x1482, v0  }
0xa7: {  	v25 =	vsel vm10, $0x1076, v25;
	v1 =	vsel vm9, $0x1484, v1;
	v0 =	vsel vm8, $0x1892, v0  }
0xa8: {  	v25 =	vsel vm9, $0x1486, v25;
	v1 =	vsel vm8, $0x1894, v1;
	v0 =	vsel vm7, $0x1CA2, v0  }
0xa9: {  	v25 =	vsel vm8, $0x1896, v25;
	v1 =	vsel vm7, $0x1CA4, v1;
	v0 =	vsel vm6, $0x33, v0  }
0xaa: {  	v25 =	vsel vm7, $0x1CA6, v25;
	v1 =	vsel vm6, $0x35, v1;
	v0 =	vsel vm5, $0x443, v0  }
0xab: {  	v25 =	vsel vm6, $0x37, v25;
	v1 =	vsel vm5, $0x445, v1;
	v0 =	vsel vm4, $0x853, v0  }
0xac: {  	v25 =	vsel vm5, $0x447, v25;
	v1 =	vsel vm4, $0x855, v1;
	v0 =	vsel vm3, $0xC63, v0  }
0xad: {  	v25 =	vsel vm4, $0x857, v25;
	v1 =	vsel vm3, $0xC65, v1;
	v0 =	vsel vm2, $0x1073, v0  }
0xae: {  	v25 =	vsel vm3, $0xC67, v25;
	v1 =	vsel vm2, $0x1075, v1;
	v0 =	vsel vm1, $0x1483, v0  }
0xaf: {  	v25 =	vsel vm2, $0x1077, v25;
	v1 =	vsel vm1, $0x1485, v1;
	v0 =	vsel vm0, $0x1893, v0  }
0xb0: {  	v27 =	vsel vm1, $0x1487, v25;
	[tilespmem:$0x1FD90] =	vst v0;
	v0 =	vsel vm0, $0x1895, v1  }
0xb1: {  	[tilespmem:$0x1FDA0] =	vst v0;
	v0 =	vsel vm0, $0x1897, v27  }
0xb2: {  	[tilespmem:$0x1FDB0] =	vst v0;
	v0 =	vimm.s32 $0x1CA9  }
0xb3: {  	v1 =	vimm.s32 $0x1CAB;
	v0 =	vsel vm14, $0x38, v0  }
0xb4: {  	v28 =	vimm.s32 $0x1CAD;
	v1 =	vsel vm14, $0x3A, v1;
	v0 =	vsel vm13, $0x448, v0  }
0xb5: {  	v28 =	vsel vm14, $0x3C, v28;
	v1 =	vsel vm13, $0x44A, v1;
	v0 =	vsel vm12, $0x858, v0  }
0xb6: {  	v28 =	vsel vm13, $0x44C, v28;
	v1 =	vsel vm12, $0x85A, v1;
	v0 =	vsel vm11, $0xC68, v0  }
0xb7: {  	v28 =	vsel vm12, $0x85C, v28;
	v1 =	vsel vm11, $0xC6A, v1;
	v0 =	vsel vm10, $0x1078, v0  }
0xb8: {  	v28 =	vsel vm11, $0xC6C, v28;
	v1 =	vsel vm10, $0x107A, v1;
	v0 =	vsel vm9, $0x1488, v0  }
0xb9: {  	v28 =	vsel vm10, $0x107C, v28;
	v1 =	vsel vm9, $0x148A, v1;
	v0 =	vsel vm8, $0x1898, v0  }
0xba: {  	v28 =	vsel vm9, $0x148C, v28;
	v1 =	vsel vm8, $0x189A, v1;
	v0 =	vsel vm7, $0x1CA8, v0  }
0xbb: {  	v28 =	vsel vm8, $0x189C, v28;
	v1 =	vsel vm7, $0x1CAA, v1;
	v0 =	vsel vm6, $0x39, v0  }
0xbc: {  	v28 =	vsel vm7, $0x1CAC, v28;
	v1 =	vsel vm6, $0x3B, v1;
	v0 =	vsel vm5, $0x449, v0  }
0xbd: {  	v28 =	vsel vm6, $0x3D, v28;
	v1 =	vsel vm5, $0x44B, v1;
	v0 =	vsel vm4, $0x859, v0  }
0xbe: {  	v28 =	vsel vm5, $0x44D, v28;
	v1 =	vsel vm4, $0x85B, v1;
	v0 =	vsel vm3, $0xC69, v0  }
0xbf: {  	v28 =	vsel vm4, $0x85D, v28;
	v1 =	vsel vm3, $0xC6B, v1;
	v0 =	vsel vm2, $0x1079, v0  }
0xc0: {  	v28 =	vsel vm3, $0xC6D, v28;
	v1 =	vsel vm2, $0x107B, v1;
	v0 =	vsel vm1, $0x1489, v0  }
0xc1: {  	v28 =	vsel vm2, $0x107D, v28;
	v1 =	vsel vm1, $0x148B, v1;
	v0 =	vsel vm0, $0x1899, v0  }
0xc2: {  	v30 =	vsel vm1, $0x148D, v28;
	[tilespmem:$0x1FDC0] =	vst v0;
	v0 =	vsel vm0, $0x189B, v1  }
0xc3: {  	[tilespmem:$0x1FDD0] =	vst v0;
	v0 =	vsel vm0, $0x189D, v30  }
0xc4: {  	[tilespmem:$0x1FDE0] =	vst v0;
	v0 =	vimm.s32 $0x1CAF  }
0xc5: {  	v1 =	vimm.s32 $0x1CB1;
	v0 =	vsel vm14, $0x3E, v0  }
0xc6: {  	v31 =	vimm.s32 $0x1CB3;
	v1 =	vsel vm14, $0x40, v1;
	v0 =	vsel vm13, $0x44E, v0  }
0xc7: {  	v31 =	vsel vm14, $0x42, v31;
	v1 =	vsel vm13, $0x450, v1;
	v0 =	vsel vm12, $0x85E, v0  }
0xc8: {  	v31 =	vsel vm13, $0x452, v31;
	v1 =	vsel vm12, $0x860, v1;
	v0 =	vsel vm11, $0xC6E, v0  }
0xc9: {  	v31 =	vsel vm12, $0x862, v31;
	v1 =	vsel vm11, $0xC70, v1;
	v0 =	vsel vm10, $0x107E, v0  }
0xca: {  	v31 =	vsel vm11, $0xC72, v31;
	v1 =	vsel vm10, $0x1080, v1;
	v0 =	vsel vm9, $0x148E, v0  }
0xcb: {  	v31 =	vsel vm10, $0x1082, v31;
	v1 =	vsel vm9, $0x1490, v1;
	v0 =	vsel vm8, $0x189E, v0  }
0xcc: {  	v31 =	vsel vm9, $0x1492, v31;
	v1 =	vsel vm8, $0x18A0, v1;
	v0 =	vsel vm7, $0x1CAE, v0  }
0xcd: {  	v31 =	vsel vm8, $0x18A2, v31;
	v1 =	vsel vm7, $0x1CB0, v1;
	v0 =	vsel vm6, $0x3F, v0  }
0xce: {  	v31 =	vsel vm7, $0x1CB2, v31;
	v1 =	vsel vm6, $0x41, v1;
	v0 =	vsel vm5, $0x44F, v0  }
0xcf: {  	v31 =	vsel vm6, $0x43, v31;
	v1 =	vsel vm5, $0x451, v1;
	v0 =	vsel vm4, $0x85F, v0  }
0xd0: {  	v31 =	vsel vm5, $0x453, v31;
	v1 =	vsel vm4, $0x861, v1;
	v0 =	vsel vm3, $0xC6F, v0  }
0xd1: {  	v31 =	vsel vm4, $0x863, v31;
	v1 =	vsel vm3, $0xC71, v1;
	v0 =	vsel vm2, $0x107F, v0  }
0xd2: {  	v31 =	vsel vm3, $0xC73, v31;
	v1 =	vsel vm2, $0x1081, v1;
	v0 =	vsel vm1, $0x148F, v0  }
0xd3: {  	v31 =	vsel vm2, $0x1083, v31;
	v1 =	vsel vm1, $0x1491, v1;
	v0 =	vsel vm0, $0x189F, v0  }
0xd4: {  	v33 =	vsel vm1, $0x1493, v31;
	[tilespmem:$0x1FDF0] =	vst v0;
	v0 =	vsel vm0, $0x18A1, v1  }
0xd5: {  	[tilespmem:$0x1FE00] =	vst v0;
	v0 =	vsel vm0, $0x18A3, v33  }
0xd6: {  	[tilespmem:$0x1FE10] =	vst v0;
	v0 =	vimm.s32 $0x1CB5  }
0xd7: {  	v1 =	vimm.s32 $0x1CB7;
	v0 =	vsel vm14, $0x44, v0  }
0xd8: {  	v34 =	vimm.s32 $0x1CB9;
	v1 =	vsel vm14, $0x46, v1;
	v0 =	vsel vm13, $0x454, v0  }
0xd9: {  	v34 =	vsel vm14, $0x48, v34;
	v1 =	vsel vm13, $0x456, v1;
	v0 =	vsel vm12, $0x864, v0  }
0xda: {  	v34 =	vsel vm13, $0x458, v34;
	v1 =	vsel vm12, $0x866, v1;
	v0 =	vsel vm11, $0xC74, v0  }
0xdb: {  	v34 =	vsel vm12, $0x868, v34;
	v1 =	vsel vm11, $0xC76, v1;
	v0 =	vsel vm10, $0x1084, v0  }
0xdc: {  	v34 =	vsel vm11, $0xC78, v34;
	v1 =	vsel vm10, $0x1086, v1;
	v0 =	vsel vm9, $0x1494, v0  }
0xdd: {  	v34 =	vsel vm10, $0x1088, v34;
	v1 =	vsel vm9, $0x1496, v1;
	v0 =	vsel vm8, $0x18A4, v0  }
0xde: {  	v34 =	vsel vm9, $0x1498, v34;
	v1 =	vsel vm8, $0x18A6, v1;
	v0 =	vsel vm7, $0x1CB4, v0  }
0xdf: {  	v34 =	vsel vm8, $0x18A8, v34;
	v1 =	vsel vm7, $0x1CB6, v1;
	v0 =	vsel vm6, $0x45, v0  }
0xe0: {  	v34 =	vsel vm7, $0x1CB8, v34;
	v1 =	vsel vm6, $0x47, v1;
	v0 =	vsel vm5, $0x455, v0  }
0xe1: {  	v34 =	vsel vm6, $0x49, v34;
	v1 =	vsel vm5, $0x457, v1;
	v0 =	vsel vm4, $0x865, v0  }
0xe2: {  	v34 =	vsel vm5, $0x459, v34;
	v1 =	vsel vm4, $0x867, v1;
	v0 =	vsel vm3, $0xC75, v0  }
0xe3: {  	v34 =	vsel vm4, $0x869, v34;
	v1 =	vsel vm3, $0xC77, v1;
	v0 =	vsel vm2, $0x1085, v0  }
0xe4: {  	v34 =	vsel vm3, $0xC79, v34;
	v1 =	vsel vm2, $0x1087, v1;
	v0 =	vsel vm1, $0x1495, v0  }
0xe5: {  	v34 =	vsel vm2, $0x1089, v34;
	v1 =	vsel vm1, $0x1497, v1;
	v0 =	vsel vm0, $0x18A5, v0  }
0xe6: {  	v36 =	vsel vm1, $0x1499, v34;
	[tilespmem:$0x1FE20] =	vst v0;
	v0 =	vsel vm0, $0x18A7, v1  }
0xe7: {  	[tilespmem:$0x1FE30] =	vst v0;
	v0 =	vsel vm0, $0x18A9, v36  }
0xe8: {  	[tilespmem:$0x1FE40] =	vst v0;
	v0 =	vimm.s32 $0x1CBB  }
0xe9: {  	v1 =	vimm.s32 $0x1CBD;
	v0 =	vsel vm14, $0x4A, v0  }
0xea: {  	v37 =	vimm.s32 $0x1CBF;
	v1 =	vsel vm14, $0x4C, v1;
	v0 =	vsel vm13, $0x45A, v0  }
0xeb: {  	v37 =	vsel vm14, $0x4E, v37;
	v1 =	vsel vm13, $0x45C, v1;
	v0 =	vsel vm12, $0x86A, v0  }
0xec: {  	v37 =	vsel vm13, $0x45E, v37;
	v1 =	vsel vm12, $0x86C, v1;
	v0 =	vsel vm11, $0xC7A, v0  }
0xed: {  	v37 =	vsel vm12, $0x86E, v37;
	v1 =	vsel vm11, $0xC7C, v1;
	v0 =	vsel vm10, $0x108A, v0  }
0xee: {  	v37 =	vsel vm11, $0xC7E, v37;
	v1 =	vsel vm10, $0x108C, v1;
	v0 =	vsel vm9, $0x149A, v0  }
0xef: {  	v37 =	vsel vm10, $0x108E, v37;
	v1 =	vsel vm9, $0x149C, v1;
	v0 =	vsel vm8, $0x18AA, v0  }
0xf0: {  	v37 =	vsel vm9, $0x149E, v37;
	v1 =	vsel vm8, $0x18AC, v1;
	v0 =	vsel vm7, $0x1CBA, v0  }
0xf1: {  	v37 =	vsel vm8, $0x18AE, v37;
	v1 =	vsel vm7, $0x1CBC, v1;
	v0 =	vsel vm6, $0x4B, v0  }
0xf2: {  	v37 =	vsel vm7, $0x1CBE, v37;
	v1 =	vsel vm6, $0x4D, v1;
	v0 =	vsel vm5, $0x45B, v0  }
0xf3: {  	v37 =	vsel vm6, $0x4F, v37;
	v1 =	vsel vm5, $0x45D, v1;
	v0 =	vsel vm4, $0x86B, v0  }
0xf4: {  	v37 =	vsel vm5, $0x45F, v37;
	v1 =	vsel vm4, $0x86D, v1;
	v0 =	vsel vm3, $0xC7B, v0  }
0xf5: {  	v37 =	vsel vm4, $0x86F, v37;
	v1 =	vsel vm3, $0xC7D, v1;
	v0 =	vsel vm2, $0x108B, v0  }
0xf6: {  	v37 =	vsel vm3, $0xC7F, v37;
	v1 =	vsel vm2, $0x108D, v1;
	v0 =	vsel vm1, $0x149B, v0  }
0xf7: {  	v37 =	vsel vm2, $0x108F, v37;
	v1 =	vsel vm1, $0x149D, v1;
	v0 =	vsel vm0, $0x18AB, v0  }
0xf8: {  	v39 =	vsel vm1, $0x149F, v37;
	[tilespmem:$0x1FE50] =	vst v0;
	v0 =	vsel vm0, $0x18AD, v1  }
0xf9: {  	[tilespmem:$0x1FE60] =	vst v0;
	v0 =	vsel vm0, $0x18AF, v39  }
0xfa: {  	[tilespmem:$0x1FE70] =	vst v0;
	v0 =	vimm.s32 $0x1CC1  }
0xfb: {  	v1 =	vimm.s32 $0x1CC3;
	v0 =	vsel vm14, $0x50, v0  }
0xfc: {  	v40 =	vimm.s32 $0x1CC5;
	v1 =	vsel vm14, $0x52, v1;
	v0 =	vsel vm13, $0x460, v0  }
0xfd: {  	v40 =	vsel vm14, $0x54, v40;
	v1 =	vsel vm13, $0x462, v1;
	v0 =	vsel vm12, $0x870, v0  }
0xfe: {  	v40 =	vsel vm13, $0x464, v40;
	v1 =	vsel vm12, $0x872, v1;
	v0 =	vsel vm11, $0xC80, v0  }
0xff: {  	v40 =	vsel vm12, $0x874, v40;
	v1 =	vsel vm11, $0xC82, v1;
	v0 =	vsel vm10, $0x1090, v0  }
0x100: {  	v40 =	vsel vm11, $0xC84, v40;
	v1 =	vsel vm10, $0x1092, v1;
	v0 =	vsel vm9, $0x14A0, v0  }
0x101: {  	v40 =	vsel vm10, $0x1094, v40;
	v1 =	vsel vm9, $0x14A2, v1;
	v0 =	vsel vm8, $0x18B0, v0  }
0x102: {  	v40 =	vsel vm9, $0x14A4, v40;
	v1 =	vsel vm8, $0x18B2, v1;
	v0 =	vsel vm7, $0x1CC0, v0  }
0x103: {  	v40 =	vsel vm8, $0x18B4, v40;
	v1 =	vsel vm7, $0x1CC2, v1;
	v0 =	vsel vm6, $0x51, v0  }
0x104: {  	v40 =	vsel vm7, $0x1CC4, v40;
	v1 =	vsel vm6, $0x53, v1;
	v0 =	vsel vm5, $0x461, v0  }
0x105: {  	v40 =	vsel vm6, $0x55, v40;
	v1 =	vsel vm5, $0x463, v1;
	v0 =	vsel vm4, $0x871, v0  }
0x106: {  	v40 =	vsel vm5, $0x465, v40;
	v1 =	vsel vm4, $0x873, v1;
	v0 =	vsel vm3, $0xC81, v0  }
0x107: {  	v40 =	vsel vm4, $0x875, v40;
	v1 =	vsel vm3, $0xC83, v1;
	v0 =	vsel vm2, $0x1091, v0  }
0x108: {  	v40 =	vsel vm3, $0xC85, v40;
	v1 =	vsel vm2, $0x1093, v1;
	v0 =	vsel vm1, $0x14A1, v0  }
0x109: {  	v40 =	vsel vm2, $0x1095, v40;
	v1 =	vsel vm1, $0x14A3, v1;
	v0 =	vsel vm0, $0x18B1, v0  }
0x10a: {  	v42 =	vsel vm1, $0x14A5, v40;
	[tilespmem:$0x1FE80] =	vst v0;
	v0 =	vsel vm0, $0x18B3, v1  }
0x10b: {  	[tilespmem:$0x1FE90] =	vst v0;
	v0 =	vsel vm0, $0x18B5, v42  }
0x10c: {  	[tilespmem:$0x1FEA0] =	vst v0;
	v0 =	vimm.s32 $0x1CC7  }
0x10d: {  	v1 =	vimm.s32 $0x1CC9;
	v0 =	vsel vm14, $0x56, v0  }
0x10e: {  	v43 =	vimm.s32 $0x1CCB;
	v1 =	vsel vm14, $0x58, v1;
	v0 =	vsel vm13, $0x466, v0  }
0x10f: {  	v43 =	vsel vm14, $0x5A, v43;
	v1 =	vsel vm13, $0x468, v1;
	v0 =	vsel vm12, $0x876, v0  }
0x110: {  	v43 =	vsel vm13, $0x46A, v43;
	v1 =	vsel vm12, $0x878, v1;
	v0 =	vsel vm11, $0xC86, v0  }
0x111: {  	v43 =	vsel vm12, $0x87A, v43;
	v1 =	vsel vm11, $0xC88, v1;
	v0 =	vsel vm10, $0x1096, v0  }
0x112: {  	v43 =	vsel vm11, $0xC8A, v43;
	v1 =	vsel vm10, $0x1098, v1;
	v0 =	vsel vm9, $0x14A6, v0  }
0x113: {  	v43 =	vsel vm10, $0x109A, v43;
	v1 =	vsel vm9, $0x14A8, v1;
	v0 =	vsel vm8, $0x18B6, v0  }
0x114: {  	v43 =	vsel vm9, $0x14AA, v43;
	v1 =	vsel vm8, $0x18B8, v1;
	v0 =	vsel vm7, $0x1CC6, v0  }
0x115: {  	v43 =	vsel vm8, $0x18BA, v43;
	v1 =	vsel vm7, $0x1CC8, v1;
	v0 =	vsel vm6, $0x57, v0  }
0x116: {  	v43 =	vsel vm7, $0x1CCA, v43;
	v1 =	vsel vm6, $0x59, v1;
	v0 =	vsel vm5, $0x467, v0  }
0x117: {  	v43 =	vsel vm6, $0x5B, v43;
	v1 =	vsel vm5, $0x469, v1;
	v0 =	vsel vm4, $0x877, v0  }
0x118: {  	v43 =	vsel vm5, $0x46B, v43;
	v1 =	vsel vm4, $0x879, v1;
	v0 =	vsel vm3, $0xC87, v0  }
0x119: {  	v43 =	vsel vm4, $0x87B, v43;
	v1 =	vsel vm3, $0xC89, v1;
	v0 =	vsel vm2, $0x1097, v0  }
0x11a: {  	v43 =	vsel vm3, $0xC8B, v43;
	v1 =	vsel vm2, $0x1099, v1;
	v0 =	vsel vm1, $0x14A7, v0  }
0x11b: {  	v43 =	vsel vm2, $0x109B, v43;
	v1 =	vsel vm1, $0x14A9, v1;
	v0 =	vsel vm0, $0x18B7, v0  }
0x11c: {  	v45 =	vsel vm1, $0x14AB, v43;
	[tilespmem:$0x1FEB0] =	vst v0;
	v0 =	vsel vm0, $0x18B9, v1  }
0x11d: {  	[tilespmem:$0x1FEC0] =	vst v0;
	v0 =	vsel vm0, $0x18BB, v45  }
0x11e: {  	[tilespmem:$0x1FED0] =	vst v0;
	v0 =	vimm.s32 $0x1CCD  }
0x11f: {  	v1 =	vimm.s32 $0x1CCF;
	v0 =	vsel vm14, $0x5C, v0  }
0x120: {  	v46 =	vimm.s32 $0x1CD1;
	v1 =	vsel vm14, $0x5E, v1;
	v0 =	vsel vm13, $0x46C, v0  }
0x121: {  	v46 =	vsel vm14, $0x60, v46;
	v1 =	vsel vm13, $0x46E, v1;
	v0 =	vsel vm12, $0x87C, v0  }
0x122: {  	v46 =	vsel vm13, $0x470, v46;
	v1 =	vsel vm12, $0x87E, v1;
	v0 =	vsel vm11, $0xC8C, v0  }
0x123: {  	v46 =	vsel vm12, $0x880, v46;
	v1 =	vsel vm11, $0xC8E, v1;
	v0 =	vsel vm10, $0x109C, v0  }
0x124: {  	v46 =	vsel vm11, $0xC90, v46;
	v1 =	vsel vm10, $0x109E, v1;
	v0 =	vsel vm9, $0x14AC, v0  }
0x125: {  	v46 =	vsel vm10, $0x10A0, v46;
	v1 =	vsel vm9, $0x14AE, v1;
	v0 =	vsel vm8, $0x18BC, v0  }
0x126: {  	v46 =	vsel vm9, $0x14B0, v46;
	v1 =	vsel vm8, $0x18BE, v1;
	v0 =	vsel vm7, $0x1CCC, v0  }
0x127: {  	v46 =	vsel vm8, $0x18C0, v46;
	v1 =	vsel vm7, $0x1CCE, v1;
	v0 =	vsel vm6, $0x5D, v0  }
0x128: {  	v46 =	vsel vm7, $0x1CD0, v46;
	v1 =	vsel vm6, $0x5F, v1;
	v0 =	vsel vm5, $0x46D, v0  }
0x129: {  	v46 =	vsel vm6, $0x61, v46;
	v1 =	vsel vm5, $0x46F, v1;
	v0 =	vsel vm4, $0x87D, v0  }
0x12a: {  	v46 =	vsel vm5, $0x471, v46;
	v1 =	vsel vm4, $0x87F, v1;
	v0 =	vsel vm3, $0xC8D, v0  }
0x12b: {  	v46 =	vsel vm4, $0x881, v46;
	v1 =	vsel vm3, $0xC8F, v1;
	v0 =	vsel vm2, $0x109D, v0  }
0x12c: {  	v46 =	vsel vm3, $0xC91, v46;
	v1 =	vsel vm2, $0x109F, v1;
	v0 =	vsel vm1, $0x14AD, v0  }
0x12d: {  	v46 =	vsel vm2, $0x10A1, v46;
	v1 =	vsel vm1, $0x14AF, v1;
	v0 =	vsel vm0, $0x18BD, v0  }
0x12e: {  	v48 =	vsel vm1, $0x14B1, v46;
	[tilespmem:$0x1FEE0] =	vst v0;
	v0 =	vsel vm0, $0x18BF, v1  }
0x12f: {  	[tilespmem:$0x1FEF0] =	vst v0;
	v0 =	vsel vm0, $0x18C1, v48  }
0x130: {  	[tilespmem:$0x1FF00] =	vst v0;
	v0 =	vimm.s32 $0x1CD3  }
0x131: {  	v1 =	vimm.s32 $0x1CD5;
	v0 =	vsel vm14, $0x62, v0  }
0x132: {  	v49 =	vimm.s32 $0x1CD7;
	v1 =	vsel vm14, $0x64, v1;
	v0 =	vsel vm13, $0x472, v0  }
0x133: {  	v49 =	vsel vm14, $0x66, v49;
	v1 =	vsel vm13, $0x474, v1;
	v0 =	vsel vm12, $0x882, v0  }
0x134: {  	v49 =	vsel vm13, $0x476, v49;
	v1 =	vsel vm12, $0x884, v1;
	v0 =	vsel vm11, $0xC92, v0  }
0x135: {  	v49 =	vsel vm12, $0x886, v49;
	v1 =	vsel vm11, $0xC94, v1;
	v0 =	vsel vm10, $0x10A2, v0  }
0x136: {  	v49 =	vsel vm11, $0xC96, v49;
	v1 =	vsel vm10, $0x10A4, v1;
	v0 =	vsel vm9, $0x14B2, v0  }
0x137: {  	v49 =	vsel vm10, $0x10A6, v49;
	v1 =	vsel vm9, $0x14B4, v1;
	v0 =	vsel vm8, $0x18C2, v0  }
0x138: {  	v49 =	vsel vm9, $0x14B6, v49;
	v1 =	vsel vm8, $0x18C4, v1;
	v0 =	vsel vm7, $0x1CD2, v0  }
0x139: {  	v49 =	vsel vm8, $0x18C6, v49;
	v1 =	vsel vm7, $0x1CD4, v1;
	v0 =	vsel vm6, $0x63, v0  }
0x13a: {  	v49 =	vsel vm7, $0x1CD6, v49;
	v1 =	vsel vm6, $0x65, v1;
	v0 =	vsel vm5, $0x473, v0  }
0x13b: {  	v49 =	vsel vm6, $0x67, v49;
	v1 =	vsel vm5, $0x475, v1;
	v0 =	vsel vm4, $0x883, v0  }
0x13c: {  	v49 =	vsel vm5, $0x477, v49;
	v1 =	vsel vm4, $0x885, v1;
	v0 =	vsel vm3, $0xC93, v0  }
0x13d: {  	v49 =	vsel vm4, $0x887, v49;
	v1 =	vsel vm3, $0xC95, v1;
	v0 =	vsel vm2, $0x10A3, v0  }
0x13e: {  	v49 =	vsel vm3, $0xC97, v49;
	v1 =	vsel vm2, $0x10A5, v1;
	v0 =	vsel vm1, $0x14B3, v0  }
0x13f: {  	v49 =	vsel vm2, $0x10A7, v49;
	v1 =	vsel vm1, $0x14B5, v1;
	v0 =	vsel vm0, $0x18C3, v0  }
0x140: {  	v51 =	vsel vm1, $0x14B7, v49;
	[tilespmem:$0x1FF10] =	vst v0;
	v0 =	vsel vm0, $0x18C5, v1  }
0x141: {  	[tilespmem:$0x1FF20] =	vst v0;
	v0 =	vsel vm0, $0x18C7, v51  }
0x142: {  	[tilespmem:$0x1FF30] =	vst v0;
	v0 =	vimm.s32 $0x1CD9  }
0x143: {  	v1 =	vimm.s32 $0x1CDB;
	v0 =	vsel vm14, $0x68, v0  }
0x144: {  	v52 =	vimm.s32 $0x1CDD;
	v1 =	vsel vm14, $0x6A, v1;
	v0 =	vsel vm13, $0x478, v0  }
0x145: {  	v52 =	vsel vm14, $0x6C, v52;
	v1 =	vsel vm13, $0x47A, v1;
	v0 =	vsel vm12, $0x888, v0  }
0x146: {  	v52 =	vsel vm13, $0x47C, v52;
	v1 =	vsel vm12, $0x88A, v1;
	v0 =	vsel vm11, $0xC98, v0  }
0x147: {  	v52 =	vsel vm12, $0x88C, v52;
	v1 =	vsel vm11, $0xC9A, v1;
	v0 =	vsel vm10, $0x10A8, v0  }
0x148: {  	v52 =	vsel vm11, $0xC9C, v52;
	v1 =	vsel vm10, $0x10AA, v1;
	v0 =	vsel vm9, $0x14B8, v0  }
0x149: {  	v52 =	vsel vm10, $0x10AC, v52;
	v1 =	vsel vm9, $0x14BA, v1;
	v0 =	vsel vm8, $0x18C8, v0  }
0x14a: {  	v52 =	vsel vm9, $0x14BC, v52;
	v1 =	vsel vm8, $0x18CA, v1;
	v0 =	vsel vm7, $0x1CD8, v0  }
0x14b: {  	v52 =	vsel vm8, $0x18CC, v52;
	v1 =	vsel vm7, $0x1CDA, v1;
	v0 =	vsel vm6, $0x69, v0  }
0x14c: {  	v52 =	vsel vm7, $0x1CDC, v52;
	v1 =	vsel vm6, $0x6B, v1;
	v0 =	vsel vm5, $0x479, v0  }
0x14d: {  	v52 =	vsel vm6, $0x6D, v52;
	v1 =	vsel vm5, $0x47B, v1;
	v0 =	vsel vm4, $0x889, v0  }
0x14e: {  	v52 =	vsel vm5, $0x47D, v52;
	v1 =	vsel vm4, $0x88B, v1;
	v0 =	vsel vm3, $0xC99, v0  }
0x14f: {  	v52 =	vsel vm4, $0x88D, v52;
	v1 =	vsel vm3, $0xC9B, v1;
	v0 =	vsel vm2, $0x10A9, v0  }
0x150: {  	v52 =	vsel vm3, $0xC9D, v52;
	v1 =	vsel vm2, $0x10AB, v1;
	v0 =	vsel vm1, $0x14B9, v0  }
0x151: {  	v52 =	vsel vm2, $0x10AD, v52;
	v1 =	vsel vm1, $0x14BB, v1;
	v0 =	vsel vm0, $0x18C9, v0  }
0x152: {  	v54 =	vsel vm1, $0x14BD, v52;
	[tilespmem:$0x1FF40] =	vst v0;
	v0 =	vsel vm0, $0x18CB, v1  }
0x153: {  	[tilespmem:$0x1FF50] =	vst v0;
	v0 =	vsel vm0, $0x18CD, v54  }
0x154: {  	[tilespmem:$0x1FF60] =	vst v0;
	v0 =	vimm.s32 $0x1CDF  }
0x155: {  	v1 =	vimm.s32 $0x1CE1;
	v0 =	vsel vm14, $0x6E, v0  }
0x156: {  	v55 =	vimm.s32 $0x1CE3;
	v1 =	vsel vm14, $0x70, v1;
	v0 =	vsel vm13, $0x47E, v0  }
0x157: {  	v55 =	vsel vm14, $0x72, v55;
	v1 =	vsel vm13, $0x480, v1;
	v0 =	vsel vm12, $0x88E, v0  }
0x158: {  	v55 =	vsel vm13, $0x482, v55;
	v1 =	vsel vm12, $0x890, v1;
	v0 =	vsel vm11, $0xC9E, v0  }
0x159: {  	v55 =	vsel vm12, $0x892, v55;
	v1 =	vsel vm11, $0xCA0, v1;
	v0 =	vsel vm10, $0x10AE, v0  }
0x15a: {  	v55 =	vsel vm11, $0xCA2, v55;
	v1 =	vsel vm10, $0x10B0, v1;
	v0 =	vsel vm9, $0x14BE, v0  }
0x15b: {  	v55 =	vsel vm10, $0x10B2, v55;
	v1 =	vsel vm9, $0x14C0, v1;
	v0 =	vsel vm8, $0x18CE, v0  }
0x15c: {  	v55 =	vsel vm9, $0x14C2, v55;
	v1 =	vsel vm8, $0x18D0, v1;
	v0 =	vsel vm7, $0x1CDE, v0  }
0x15d: {  	v55 =	vsel vm8, $0x18D2, v55;
	v1 =	vsel vm7, $0x1CE0, v1;
	v0 =	vsel vm6, $0x6F, v0  }
0x15e: {  	v55 =	vsel vm7, $0x1CE2, v55;
	v1 =	vsel vm6, $0x71, v1;
	v0 =	vsel vm5, $0x47F, v0  }
0x15f: {  	v55 =	vsel vm6, $0x73, v55;
	v1 =	vsel vm5, $0x481, v1;
	v0 =	vsel vm4, $0x88F, v0  }
0x160: {  	v55 =	vsel vm5, $0x483, v55;
	v1 =	vsel vm4, $0x891, v1;
	v0 =	vsel vm3, $0xC9F, v0  }
0x161: {  	v55 =	vsel vm4, $0x893, v55;
	v1 =	vsel vm3, $0xCA1, v1;
	v0 =	vsel vm2, $0x10AF, v0  }
0x162: {  	v55 =	vsel vm3, $0xCA3, v55;
	v1 =	vsel vm2, $0x10B1, v1;
	v0 =	vsel vm1, $0x14BF, v0  }
0x163: {  	v55 =	vsel vm2, $0x10B3, v55;
	v1 =	vsel vm1, $0x14C1, v1;
	v0 =	vsel vm0, $0x18CF, v0  }
0x164: {  	v57 =	vsel vm1, $0x14C3, v55;
	[tilespmem:$0x1FF70] =	vst v0;
	v0 =	vsel vm0, $0x18D1, v1  }
0x165: {  	[tilespmem:$0x1FF80] =	vst v0;
	v0 =	vsel vm0, $0x18D3, v57  }
0x166: {  	[tilespmem:$0x1FF90] =	vst v0;
	v0 =	vimm.s32 $0x1CE5  }
0x167: {  	v1 =	vimm.s32 $0x1CE7;
	v0 =	vsel vm14, $0x74, v0  }
0x168: {  	v58 =	vimm.s32 $0x1CE9;
	v1 =	vsel vm14, $0x76, v1;
	v0 =	vsel vm13, $0x484, v0  }
0x169: {  	v58 =	vsel vm14, $0x78, v58;
	v1 =	vsel vm13, $0x486, v1;
	v0 =	vsel vm12, $0x894, v0  }
0x16a: {  	v58 =	vsel vm13, $0x488, v58;
	v1 =	vsel vm12, $0x896, v1;
	v0 =	vsel vm11, $0xCA4, v0  }
0x16b: {  	v58 =	vsel vm12, $0x898, v58;
	v1 =	vsel vm11, $0xCA6, v1;
	v0 =	vsel vm10, $0x10B4, v0  }
0x16c: {  	v58 =	vsel vm11, $0xCA8, v58;
	v1 =	vsel vm10, $0x10B6, v1;
	v0 =	vsel vm9, $0x14C4, v0  }
0x16d: {  	v58 =	vsel vm10, $0x10B8, v58;
	v1 =	vsel vm9, $0x14C6, v1;
	v0 =	vsel vm8, $0x18D4, v0  }
0x16e: {  	v58 =	vsel vm9, $0x14C8, v58;
	v1 =	vsel vm8, $0x18D6, v1;
	v0 =	vsel vm7, $0x1CE4, v0  }
0x16f: {  	v58 =	vsel vm8, $0x18D8, v58;
	v1 =	vsel vm7, $0x1CE6, v1;
	v0 =	vsel vm6, $0x75, v0  }
0x170: {  	v58 =	vsel vm7, $0x1CE8, v58;
	v1 =	vsel vm6, $0x77, v1;
	v0 =	vsel vm5, $0x485, v0  }
0x171: {  	v58 =	vsel vm6, $0x79, v58;
	v1 =	vsel vm5, $0x487, v1;
	v0 =	vsel vm4, $0x895, v0  }
0x172: {  	v58 =	vsel vm5, $0x489, v58;
	v1 =	vsel vm4, $0x897, v1;
	v0 =	vsel vm3, $0xCA5, v0  }
0x173: {  	v58 =	vsel vm4, $0x899, v58;
	v1 =	vsel vm3, $0xCA7, v1;
	v0 =	vsel vm2, $0x10B5, v0  }
0x174: {  	v58 =	vsel vm3, $0xCA9, v58;
	v1 =	vsel vm2, $0x10B7, v1;
	v0 =	vsel vm1, $0x14C5, v0  }
0x175: {  	v58 =	vsel vm2, $0x10B9, v58;
	v1 =	vsel vm1, $0x14C7, v1;
	v0 =	vsel vm0, $0x18D5, v0  }
0x176: {  	v60 =	vsel vm1, $0x14C9, v58;
	[tilespmem:$0x1FFA0] =	vst v0;
	v0 =	vsel vm0, $0x18D7, v1  }
0x177: {  	[tilespmem:$0x1FFB0] =	vst v0;
	v0 =	vsel vm0, $0x18D9, v60  }
0x178: {  	[tilespmem:$0x1FFC0] =	vst v0;
	v0 =	vimm.s32 $0x1CEB  }
0x179: {  	s0 =	srdreg.scid;
	v1 =	vimm.s32 $0x1CED;
	v0 =	vsel vm14, $0x7A, v0  }
0x17a: {  	s1 =	rddreg [dreg:$0x0];
	s3 =	stileid.u32;
	v61 =	vimm.s32 $0x1CEF;
	v1 =	vsel vm14, $0x7C, v1;
	v0 =	vsel vm13, $0x48A, v0  }
0x17b: {  	s2 =	rddreg [dreg:$0x1];
	s31 =	simm.s32 $0x2080;
	s0 =	sand.u32 $0x1, s0;
	v61 =	vsel vm14, $0x7E, v61;
	v1 =	vsel vm13, $0x48C, v1;
	v0 =	vsel vm12, $0x89A, v0  }
0x17c: {  	s29 =	simm.s32 $0x1;
	s4 =	sshll.u32 s3, $0x8;
	s5 =	sshll.u32 s0, $0x7;
	v61 =	vsel vm13, $0x48E, v61;
	v1 =	vsel vm12, $0x89C, v1;
	v0 =	vsel vm11, $0xCAA, v0  }
0x17d: {  	s30 =	simm.s32 $0x400;
	s28 =	simm.s32 $0x0;
	s4 =	sor.u32 s5, s4;
	v61 =	vsel vm12, $0x89E, v61;
	v1 =	vsel vm11, $0xCAC, v1;
	v0 =	vsel vm10, $0x10BA, v0  }
0x17e: {  	s3 =	simm.s32 $0x0;
	s6 =	sadd.s32 $0x800, s2;
	s5 =	sshll.u32 s4, $0x7;
	v61 =	vsel vm11, $0xCAE, v61;
	v1 =	vsel vm10, $0x10BC, v1;
	v0 =	vsel vm9, $0x14CA, v0  }
0x17f: {  	s2 =	simm.s32 $0x4000;
	s0 =	ssub.s32 $0x2, s0;
	s5 =	sadd.s32 s1, s5;
	v61 =	vsel vm10, $0x10BE, v61;
	v1 =	vsel vm9, $0x14CC, v1;
	v0 =	vsel vm8, $0x18DA, v0  }
0x180: {  	[smem:$0x7FF] =	sst s3;
	s25 =	sshrl.u32 s0, $0x1;
	s19 =	sadd.s32 $0x80000, s5;
	v61 =	vsel vm9, $0x14CE, v61;
	v1 =	vsel vm8, $0x18DC, v1;
	v0 =	vsel vm7, $0x1CEA, v0  }
0x181: {  	s20 =	sadd.s32 $0x100000, s5;
	v61 =	vsel vm8, $0x18DE, v61;
	_ =	strace $0x8000004A;
	[dreg:$0x3] =	wrdreg s19;
	v1 =	vsel vm7, $0x1CEC, v1;
	v0 =	vsel vm6, $0x7B, v0  }
0x182: {  	s0 =	ssub.s32 s0, s25;
	s21 =	sadd.s32 $0x180000, s5;
	v61 =	vsel vm7, $0x1CEE, v61;
	[dreg:$0x4] =	wrdreg s20;
	v1 =	vsel vm6, $0x7D, v1;
	v0 =	vsel vm5, $0x48B, v0  }
0x183: {  	s25 =	simm.s32 $0x3;
	s22 =	sadd.s32 $0x100080, s5;
	v61 =	vsel vm6, $0x7F, v61;
	[dreg:$0x5] =	wrdreg s21;
	v1 =	vsel vm5, $0x48D, v1;
	v0 =	vsel vm4, $0x89B, v0  }
0x184: {  	s23 =	sadd.s32 $0x200000, s5;
	s24 =	sadd.s32 $0x180080, s5;
	v61 =	vsel vm5, $0x48F, v61;
	[dreg:$0x6] =	wrdreg s22;
	v1 =	vsel vm4, $0x89D, v1;
	v0 =	vsel vm3, $0xCAB, v0  }
0x185: {  	s7 =	sadd.s32 $0x280000, s5;
	s26 =	sadd.s32 $0x200080, s5;
	v61 =	vsel vm4, $0x89F, v61;
	[dreg:$0x7] =	wrdreg s23;
	v1 =	vsel vm3, $0xCAD, v1;
	v0 =	vsel vm2, $0x10BB, v0  }
0x186: {  	s15 =	sadd.s32 $0x300000, s5;
	s16 =	sadd.s32 $0x280080, s5;
	v61 =	vsel vm3, $0xCAF, v61;
	[dreg:$0x8] =	wrdreg s24;
	v1 =	vsel vm2, $0x10BD, v1;
	v0 =	vsel vm1, $0x14CB, v0  }
0x187: {  	s17 =	sadd.s32 $0x80, s5;
	s18 =	sadd.s32 $0x380000, s5;
	v61 =	vsel vm2, $0x10BF, v61;
	[dreg:$0x9] =	wrdreg s7;
	v1 =	vsel vm1, $0x14CD, v1;
	v0 =	vsel vm0, $0x18DB, v0  }
0x188: {  	v63 =	vsel vm1, $0x14CF, v61;
	[dreg:$0xa] =	wrdreg s26;
	s19 =	sadd.s32 $0x300080, s5;
	s20 =	smax.u32 s0, $0x1;
	[tilespmem:$0x1FFD0] =	vst v0;
	v0 =	vsel vm0, $0x18DD, v1  }
0x189: {  	s21 =	sadd.s32 $0x80080, s5;
	s22 =	sadd.s32 $0x380080, s5;
	s0 =	simm.s32 $0x4100;
	[tilespmem:$0x1FFE0] =	vst v0;
	v0 =	vsel vm0, $0x18DF, v63  }
0x18a: {  	s23 =	simm.s32 $0x2;
	s24 =	simm.s32 $0x6100;
	s26 =	simm.s32 $0x4;
	[tilespmem:$0x1FFF0] =	vst v0  }
.LBB2_1:
0x18b: {  	v6 =	vld [tilespmem:$0x1FC40]  }
0x18c: {  	v7 =	vld [tilespmem:$0x1FC50]  }
0x18d: {  	v8 =	vld [tilespmem:$0x1FC60]  }
0x18e: {  	v9 =	vld [tilespmem:$0x1FC70]  }
0x18f: {  	v10 =	vld [tilespmem:$0x1FC80]  }
0x190: {  	v11 =	vld [tilespmem:$0x1FC90]  }
0x191: {  	v12 =	vld [tilespmem:$0x1FCA0]  }
0x192: {  	v13 =	vld [tilespmem:$0x1FCB0]  }
0x193: {  	v14 =	vld [tilespmem:$0x1FCC0]  }
0x194: {  	v15 =	vld [tilespmem:$0x1FCD0]  }
0x195: {  	v16 =	vld [tilespmem:$0x1FCE0]  }
0x196: {  	v17 =	vld [tilespmem:$0x1FCF0]  }
0x197: {  	v18 =	vld [tilespmem:$0x1FD00]  }
0x198: {  	v19 =	vld [tilespmem:$0x1FD10]  }
0x199: {  	v20 =	vld [tilespmem:$0x1FD20]  }
0x19a: {  	v21 =	vld [tilespmem:$0x1FD30]  }
0x19b: {  	v22 =	vld [tilespmem:$0x1FD40]  }
0x19c: {  	v23 =	vld [tilespmem:$0x1FD50]  }
0x19d: {  	v24 =	vld [tilespmem:$0x1FD60]  }
0x19e: {  	v25 =	vld [tilespmem:$0x1FD70]  }
0x19f: {  	v26 =	vld [tilespmem:$0x1FD80]  }
0x1a0: {  	v27 =	vld [tilespmem:$0x1FD90]  }
0x1a1: {  	v28 =	vld [tilespmem:$0x1FDA0]  }
0x1a2: {  	v29 =	vld [tilespmem:$0x1FDB0]  }
0x1a3: {  	v30 =	vld [tilespmem:$0x1FDC0]  }
0x1a4: {  	v31 =	vld [tilespmem:$0x1FDD0]  }
0x1a5: {  	v32 =	vld [tilespmem:$0x1FDE0]  }
0x1a6: {  	v33 =	vld [tilespmem:$0x1FDF0]  }
0x1a7: {  	v34 =	vld [tilespmem:$0x1FE00]  }
0x1a8: {  	[tilespmem:s3], [sflag:$0x1] =	stream.linear.gather [hbm4b:s5+s3], $0x400, $0x38;
	v35 =	vld [tilespmem:$0x1FE10]  }
0x1a9: {  	s7 =	rddreg [dreg:$0x3];
	s8 =	simm.s32 $0x410;
	v36 =	vld [tilespmem:$0x1FE20]  }
0x1aa: {  	v37 =	vld [tilespmem:$0x1FE30];
	[tilespmem:s8], [sflag:$0x1] =	stream.linear.gather [hbm4b:s7+s3], $0x400, $0x38  }
0x1ab: {  	s9 =	rddreg [dreg:$0x4];
	s10 =	simm.s32 $0x820;
	v38 =	vld [tilespmem:$0x1FE40]  }
0x1ac: {  	v39 =	vld [tilespmem:$0x1FE50];
	[tilespmem:s10], [sflag:$0x1] =	stream.linear.gather [hbm4b:s9+s3], $0x400, $0x38  }
0x1ad: {  	s11 =	rddreg [dreg:$0x5];
	s12 =	simm.s32 $0xC30;
	v40 =	vld [tilespmem:$0x1FE60]  }
0x1ae: {  	v41 =	vld [tilespmem:$0x1FE70];
	[tilespmem:s12], [sflag:$0x1] =	stream.linear.gather [hbm4b:s11+s3], $0x400, $0x38  }
0x1af: {  	s13 =	rddreg [dreg:$0x7];
	s14 =	simm.s32 $0x1040;
	v42 =	vld [tilespmem:$0x1FE80]  }
0x1b0: {  	v43 =	vld [tilespmem:$0x1FE90];
	[tilespmem:s14], [sflag:$0x1] =	stream.linear.gather [hbm4b:s13+s3], $0x400, $0x38  }
0x1b1: {  	v44 =	vld [tilespmem:$0x1FEA0];
	s8 =	rddreg [dreg:$0x9];
	s9 =	simm.s32 $0x1450  }
0x1b2: {  	v45 =	vld [tilespmem:$0x1FEB0];
	[tilespmem:s9], [sflag:$0x1] =	stream.linear.gather [hbm4b:s8+s3], $0x400, $0x38  }
0x1b3: {  	v46 =	vld [tilespmem:$0x1FEC0];
	s10 =	simm.s32 $0x1860  }
0x1b4: {  	v47 =	vld [tilespmem:$0x1FED0];
	[tilespmem:s10], [sflag:$0x1] =	stream.linear.gather [hbm4b:s15+s3], $0x400, $0x38  }
0x1b5: {  	v48 =	vld [tilespmem:$0x1FEE0];
	s11 =	simm.s32 $0x1C70  }
0x1b6: {  	v49 =	vld [tilespmem:$0x1FEF0];
	[tilespmem:s11], [sflag:$0x1] =	stream.linear.gather [hbm4b:s18+s3], $0x400, $0x38  }
0x1b7: {  	v50 =	vld [tilespmem:$0x1FF00]  }
0x1b8: {  	v51 =	vld [tilespmem:$0x1FF10];
	[tilespmem:s31], [sflag:$0x2] =	stream.linear.gather [hbm4b:s17+s3], $0x400, $0x38  }
0x1b9: {  	v52 =	vld [tilespmem:$0x1FF20];
	s12 =	simm.s32 $0x2490  }
0x1ba: {  	v53 =	vld [tilespmem:$0x1FF30];
	[tilespmem:s12], [sflag:$0x2] =	stream.linear.gather [hbm4b:s21+s3], $0x400, $0x38  }
0x1bb: {  	v54 =	vld [tilespmem:$0x1FF40];
	s13 =	rddreg [dreg:$0x6];
	s14 =	simm.s32 $0x28A0  }
0x1bc: {  	v55 =	vld [tilespmem:$0x1FF50];
	[tilespmem:s14], [sflag:$0x2] =	stream.linear.gather [hbm4b:s13+s3], $0x400, $0x38  }
0x1bd: {  	v56 =	vld [tilespmem:$0x1FF60];
	s8 =	rddreg [dreg:$0x8];
	s9 =	simm.s32 $0x2CB0  }
0x1be: {  	v57 =	vld [tilespmem:$0x1FF70];
	[tilespmem:s9], [sflag:$0x2] =	stream.linear.gather [hbm4b:s8+s3], $0x400, $0x38  }
0x1bf: {  	v58 =	vld [tilespmem:$0x1FF80];
	s10 =	rddreg [dreg:$0xa];
	s11 =	simm.s32 $0x30C0  }
0x1c0: {  	v59 =	vld [tilespmem:$0x1FF90];
	[tilespmem:s11], [sflag:$0x2] =	stream.linear.gather [hbm4b:s10+s3], $0x400, $0x38  }
0x1c1: {  	v60 =	vld [tilespmem:$0x1FFA0];
	s12 =	simm.s32 $0x34D0  }
0x1c2: {  	v61 =	vld [tilespmem:$0x1FFB0];
	[tilespmem:s12], [sflag:$0x2] =	stream.linear.gather [hbm4b:s16+s3], $0x400, $0x38  }
0x1c3: {  	v62 =	vld [tilespmem:$0x1FFC0];
	s13 =	simm.s32 $0x38E0  }
0x1c4: {  	v63 =	vld [tilespmem:$0x1FFD0];
	[tilespmem:s13], [sflag:$0x2] =	stream.linear.gather [hbm4b:s19+s3], $0x400, $0x38  }
0x1c5: {  	v4 =	vld [tilespmem:$0x1FFE0];
	s7 =	simm.s32 $0x0;
	s14 =	simm.s32 $0x3CF0  }
0x1c6: {  	v5 =	vld [tilespmem:$0x1FFF0];
	[tilespmem:s14], [sflag:$0x2] =	stream.linear.gather [hbm4b:s22+s3], $0x400, $0x38  }
.LBB2_2:
0x1c7: {  	_ =	swait.ge [sflag:s29], $0x2000  }
0x1c8: {  	v3 =	vmov v2;
	v2 =	vld [tilespmem:$0x1FC10];
	_ =	sdelay $0x3  }
0x1c9: {  	s10 =	simm.s32 $0x0  }
0x1ca: {  	p1 =	seq.s32 s7, $0x0;
	[sflag:s29] =	ssyncset.done $0x0;
	v0 =	vor.u32 s10, v2  }
0x1cb: {  	s8 =	simm.s32 @!p1 $0x3;
	[sflag:s29] =	ssyncadd.s32 $0xFFFFE000  }
0x1cc: {  	_ =	swait.ge @!p1 [sflag:s8], $0x2000  }
0x1cd: {  	[sflag:s8] =	ssyncset.done @!p1 $0x0  }
0x1ce: {  	[sflag:s8] =	ssyncadd.s32 @!p1 $0xFFFFE000  }
0x1cf: {  	v0 =	vld.idx.msk [tilespmem:v0+s3+$0x0], $0xffff  }
0x1d0: {  	v1 =	vor.u32 s10, v3;
	_ =	sdelay $0x2  }
0x1d1: {  	s11 =	simm.s32 $0x4300  }
0x1d2: {  	[tilespmem:s11+$0xFFFFFE00] =	vst v0  }
0x1d3: {  	v0 =	vld.idx.msk [tilespmem:v1+s3+$0x0], $0xffff  }
0x1d4: {  	v1 =	vld [tilespmem:$0x1FC20];
	_ =	sdelay $0x4  }
0x1d5: {  	v1 =	vor.u32 s10, v1;
	_ =	sdelay $0x3  }
0x1d6: {  	[tilespmem:s11+$0xFFFFFE10] =	vst v0  }
0x1d7: {  	v0 =	vld.idx.msk [tilespmem:v1+s3+$0x0], $0xffff  }
0x1d8: {  	v1 =	vld [tilespmem:$0x1FC30];
	_ =	sdelay $0x4  }
0x1d9: {  	v1 =	vor.u32 s10, v1;
	_ =	sdelay $0x3  }
0x1da: {  	[tilespmem:s11+$0xFFFFFE20] =	vst v0  }
0x1db: {  	v0 =	vld.idx.msk [tilespmem:v1+s3+$0x0], $0xffff  }
0x1dc: {  	v1 =	vor.u32 s10, v6;
	_ =	sdelay $0x3  }
0x1dd: {  	[tilespmem:s11+$0xFFFFFE30] =	vst v0  }
0x1de: {  	v0 =	vld.idx.msk [tilespmem:v1+s3+$0x0], $0xffff  }
0x1df: {  	v1 =	vor.u32 s10, v7;
	_ =	sdelay $0x3  }
0x1e0: {  	[tilespmem:s11+$0xFFFFFE40] =	vst v0  }
0x1e1: {  	v0 =	vld.idx.msk [tilespmem:v1+s3+$0x0], $0xffff  }
0x1e2: {  	v1 =	vor.u32 s10, v8;
	_ =	sdelay $0x3  }
0x1e3: {  	[tilespmem:s11+$0xFFFFFE50] =	vst v0  }
0x1e4: {  	v0 =	vld.idx.msk [tilespmem:v1+s3+$0x0], $0xffff  }
0x1e5: {  	v1 =	vor.u32 s10, v9;
	_ =	sdelay $0x3  }
0x1e6: {  	[tilespmem:s11+$0xFFFFFE60] =	vst v0  }
0x1e7: {  	v0 =	vld.idx.msk [tilespmem:v1+s3+$0x0], $0xffff  }
0x1e8: {  	v1 =	vadd.s32 s10, v10;
	_ =	sdelay $0x3  }
0x1e9: {  	[tilespmem:s11+$0xFFFFFE70] =	vst v0  }
0x1ea: {  	v0 =	vld.idx.msk [tilespmem:v1+s3+$0x0], $0xffff  }
0x1eb: {  	v1 =	vadd.s32 s10, v11;
	_ =	sdelay $0x3  }
0x1ec: {  	[tilespmem:s11+$0xFFFFFE80] =	vst v0  }
0x1ed: {  	v0 =	vld.idx.msk [tilespmem:v1+s3+$0x0], $0xffff  }
0x1ee: {  	v1 =	vadd.s32 s10, v12;
	_ =	sdelay $0x3  }
0x1ef: {  	[tilespmem:s11+$0xFFFFFE90] =	vst v0  }
0x1f0: {  	v0 =	vld.idx.msk [tilespmem:v1+s3+$0x0], $0xffff  }
0x1f1: {  	v1 =	vadd.s32 s10, v13;
	_ =	sdelay $0x3  }
0x1f2: {  	[tilespmem:s11+$0xFFFFFEA0] =	vst v0  }
0x1f3: {  	v0 =	vld.idx.msk [tilespmem:v1+s3+$0x0], $0xffff  }
0x1f4: {  	v1 =	vadd.s32 s10, v14;
	_ =	sdelay $0x3  }
0x1f5: {  	[tilespmem:s11+$0xFFFFFEB0] =	vst v0  }
0x1f6: {  	v0 =	vld.idx.msk [tilespmem:v1+s3+$0x0], $0xffff  }
0x1f7: {  	v1 =	vadd.s32 s10, v15;
	_ =	sdelay $0x3  }
0x1f8: {  	[tilespmem:s11+$0xFFFFFEC0] =	vst v0  }
0x1f9: {  	v0 =	vld.idx.msk [tilespmem:v1+s3+$0x0], $0xffff  }
0x1fa: {  	v1 =	vadd.s32 s10, v16;
	_ =	sdelay $0x3  }
0x1fb: {  	[tilespmem:s11+$0xFFFFFED0] =	vst v0  }
0x1fc: {  	v0 =	vld.idx.msk [tilespmem:v1+s3+$0x0], $0xffff  }
0x1fd: {  	v1 =	vadd.s32 s10, v17;
	_ =	sdelay $0x3  }
0x1fe: {  	[tilespmem:s11+$0xFFFFFEE0] =	vst v0  }
0x1ff: {  	v0 =	vld.idx.msk [tilespmem:v1+s3+$0x0], $0xffff  }
0x200: {  	v1 =	vadd.s32 s10, v18;
	_ =	sdelay $0x3  }
0x201: {  	[tilespmem:s11+$0xFFFFFEF0] =	vst v0  }
0x202: {  	v0 =	vld.idx.msk [tilespmem:v1+s3+$0x0], $0xffff  }
0x203: {  	v1 =	vadd.s32 s10, v19;
	_ =	sdelay $0x3  }
0x204: {  	[tilespmem:s11+$0xFFFFFF00] =	vst v0  }
0x205: {  	v0 =	vld.idx.msk [tilespmem:v1+s3+$0x0], $0xffff  }
0x206: {  	v1 =	vadd.s32 s10, v20;
	_ =	sdelay $0x3  }
0x207: {  	[tilespmem:s11+$0xFFFFFF10] =	vst v0  }
0x208: {  	v0 =	vld.idx.msk [tilespmem:v1+s3+$0x0], $0xffff  }
0x209: {  	v1 =	vadd.s32 s10, v21;
	_ =	sdelay $0x3  }
0x20a: {  	[tilespmem:s11+$0xFFFFFF20] =	vst v0  }
0x20b: {  	v0 =	vld.idx.msk [tilespmem:v1+s3+$0x0], $0xffff  }
0x20c: {  	v1 =	vadd.s32 s10, v22;
	_ =	sdelay $0x3  }
0x20d: {  	[tilespmem:s11+$0xFFFFFF30] =	vst v0  }
0x20e: {  	v0 =	vld.idx.msk [tilespmem:v1+s3+$0x0], $0xffff  }
0x20f: {  	v1 =	vadd.s32 s10, v23;
	_ =	sdelay $0x3  }
0x210: {  	[tilespmem:s11+$0xFFFFFF40] =	vst v0  }
0x211: {  	v0 =	vld.idx.msk [tilespmem:v1+s3+$0x0], $0xffff  }
0x212: {  	v1 =	vadd.s32 s10, v24;
	_ =	sdelay $0x3  }
0x213: {  	[tilespmem:s11+$0xFFFFFF50] =	vst v0  }
0x214: {  	v0 =	vld.idx.msk [tilespmem:v1+s3+$0x0], $0xffff  }
0x215: {  	v1 =	vadd.s32 s10, v25;
	_ =	sdelay $0x3  }
0x216: {  	[tilespmem:s11+$0xFFFFFF60] =	vst v0  }
0x217: {  	v0 =	vld.idx.msk [tilespmem:v1+s3+$0x0], $0xffff  }
0x218: {  	v1 =	vadd.s32 s10, v26;
	_ =	sdelay $0x3  }
0x219: {  	[tilespmem:s11+$0xFFFFFF70] =	vst v0  }
0x21a: {  	v0 =	vld.idx.msk [tilespmem:v1+s3+$0x0], $0xffff  }
0x21b: {  	v1 =	vadd.s32 s10, v27;
	_ =	sdelay $0x3  }
0x21c: {  	[tilespmem:s11+$0xFFFFFF80] =	vst v0  }
0x21d: {  	v0 =	vld.idx.msk [tilespmem:v1+s3+$0x0], $0xffff  }
0x21e: {  	v1 =	vadd.s32 s10, v28;
	_ =	sdelay $0x3  }
0x21f: {  	[tilespmem:s11+$0xFFFFFF90] =	vst v0  }
0x220: {  	v0 =	vld.idx.msk [tilespmem:v1+s3+$0x0], $0xffff  }
0x221: {  	v1 =	vadd.s32 s10, v29;
	_ =	sdelay $0x3  }
0x222: {  	[tilespmem:s11+$0xFFFFFFA0] =	vst v0  }
0x223: {  	v0 =	vld.idx.msk [tilespmem:v1+s3+$0x0], $0xffff  }
0x224: {  	v1 =	vadd.s32 s10, v30;
	_ =	sdelay $0x3  }
0x225: {  	[tilespmem:s11+$0xFFFFFFB0] =	vst v0  }
0x226: {  	v0 =	vld.idx.msk [tilespmem:v1+s3+$0x0], $0xffff  }
0x227: {  	v1 =	vadd.s32 s10, v31;
	_ =	sdelay $0x3  }
0x228: {  	[tilespmem:s11+$0xFFFFFFC0] =	vst v0  }
0x229: {  	v0 =	vld.idx.msk [tilespmem:v1+s3+$0x0], $0xffff  }
0x22a: {  	v1 =	vadd.s32 s10, v32;
	_ =	sdelay $0x3  }
0x22b: {  	[tilespmem:s11+$0xFFFFFFD0] =	vst v0  }
0x22c: {  	v0 =	vld.idx.msk [tilespmem:v1+s3+$0x0], $0xffff  }
0x22d: {  	v1 =	vadd.s32 s10, v33;
	_ =	sdelay $0x3  }
0x22e: {  	[tilespmem:s11+$0xFFFFFFE0] =	vst v0  }
0x22f: {  	v0 =	vld.idx.msk [tilespmem:v1+s3+$0x0], $0xffff  }
0x230: {  	v1 =	vadd.s32 s10, v34;
	_ =	sdelay $0x3  }
0x231: {  	[tilespmem:s11+$0xFFFFFFF0] =	vst v0  }
0x232: {  	v0 =	vld.idx.msk [tilespmem:v1+s3+$0x0], $0xffff  }
0x233: {  	v1 =	vadd.s32 s10, v35;
	_ =	sdelay $0x3  }
0x234: {  	[tilespmem:s11+$0x0] =	vst v0  }
0x235: {  	v0 =	vld.idx.msk [tilespmem:v1+s3+$0x0], $0xffff  }
0x236: {  	v1 =	vadd.s32 s10, v36;
	_ =	sdelay $0x3  }
0x237: {  	[tilespmem:s11+$0x10] =	vst v0  }
0x238: {  	v0 =	vld.idx.msk [tilespmem:v1+s3+$0x0], $0xffff  }
0x239: {  	v1 =	vadd.s32 s10, v37;
	_ =	sdelay $0x3  }
0x23a: {  	[tilespmem:s11+$0x20] =	vst v0  }
0x23b: {  	v0 =	vld.idx.msk [tilespmem:v1+s3+$0x0], $0xffff  }
0x23c: {  	v1 =	vadd.s32 s10, v38;
	_ =	sdelay $0x3  }
0x23d: {  	[tilespmem:s11+$0x30] =	vst v0  }
0x23e: {  	v0 =	vld.idx.msk [tilespmem:v1+s3+$0x0], $0xffff  }
0x23f: {  	v1 =	vadd.s32 s10, v39;
	_ =	sdelay $0x3  }
0x240: {  	[tilespmem:s11+$0x40] =	vst v0  }
0x241: {  	v0 =	vld.idx.msk [tilespmem:v1+s3+$0x0], $0xffff  }
0x242: {  	v1 =	vadd.s32 s10, v40;
	_ =	sdelay $0x3  }
0x243: {  	[tilespmem:s11+$0x50] =	vst v0  }
0x244: {  	v0 =	vld.idx.msk [tilespmem:v1+s3+$0x0], $0xffff  }
0x245: {  	v1 =	vadd.s32 s10, v41;
	_ =	sdelay $0x3  }
0x246: {  	[tilespmem:s11+$0x60] =	vst v0  }
0x247: {  	v0 =	vld.idx.msk [tilespmem:v1+s3+$0x0], $0xffff  }
0x248: {  	v1 =	vadd.s32 s10, v42;
	_ =	sdelay $0x3  }
0x249: {  	[tilespmem:s11+$0x70] =	vst v0  }
0x24a: {  	v0 =	vld.idx.msk [tilespmem:v1+s3+$0x0], $0xffff  }
0x24b: {  	v1 =	vadd.s32 s10, v43;
	_ =	sdelay $0x3  }
0x24c: {  	[tilespmem:s11+$0x80] =	vst v0  }
0x24d: {  	v0 =	vld.idx.msk [tilespmem:v1+s3+$0x0], $0xffff  }
0x24e: {  	v1 =	vadd.s32 s10, v44;
	_ =	sdelay $0x3  }
0x24f: {  	[tilespmem:s11+$0x90] =	vst v0  }
0x250: {  	v0 =	vld.idx.msk [tilespmem:v1+s3+$0x0], $0xffff  }
0x251: {  	v1 =	vadd.s32 s10, v45;
	_ =	sdelay $0x3  }
0x252: {  	[tilespmem:s11+$0xA0] =	vst v0  }
0x253: {  	v0 =	vld.idx.msk [tilespmem:v1+s3+$0x0], $0xffff  }
0x254: {  	v1 =	vadd.s32 s10, v46;
	_ =	sdelay $0x3  }
0x255: {  	[tilespmem:s11+$0xB0] =	vst v0  }
0x256: {  	v0 =	vld.idx.msk [tilespmem:v1+s3+$0x0], $0xffff  }
0x257: {  	v1 =	vadd.s32 s10, v47;
	_ =	sdelay $0x3  }
0x258: {  	[tilespmem:s11+$0xC0] =	vst v0  }
0x259: {  	v0 =	vld.idx.msk [tilespmem:v1+s3+$0x0], $0xffff  }
0x25a: {  	v1 =	vadd.s32 s10, v48;
	_ =	sdelay $0x3  }
0x25b: {  	[tilespmem:s11+$0xD0] =	vst v0  }
0x25c: {  	v0 =	vld.idx.msk [tilespmem:v1+s3+$0x0], $0xffff  }
0x25d: {  	v1 =	vadd.s32 s10, v49;
	_ =	sdelay $0x3  }
0x25e: {  	[tilespmem:s11+$0xE0] =	vst v0  }
0x25f: {  	v0 =	vld.idx.msk [tilespmem:v1+s3+$0x0], $0xffff  }
0x260: {  	v1 =	vadd.s32 s10, v50;
	_ =	sdelay $0x3  }
0x261: {  	[tilespmem:s11+$0xF0] =	vst v0  }
0x262: {  	v0 =	vld.idx.msk [tilespmem:v1+s3+$0x0], $0xffff  }
0x263: {  	v1 =	vadd.s32 s10, v51;
	_ =	sdelay $0x3  }
0x264: {  	[tilespmem:s11+$0x100] =	vst v0  }
0x265: {  	v0 =	vld.idx.msk [tilespmem:v1+s3+$0x0], $0xffff  }
0x266: {  	v1 =	vadd.s32 s10, v52;
	_ =	sdelay $0x3  }
0x267: {  	[tilespmem:s11+$0x110] =	vst v0  }
0x268: {  	v0 =	vld.idx.msk [tilespmem:v1+s3+$0x0], $0xffff  }
0x269: {  	v1 =	vadd.s32 s10, v53;
	_ =	sdelay $0x3  }
0x26a: {  	[tilespmem:s11+$0x120] =	vst v0  }
0x26b: {  	v0 =	vld.idx.msk [tilespmem:v1+s3+$0x0], $0xffff  }
0x26c: {  	v1 =	vadd.s32 s10, v54;
	_ =	sdelay $0x3  }
0x26d: {  	[tilespmem:s11+$0x130] =	vst v0  }
0x26e: {  	v0 =	vld.idx.msk [tilespmem:v1+s3+$0x0], $0xffff  }
0x26f: {  	v1 =	vadd.s32 s10, v55;
	_ =	sdelay $0x3  }
0x270: {  	[tilespmem:s11+$0x140] =	vst v0  }
0x271: {  	v0 =	vld.idx.msk [tilespmem:v1+s3+$0x0], $0xffff  }
0x272: {  	v1 =	vadd.s32 s10, v56;
	_ =	sdelay $0x3  }
0x273: {  	[tilespmem:s11+$0x150] =	vst v0  }
0x274: {  	v0 =	vld.idx.msk [tilespmem:v1+s3+$0x0], $0xffff  }
0x275: {  	v1 =	vadd.s32 s10, v57;
	_ =	sdelay $0x3  }
0x276: {  	[tilespmem:s11+$0x160] =	vst v0  }
0x277: {  	v0 =	vld.idx.msk [tilespmem:v1+s3+$0x0], $0xffff  }
0x278: {  	v1 =	vadd.s32 s10, v58;
	_ =	sdelay $0x3  }
0x279: {  	[tilespmem:s11+$0x170] =	vst v0  }
0x27a: {  	v0 =	vld.idx.msk [tilespmem:v1+s3+$0x0], $0xffff  }
0x27b: {  	v1 =	vadd.s32 s10, v59;
	_ =	sdelay $0x3  }
0x27c: {  	[tilespmem:s11+$0x180] =	vst v0  }
0x27d: {  	v0 =	vld.idx.msk [tilespmem:v1+s3+$0x0], $0xffff  }
0x27e: {  	v1 =	vadd.s32 s10, v60;
	_ =	sdelay $0x3  }
0x27f: {  	[tilespmem:s11+$0x190] =	vst v0  }
0x280: {  	v0 =	vld.idx.msk [tilespmem:v1+s3+$0x0], $0xffff  }
0x281: {  	v1 =	vadd.s32 s10, v61;
	_ =	sdelay $0x3  }
0x282: {  	[tilespmem:s11+$0x1A0] =	vst v0  }
0x283: {  	v0 =	vld.idx.msk [tilespmem:v1+s3+$0x0], $0xffff  }
0x284: {  	v1 =	vadd.s32 s10, v62;
	_ =	sdelay $0x3  }
0x285: {  	[tilespmem:s11+$0x1B0] =	vst v0  }
0x286: {  	v0 =	vld.idx.msk [tilespmem:v1+s3+$0x0], $0xffff  }
0x287: {  	v1 =	vadd.s32 s10, v63;
	_ =	sdelay $0x3  }
0x288: {  	[tilespmem:s11+$0x1C0] =	vst v0  }
0x289: {  	v0 =	vld.idx.msk [tilespmem:v1+s3+$0x0], $0xffff  }
0x28a: {  	v1 =	vadd.s32 s10, v4;
	_ =	sdelay $0x3  }
0x28b: {  	[tilespmem:s11+$0x1D0] =	vst v0  }
0x28c: {  	s9 =	sshll.u32 s7, $0x1;
	v0 =	vld.idx.msk [tilespmem:v1+s3+$0x0], $0xffff  }
0x28d: {  	s12 =	sand.u32 $0x7, s7;
	s8 =	sor.u32 s4, s9;
	v1 =	vadd.s32 s10, v5  }
0x28e: {  	p2 =	sne.s32 s12, $0x0;
	p0 =	seq.s32 s8, $0x0  }
0x28f: {  	p0 =	por !p2, !p0  }
0x290: {  	p0 =	por !p0, !p0;
	s10 =	simm.s32 $0x1  }
0x291: {  	s12 =	simm.s32 $0x80;
	s13 =	sshrl.u32 s8, $0x4;
	s10 =	simm.s32 @!p0 $0x0;
	[tilespmem:s11+$0x1E0] =	vst v0  }
0x292: {  	s10 =	ssub.s32 s13, s10;
	s13 =	simm.s32 $0x100;
	v0 =	vld.idx.msk [tilespmem:v1+s3+$0x0], $0xffff;
	v1 =	vor.u32 s12, v2  }
.LBB2_3:
0x293: {  	_ =	sdelay $0x3  }
0x294: {  	[tilespmem:s11+$0x1F0] =	vst v0  }
0x295: {  	v0 =	vld.idx.msk [tilespmem:v1+s3+$0x0], $0xffff  }
0x296: {  	v1 =	vor.u32 s12, v3;
	_ =	sdelay $0x2  }
0x297: {  	s11 =	sadd.s32 $0x400, s11  }
0x298: {  	[tilespmem:s11+$0xFFFFFE00] =	vst v0  }
0x299: {  	v0 =	vld.idx.msk [tilespmem:v1+s3+$0x0], $0xffff  }
0x29a: {  	v1 =	vld [tilespmem:$0x1FC20];
	_ =	sdelay $0x4  }
0x29b: {  	v1 =	vor.u32 s12, v1;
	_ =	sdelay $0x3  }
0x29c: {  	[tilespmem:s11+$0xFFFFFE10] =	vst v0  }
0x29d: {  	v0 =	vld.idx.msk [tilespmem:v1+s3+$0x0], $0xffff  }
0x29e: {  	v1 =	vld [tilespmem:$0x1FC30];
	_ =	sdelay $0x4  }
0x29f: {  	v1 =	vor.u32 s12, v1;
	_ =	sdelay $0x3  }
0x2a0: {  	[tilespmem:s11+$0xFFFFFE20] =	vst v0  }
0x2a1: {  	v0 =	vld.idx.msk [tilespmem:v1+s3+$0x0], $0xffff  }
0x2a2: {  	v1 =	vor.u32 s12, v6;
	_ =	sdelay $0x3  }
0x2a3: {  	[tilespmem:s11+$0xFFFFFE30] =	vst v0  }
0x2a4: {  	v0 =	vld.idx.msk [tilespmem:v1+s3+$0x0], $0xffff  }
0x2a5: {  	v1 =	vor.u32 s12, v7;
	_ =	sdelay $0x3  }
0x2a6: {  	[tilespmem:s11+$0xFFFFFE40] =	vst v0  }
0x2a7: {  	v0 =	vld.idx.msk [tilespmem:v1+s3+$0x0], $0xffff  }
0x2a8: {  	v1 =	vor.u32 s12, v8;
	_ =	sdelay $0x3  }
0x2a9: {  	[tilespmem:s11+$0xFFFFFE50] =	vst v0  }
0x2aa: {  	v0 =	vld.idx.msk [tilespmem:v1+s3+$0x0], $0xffff  }
0x2ab: {  	v1 =	vor.u32 s12, v9;
	_ =	sdelay $0x3  }
0x2ac: {  	[tilespmem:s11+$0xFFFFFE60] =	vst v0  }
0x2ad: {  	v0 =	vld.idx.msk [tilespmem:v1+s3+$0x0], $0xffff  }
0x2ae: {  	v1 =	vadd.s32 s12, v10;
	_ =	sdelay $0x3  }
0x2af: {  	[tilespmem:s11+$0xFFFFFE70] =	vst v0  }
0x2b0: {  	v0 =	vld.idx.msk [tilespmem:v1+s3+$0x0], $0xffff  }
0x2b1: {  	v1 =	vadd.s32 s12, v11;
	_ =	sdelay $0x3  }
0x2b2: {  	[tilespmem:s11+$0xFFFFFE80] =	vst v0  }
0x2b3: {  	v0 =	vld.idx.msk [tilespmem:v1+s3+$0x0], $0xffff  }
0x2b4: {  	v1 =	vadd.s32 s12, v12;
	_ =	sdelay $0x3  }
0x2b5: {  	[tilespmem:s11+$0xFFFFFE90] =	vst v0  }
0x2b6: {  	v0 =	vld.idx.msk [tilespmem:v1+s3+$0x0], $0xffff  }
0x2b7: {  	v1 =	vadd.s32 s12, v13;
	_ =	sdelay $0x3  }
0x2b8: {  	[tilespmem:s11+$0xFFFFFEA0] =	vst v0  }
0x2b9: {  	v0 =	vld.idx.msk [tilespmem:v1+s3+$0x0], $0xffff  }
0x2ba: {  	v1 =	vadd.s32 s12, v14;
	_ =	sdelay $0x3  }
0x2bb: {  	[tilespmem:s11+$0xFFFFFEB0] =	vst v0  }
0x2bc: {  	v0 =	vld.idx.msk [tilespmem:v1+s3+$0x0], $0xffff  }
0x2bd: {  	v1 =	vadd.s32 s12, v15;
	_ =	sdelay $0x3  }
0x2be: {  	[tilespmem:s11+$0xFFFFFEC0] =	vst v0  }
0x2bf: {  	v0 =	vld.idx.msk [tilespmem:v1+s3+$0x0], $0xffff  }
0x2c0: {  	v1 =	vadd.s32 s12, v16;
	_ =	sdelay $0x3  }
0x2c1: {  	[tilespmem:s11+$0xFFFFFED0] =	vst v0  }
0x2c2: {  	v0 =	vld.idx.msk [tilespmem:v1+s3+$0x0], $0xffff  }
0x2c3: {  	v1 =	vadd.s32 s12, v17;
	_ =	sdelay $0x3  }
0x2c4: {  	[tilespmem:s11+$0xFFFFFEE0] =	vst v0  }
0x2c5: {  	v0 =	vld.idx.msk [tilespmem:v1+s3+$0x0], $0xffff  }
0x2c6: {  	v1 =	vadd.s32 s12, v18;
	_ =	sdelay $0x3  }
0x2c7: {  	[tilespmem:s11+$0xFFFFFEF0] =	vst v0  }
0x2c8: {  	v0 =	vld.idx.msk [tilespmem:v1+s3+$0x0], $0xffff  }
0x2c9: {  	v1 =	vadd.s32 s12, v19;
	_ =	sdelay $0x3  }
0x2ca: {  	[tilespmem:s11+$0xFFFFFF00] =	vst v0  }
0x2cb: {  	v0 =	vld.idx.msk [tilespmem:v1+s3+$0x0], $0xffff  }
0x2cc: {  	v1 =	vadd.s32 s12, v20;
	_ =	sdelay $0x3  }
0x2cd: {  	[tilespmem:s11+$0xFFFFFF10] =	vst v0  }
0x2ce: {  	v0 =	vld.idx.msk [tilespmem:v1+s3+$0x0], $0xffff  }
0x2cf: {  	v1 =	vadd.s32 s12, v21;
	_ =	sdelay $0x3  }
0x2d0: {  	[tilespmem:s11+$0xFFFFFF20] =	vst v0  }
0x2d1: {  	v0 =	vld.idx.msk [tilespmem:v1+s3+$0x0], $0xffff  }
0x2d2: {  	v1 =	vadd.s32 s12, v22;
	_ =	sdelay $0x3  }
0x2d3: {  	[tilespmem:s11+$0xFFFFFF30] =	vst v0  }
0x2d4: {  	v0 =	vld.idx.msk [tilespmem:v1+s3+$0x0], $0xffff  }
0x2d5: {  	v1 =	vadd.s32 s12, v23;
	_ =	sdelay $0x3  }
0x2d6: {  	[tilespmem:s11+$0xFFFFFF40] =	vst v0  }
0x2d7: {  	v0 =	vld.idx.msk [tilespmem:v1+s3+$0x0], $0xffff  }
0x2d8: {  	v1 =	vadd.s32 s12, v24;
	_ =	sdelay $0x3  }
0x2d9: {  	[tilespmem:s11+$0xFFFFFF50] =	vst v0  }
0x2da: {  	v0 =	vld.idx.msk [tilespmem:v1+s3+$0x0], $0xffff  }
0x2db: {  	v1 =	vadd.s32 s12, v25;
	_ =	sdelay $0x3  }
0x2dc: {  	[tilespmem:s11+$0xFFFFFF60] =	vst v0  }
0x2dd: {  	v0 =	vld.idx.msk [tilespmem:v1+s3+$0x0], $0xffff  }
0x2de: {  	v1 =	vadd.s32 s12, v26;
	_ =	sdelay $0x3  }
0x2df: {  	[tilespmem:s11+$0xFFFFFF70] =	vst v0  }
0x2e0: {  	v0 =	vld.idx.msk [tilespmem:v1+s3+$0x0], $0xffff  }
0x2e1: {  	v1 =	vadd.s32 s12, v27;
	_ =	sdelay $0x3  }
0x2e2: {  	[tilespmem:s11+$0xFFFFFF80] =	vst v0  }
0x2e3: {  	v0 =	vld.idx.msk [tilespmem:v1+s3+$0x0], $0xffff  }
0x2e4: {  	v1 =	vadd.s32 s12, v28;
	_ =	sdelay $0x3  }
0x2e5: {  	[tilespmem:s11+$0xFFFFFF90] =	vst v0  }
0x2e6: {  	v0 =	vld.idx.msk [tilespmem:v1+s3+$0x0], $0xffff  }
0x2e7: {  	v1 =	vadd.s32 s12, v29;
	_ =	sdelay $0x3  }
0x2e8: {  	[tilespmem:s11+$0xFFFFFFA0] =	vst v0  }
0x2e9: {  	v0 =	vld.idx.msk [tilespmem:v1+s3+$0x0], $0xffff  }
0x2ea: {  	v1 =	vadd.s32 s12, v30;
	_ =	sdelay $0x3  }
0x2eb: {  	[tilespmem:s11+$0xFFFFFFB0] =	vst v0  }
0x2ec: {  	v0 =	vld.idx.msk [tilespmem:v1+s3+$0x0], $0xffff  }
0x2ed: {  	v1 =	vadd.s32 s12, v31;
	_ =	sdelay $0x3  }
0x2ee: {  	[tilespmem:s11+$0xFFFFFFC0] =	vst v0  }
0x2ef: {  	v0 =	vld.idx.msk [tilespmem:v1+s3+$0x0], $0xffff  }
0x2f0: {  	v1 =	vadd.s32 s12, v32;
	_ =	sdelay $0x3  }
0x2f1: {  	[tilespmem:s11+$0xFFFFFFD0] =	vst v0  }
0x2f2: {  	v0 =	vld.idx.msk [tilespmem:v1+s3+$0x0], $0xffff  }
0x2f3: {  	v1 =	vadd.s32 s12, v33;
	_ =	sdelay $0x3  }
0x2f4: {  	[tilespmem:s11+$0xFFFFFFE0] =	vst v0  }
0x2f5: {  	v0 =	vld.idx.msk [tilespmem:v1+s3+$0x0], $0xffff  }
0x2f6: {  	v1 =	vadd.s32 s12, v34;
	_ =	sdelay $0x3  }
0x2f7: {  	[tilespmem:s11+$0xFFFFFFF0] =	vst v0  }
0x2f8: {  	v0 =	vld.idx.msk [tilespmem:v1+s3+$0x0], $0xffff  }
0x2f9: {  	v1 =	vadd.s32 s12, v35;
	_ =	sdelay $0x3  }
0x2fa: {  	[tilespmem:s11+$0x0] =	vst v0  }
0x2fb: {  	v0 =	vld.idx.msk [tilespmem:v1+s3+$0x0], $0xffff  }
0x2fc: {  	v1 =	vadd.s32 s12, v36;
	_ =	sdelay $0x3  }
0x2fd: {  	[tilespmem:s11+$0x10] =	vst v0  }
0x2fe: {  	v0 =	vld.idx.msk [tilespmem:v1+s3+$0x0], $0xffff  }
0x2ff: {  	v1 =	vadd.s32 s12, v37;
	_ =	sdelay $0x3  }
0x300: {  	[tilespmem:s11+$0x20] =	vst v0  }
0x301: {  	v0 =	vld.idx.msk [tilespmem:v1+s3+$0x0], $0xffff  }
0x302: {  	v1 =	vadd.s32 s12, v38;
	_ =	sdelay $0x3  }
0x303: {  	[tilespmem:s11+$0x30] =	vst v0  }
0x304: {  	v0 =	vld.idx.msk [tilespmem:v1+s3+$0x0], $0xffff  }
0x305: {  	v1 =	vadd.s32 s12, v39;
	_ =	sdelay $0x3  }
0x306: {  	[tilespmem:s11+$0x40] =	vst v0  }
0x307: {  	v0 =	vld.idx.msk [tilespmem:v1+s3+$0x0], $0xffff  }
0x308: {  	v1 =	vadd.s32 s12, v40;
	_ =	sdelay $0x3  }
0x309: {  	[tilespmem:s11+$0x50] =	vst v0  }
0x30a: {  	v0 =	vld.idx.msk [tilespmem:v1+s3+$0x0], $0xffff  }
0x30b: {  	v1 =	vadd.s32 s12, v41;
	_ =	sdelay $0x3  }
0x30c: {  	[tilespmem:s11+$0x60] =	vst v0  }
0x30d: {  	v0 =	vld.idx.msk [tilespmem:v1+s3+$0x0], $0xffff  }
0x30e: {  	v1 =	vadd.s32 s12, v42;
	_ =	sdelay $0x3  }
0x30f: {  	[tilespmem:s11+$0x70] =	vst v0  }
0x310: {  	v0 =	vld.idx.msk [tilespmem:v1+s3+$0x0], $0xffff  }
0x311: {  	v1 =	vadd.s32 s12, v43;
	_ =	sdelay $0x3  }
0x312: {  	[tilespmem:s11+$0x80] =	vst v0  }
0x313: {  	v0 =	vld.idx.msk [tilespmem:v1+s3+$0x0], $0xffff  }
0x314: {  	v1 =	vadd.s32 s12, v44;
	_ =	sdelay $0x3  }
0x315: {  	[tilespmem:s11+$0x90] =	vst v0  }
0x316: {  	v0 =	vld.idx.msk [tilespmem:v1+s3+$0x0], $0xffff  }
0x317: {  	v1 =	vadd.s32 s12, v45;
	_ =	sdelay $0x3  }
0x318: {  	[tilespmem:s11+$0xA0] =	vst v0  }
0x319: {  	v0 =	vld.idx.msk [tilespmem:v1+s3+$0x0], $0xffff  }
0x31a: {  	v1 =	vadd.s32 s12, v46;
	_ =	sdelay $0x3  }
0x31b: {  	[tilespmem:s11+$0xB0] =	vst v0  }
0x31c: {  	v0 =	vld.idx.msk [tilespmem:v1+s3+$0x0], $0xffff  }
0x31d: {  	v1 =	vadd.s32 s12, v47;
	_ =	sdelay $0x3  }
0x31e: {  	[tilespmem:s11+$0xC0] =	vst v0  }
0x31f: {  	v0 =	vld.idx.msk [tilespmem:v1+s3+$0x0], $0xffff  }
0x320: {  	v1 =	vadd.s32 s12, v48;
	_ =	sdelay $0x3  }
0x321: {  	[tilespmem:s11+$0xD0] =	vst v0  }
0x322: {  	v0 =	vld.idx.msk [tilespmem:v1+s3+$0x0], $0xffff  }
0x323: {  	v1 =	vadd.s32 s12, v49;
	_ =	sdelay $0x3  }
0x324: {  	[tilespmem:s11+$0xE0] =	vst v0  }
0x325: {  	v0 =	vld.idx.msk [tilespmem:v1+s3+$0x0], $0xffff  }
0x326: {  	v1 =	vadd.s32 s12, v50;
	_ =	sdelay $0x3  }
0x327: {  	[tilespmem:s11+$0xF0] =	vst v0  }
0x328: {  	v0 =	vld.idx.msk [tilespmem:v1+s3+$0x0], $0xffff  }
0x329: {  	v1 =	vadd.s32 s12, v51;
	_ =	sdelay $0x3  }
0x32a: {  	[tilespmem:s11+$0x100] =	vst v0  }
0x32b: {  	v0 =	vld.idx.msk [tilespmem:v1+s3+$0x0], $0xffff  }
0x32c: {  	v1 =	vadd.s32 s12, v52;
	_ =	sdelay $0x3  }
0x32d: {  	[tilespmem:s11+$0x110] =	vst v0  }
0x32e: {  	v0 =	vld.idx.msk [tilespmem:v1+s3+$0x0], $0xffff  }
0x32f: {  	v1 =	vadd.s32 s12, v53;
	_ =	sdelay $0x3  }
0x330: {  	[tilespmem:s11+$0x120] =	vst v0  }
0x331: {  	v0 =	vld.idx.msk [tilespmem:v1+s3+$0x0], $0xffff  }
0x332: {  	v1 =	vadd.s32 s12, v54;
	_ =	sdelay $0x3  }
0x333: {  	[tilespmem:s11+$0x130] =	vst v0  }
0x334: {  	v0 =	vld.idx.msk [tilespmem:v1+s3+$0x0], $0xffff  }
0x335: {  	v1 =	vadd.s32 s12, v55;
	_ =	sdelay $0x3  }
0x336: {  	[tilespmem:s11+$0x140] =	vst v0  }
0x337: {  	v0 =	vld.idx.msk [tilespmem:v1+s3+$0x0], $0xffff  }
0x338: {  	v1 =	vadd.s32 s12, v56;
	_ =	sdelay $0x3  }
0x339: {  	[tilespmem:s11+$0x150] =	vst v0  }
0x33a: {  	v0 =	vld.idx.msk [tilespmem:v1+s3+$0x0], $0xffff  }
0x33b: {  	v1 =	vadd.s32 s12, v57;
	_ =	sdelay $0x3  }
0x33c: {  	[tilespmem:s11+$0x160] =	vst v0  }
0x33d: {  	v0 =	vld.idx.msk [tilespmem:v1+s3+$0x0], $0xffff  }
0x33e: {  	v1 =	vadd.s32 s12, v58;
	_ =	sdelay $0x3  }
0x33f: {  	[tilespmem:s11+$0x170] =	vst v0  }
0x340: {  	v0 =	vld.idx.msk [tilespmem:v1+s3+$0x0], $0xffff  }
0x341: {  	v1 =	vadd.s32 s12, v59;
	_ =	sdelay $0x3  }
0x342: {  	[tilespmem:s11+$0x180] =	vst v0  }
0x343: {  	v0 =	vld.idx.msk [tilespmem:v1+s3+$0x0], $0xffff  }
0x344: {  	v1 =	vadd.s32 s12, v60;
	_ =	sdelay $0x3  }
0x345: {  	[tilespmem:s11+$0x190] =	vst v0  }
0x346: {  	v0 =	vld.idx.msk [tilespmem:v1+s3+$0x0], $0xffff  }
0x347: {  	v1 =	vadd.s32 s12, v61;
	_ =	sdelay $0x3  }
0x348: {  	[tilespmem:s11+$0x1A0] =	vst v0  }
0x349: {  	v0 =	vld.idx.msk [tilespmem:v1+s3+$0x0], $0xffff  }
0x34a: {  	v1 =	vadd.s32 s12, v62;
	_ =	sdelay $0x3  }
0x34b: {  	[tilespmem:s11+$0x1B0] =	vst v0  }
0x34c: {  	v0 =	vld.idx.msk [tilespmem:v1+s3+$0x0], $0xffff  }
0x34d: {  	v1 =	vadd.s32 s12, v63;
	_ =	sdelay $0x3  }
0x34e: {  	[tilespmem:s11+$0x1C0] =	vst v0  }
0x34f: {  	v0 =	vld.idx.msk [tilespmem:v1+s3+$0x0], $0xffff  }
0x350: {  	v1 =	vadd.s32 s12, v4;
	_ =	sdelay $0x3  }
0x351: {  	[tilespmem:s11+$0x1D0] =	vst v0  }
0x352: {  	v0 =	vld.idx.msk [tilespmem:v1+s3+$0x0], $0xffff  }
0x353: {  	p0 =	sne.s32 s13, $0x380;
	v1 =	vadd.s32 s12, v5  }
.Ltmp0:
0x354: {  	_ = 	snop;
	(pc) =	sbr.rel @p0 .LBB2_3-.Ltmp0, $3  }
0x355: {  	_ =	sdelay $0x1  }
0x356: {  	s12 =	smov.u32 s13;
	[tilespmem:s11+$0x1E0] =	vst v0  }
0x357: {  	s13 =	sadd.s32 $0x80, s13;
	v0 =	vld.idx.msk [tilespmem:v1+s3+$0x0], $0xffff;
	v1 =	vor.u32 s12, v2  }
0x358: {  	_ =	sdelay $0x3  }
0x359: {  	[tilespmem:s11+$0x1F0] =	vst v0  }
0x35a: {  	v0 =	vld.idx.msk [tilespmem:v1+s3+$0x0], $0xffff  }
0x35b: {  	v1 =	vor.u32 s12, v3;
	_ =	sdelay $0x2  }
0x35c: {  	s14 =	sadd.s32 $0x400, s11  }
0x35d: {  	[tilespmem:s14+$0xFFFFFE00] =	vst v0  }
0x35e: {  	v0 =	vld.idx.msk [tilespmem:v1+s3+$0x0], $0xffff;
	_ =	sdelay $0x4  }
0x35f: {  	[tilespmem:$0x1FBF0] =	vst v0;
	v0 =	vld [tilespmem:$0x1FC20];
	_ =	sdelay $0x4  }
0x360: {  	v1 =	vor.u32 s12, v0;
	v0 =	vld [tilespmem:$0x1FBF0];
	_ =	sdelay $0x4  }
0x361: {  	[tilespmem:s14+$0xFFFFFE10] =	vst v0  }
0x362: {  	v0 =	vld.idx.msk [tilespmem:v1+s3+$0x0], $0xffff;
	_ =	sdelay $0x4  }
0x363: {  	[tilespmem:$0x1FC00] =	vst v0;
	v0 =	vld [tilespmem:$0x1FC30];
	_ =	sdelay $0x4  }
0x364: {  	v1 =	vor.u32 s12, v0;
	v0 =	vld [tilespmem:$0x1FC00];
	_ =	sdelay $0x4  }
0x365: {  	[tilespmem:s14+$0xFFFFFE20] =	vst v0  }
0x366: {  	v0 =	vld.idx.msk [tilespmem:v1+s3+$0x0], $0xffff  }
0x367: {  	v1 =	vor.u32 s12, v6;
	_ =	sdelay $0x3  }
0x368: {  	[tilespmem:s14+$0xFFFFFE30] =	vst v0  }
0x369: {  	v0 =	vld.idx.msk [tilespmem:v1+s3+$0x0], $0xffff  }
0x36a: {  	v1 =	vor.u32 s12, v7;
	_ =	sdelay $0x3  }
0x36b: {  	[tilespmem:s14+$0xFFFFFE40] =	vst v0  }
0x36c: {  	v0 =	vld.idx.msk [tilespmem:v1+s3+$0x0], $0xffff  }
0x36d: {  	v1 =	vor.u32 s12, v8;
	_ =	sdelay $0x3  }
0x36e: {  	[tilespmem:s14+$0xFFFFFE50] =	vst v0  }
0x36f: {  	v0 =	vld.idx.msk [tilespmem:v1+s3+$0x0], $0xffff  }
0x370: {  	v1 =	vor.u32 s12, v9;
	_ =	sdelay $0x3  }
0x371: {  	[tilespmem:s14+$0xFFFFFE60] =	vst v0  }
0x372: {  	v0 =	vld.idx.msk [tilespmem:v1+s3+$0x0], $0xffff  }
0x373: {  	v1 =	vadd.s32 s12, v10;
	_ =	sdelay $0x3  }
0x374: {  	[tilespmem:s14+$0xFFFFFE70] =	vst v0  }
0x375: {  	v0 =	vld.idx.msk [tilespmem:v1+s3+$0x0], $0xffff  }
0x376: {  	v1 =	vadd.s32 s12, v11;
	_ =	sdelay $0x3  }
0x377: {  	[tilespmem:s14+$0xFFFFFE80] =	vst v0  }
0x378: {  	v0 =	vld.idx.msk [tilespmem:v1+s3+$0x0], $0xffff  }
0x379: {  	v1 =	vadd.s32 s12, v12;
	_ =	sdelay $0x3  }
0x37a: {  	[tilespmem:s14+$0xFFFFFE90] =	vst v0  }
0x37b: {  	v0 =	vld.idx.msk [tilespmem:v1+s3+$0x0], $0xffff  }
0x37c: {  	v1 =	vadd.s32 s12, v13;
	_ =	sdelay $0x3  }
0x37d: {  	[tilespmem:s14+$0xFFFFFEA0] =	vst v0  }
0x37e: {  	v0 =	vld.idx.msk [tilespmem:v1+s3+$0x0], $0xffff  }
0x37f: {  	v1 =	vadd.s32 s12, v14;
	_ =	sdelay $0x3  }
0x380: {  	[tilespmem:s14+$0xFFFFFEB0] =	vst v0  }
0x381: {  	v0 =	vld.idx.msk [tilespmem:v1+s3+$0x0], $0xffff  }
0x382: {  	v1 =	vadd.s32 s12, v15;
	_ =	sdelay $0x3  }
0x383: {  	[tilespmem:s14+$0xFFFFFEC0] =	vst v0  }
0x384: {  	v0 =	vld.idx.msk [tilespmem:v1+s3+$0x0], $0xffff  }
0x385: {  	v1 =	vadd.s32 s12, v16;
	_ =	sdelay $0x3  }
0x386: {  	[tilespmem:s14+$0xFFFFFED0] =	vst v0  }
0x387: {  	v0 =	vld.idx.msk [tilespmem:v1+s3+$0x0], $0xffff  }
0x388: {  	v1 =	vadd.s32 s12, v17;
	_ =	sdelay $0x3  }
0x389: {  	[tilespmem:s14+$0xFFFFFEE0] =	vst v0  }
0x38a: {  	v0 =	vld.idx.msk [tilespmem:v1+s3+$0x0], $0xffff  }
0x38b: {  	v1 =	vadd.s32 s12, v18;
	_ =	sdelay $0x3  }
0x38c: {  	[tilespmem:s14+$0xFFFFFEF0] =	vst v0  }
0x38d: {  	v0 =	vld.idx.msk [tilespmem:v1+s3+$0x0], $0xffff  }
0x38e: {  	v1 =	vadd.s32 s12, v19;
	_ =	sdelay $0x3  }
0x38f: {  	[tilespmem:s14+$0xFFFFFF00] =	vst v0  }
0x390: {  	v0 =	vld.idx.msk [tilespmem:v1+s3+$0x0], $0xffff  }
0x391: {  	v1 =	vadd.s32 s12, v20;
	_ =	sdelay $0x3  }
0x392: {  	[tilespmem:s14+$0xFFFFFF10] =	vst v0  }
0x393: {  	v0 =	vld.idx.msk [tilespmem:v1+s3+$0x0], $0xffff  }
0x394: {  	v1 =	vadd.s32 s12, v21;
	_ =	sdelay $0x3  }
0x395: {  	[tilespmem:s14+$0xFFFFFF20] =	vst v0  }
0x396: {  	v0 =	vld.idx.msk [tilespmem:v1+s3+$0x0], $0xffff  }
0x397: {  	v1 =	vadd.s32 s12, v22;
	_ =	sdelay $0x3  }
0x398: {  	[tilespmem:s14+$0xFFFFFF30] =	vst v0  }
0x399: {  	v0 =	vld.idx.msk [tilespmem:v1+s3+$0x0], $0xffff  }
0x39a: {  	v1 =	vadd.s32 s12, v23;
	_ =	sdelay $0x3  }
0x39b: {  	[tilespmem:s14+$0xFFFFFF40] =	vst v0  }
0x39c: {  	v0 =	vld.idx.msk [tilespmem:v1+s3+$0x0], $0xffff  }
0x39d: {  	v1 =	vadd.s32 s12, v24;
	_ =	sdelay $0x3  }
0x39e: {  	[tilespmem:s14+$0xFFFFFF50] =	vst v0  }
0x39f: {  	v0 =	vld.idx.msk [tilespmem:v1+s3+$0x0], $0xffff  }
0x3a0: {  	v1 =	vadd.s32 s12, v25;
	_ =	sdelay $0x3  }
0x3a1: {  	[tilespmem:s14+$0xFFFFFF60] =	vst v0  }
0x3a2: {  	v0 =	vld.idx.msk [tilespmem:v1+s3+$0x0], $0xffff  }
0x3a3: {  	v1 =	vadd.s32 s12, v26;
	_ =	sdelay $0x3  }
0x3a4: {  	[tilespmem:s14+$0xFFFFFF70] =	vst v0  }
0x3a5: {  	v0 =	vld.idx.msk [tilespmem:v1+s3+$0x0], $0xffff  }
0x3a6: {  	v1 =	vadd.s32 s12, v27;
	_ =	sdelay $0x3  }
0x3a7: {  	[tilespmem:s14+$0xFFFFFF80] =	vst v0  }
0x3a8: {  	v0 =	vld.idx.msk [tilespmem:v1+s3+$0x0], $0xffff  }
0x3a9: {  	v1 =	vadd.s32 s12, v28;
	_ =	sdelay $0x3  }
0x3aa: {  	[tilespmem:s14+$0xFFFFFF90] =	vst v0  }
0x3ab: {  	v0 =	vld.idx.msk [tilespmem:v1+s3+$0x0], $0xffff  }
0x3ac: {  	v1 =	vadd.s32 s12, v29;
	_ =	sdelay $0x3  }
0x3ad: {  	[tilespmem:s14+$0xFFFFFFA0] =	vst v0  }
0x3ae: {  	v0 =	vld.idx.msk [tilespmem:v1+s3+$0x0], $0xffff  }
0x3af: {  	v1 =	vadd.s32 s12, v30;
	_ =	sdelay $0x3  }
0x3b0: {  	[tilespmem:s14+$0xFFFFFFB0] =	vst v0  }
0x3b1: {  	v0 =	vld.idx.msk [tilespmem:v1+s3+$0x0], $0xffff  }
0x3b2: {  	v1 =	vadd.s32 s12, v31;
	_ =	sdelay $0x3  }
0x3b3: {  	[tilespmem:s14+$0xFFFFFFC0] =	vst v0  }
0x3b4: {  	v0 =	vld.idx.msk [tilespmem:v1+s3+$0x0], $0xffff  }
0x3b5: {  	v1 =	vadd.s32 s12, v32;
	_ =	sdelay $0x3  }
0x3b6: {  	[tilespmem:s14+$0xFFFFFFD0] =	vst v0  }
0x3b7: {  	v0 =	vld.idx.msk [tilespmem:v1+s3+$0x0], $0xffff  }
0x3b8: {  	v1 =	vadd.s32 s12, v33;
	_ =	sdelay $0x3  }
0x3b9: {  	[tilespmem:s14+$0xFFFFFFE0] =	vst v0  }
0x3ba: {  	v0 =	vld.idx.msk [tilespmem:v1+s3+$0x0], $0xffff  }
0x3bb: {  	v1 =	vadd.s32 s12, v34;
	_ =	sdelay $0x3  }
0x3bc: {  	[tilespmem:s14+$0xFFFFFFF0] =	vst v0  }
0x3bd: {  	v0 =	vld.idx.msk [tilespmem:v1+s3+$0x0], $0xffff  }
0x3be: {  	v1 =	vadd.s32 s12, v35;
	_ =	sdelay $0x3  }
0x3bf: {  	[tilespmem:s14+$0x0] =	vst v0  }
0x3c0: {  	v0 =	vld.idx.msk [tilespmem:v1+s3+$0x0], $0xffff  }
0x3c1: {  	v1 =	vadd.s32 s12, v36;
	_ =	sdelay $0x3  }
0x3c2: {  	[tilespmem:s14+$0x10] =	vst v0  }
0x3c3: {  	v0 =	vld.idx.msk [tilespmem:v1+s3+$0x0], $0xffff  }
0x3c4: {  	v1 =	vadd.s32 s12, v37;
	_ =	sdelay $0x3  }
0x3c5: {  	[tilespmem:s14+$0x20] =	vst v0  }
0x3c6: {  	v0 =	vld.idx.msk [tilespmem:v1+s3+$0x0], $0xffff  }
0x3c7: {  	v1 =	vadd.s32 s12, v38;
	_ =	sdelay $0x3  }
0x3c8: {  	[tilespmem:s14+$0x30] =	vst v0  }
0x3c9: {  	v0 =	vld.idx.msk [tilespmem:v1+s3+$0x0], $0xffff  }
0x3ca: {  	v1 =	vadd.s32 s12, v39;
	_ =	sdelay $0x3  }
0x3cb: {  	[tilespmem:s14+$0x40] =	vst v0  }
0x3cc: {  	v0 =	vld.idx.msk [tilespmem:v1+s3+$0x0], $0xffff  }
0x3cd: {  	v1 =	vadd.s32 s12, v40;
	_ =	sdelay $0x3  }
0x3ce: {  	[tilespmem:s14+$0x50] =	vst v0  }
0x3cf: {  	v0 =	vld.idx.msk [tilespmem:v1+s3+$0x0], $0xffff  }
0x3d0: {  	v1 =	vadd.s32 s12, v41;
	_ =	sdelay $0x3  }
0x3d1: {  	[tilespmem:s14+$0x60] =	vst v0  }
0x3d2: {  	v0 =	vld.idx.msk [tilespmem:v1+s3+$0x0], $0xffff  }
0x3d3: {  	v1 =	vadd.s32 s12, v42;
	_ =	sdelay $0x3  }
0x3d4: {  	[tilespmem:s14+$0x70] =	vst v0  }
0x3d5: {  	v0 =	vld.idx.msk [tilespmem:v1+s3+$0x0], $0xffff  }
0x3d6: {  	v1 =	vadd.s32 s12, v43;
	_ =	sdelay $0x3  }
0x3d7: {  	[tilespmem:s14+$0x80] =	vst v0  }
0x3d8: {  	v0 =	vld.idx.msk [tilespmem:v1+s3+$0x0], $0xffff  }
0x3d9: {  	v1 =	vadd.s32 s12, v44;
	_ =	sdelay $0x3  }
0x3da: {  	[tilespmem:s14+$0x90] =	vst v0  }
0x3db: {  	v0 =	vld.idx.msk [tilespmem:v1+s3+$0x0], $0xffff  }
0x3dc: {  	v1 =	vadd.s32 s12, v45;
	_ =	sdelay $0x3  }
0x3dd: {  	[tilespmem:s14+$0xA0] =	vst v0  }
0x3de: {  	v0 =	vld.idx.msk [tilespmem:v1+s3+$0x0], $0xffff  }
0x3df: {  	v1 =	vadd.s32 s12, v46;
	_ =	sdelay $0x3  }
0x3e0: {  	[tilespmem:s14+$0xB0] =	vst v0  }
0x3e1: {  	v0 =	vld.idx.msk [tilespmem:v1+s3+$0x0], $0xffff  }
0x3e2: {  	v1 =	vadd.s32 s12, v47;
	_ =	sdelay $0x3  }
0x3e3: {  	[tilespmem:s14+$0xC0] =	vst v0  }
0x3e4: {  	v0 =	vld.idx.msk [tilespmem:v1+s3+$0x0], $0xffff  }
0x3e5: {  	v1 =	vadd.s32 s12, v48;
	_ =	sdelay $0x3  }
0x3e6: {  	[tilespmem:s14+$0xD0] =	vst v0  }
0x3e7: {  	v0 =	vld.idx.msk [tilespmem:v1+s3+$0x0], $0xffff  }
0x3e8: {  	v1 =	vadd.s32 s12, v49;
	_ =	sdelay $0x3  }
0x3e9: {  	[tilespmem:s14+$0xE0] =	vst v0  }
0x3ea: {  	v0 =	vld.idx.msk [tilespmem:v1+s3+$0x0], $0xffff  }
0x3eb: {  	v1 =	vadd.s32 s12, v50;
	_ =	sdelay $0x3  }
0x3ec: {  	[tilespmem:s14+$0xF0] =	vst v0  }
0x3ed: {  	v0 =	vld.idx.msk [tilespmem:v1+s3+$0x0], $0xffff  }
0x3ee: {  	v1 =	vadd.s32 s12, v51;
	_ =	sdelay $0x3  }
0x3ef: {  	[tilespmem:s14+$0x100] =	vst v0  }
0x3f0: {  	v0 =	vld.idx.msk [tilespmem:v1+s3+$0x0], $0xffff  }
0x3f1: {  	v1 =	vadd.s32 s12, v52;
	_ =	sdelay $0x3  }
0x3f2: {  	[tilespmem:s14+$0x110] =	vst v0  }
0x3f3: {  	v0 =	vld.idx.msk [tilespmem:v1+s3+$0x0], $0xffff  }
0x3f4: {  	v1 =	vadd.s32 s12, v53;
	_ =	sdelay $0x3  }
0x3f5: {  	[tilespmem:s14+$0x120] =	vst v0  }
0x3f6: {  	v0 =	vld.idx.msk [tilespmem:v1+s3+$0x0], $0xffff  }
0x3f7: {  	v1 =	vadd.s32 s12, v54;
	_ =	sdelay $0x3  }
0x3f8: {  	[tilespmem:s14+$0x130] =	vst v0  }
0x3f9: {  	v0 =	vld.idx.msk [tilespmem:v1+s3+$0x0], $0xffff  }
0x3fa: {  	v1 =	vadd.s32 s12, v55;
	_ =	sdelay $0x3  }
0x3fb: {  	[tilespmem:s14+$0x140] =	vst v0  }
0x3fc: {  	v0 =	vld.idx.msk [tilespmem:v1+s3+$0x0], $0xffff  }
0x3fd: {  	v1 =	vadd.s32 s12, v56;
	_ =	sdelay $0x3  }
0x3fe: {  	[tilespmem:s14+$0x150] =	vst v0  }
0x3ff: {  	v0 =	vld.idx.msk [tilespmem:v1+s3+$0x0], $0xffff  }
0x400: {  	v1 =	vadd.s32 s12, v57;
	_ =	sdelay $0x3  }
0x401: {  	[tilespmem:s14+$0x160] =	vst v0  }
0x402: {  	v0 =	vld.idx.msk [tilespmem:v1+s3+$0x0], $0xffff  }
0x403: {  	v1 =	vadd.s32 s12, v58;
	_ =	sdelay $0x3  }
0x404: {  	[tilespmem:s14+$0x170] =	vst v0  }
0x405: {  	v0 =	vld.idx.msk [tilespmem:v1+s3+$0x0], $0xffff  }
0x406: {  	v1 =	vadd.s32 s12, v59;
	_ =	sdelay $0x3  }
0x407: {  	[tilespmem:s14+$0x180] =	vst v0  }
0x408: {  	v0 =	vld.idx.msk [tilespmem:v1+s3+$0x0], $0xffff  }
0x409: {  	v1 =	vadd.s32 s12, v60;
	_ =	sdelay $0x3  }
0x40a: {  	[tilespmem:s14+$0x190] =	vst v0  }
0x40b: {  	v0 =	vld.idx.msk [tilespmem:v1+s3+$0x0], $0xffff  }
0x40c: {  	v1 =	vadd.s32 s12, v61;
	_ =	sdelay $0x3  }
0x40d: {  	[tilespmem:s14+$0x1A0] =	vst v0  }
0x40e: {  	v0 =	vld.idx.msk [tilespmem:v1+s3+$0x0], $0xffff  }
0x40f: {  	v1 =	vadd.s32 s12, v62;
	_ =	sdelay $0x3  }
0x410: {  	[tilespmem:s14+$0x1B0] =	vst v0  }
0x411: {  	v0 =	vld.idx.msk [tilespmem:v1+s3+$0x0], $0xffff  }
0x412: {  	v1 =	vadd.s32 s12, v63;
	_ =	sdelay $0x3  }
0x413: {  	[tilespmem:s14+$0x1C0] =	vst v0  }
0x414: {  	v0 =	vld.idx.msk [tilespmem:v1+s3+$0x0], $0xffff  }
0x415: {  	v1 =	vadd.s32 s12, v4;
	_ =	sdelay $0x3  }
0x416: {  	[tilespmem:s14+$0x1D0] =	vst v0  }
0x417: {  	v0 =	vld.idx.msk [tilespmem:v1+s3+$0x0], $0xffff  }
0x418: {  	v1 =	vadd.s32 s12, v5;
	_ =	sdelay $0x3  }
0x419: {  	[tilespmem:s14+$0x1E0] =	vst v0  }
0x41a: {  	p0 =	seq.s32 s7, $0x3F;
	v0 =	vld.idx.msk [tilespmem:v1+s3+$0x0], $0xffff  }
0x41b: {  	s12 =	sadd.s32 @!p0 $0x2, s9  }
0x41c: {  	s13 =	sadd.s32 @!p0 s4, s12;
	s12 =	sshll.u32 @!p0 s12, $0x7  }
0x41d: {  	s13 =	sshll.u32 @!p0 s13, $0x7;
	s12 =	sand.u32 @!p0 $0x700, s12  }
0x41e: {  	s13 =	sand.u32 @!p0 $0xFF800, s13;
	s12 =	sadd.s32 @!p0 s1, s12  }
0x41f: {  	s11 =	sadd.s32 @!p0 s13, s12;
	s12 =	simm.s32 @!p0 $0x0;
	[tilespmem:s14+$0x1F0] =	vst v0  }
0x420: {  	[tilespmem:s12], [sflag:$0x1] =	stream.linear.gather @!p0 [hbm4b:s11+s12], $0x400, $0x38;
	[tilespmem:$0x8100] =	vst v63  }
0x421: {  	s13 =	sadd.s32 @!p0 $0x80000, s11;
	s14 =	simm.s32 @!p0 $0x410  }
0x422: {  	[tilespmem:s14], [sflag:$0x1] =	stream.linear.gather @!p0 [hbm4b:s13+s12], $0x400, $0x38;
	[tilespmem:$0x8100] =	vst v63  }
0x423: {  	s13 =	sadd.s32 @!p0 $0x100000, s11;
	s14 =	simm.s32 @!p0 $0x820  }
0x424: {  	[tilespmem:s14], [sflag:$0x1] =	stream.linear.gather @!p0 [hbm4b:s13+s12], $0x400, $0x38;
	[tilespmem:$0x8100] =	vst v63  }
0x425: {  	s13 =	sadd.s32 @!p0 $0x180000, s11;
	s14 =	simm.s32 @!p0 $0xC30  }
0x426: {  	[tilespmem:s14], [sflag:$0x1] =	stream.linear.gather @!p0 [hbm4b:s13+s12], $0x400, $0x38;
	[tilespmem:$0x8100] =	vst v63  }
0x427: {  	s13 =	sadd.s32 @!p0 $0x200000, s11;
	s14 =	simm.s32 @!p0 $0x1040  }
0x428: {  	[tilespmem:s14], [sflag:$0x1] =	stream.linear.gather @!p0 [hbm4b:s13+s12], $0x400, $0x38;
	[tilespmem:$0x8100] =	vst v63  }
0x429: {  	s13 =	sadd.s32 @!p0 $0x280000, s11;
	s14 =	simm.s32 @!p0 $0x1450  }
0x42a: {  	[tilespmem:s14], [sflag:$0x1] =	stream.linear.gather @!p0 [hbm4b:s13+s12], $0x400, $0x38;
	[tilespmem:$0x8100] =	vst v63  }
0x42b: {  	s13 =	sadd.s32 @!p0 $0x300000, s11;
	s14 =	simm.s32 @!p0 $0x1860  }
0x42c: {  	[tilespmem:s14], [sflag:$0x1] =	stream.linear.gather @!p0 [hbm4b:s13+s12], $0x400, $0x38;
	[tilespmem:$0x8100] =	vst v63  }
0x42d: {  	s11 =	sadd.s32 @!p0 $0x380000, s11;
	s13 =	simm.s32 @!p0 $0x1C70  }
0x42e: {  	[tilespmem:s13], [sflag:$0x1] =	stream.linear.gather @!p0 [hbm4b:s11+s12], $0x400, $0x38;
	[tilespmem:$0x8100] =	vst v63  }
0x42f: {  	s13 =	sshll.u32 s7, $0xB  }
0x430: {  	s10 =	sshll.u32 s10, $0x11;
	s11 =	sand.u32 $0x3800, s13  }
0x431: {  	s10 =	sor.u32 s11, s10  }
0x432: {  	s10 =	sshrl.u32 s10, $0x3  }
0x433: {  	s10 =	sadd.s32 s6, s10  }
0x434: {  	[hbm4b:s10+s30] =	stream.strided.scatter [tilespmem:s0], [sflag:$0x3], $0x2000, s2, s30, $0x38;
	[tilespmem:$0x8100] =	vst v63  }
0x435: {  	s14 =	simm.s32 $0x0;
	_ =	swait.ge [sflag:s23], $0x2000  }
0x436: {  	v0 =	vor.u32 s14, v2;
	[sflag:s23] =	ssyncset.done $0x0  }
0x437: {  	s10 =	simm.s32 @!p1 $0x4;
	[sflag:s23] =	ssyncadd.s32 $0xFFFFE000  }
0x438: {  	_ =	swait.ge @!p1 [sflag:s10], $0x2000  }
0x439: {  	[sflag:s10] =	ssyncset.done @!p1 $0x0  }
0x43a: {  	[sflag:s10] =	ssyncadd.s32 @!p1 $0xFFFFE000  }
0x43b: {  	v0 =	vld.idx.msk [tilespmem:v0+s31+$0x0], $0xffff  }
0x43c: {  	v1 =	vor.u32 s14, v3;
	_ =	sdelay $0x2  }
0x43d: {  	s10 =	simm.s32 $0x64F0  }
0x43e: {  	[tilespmem:s10+$0xFFFFFC10] =	vst v0  }
0x43f: {  	v0 =	vld.idx.msk [tilespmem:v1+s31+$0x0], $0xffff  }
0x440: {  	v1 =	vld [tilespmem:$0x1FC20];
	_ =	sdelay $0x4  }
0x441: {  	v1 =	vor.u32 s14, v1;
	_ =	sdelay $0x3  }
0x442: {  	[tilespmem:s10+$0xFFFFFC20] =	vst v0  }
0x443: {  	v0 =	vld.idx.msk [tilespmem:v1+s31+$0x0], $0xffff  }
0x444: {  	v1 =	vld [tilespmem:$0x1FC30];
	_ =	sdelay $0x4  }
0x445: {  	v1 =	vor.u32 s14, v1;
	_ =	sdelay $0x3  }
0x446: {  	[tilespmem:s10+$0xFFFFFC30] =	vst v0  }
0x447: {  	v0 =	vld.idx.msk [tilespmem:v1+s31+$0x0], $0xffff  }
0x448: {  	v1 =	vor.u32 s14, v6;
	_ =	sdelay $0x3  }
0x449: {  	[tilespmem:s10+$0xFFFFFC40] =	vst v0  }
0x44a: {  	v0 =	vld.idx.msk [tilespmem:v1+s31+$0x0], $0xffff  }
0x44b: {  	v1 =	vor.u32 s14, v7;
	_ =	sdelay $0x3  }
0x44c: {  	[tilespmem:s10+$0xFFFFFC50] =	vst v0  }
0x44d: {  	v0 =	vld.idx.msk [tilespmem:v1+s31+$0x0], $0xffff  }
0x44e: {  	v1 =	vor.u32 s14, v8;
	_ =	sdelay $0x3  }
0x44f: {  	[tilespmem:s10+$0xFFFFFC60] =	vst v0  }
0x450: {  	v0 =	vld.idx.msk [tilespmem:v1+s31+$0x0], $0xffff  }
0x451: {  	v1 =	vor.u32 s14, v9;
	_ =	sdelay $0x3  }
0x452: {  	[tilespmem:s10+$0xFFFFFC70] =	vst v0  }
0x453: {  	v0 =	vld.idx.msk [tilespmem:v1+s31+$0x0], $0xffff  }
0x454: {  	v1 =	vadd.s32 s14, v10;
	_ =	sdelay $0x3  }
0x455: {  	[tilespmem:s10+$0xFFFFFC80] =	vst v0  }
0x456: {  	v0 =	vld.idx.msk [tilespmem:v1+s31+$0x0], $0xffff  }
0x457: {  	v1 =	vadd.s32 s14, v11;
	_ =	sdelay $0x3  }
0x458: {  	[tilespmem:s10+$0xFFFFFC90] =	vst v0  }
0x459: {  	v0 =	vld.idx.msk [tilespmem:v1+s31+$0x0], $0xffff  }
0x45a: {  	v1 =	vadd.s32 s14, v12;
	_ =	sdelay $0x3  }
0x45b: {  	[tilespmem:s10+$0xFFFFFCA0] =	vst v0  }
0x45c: {  	v0 =	vld.idx.msk [tilespmem:v1+s31+$0x0], $0xffff  }
0x45d: {  	v1 =	vadd.s32 s14, v13;
	_ =	sdelay $0x3  }
0x45e: {  	[tilespmem:s10+$0xFFFFFCB0] =	vst v0  }
0x45f: {  	v0 =	vld.idx.msk [tilespmem:v1+s31+$0x0], $0xffff  }
0x460: {  	v1 =	vadd.s32 s14, v14;
	_ =	sdelay $0x3  }
0x461: {  	[tilespmem:s10+$0xFFFFFCC0] =	vst v0  }
0x462: {  	v0 =	vld.idx.msk [tilespmem:v1+s31+$0x0], $0xffff  }
0x463: {  	v1 =	vadd.s32 s14, v15;
	_ =	sdelay $0x3  }
0x464: {  	[tilespmem:s10+$0xFFFFFCD0] =	vst v0  }
0x465: {  	v0 =	vld.idx.msk [tilespmem:v1+s31+$0x0], $0xffff  }
0x466: {  	v1 =	vadd.s32 s14, v16;
	_ =	sdelay $0x3  }
0x467: {  	[tilespmem:s10+$0xFFFFFCE0] =	vst v0  }
0x468: {  	v0 =	vld.idx.msk [tilespmem:v1+s31+$0x0], $0xffff  }
0x469: {  	v1 =	vadd.s32 s14, v17;
	_ =	sdelay $0x3  }
0x46a: {  	[tilespmem:s10+$0xFFFFFCF0] =	vst v0  }
0x46b: {  	v0 =	vld.idx.msk [tilespmem:v1+s31+$0x0], $0xffff  }
0x46c: {  	v1 =	vadd.s32 s14, v18;
	_ =	sdelay $0x3  }
0x46d: {  	[tilespmem:s10+$0xFFFFFD00] =	vst v0  }
0x46e: {  	v0 =	vld.idx.msk [tilespmem:v1+s31+$0x0], $0xffff  }
0x46f: {  	v1 =	vadd.s32 s14, v19;
	_ =	sdelay $0x3  }
0x470: {  	[tilespmem:s10+$0xFFFFFD10] =	vst v0  }
0x471: {  	v0 =	vld.idx.msk [tilespmem:v1+s31+$0x0], $0xffff  }
0x472: {  	v1 =	vadd.s32 s14, v20;
	_ =	sdelay $0x3  }
0x473: {  	[tilespmem:s10+$0xFFFFFD20] =	vst v0  }
0x474: {  	v0 =	vld.idx.msk [tilespmem:v1+s31+$0x0], $0xffff  }
0x475: {  	v1 =	vadd.s32 s14, v21;
	_ =	sdelay $0x3  }
0x476: {  	[tilespmem:s10+$0xFFFFFD30] =	vst v0  }
0x477: {  	v0 =	vld.idx.msk [tilespmem:v1+s31+$0x0], $0xffff  }
0x478: {  	v1 =	vadd.s32 s14, v22;
	_ =	sdelay $0x3  }
0x479: {  	[tilespmem:s10+$0xFFFFFD40] =	vst v0  }
0x47a: {  	v0 =	vld.idx.msk [tilespmem:v1+s31+$0x0], $0xffff  }
0x47b: {  	v1 =	vadd.s32 s14, v23;
	_ =	sdelay $0x3  }
0x47c: {  	[tilespmem:s10+$0xFFFFFD50] =	vst v0  }
0x47d: {  	v0 =	vld.idx.msk [tilespmem:v1+s31+$0x0], $0xffff  }
0x47e: {  	v1 =	vadd.s32 s14, v24;
	_ =	sdelay $0x3  }
0x47f: {  	[tilespmem:s10+$0xFFFFFD60] =	vst v0  }
0x480: {  	v0 =	vld.idx.msk [tilespmem:v1+s31+$0x0], $0xffff  }
0x481: {  	v1 =	vadd.s32 s14, v25;
	_ =	sdelay $0x3  }
0x482: {  	[tilespmem:s10+$0xFFFFFD70] =	vst v0  }
0x483: {  	v0 =	vld.idx.msk [tilespmem:v1+s31+$0x0], $0xffff  }
0x484: {  	v1 =	vadd.s32 s14, v26;
	_ =	sdelay $0x3  }
0x485: {  	[tilespmem:s10+$0xFFFFFD80] =	vst v0  }
0x486: {  	v0 =	vld.idx.msk [tilespmem:v1+s31+$0x0], $0xffff  }
0x487: {  	v1 =	vadd.s32 s14, v27;
	_ =	sdelay $0x3  }
0x488: {  	[tilespmem:s10+$0xFFFFFD90] =	vst v0  }
0x489: {  	v0 =	vld.idx.msk [tilespmem:v1+s31+$0x0], $0xffff  }
0x48a: {  	v1 =	vadd.s32 s14, v28;
	_ =	sdelay $0x3  }
0x48b: {  	[tilespmem:s10+$0xFFFFFDA0] =	vst v0  }
0x48c: {  	v0 =	vld.idx.msk [tilespmem:v1+s31+$0x0], $0xffff  }
0x48d: {  	v1 =	vadd.s32 s14, v29;
	_ =	sdelay $0x3  }
0x48e: {  	[tilespmem:s10+$0xFFFFFDB0] =	vst v0  }
0x48f: {  	v0 =	vld.idx.msk [tilespmem:v1+s31+$0x0], $0xffff  }
0x490: {  	v1 =	vadd.s32 s14, v30;
	_ =	sdelay $0x3  }
0x491: {  	[tilespmem:s10+$0xFFFFFDC0] =	vst v0  }
0x492: {  	v0 =	vld.idx.msk [tilespmem:v1+s31+$0x0], $0xffff  }
0x493: {  	v1 =	vadd.s32 s14, v31;
	_ =	sdelay $0x3  }
0x494: {  	[tilespmem:s10+$0xFFFFFDD0] =	vst v0  }
0x495: {  	v0 =	vld.idx.msk [tilespmem:v1+s31+$0x0], $0xffff  }
0x496: {  	v1 =	vadd.s32 s14, v32;
	_ =	sdelay $0x3  }
0x497: {  	[tilespmem:s10+$0xFFFFFDE0] =	vst v0  }
0x498: {  	v0 =	vld.idx.msk [tilespmem:v1+s31+$0x0], $0xffff  }
0x499: {  	v1 =	vadd.s32 s14, v33;
	_ =	sdelay $0x3  }
0x49a: {  	[tilespmem:s10+$0xFFFFFDF0] =	vst v0  }
0x49b: {  	v0 =	vld.idx.msk [tilespmem:v1+s31+$0x0], $0xffff  }
0x49c: {  	v1 =	vadd.s32 s14, v34;
	_ =	sdelay $0x3  }
0x49d: {  	[tilespmem:s10+$0xFFFFFE00] =	vst v0  }
0x49e: {  	v0 =	vld.idx.msk [tilespmem:v1+s31+$0x0], $0xffff  }
0x49f: {  	v1 =	vadd.s32 s14, v35;
	_ =	sdelay $0x3  }
0x4a0: {  	[tilespmem:s10+$0xFFFFFE10] =	vst v0  }
0x4a1: {  	v0 =	vld.idx.msk [tilespmem:v1+s31+$0x0], $0xffff  }
0x4a2: {  	v1 =	vadd.s32 s14, v36;
	_ =	sdelay $0x3  }
0x4a3: {  	[tilespmem:s10+$0xFFFFFE20] =	vst v0  }
0x4a4: {  	v0 =	vld.idx.msk [tilespmem:v1+s31+$0x0], $0xffff  }
0x4a5: {  	v1 =	vadd.s32 s14, v37;
	_ =	sdelay $0x3  }
0x4a6: {  	[tilespmem:s10+$0xFFFFFE30] =	vst v0  }
0x4a7: {  	v0 =	vld.idx.msk [tilespmem:v1+s31+$0x0], $0xffff  }
0x4a8: {  	v1 =	vadd.s32 s14, v38;
	_ =	sdelay $0x3  }
0x4a9: {  	[tilespmem:s10+$0xFFFFFE40] =	vst v0  }
0x4aa: {  	v0 =	vld.idx.msk [tilespmem:v1+s31+$0x0], $0xffff  }
0x4ab: {  	v1 =	vadd.s32 s14, v39;
	_ =	sdelay $0x3  }
0x4ac: {  	[tilespmem:s10+$0xFFFFFE50] =	vst v0  }
0x4ad: {  	v0 =	vld.idx.msk [tilespmem:v1+s31+$0x0], $0xffff  }
0x4ae: {  	v1 =	vadd.s32 s14, v40;
	_ =	sdelay $0x3  }
0x4af: {  	[tilespmem:s10+$0xFFFFFE60] =	vst v0  }
0x4b0: {  	v0 =	vld.idx.msk [tilespmem:v1+s31+$0x0], $0xffff  }
0x4b1: {  	v1 =	vadd.s32 s14, v41;
	_ =	sdelay $0x3  }
0x4b2: {  	[tilespmem:s10+$0xFFFFFE70] =	vst v0  }
0x4b3: {  	v0 =	vld.idx.msk [tilespmem:v1+s31+$0x0], $0xffff  }
0x4b4: {  	v1 =	vadd.s32 s14, v42;
	_ =	sdelay $0x3  }
0x4b5: {  	[tilespmem:s10+$0xFFFFFE80] =	vst v0  }
0x4b6: {  	v0 =	vld.idx.msk [tilespmem:v1+s31+$0x0], $0xffff  }
0x4b7: {  	v1 =	vadd.s32 s14, v43;
	_ =	sdelay $0x3  }
0x4b8: {  	[tilespmem:s10+$0xFFFFFE90] =	vst v0  }
0x4b9: {  	v0 =	vld.idx.msk [tilespmem:v1+s31+$0x0], $0xffff  }
0x4ba: {  	v1 =	vadd.s32 s14, v44;
	_ =	sdelay $0x3  }
0x4bb: {  	[tilespmem:s10+$0xFFFFFEA0] =	vst v0  }
0x4bc: {  	v0 =	vld.idx.msk [tilespmem:v1+s31+$0x0], $0xffff  }
0x4bd: {  	v1 =	vadd.s32 s14, v45;
	_ =	sdelay $0x3  }
0x4be: {  	[tilespmem:s10+$0xFFFFFEB0] =	vst v0  }
0x4bf: {  	v0 =	vld.idx.msk [tilespmem:v1+s31+$0x0], $0xffff  }
0x4c0: {  	v1 =	vadd.s32 s14, v46;
	_ =	sdelay $0x3  }
0x4c1: {  	[tilespmem:s10+$0xFFFFFEC0] =	vst v0  }
0x4c2: {  	v0 =	vld.idx.msk [tilespmem:v1+s31+$0x0], $0xffff  }
0x4c3: {  	v1 =	vadd.s32 s14, v47;
	_ =	sdelay $0x3  }
0x4c4: {  	[tilespmem:s10+$0xFFFFFED0] =	vst v0  }
0x4c5: {  	v0 =	vld.idx.msk [tilespmem:v1+s31+$0x0], $0xffff  }
0x4c6: {  	v1 =	vadd.s32 s14, v48;
	_ =	sdelay $0x3  }
0x4c7: {  	[tilespmem:s10+$0xFFFFFEE0] =	vst v0  }
0x4c8: {  	v0 =	vld.idx.msk [tilespmem:v1+s31+$0x0], $0xffff  }
0x4c9: {  	v1 =	vadd.s32 s14, v49;
	_ =	sdelay $0x3  }
0x4ca: {  	[tilespmem:s10+$0xFFFFFEF0] =	vst v0  }
0x4cb: {  	v0 =	vld.idx.msk [tilespmem:v1+s31+$0x0], $0xffff  }
0x4cc: {  	v1 =	vadd.s32 s14, v50;
	_ =	sdelay $0x3  }
0x4cd: {  	[tilespmem:s10+$0xFFFFFF00] =	vst v0  }
0x4ce: {  	v0 =	vld.idx.msk [tilespmem:v1+s31+$0x0], $0xffff  }
0x4cf: {  	v1 =	vadd.s32 s14, v51;
	_ =	sdelay $0x3  }
0x4d0: {  	[tilespmem:s10+$0xFFFFFF10] =	vst v0  }
0x4d1: {  	v0 =	vld.idx.msk [tilespmem:v1+s31+$0x0], $0xffff  }
0x4d2: {  	v1 =	vadd.s32 s14, v52;
	_ =	sdelay $0x3  }
0x4d3: {  	[tilespmem:s10+$0xFFFFFF20] =	vst v0  }
0x4d4: {  	v0 =	vld.idx.msk [tilespmem:v1+s31+$0x0], $0xffff  }
0x4d5: {  	v1 =	vadd.s32 s14, v53;
	_ =	sdelay $0x3  }
0x4d6: {  	[tilespmem:s10+$0xFFFFFF30] =	vst v0  }
0x4d7: {  	v0 =	vld.idx.msk [tilespmem:v1+s31+$0x0], $0xffff  }
0x4d8: {  	v1 =	vadd.s32 s14, v54;
	_ =	sdelay $0x3  }
0x4d9: {  	[tilespmem:s10+$0xFFFFFF40] =	vst v0  }
0x4da: {  	v0 =	vld.idx.msk [tilespmem:v1+s31+$0x0], $0xffff  }
0x4db: {  	v1 =	vadd.s32 s14, v55;
	_ =	sdelay $0x3  }
0x4dc: {  	[tilespmem:s10+$0xFFFFFF50] =	vst v0  }
0x4dd: {  	v0 =	vld.idx.msk [tilespmem:v1+s31+$0x0], $0xffff  }
0x4de: {  	v1 =	vadd.s32 s14, v56;
	_ =	sdelay $0x3  }
0x4df: {  	[tilespmem:s10+$0xFFFFFF60] =	vst v0  }
0x4e0: {  	v0 =	vld.idx.msk [tilespmem:v1+s31+$0x0], $0xffff  }
0x4e1: {  	v1 =	vadd.s32 s14, v57;
	_ =	sdelay $0x3  }
0x4e2: {  	[tilespmem:s10+$0xFFFFFF70] =	vst v0  }
0x4e3: {  	v0 =	vld.idx.msk [tilespmem:v1+s31+$0x0], $0xffff  }
0x4e4: {  	v1 =	vadd.s32 s14, v58;
	_ =	sdelay $0x3  }
0x4e5: {  	[tilespmem:s10+$0xFFFFFF80] =	vst v0  }
0x4e6: {  	v0 =	vld.idx.msk [tilespmem:v1+s31+$0x0], $0xffff  }
0x4e7: {  	v1 =	vadd.s32 s14, v59;
	_ =	sdelay $0x3  }
0x4e8: {  	[tilespmem:s10+$0xFFFFFF90] =	vst v0  }
0x4e9: {  	v0 =	vld.idx.msk [tilespmem:v1+s31+$0x0], $0xffff  }
0x4ea: {  	v1 =	vadd.s32 s14, v60;
	_ =	sdelay $0x3  }
0x4eb: {  	[tilespmem:s10+$0xFFFFFFA0] =	vst v0  }
0x4ec: {  	v0 =	vld.idx.msk [tilespmem:v1+s31+$0x0], $0xffff  }
0x4ed: {  	v1 =	vadd.s32 s14, v61;
	_ =	sdelay $0x3  }
0x4ee: {  	[tilespmem:s10+$0xFFFFFFB0] =	vst v0  }
0x4ef: {  	v0 =	vld.idx.msk [tilespmem:v1+s31+$0x0], $0xffff  }
0x4f0: {  	v1 =	vadd.s32 s14, v62;
	_ =	sdelay $0x3  }
0x4f1: {  	[tilespmem:s10+$0xFFFFFFC0] =	vst v0  }
0x4f2: {  	v0 =	vld.idx.msk [tilespmem:v1+s31+$0x0], $0xffff  }
0x4f3: {  	v1 =	vadd.s32 s14, v63;
	_ =	sdelay $0x3  }
0x4f4: {  	[tilespmem:s10+$0xFFFFFFD0] =	vst v0  }
0x4f5: {  	v0 =	vld.idx.msk [tilespmem:v1+s31+$0x0], $0xffff  }
0x4f6: {  	v1 =	vadd.s32 s14, v4;
	_ =	sdelay $0x3  }
0x4f7: {  	[tilespmem:s10+$0xFFFFFFE0] =	vst v0  }
0x4f8: {  	v0 =	vld.idx.msk [tilespmem:v1+s31+$0x0], $0xffff  }
0x4f9: {  	v1 =	vadd.s32 s14, v5;
	_ =	sdelay $0x3  }
0x4fa: {  	s11 =	simm.s32 $0x80;
	[tilespmem:s10+$0xFFFFFFF0] =	vst v0  }
0x4fb: {  	s12 =	simm.s32 $0x100;
	v0 =	vld.idx.msk [tilespmem:v1+s31+$0x0], $0xffff;
	v1 =	vor.u32 s11, v2  }
.LBB2_5:
0x4fc: {  	_ =	sdelay $0x3  }
0x4fd: {  	[tilespmem:s10+$0x0] =	vst v0  }
0x4fe: {  	v0 =	vld.idx.msk [tilespmem:v1+s31+$0x0], $0xffff  }
0x4ff: {  	v1 =	vor.u32 s11, v3;
	_ =	sdelay $0x2  }
0x500: {  	s10 =	sadd.s32 $0x400, s10  }
0x501: {  	[tilespmem:s10+$0xFFFFFC10] =	vst v0  }
0x502: {  	v0 =	vld.idx.msk [tilespmem:v1+s31+$0x0], $0xffff  }
0x503: {  	v1 =	vld [tilespmem:$0x1FC20];
	_ =	sdelay $0x4  }
0x504: {  	v1 =	vor.u32 s11, v1;
	_ =	sdelay $0x3  }
0x505: {  	[tilespmem:s10+$0xFFFFFC20] =	vst v0  }
0x506: {  	v0 =	vld.idx.msk [tilespmem:v1+s31+$0x0], $0xffff  }
0x507: {  	v1 =	vld [tilespmem:$0x1FC30];
	_ =	sdelay $0x4  }
0x508: {  	v1 =	vor.u32 s11, v1;
	_ =	sdelay $0x3  }
0x509: {  	[tilespmem:s10+$0xFFFFFC30] =	vst v0  }
0x50a: {  	v0 =	vld.idx.msk [tilespmem:v1+s31+$0x0], $0xffff  }
0x50b: {  	v1 =	vor.u32 s11, v6;
	_ =	sdelay $0x3  }
0x50c: {  	[tilespmem:s10+$0xFFFFFC40] =	vst v0  }
0x50d: {  	v0 =	vld.idx.msk [tilespmem:v1+s31+$0x0], $0xffff  }
0x50e: {  	v1 =	vor.u32 s11, v7;
	_ =	sdelay $0x3  }
0x50f: {  	[tilespmem:s10+$0xFFFFFC50] =	vst v0  }
0x510: {  	v0 =	vld.idx.msk [tilespmem:v1+s31+$0x0], $0xffff  }
0x511: {  	v1 =	vor.u32 s11, v8;
	_ =	sdelay $0x3  }
0x512: {  	[tilespmem:s10+$0xFFFFFC60] =	vst v0  }
0x513: {  	v0 =	vld.idx.msk [tilespmem:v1+s31+$0x0], $0xffff  }
0x514: {  	v1 =	vor.u32 s11, v9;
	_ =	sdelay $0x3  }
0x515: {  	[tilespmem:s10+$0xFFFFFC70] =	vst v0  }
0x516: {  	v0 =	vld.idx.msk [tilespmem:v1+s31+$0x0], $0xffff  }
0x517: {  	v1 =	vadd.s32 s11, v10;
	_ =	sdelay $0x3  }
0x518: {  	[tilespmem:s10+$0xFFFFFC80] =	vst v0  }
0x519: {  	v0 =	vld.idx.msk [tilespmem:v1+s31+$0x0], $0xffff  }
0x51a: {  	v1 =	vadd.s32 s11, v11;
	_ =	sdelay $0x3  }
0x51b: {  	[tilespmem:s10+$0xFFFFFC90] =	vst v0  }
0x51c: {  	v0 =	vld.idx.msk [tilespmem:v1+s31+$0x0], $0xffff  }
0x51d: {  	v1 =	vadd.s32 s11, v12;
	_ =	sdelay $0x3  }
0x51e: {  	[tilespmem:s10+$0xFFFFFCA0] =	vst v0  }
0x51f: {  	v0 =	vld.idx.msk [tilespmem:v1+s31+$0x0], $0xffff  }
0x520: {  	v1 =	vadd.s32 s11, v13;
	_ =	sdelay $0x3  }
0x521: {  	[tilespmem:s10+$0xFFFFFCB0] =	vst v0  }
0x522: {  	v0 =	vld.idx.msk [tilespmem:v1+s31+$0x0], $0xffff  }
0x523: {  	v1 =	vadd.s32 s11, v14;
	_ =	sdelay $0x3  }
0x524: {  	[tilespmem:s10+$0xFFFFFCC0] =	vst v0  }
0x525: {  	v0 =	vld.idx.msk [tilespmem:v1+s31+$0x0], $0xffff  }
0x526: {  	v1 =	vadd.s32 s11, v15;
	_ =	sdelay $0x3  }
0x527: {  	[tilespmem:s10+$0xFFFFFCD0] =	vst v0  }
0x528: {  	v0 =	vld.idx.msk [tilespmem:v1+s31+$0x0], $0xffff  }
0x529: {  	v1 =	vadd.s32 s11, v16;
	_ =	sdelay $0x3  }
0x52a: {  	[tilespmem:s10+$0xFFFFFCE0] =	vst v0  }
0x52b: {  	v0 =	vld.idx.msk [tilespmem:v1+s31+$0x0], $0xffff  }
0x52c: {  	v1 =	vadd.s32 s11, v17;
	_ =	sdelay $0x3  }
0x52d: {  	[tilespmem:s10+$0xFFFFFCF0] =	vst v0  }
0x52e: {  	v0 =	vld.idx.msk [tilespmem:v1+s31+$0x0], $0xffff  }
0x52f: {  	v1 =	vadd.s32 s11, v18;
	_ =	sdelay $0x3  }
0x530: {  	[tilespmem:s10+$0xFFFFFD00] =	vst v0  }
0x531: {  	v0 =	vld.idx.msk [tilespmem:v1+s31+$0x0], $0xffff  }
0x532: {  	v1 =	vadd.s32 s11, v19;
	_ =	sdelay $0x3  }
0x533: {  	[tilespmem:s10+$0xFFFFFD10] =	vst v0  }
0x534: {  	v0 =	vld.idx.msk [tilespmem:v1+s31+$0x0], $0xffff  }
0x535: {  	v1 =	vadd.s32 s11, v20;
	_ =	sdelay $0x3  }
0x536: {  	[tilespmem:s10+$0xFFFFFD20] =	vst v0  }
0x537: {  	v0 =	vld.idx.msk [tilespmem:v1+s31+$0x0], $0xffff  }
0x538: {  	v1 =	vadd.s32 s11, v21;
	_ =	sdelay $0x3  }
0x539: {  	[tilespmem:s10+$0xFFFFFD30] =	vst v0  }
0x53a: {  	v0 =	vld.idx.msk [tilespmem:v1+s31+$0x0], $0xffff  }
0x53b: {  	v1 =	vadd.s32 s11, v22;
	_ =	sdelay $0x3  }
0x53c: {  	[tilespmem:s10+$0xFFFFFD40] =	vst v0  }
0x53d: {  	v0 =	vld.idx.msk [tilespmem:v1+s31+$0x0], $0xffff  }
0x53e: {  	v1 =	vadd.s32 s11, v23;
	_ =	sdelay $0x3  }
0x53f: {  	[tilespmem:s10+$0xFFFFFD50] =	vst v0  }
0x540: {  	v0 =	vld.idx.msk [tilespmem:v1+s31+$0x0], $0xffff  }
0x541: {  	v1 =	vadd.s32 s11, v24;
	_ =	sdelay $0x3  }
0x542: {  	[tilespmem:s10+$0xFFFFFD60] =	vst v0  }
0x543: {  	v0 =	vld.idx.msk [tilespmem:v1+s31+$0x0], $0xffff  }
0x544: {  	v1 =	vadd.s32 s11, v25;
	_ =	sdelay $0x3  }
0x545: {  	[tilespmem:s10+$0xFFFFFD70] =	vst v0  }
0x546: {  	v0 =	vld.idx.msk [tilespmem:v1+s31+$0x0], $0xffff  }
0x547: {  	v1 =	vadd.s32 s11, v26;
	_ =	sdelay $0x3  }
0x548: {  	[tilespmem:s10+$0xFFFFFD80] =	vst v0  }
0x549: {  	v0 =	vld.idx.msk [tilespmem:v1+s31+$0x0], $0xffff  }
0x54a: {  	v1 =	vadd.s32 s11, v27;
	_ =	sdelay $0x3  }
0x54b: {  	[tilespmem:s10+$0xFFFFFD90] =	vst v0  }
0x54c: {  	v0 =	vld.idx.msk [tilespmem:v1+s31+$0x0], $0xffff  }
0x54d: {  	v1 =	vadd.s32 s11, v28;
	_ =	sdelay $0x3  }
0x54e: {  	[tilespmem:s10+$0xFFFFFDA0] =	vst v0  }
0x54f: {  	v0 =	vld.idx.msk [tilespmem:v1+s31+$0x0], $0xffff  }
0x550: {  	v1 =	vadd.s32 s11, v29;
	_ =	sdelay $0x3  }
0x551: {  	[tilespmem:s10+$0xFFFFFDB0] =	vst v0  }
0x552: {  	v0 =	vld.idx.msk [tilespmem:v1+s31+$0x0], $0xffff  }
0x553: {  	v1 =	vadd.s32 s11, v30;
	_ =	sdelay $0x3  }
0x554: {  	[tilespmem:s10+$0xFFFFFDC0] =	vst v0  }
0x555: {  	v0 =	vld.idx.msk [tilespmem:v1+s31+$0x0], $0xffff  }
0x556: {  	v1 =	vadd.s32 s11, v31;
	_ =	sdelay $0x3  }
0x557: {  	[tilespmem:s10+$0xFFFFFDD0] =	vst v0  }
0x558: {  	v0 =	vld.idx.msk [tilespmem:v1+s31+$0x0], $0xffff  }
0x559: {  	v1 =	vadd.s32 s11, v32;
	_ =	sdelay $0x3  }
0x55a: {  	[tilespmem:s10+$0xFFFFFDE0] =	vst v0  }
0x55b: {  	v0 =	vld.idx.msk [tilespmem:v1+s31+$0x0], $0xffff  }
0x55c: {  	v1 =	vadd.s32 s11, v33;
	_ =	sdelay $0x3  }
0x55d: {  	[tilespmem:s10+$0xFFFFFDF0] =	vst v0  }
0x55e: {  	v0 =	vld.idx.msk [tilespmem:v1+s31+$0x0], $0xffff  }
0x55f: {  	v1 =	vadd.s32 s11, v34;
	_ =	sdelay $0x3  }
0x560: {  	[tilespmem:s10+$0xFFFFFE00] =	vst v0  }
0x561: {  	v0 =	vld.idx.msk [tilespmem:v1+s31+$0x0], $0xffff  }
0x562: {  	v1 =	vadd.s32 s11, v35;
	_ =	sdelay $0x3  }
0x563: {  	[tilespmem:s10+$0xFFFFFE10] =	vst v0  }
0x564: {  	v0 =	vld.idx.msk [tilespmem:v1+s31+$0x0], $0xffff  }
0x565: {  	v1 =	vadd.s32 s11, v36;
	_ =	sdelay $0x3  }
0x566: {  	[tilespmem:s10+$0xFFFFFE20] =	vst v0  }
0x567: {  	v0 =	vld.idx.msk [tilespmem:v1+s31+$0x0], $0xffff  }
0x568: {  	v1 =	vadd.s32 s11, v37;
	_ =	sdelay $0x3  }
0x569: {  	[tilespmem:s10+$0xFFFFFE30] =	vst v0  }
0x56a: {  	v0 =	vld.idx.msk [tilespmem:v1+s31+$0x0], $0xffff  }
0x56b: {  	v1 =	vadd.s32 s11, v38;
	_ =	sdelay $0x3  }
0x56c: {  	[tilespmem:s10+$0xFFFFFE40] =	vst v0  }
0x56d: {  	v0 =	vld.idx.msk [tilespmem:v1+s31+$0x0], $0xffff  }
0x56e: {  	v1 =	vadd.s32 s11, v39;
	_ =	sdelay $0x3  }
0x56f: {  	[tilespmem:s10+$0xFFFFFE50] =	vst v0  }
0x570: {  	v0 =	vld.idx.msk [tilespmem:v1+s31+$0x0], $0xffff  }
0x571: {  	v1 =	vadd.s32 s11, v40;
	_ =	sdelay $0x3  }
0x572: {  	[tilespmem:s10+$0xFFFFFE60] =	vst v0  }
0x573: {  	v0 =	vld.idx.msk [tilespmem:v1+s31+$0x0], $0xffff  }
0x574: {  	v1 =	vadd.s32 s11, v41;
	_ =	sdelay $0x3  }
0x575: {  	[tilespmem:s10+$0xFFFFFE70] =	vst v0  }
0x576: {  	v0 =	vld.idx.msk [tilespmem:v1+s31+$0x0], $0xffff  }
0x577: {  	v1 =	vadd.s32 s11, v42;
	_ =	sdelay $0x3  }
0x578: {  	[tilespmem:s10+$0xFFFFFE80] =	vst v0  }
0x579: {  	v0 =	vld.idx.msk [tilespmem:v1+s31+$0x0], $0xffff  }
0x57a: {  	v1 =	vadd.s32 s11, v43;
	_ =	sdelay $0x3  }
0x57b: {  	[tilespmem:s10+$0xFFFFFE90] =	vst v0  }
0x57c: {  	v0 =	vld.idx.msk [tilespmem:v1+s31+$0x0], $0xffff  }
0x57d: {  	v1 =	vadd.s32 s11, v44;
	_ =	sdelay $0x3  }
0x57e: {  	[tilespmem:s10+$0xFFFFFEA0] =	vst v0  }
0x57f: {  	v0 =	vld.idx.msk [tilespmem:v1+s31+$0x0], $0xffff  }
0x580: {  	v1 =	vadd.s32 s11, v45;
	_ =	sdelay $0x3  }
0x581: {  	[tilespmem:s10+$0xFFFFFEB0] =	vst v0  }
0x582: {  	v0 =	vld.idx.msk [tilespmem:v1+s31+$0x0], $0xffff  }
0x583: {  	v1 =	vadd.s32 s11, v46;
	_ =	sdelay $0x3  }
0x584: {  	[tilespmem:s10+$0xFFFFFEC0] =	vst v0  }
0x585: {  	v0 =	vld.idx.msk [tilespmem:v1+s31+$0x0], $0xffff  }
0x586: {  	v1 =	vadd.s32 s11, v47;
	_ =	sdelay $0x3  }
0x587: {  	[tilespmem:s10+$0xFFFFFED0] =	vst v0  }
0x588: {  	v0 =	vld.idx.msk [tilespmem:v1+s31+$0x0], $0xffff  }
0x589: {  	v1 =	vadd.s32 s11, v48;
	_ =	sdelay $0x3  }
0x58a: {  	[tilespmem:s10+$0xFFFFFEE0] =	vst v0  }
0x58b: {  	v0 =	vld.idx.msk [tilespmem:v1+s31+$0x0], $0xffff  }
0x58c: {  	v1 =	vadd.s32 s11, v49;
	_ =	sdelay $0x3  }
0x58d: {  	[tilespmem:s10+$0xFFFFFEF0] =	vst v0  }
0x58e: {  	v0 =	vld.idx.msk [tilespmem:v1+s31+$0x0], $0xffff  }
0x58f: {  	v1 =	vadd.s32 s11, v50;
	_ =	sdelay $0x3  }
0x590: {  	[tilespmem:s10+$0xFFFFFF00] =	vst v0  }
0x591: {  	v0 =	vld.idx.msk [tilespmem:v1+s31+$0x0], $0xffff  }
0x592: {  	v1 =	vadd.s32 s11, v51;
	_ =	sdelay $0x3  }
0x593: {  	[tilespmem:s10+$0xFFFFFF10] =	vst v0  }
0x594: {  	v0 =	vld.idx.msk [tilespmem:v1+s31+$0x0], $0xffff  }
0x595: {  	v1 =	vadd.s32 s11, v52;
	_ =	sdelay $0x3  }
0x596: {  	[tilespmem:s10+$0xFFFFFF20] =	vst v0  }
0x597: {  	v0 =	vld.idx.msk [tilespmem:v1+s31+$0x0], $0xffff  }
0x598: {  	v1 =	vadd.s32 s11, v53;
	_ =	sdelay $0x3  }
0x599: {  	[tilespmem:s10+$0xFFFFFF30] =	vst v0  }
0x59a: {  	v0 =	vld.idx.msk [tilespmem:v1+s31+$0x0], $0xffff  }
0x59b: {  	v1 =	vadd.s32 s11, v54;
	_ =	sdelay $0x3  }
0x59c: {  	[tilespmem:s10+$0xFFFFFF40] =	vst v0  }
0x59d: {  	v0 =	vld.idx.msk [tilespmem:v1+s31+$0x0], $0xffff  }
0x59e: {  	v1 =	vadd.s32 s11, v55;
	_ =	sdelay $0x3  }
0x59f: {  	[tilespmem:s10+$0xFFFFFF50] =	vst v0  }
0x5a0: {  	v0 =	vld.idx.msk [tilespmem:v1+s31+$0x0], $0xffff  }
0x5a1: {  	v1 =	vadd.s32 s11, v56;
	_ =	sdelay $0x3  }
0x5a2: {  	[tilespmem:s10+$0xFFFFFF60] =	vst v0  }
0x5a3: {  	v0 =	vld.idx.msk [tilespmem:v1+s31+$0x0], $0xffff  }
0x5a4: {  	v1 =	vadd.s32 s11, v57;
	_ =	sdelay $0x3  }
0x5a5: {  	[tilespmem:s10+$0xFFFFFF70] =	vst v0  }
0x5a6: {  	v0 =	vld.idx.msk [tilespmem:v1+s31+$0x0], $0xffff  }
0x5a7: {  	v1 =	vadd.s32 s11, v58;
	_ =	sdelay $0x3  }
0x5a8: {  	[tilespmem:s10+$0xFFFFFF80] =	vst v0  }
0x5a9: {  	v0 =	vld.idx.msk [tilespmem:v1+s31+$0x0], $0xffff  }
0x5aa: {  	v1 =	vadd.s32 s11, v59;
	_ =	sdelay $0x3  }
0x5ab: {  	[tilespmem:s10+$0xFFFFFF90] =	vst v0  }
0x5ac: {  	v0 =	vld.idx.msk [tilespmem:v1+s31+$0x0], $0xffff  }
0x5ad: {  	v1 =	vadd.s32 s11, v60;
	_ =	sdelay $0x3  }
0x5ae: {  	[tilespmem:s10+$0xFFFFFFA0] =	vst v0  }
0x5af: {  	v0 =	vld.idx.msk [tilespmem:v1+s31+$0x0], $0xffff  }
0x5b0: {  	v1 =	vadd.s32 s11, v61;
	_ =	sdelay $0x3  }
0x5b1: {  	[tilespmem:s10+$0xFFFFFFB0] =	vst v0  }
0x5b2: {  	v0 =	vld.idx.msk [tilespmem:v1+s31+$0x0], $0xffff  }
0x5b3: {  	v1 =	vadd.s32 s11, v62;
	_ =	sdelay $0x3  }
0x5b4: {  	[tilespmem:s10+$0xFFFFFFC0] =	vst v0  }
0x5b5: {  	v0 =	vld.idx.msk [tilespmem:v1+s31+$0x0], $0xffff  }
0x5b6: {  	v1 =	vadd.s32 s11, v63;
	_ =	sdelay $0x3  }
0x5b7: {  	[tilespmem:s10+$0xFFFFFFD0] =	vst v0  }
0x5b8: {  	v0 =	vld.idx.msk [tilespmem:v1+s31+$0x0], $0xffff  }
0x5b9: {  	v1 =	vadd.s32 s11, v4;
	_ =	sdelay $0x3  }
0x5ba: {  	[tilespmem:s10+$0xFFFFFFE0] =	vst v0  }
0x5bb: {  	v0 =	vld.idx.msk [tilespmem:v1+s31+$0x0], $0xffff  }
0x5bc: {  	p1 =	sne.s32 s12, $0x380;
	v1 =	vadd.s32 s11, v5  }
.Ltmp1:
0x5bd: {  	_ = 	snop;
	(pc) =	sbr.rel @p1 .LBB2_5-.Ltmp1, $3  }
0x5be: {  	_ =	sdelay $0x1  }
0x5bf: {  	s11 =	smov.u32 s12;
	[tilespmem:s10+$0xFFFFFFF0] =	vst v0  }
0x5c0: {  	s12 =	sadd.s32 $0x80, s12;
	v0 =	vld.idx.msk [tilespmem:v1+s31+$0x0], $0xffff;
	v1 =	vor.u32 s11, v2  }
0x5c1: {  	_ =	sdelay $0x3  }
0x5c2: {  	[tilespmem:s10+$0x0] =	vst v0  }
0x5c3: {  	v0 =	vld.idx.msk [tilespmem:v1+s31+$0x0], $0xffff  }
0x5c4: {  	v1 =	vor.u32 s11, v3;
	_ =	sdelay $0x2  }
0x5c5: {  	s13 =	sadd.s32 $0x400, s10  }
0x5c6: {  	[tilespmem:s13+$0xFFFFFC10] =	vst v0  }
0x5c7: {  	v0 =	vld.idx.msk [tilespmem:v1+s31+$0x0], $0xffff  }
0x5c8: {  	v1 =	vld [tilespmem:$0x1FC20];
	_ =	sdelay $0x4  }
0x5c9: {  	v1 =	vor.u32 s11, v1;
	_ =	sdelay $0x3  }
0x5ca: {  	[tilespmem:s13+$0xFFFFFC20] =	vst v0  }
0x5cb: {  	v0 =	vld.idx.msk [tilespmem:v1+s31+$0x0], $0xffff  }
0x5cc: {  	v1 =	vld [tilespmem:$0x1FC30];
	_ =	sdelay $0x4  }
0x5cd: {  	v1 =	vor.u32 s11, v1;
	_ =	sdelay $0x3  }
0x5ce: {  	[tilespmem:s13+$0xFFFFFC30] =	vst v0  }
0x5cf: {  	v0 =	vld.idx.msk [tilespmem:v1+s31+$0x0], $0xffff  }
0x5d0: {  	v1 =	vor.u32 s11, v6;
	_ =	sdelay $0x3  }
0x5d1: {  	[tilespmem:s13+$0xFFFFFC40] =	vst v0  }
0x5d2: {  	v0 =	vld.idx.msk [tilespmem:v1+s31+$0x0], $0xffff  }
0x5d3: {  	v1 =	vor.u32 s11, v7;
	_ =	sdelay $0x3  }
0x5d4: {  	[tilespmem:s13+$0xFFFFFC50] =	vst v0  }
0x5d5: {  	v0 =	vld.idx.msk [tilespmem:v1+s31+$0x0], $0xffff  }
0x5d6: {  	v1 =	vor.u32 s11, v8;
	_ =	sdelay $0x3  }
0x5d7: {  	[tilespmem:s13+$0xFFFFFC60] =	vst v0  }
0x5d8: {  	v0 =	vld.idx.msk [tilespmem:v1+s31+$0x0], $0xffff  }
0x5d9: {  	v1 =	vor.u32 s11, v9;
	_ =	sdelay $0x3  }
0x5da: {  	[tilespmem:s13+$0xFFFFFC70] =	vst v0  }
0x5db: {  	v0 =	vld.idx.msk [tilespmem:v1+s31+$0x0], $0xffff  }
0x5dc: {  	v1 =	vadd.s32 s11, v10;
	_ =	sdelay $0x3  }
0x5dd: {  	[tilespmem:s13+$0xFFFFFC80] =	vst v0  }
0x5de: {  	v0 =	vld.idx.msk [tilespmem:v1+s31+$0x0], $0xffff  }
0x5df: {  	v1 =	vadd.s32 s11, v11;
	_ =	sdelay $0x3  }
0x5e0: {  	[tilespmem:s13+$0xFFFFFC90] =	vst v0  }
0x5e1: {  	v0 =	vld.idx.msk [tilespmem:v1+s31+$0x0], $0xffff  }
0x5e2: {  	v1 =	vadd.s32 s11, v12;
	_ =	sdelay $0x3  }
0x5e3: {  	[tilespmem:s13+$0xFFFFFCA0] =	vst v0  }
0x5e4: {  	v0 =	vld.idx.msk [tilespmem:v1+s31+$0x0], $0xffff  }
0x5e5: {  	v1 =	vadd.s32 s11, v13;
	_ =	sdelay $0x3  }
0x5e6: {  	[tilespmem:s13+$0xFFFFFCB0] =	vst v0  }
0x5e7: {  	v0 =	vld.idx.msk [tilespmem:v1+s31+$0x0], $0xffff  }
0x5e8: {  	v1 =	vadd.s32 s11, v14;
	_ =	sdelay $0x3  }
0x5e9: {  	[tilespmem:s13+$0xFFFFFCC0] =	vst v0  }
0x5ea: {  	v0 =	vld.idx.msk [tilespmem:v1+s31+$0x0], $0xffff  }
0x5eb: {  	v1 =	vadd.s32 s11, v15;
	_ =	sdelay $0x3  }
0x5ec: {  	[tilespmem:s13+$0xFFFFFCD0] =	vst v0  }
0x5ed: {  	v0 =	vld.idx.msk [tilespmem:v1+s31+$0x0], $0xffff  }
0x5ee: {  	v1 =	vadd.s32 s11, v16;
	_ =	sdelay $0x3  }
0x5ef: {  	[tilespmem:s13+$0xFFFFFCE0] =	vst v0  }
0x5f0: {  	v0 =	vld.idx.msk [tilespmem:v1+s31+$0x0], $0xffff  }
0x5f1: {  	v1 =	vadd.s32 s11, v17;
	_ =	sdelay $0x3  }
0x5f2: {  	[tilespmem:s13+$0xFFFFFCF0] =	vst v0  }
0x5f3: {  	v0 =	vld.idx.msk [tilespmem:v1+s31+$0x0], $0xffff  }
0x5f4: {  	v1 =	vadd.s32 s11, v18;
	_ =	sdelay $0x3  }
0x5f5: {  	[tilespmem:s13+$0xFFFFFD00] =	vst v0  }
0x5f6: {  	v0 =	vld.idx.msk [tilespmem:v1+s31+$0x0], $0xffff  }
0x5f7: {  	v1 =	vadd.s32 s11, v19;
	_ =	sdelay $0x3  }
0x5f8: {  	[tilespmem:s13+$0xFFFFFD10] =	vst v0  }
0x5f9: {  	v0 =	vld.idx.msk [tilespmem:v1+s31+$0x0], $0xffff  }
0x5fa: {  	v1 =	vadd.s32 s11, v20;
	_ =	sdelay $0x3  }
0x5fb: {  	[tilespmem:s13+$0xFFFFFD20] =	vst v0  }
0x5fc: {  	v0 =	vld.idx.msk [tilespmem:v1+s31+$0x0], $0xffff  }
0x5fd: {  	v1 =	vadd.s32 s11, v21;
	_ =	sdelay $0x3  }
0x5fe: {  	[tilespmem:s13+$0xFFFFFD30] =	vst v0  }
0x5ff: {  	v0 =	vld.idx.msk [tilespmem:v1+s31+$0x0], $0xffff  }
0x600: {  	v1 =	vadd.s32 s11, v22;
	_ =	sdelay $0x3  }
0x601: {  	[tilespmem:s13+$0xFFFFFD40] =	vst v0  }
0x602: {  	v0 =	vld.idx.msk [tilespmem:v1+s31+$0x0], $0xffff  }
0x603: {  	v1 =	vadd.s32 s11, v23;
	_ =	sdelay $0x3  }
0x604: {  	[tilespmem:s13+$0xFFFFFD50] =	vst v0  }
0x605: {  	v0 =	vld.idx.msk [tilespmem:v1+s31+$0x0], $0xffff  }
0x606: {  	v1 =	vadd.s32 s11, v24;
	_ =	sdelay $0x3  }
0x607: {  	[tilespmem:s13+$0xFFFFFD60] =	vst v0  }
0x608: {  	v0 =	vld.idx.msk [tilespmem:v1+s31+$0x0], $0xffff  }
0x609: {  	v1 =	vadd.s32 s11, v25;
	_ =	sdelay $0x3  }
0x60a: {  	[tilespmem:s13+$0xFFFFFD70] =	vst v0  }
0x60b: {  	v0 =	vld.idx.msk [tilespmem:v1+s31+$0x0], $0xffff  }
0x60c: {  	v1 =	vadd.s32 s11, v26;
	_ =	sdelay $0x3  }
0x60d: {  	[tilespmem:s13+$0xFFFFFD80] =	vst v0  }
0x60e: {  	v0 =	vld.idx.msk [tilespmem:v1+s31+$0x0], $0xffff  }
0x60f: {  	v1 =	vadd.s32 s11, v27;
	_ =	sdelay $0x3  }
0x610: {  	[tilespmem:s13+$0xFFFFFD90] =	vst v0  }
0x611: {  	v0 =	vld.idx.msk [tilespmem:v1+s31+$0x0], $0xffff  }
0x612: {  	v1 =	vadd.s32 s11, v28;
	_ =	sdelay $0x3  }
0x613: {  	[tilespmem:s13+$0xFFFFFDA0] =	vst v0  }
0x614: {  	v0 =	vld.idx.msk [tilespmem:v1+s31+$0x0], $0xffff  }
0x615: {  	v1 =	vadd.s32 s11, v29;
	_ =	sdelay $0x3  }
0x616: {  	[tilespmem:s13+$0xFFFFFDB0] =	vst v0  }
0x617: {  	v0 =	vld.idx.msk [tilespmem:v1+s31+$0x0], $0xffff  }
0x618: {  	v1 =	vadd.s32 s11, v30;
	_ =	sdelay $0x3  }
0x619: {  	[tilespmem:s13+$0xFFFFFDC0] =	vst v0  }
0x61a: {  	v0 =	vld.idx.msk [tilespmem:v1+s31+$0x0], $0xffff  }
0x61b: {  	v1 =	vadd.s32 s11, v31;
	_ =	sdelay $0x3  }
0x61c: {  	[tilespmem:s13+$0xFFFFFDD0] =	vst v0  }
0x61d: {  	v0 =	vld.idx.msk [tilespmem:v1+s31+$0x0], $0xffff  }
0x61e: {  	v1 =	vadd.s32 s11, v32;
	_ =	sdelay $0x3  }
0x61f: {  	[tilespmem:s13+$0xFFFFFDE0] =	vst v0  }
0x620: {  	v0 =	vld.idx.msk [tilespmem:v1+s31+$0x0], $0xffff  }
0x621: {  	v1 =	vadd.s32 s11, v33;
	_ =	sdelay $0x3  }
0x622: {  	[tilespmem:s13+$0xFFFFFDF0] =	vst v0  }
0x623: {  	v0 =	vld.idx.msk [tilespmem:v1+s31+$0x0], $0xffff  }
0x624: {  	v1 =	vadd.s32 s11, v34;
	_ =	sdelay $0x3  }
0x625: {  	[tilespmem:s13+$0xFFFFFE00] =	vst v0  }
0x626: {  	v0 =	vld.idx.msk [tilespmem:v1+s31+$0x0], $0xffff  }
0x627: {  	v1 =	vadd.s32 s11, v35;
	_ =	sdelay $0x3  }
0x628: {  	[tilespmem:s13+$0xFFFFFE10] =	vst v0  }
0x629: {  	v0 =	vld.idx.msk [tilespmem:v1+s31+$0x0], $0xffff  }
0x62a: {  	v1 =	vadd.s32 s11, v36;
	_ =	sdelay $0x3  }
0x62b: {  	[tilespmem:s13+$0xFFFFFE20] =	vst v0  }
0x62c: {  	v0 =	vld.idx.msk [tilespmem:v1+s31+$0x0], $0xffff  }
0x62d: {  	v1 =	vadd.s32 s11, v37;
	_ =	sdelay $0x3  }
0x62e: {  	[tilespmem:s13+$0xFFFFFE30] =	vst v0  }
0x62f: {  	v0 =	vld.idx.msk [tilespmem:v1+s31+$0x0], $0xffff  }
0x630: {  	v1 =	vadd.s32 s11, v38;
	_ =	sdelay $0x3  }
0x631: {  	[tilespmem:s13+$0xFFFFFE40] =	vst v0  }
0x632: {  	v0 =	vld.idx.msk [tilespmem:v1+s31+$0x0], $0xffff  }
0x633: {  	v1 =	vadd.s32 s11, v39;
	_ =	sdelay $0x3  }
0x634: {  	[tilespmem:s13+$0xFFFFFE50] =	vst v0  }
0x635: {  	v0 =	vld.idx.msk [tilespmem:v1+s31+$0x0], $0xffff  }
0x636: {  	v1 =	vadd.s32 s11, v40;
	_ =	sdelay $0x3  }
0x637: {  	[tilespmem:s13+$0xFFFFFE60] =	vst v0  }
0x638: {  	v0 =	vld.idx.msk [tilespmem:v1+s31+$0x0], $0xffff  }
0x639: {  	v1 =	vadd.s32 s11, v41;
	_ =	sdelay $0x3  }
0x63a: {  	[tilespmem:s13+$0xFFFFFE70] =	vst v0  }
0x63b: {  	v0 =	vld.idx.msk [tilespmem:v1+s31+$0x0], $0xffff  }
0x63c: {  	v1 =	vadd.s32 s11, v42;
	_ =	sdelay $0x3  }
0x63d: {  	[tilespmem:s13+$0xFFFFFE80] =	vst v0  }
0x63e: {  	v0 =	vld.idx.msk [tilespmem:v1+s31+$0x0], $0xffff  }
0x63f: {  	v1 =	vadd.s32 s11, v43;
	_ =	sdelay $0x3  }
0x640: {  	[tilespmem:s13+$0xFFFFFE90] =	vst v0  }
0x641: {  	v0 =	vld.idx.msk [tilespmem:v1+s31+$0x0], $0xffff  }
0x642: {  	v1 =	vadd.s32 s11, v44;
	_ =	sdelay $0x3  }
0x643: {  	[tilespmem:s13+$0xFFFFFEA0] =	vst v0  }
0x644: {  	v0 =	vld.idx.msk [tilespmem:v1+s31+$0x0], $0xffff  }
0x645: {  	v1 =	vadd.s32 s11, v45;
	_ =	sdelay $0x3  }
0x646: {  	[tilespmem:s13+$0xFFFFFEB0] =	vst v0  }
0x647: {  	v0 =	vld.idx.msk [tilespmem:v1+s31+$0x0], $0xffff  }
0x648: {  	v1 =	vadd.s32 s11, v46;
	_ =	sdelay $0x3  }
0x649: {  	[tilespmem:s13+$0xFFFFFEC0] =	vst v0  }
0x64a: {  	v0 =	vld.idx.msk [tilespmem:v1+s31+$0x0], $0xffff  }
0x64b: {  	v1 =	vadd.s32 s11, v47;
	_ =	sdelay $0x3  }
0x64c: {  	[tilespmem:s13+$0xFFFFFED0] =	vst v0  }
0x64d: {  	v0 =	vld.idx.msk [tilespmem:v1+s31+$0x0], $0xffff  }
0x64e: {  	v1 =	vadd.s32 s11, v48;
	_ =	sdelay $0x3  }
0x64f: {  	[tilespmem:s13+$0xFFFFFEE0] =	vst v0  }
0x650: {  	v0 =	vld.idx.msk [tilespmem:v1+s31+$0x0], $0xffff  }
0x651: {  	v1 =	vadd.s32 s11, v49;
	_ =	sdelay $0x3  }
0x652: {  	[tilespmem:s13+$0xFFFFFEF0] =	vst v0  }
0x653: {  	v0 =	vld.idx.msk [tilespmem:v1+s31+$0x0], $0xffff  }
0x654: {  	v1 =	vadd.s32 s11, v50;
	_ =	sdelay $0x3  }
0x655: {  	[tilespmem:s13+$0xFFFFFF00] =	vst v0  }
0x656: {  	v0 =	vld.idx.msk [tilespmem:v1+s31+$0x0], $0xffff  }
0x657: {  	v1 =	vadd.s32 s11, v51;
	_ =	sdelay $0x3  }
0x658: {  	[tilespmem:s13+$0xFFFFFF10] =	vst v0  }
0x659: {  	v0 =	vld.idx.msk [tilespmem:v1+s31+$0x0], $0xffff  }
0x65a: {  	v1 =	vadd.s32 s11, v52;
	_ =	sdelay $0x3  }
0x65b: {  	[tilespmem:s13+$0xFFFFFF20] =	vst v0  }
0x65c: {  	v0 =	vld.idx.msk [tilespmem:v1+s31+$0x0], $0xffff  }
0x65d: {  	v1 =	vadd.s32 s11, v53;
	_ =	sdelay $0x3  }
0x65e: {  	[tilespmem:s13+$0xFFFFFF30] =	vst v0  }
0x65f: {  	v0 =	vld.idx.msk [tilespmem:v1+s31+$0x0], $0xffff  }
0x660: {  	v1 =	vadd.s32 s11, v54;
	_ =	sdelay $0x3  }
0x661: {  	[tilespmem:s13+$0xFFFFFF40] =	vst v0  }
0x662: {  	v0 =	vld.idx.msk [tilespmem:v1+s31+$0x0], $0xffff  }
0x663: {  	v1 =	vadd.s32 s11, v55;
	_ =	sdelay $0x3  }
0x664: {  	[tilespmem:s13+$0xFFFFFF50] =	vst v0  }
0x665: {  	v0 =	vld.idx.msk [tilespmem:v1+s31+$0x0], $0xffff  }
0x666: {  	v1 =	vadd.s32 s11, v56;
	_ =	sdelay $0x3  }
0x667: {  	[tilespmem:s13+$0xFFFFFF60] =	vst v0  }
0x668: {  	v0 =	vld.idx.msk [tilespmem:v1+s31+$0x0], $0xffff  }
0x669: {  	v1 =	vadd.s32 s11, v57;
	_ =	sdelay $0x3  }
0x66a: {  	[tilespmem:s13+$0xFFFFFF70] =	vst v0  }
0x66b: {  	v0 =	vld.idx.msk [tilespmem:v1+s31+$0x0], $0xffff  }
0x66c: {  	v1 =	vadd.s32 s11, v58;
	_ =	sdelay $0x3  }
0x66d: {  	[tilespmem:s13+$0xFFFFFF80] =	vst v0  }
0x66e: {  	v0 =	vld.idx.msk [tilespmem:v1+s31+$0x0], $0xffff  }
0x66f: {  	v1 =	vadd.s32 s11, v59;
	_ =	sdelay $0x3  }
0x670: {  	[tilespmem:s13+$0xFFFFFF90] =	vst v0  }
0x671: {  	v0 =	vld.idx.msk [tilespmem:v1+s31+$0x0], $0xffff  }
0x672: {  	v1 =	vadd.s32 s11, v60;
	_ =	sdelay $0x3  }
0x673: {  	[tilespmem:s13+$0xFFFFFFA0] =	vst v0  }
0x674: {  	v0 =	vld.idx.msk [tilespmem:v1+s31+$0x0], $0xffff  }
0x675: {  	v1 =	vadd.s32 s11, v61;
	_ =	sdelay $0x3  }
0x676: {  	[tilespmem:s13+$0xFFFFFFB0] =	vst v0  }
0x677: {  	v0 =	vld.idx.msk [tilespmem:v1+s31+$0x0], $0xffff  }
0x678: {  	v1 =	vadd.s32 s11, v62;
	_ =	sdelay $0x3  }
0x679: {  	[tilespmem:s13+$0xFFFFFFC0] =	vst v0  }
0x67a: {  	v0 =	vld.idx.msk [tilespmem:v1+s31+$0x0], $0xffff  }
0x67b: {  	v1 =	vadd.s32 s11, v63;
	_ =	sdelay $0x3  }
0x67c: {  	[tilespmem:s13+$0xFFFFFFD0] =	vst v0  }
0x67d: {  	v0 =	vld.idx.msk [tilespmem:v1+s31+$0x0], $0xffff  }
0x67e: {  	v1 =	vadd.s32 s11, v4;
	_ =	sdelay $0x3  }
0x67f: {  	[tilespmem:s13+$0xFFFFFFE0] =	vst v0  }
0x680: {  	v0 =	vld.idx.msk [tilespmem:v1+s31+$0x0], $0xffff  }
0x681: {  	v1 =	vadd.s32 s11, v5;
	_ =	sdelay $0x3  }
0x682: {  	[tilespmem:s13+$0xFFFFFFF0] =	vst v0  }
0x683: {  	v0 =	vld.idx.msk [tilespmem:v1+s31+$0x0], $0xffff  }
0x684: {  	s9 =	sadd.s32 @!p0 $0x3, s9  }
0x685: {  	s11 =	sadd.s32 @!p0 s4, s9;
	s9 =	sshll.u32 @!p0 s9, $0x7  }
0x686: {  	s11 =	sshll.u32 @!p0 s11, $0x7;
	s9 =	sand.u32 @!p0 $0x780, s9  }
0x687: {  	s11 =	sand.u32 @!p0 $0xFF800, s11;
	s9 =	sadd.s32 @!p0 s1, s9  }
0x688: {  	s10 =	simm.s32 @!p0 $0x0;
	s9 =	sadd.s32 @!p0 s11, s9;
	s11 =	simm.s32 @!p0 $0x2080;
	[tilespmem:s13+$0x0] =	vst v0  }
0x689: {  	[tilespmem:s11], [sflag:$0x2] =	stream.linear.gather @!p0 [hbm4b:s9+s10], $0x400, $0x38;
	[tilespmem:$0x8100] =	vst v63  }
0x68a: {  	s12 =	simm.s32 @!p0 $0x2490;
	s11 =	sadd.s32 @!p0 $0x80000, s9  }
0x68b: {  	[tilespmem:s12], [sflag:$0x2] =	stream.linear.gather @!p0 [hbm4b:s11+s10], $0x400, $0x38;
	[tilespmem:$0x8100] =	vst v63  }
0x68c: {  	s11 =	sadd.s32 @!p0 $0x100000, s9;
	s12 =	simm.s32 @!p0 $0x28A0  }
0x68d: {  	[tilespmem:s12], [sflag:$0x2] =	stream.linear.gather @!p0 [hbm4b:s11+s10], $0x400, $0x38;
	[tilespmem:$0x8100] =	vst v63  }
0x68e: {  	s11 =	sadd.s32 @!p0 $0x180000, s9;
	s12 =	simm.s32 @!p0 $0x2CB0  }
0x68f: {  	[tilespmem:s12], [sflag:$0x2] =	stream.linear.gather @!p0 [hbm4b:s11+s10], $0x400, $0x38;
	[tilespmem:$0x8100] =	vst v63  }
0x690: {  	s11 =	sadd.s32 @!p0 $0x200000, s9;
	s12 =	simm.s32 @!p0 $0x30C0  }
0x691: {  	[tilespmem:s12], [sflag:$0x2] =	stream.linear.gather @!p0 [hbm4b:s11+s10], $0x400, $0x38;
	[tilespmem:$0x8100] =	vst v63  }
0x692: {  	s11 =	sadd.s32 @!p0 $0x280000, s9;
	s12 =	simm.s32 @!p0 $0x34D0  }
0x693: {  	[tilespmem:s12], [sflag:$0x2] =	stream.linear.gather @!p0 [hbm4b:s11+s10], $0x400, $0x38;
	[tilespmem:$0x8100] =	vst v63  }
0x694: {  	s14 =	sshll.u32 s7, $0x8;
	s11 =	sadd.s32 @!p0 $0x300000, s9;
	s12 =	simm.s32 @!p0 $0x38E0  }
0x695: {  	[tilespmem:s12], [sflag:$0x2] =	stream.linear.gather @!p0 [hbm4b:s11+s10], $0x400, $0x38;
	[tilespmem:$0x8100] =	vst v63  }
0x696: {  	s7 =	sadd.s32 $0x1, s7;
	s9 =	sadd.s32 @!p0 $0x380000, s9;
	s11 =	simm.s32 @!p0 $0x3CF0  }
0x697: {  	[tilespmem:s11], [sflag:$0x2] =	stream.linear.gather @!p0 [hbm4b:s9+s10], $0x400, $0x38;
	[tilespmem:$0x8100] =	vst v63  }
0x698: {  	p0 =	sne.s32 s7, $0x40  }
.Ltmp2:
0x699: {  	s8 =	sshll.u32 s8, $0xA;
	s9 =	sand.u32 $0x700, s14;
	(pc) =	sbr.rel @p0 .LBB2_2-.Ltmp2, $4  }
0x69a: {  	s8 =	sand.u32 $0x3FC000, s8;
	s9 =	sadd.s32 s9, s6  }
0x69b: {  	s8 =	sadd.s32 s8, s9  }
0x69c: {  	s8 =	sadd.s32 $0x80, s8  }
0x69d: {  	v2 =	vmov v3;
	[hbm4b:s8+s30] =	stream.strided.scatter [tilespmem:s24], [sflag:$0x4], $0x2000, s2, s30, $0x38;
	[tilespmem:$0x8100] =	vst v63  }
0x69e: {  	s28 =	sadd.s32 $0x1, s28  }
0x69f: {  	_ =	swait.ge [sflag:s25], $0x2000;
	p0 =	sne.s32 s28, s20  }
.Ltmp3:
0x6a0: {  	[sflag:s25] =	ssyncset.done $0x0;
	(pc) =	sbr.rel @p0 .LBB2_1-.Ltmp3, $4  }
0x6a1: {  	[sflag:s25] =	ssyncadd.s32 $0xFFFFE000  }
0x6a2: {  	_ =	swait.ge [sflag:s26], $0x2000  }
0x6a3: {  	[sflag:s26] =	ssyncset.done $0x0  }
0x6a4: {  	[sflag:s26] =	ssyncadd.s32 $0xFFFFE000  }
0x6a5: {  	_ =	sfence.sel $0x180000  }
0x6a6: {  	[bflag:$0x0] =	sbarrier.arrive $0xFFFF  }
0x6a7: {  	_ =	strace $0x9000004A  }
0x6a8: {  	s0 =	stileid.u32;
	[bflag:$0x2] =	sbarrier.arrive $0xFFFF  }
0x6a9: {  	p0 =	sne.s32 s0, $0x0;
	s0 =	rddreg [dreg:$0x2]  }
0x6aa: {  	s0 =	sadd.s32 @!p0 $0x100000, s0  }
0x6ab: {  	[sflag:s0] =	ssyncadd.tile.s32 @!p0 $0x1;
	_ =	shalt  }
.Lfunc_end2:
_tile_overlayer_lowered:
.L_overlay_start_2:
0x6ac: {  	(tag) =	ssettag $0x2  }
0x6ad: {  	s0 =	rddreg [dreg:$0x0];
	s2 =	stileid.u32  }
0x6ae: {  	s1 =	rddreg [dreg:$0x1];
	p0 =	sne.s32 s2, $0x0  }
0x6af: {  	s3 =	rddreg [dreg:$0x2];
	[bflag:$0x3] =	sbarrier.arrive $0xFFFF;
	s2 =	simm.s32 @!p0 $0x1C05  }
0x6b0: {  	[timem:s3], [sflag:s2] =	dma.local @!p0 [hbm:s0], s1  }
0x6b1: {  	s0 =	simm.s32 @!p0 $0x5  }
0x6b2: {  	_ =	swait.ge @!p0 [sflag:s0], s1  }
0x6b3: {  	s1 =	ssub.s32 @!p0 $0x0, s1;
	[sflag:s0] =	ssyncset.done @!p0 $0x0  }
0x6b4: {  	[sflag:s0] =	ssyncadd.s32 @!p0 s1  }
0x6b5: {  	[bflag:$0x3] =	sbarrier.arrive $0xFFFF  }
0x6b6: {  	_ =	shalt  }

// kernel: sparse-core-data-format-call.cloned.1.call-start
scs
called_computation_lowered:
.L_overlay_start_0:
0x0: {  	s2 =	sld [smem:$0x3FD9]  }
0x1: {  	s3 =	sld [smem:$0x3FFE];
	_ =	sdelay $0x1  }
0x2: {  	s1 =	srdreg.scid  }
0x3: {  	s0 =	sand.u32 $0x1, s1  }
0x4: {  	s19 =	sshll.u32 s0, $0xA;
	s2 =	sadd.s32 s3, s2  }
0x5: {  	s2 =	sadd.s32 s2, s19  }
0x6: {  	[smem:$0x3FC7] =	sst s2  }
0x7: {  	_ = 	snop  }
0x8: {  	s2 =	sld [smem:$0x3FC9]  }
0x9: {  	s20 =	sld [smem:$0x3FD0];
	(tm) =	ssettm $0x1  }
0xa: {  	s4 =	sld [smem:$0x3FFB];
	_ =	sdelay $0x3  }
0xb: {  	_ =	strace s4  }
0xc: {  	s4 =	sld [smem:$0x3FFC];
	_ =	sdelay $0x3  }
0xd: {  	_ =	strace s4  }
0xe: {  	s4 =	sld [smem:$0x3FFD];
	_ =	sdelay $0x3  }
0xf: {  	_ =	strace s4  }
0x10: {  	_ =	strace $0x8FFFFFFF  }
0x11: {  	s21 =	sld [smem:$0x3FDB];
	_ =	sdelay $0x1  }
0x12: {  	s5 =	simm.s32 $_scs_section_size  }
0x13: {  	s6 =	simm.s32 $_size__tile_overlayer_lowered;
	s7 =	simm.s32 $_tile_overlayer_lowered  }
0x14: {  	s24 =	simm.s32 $0x1BFF;
	s23 =	sshll.u32 s7, $0x1;
	s4 =	sadd.s32 s5, s21  }
0x15: {  	s8 =	simm.s32 $0x0;
	s22 =	sshll.u32 s6, $0x1;
	s6 =	sadd.s32 s23, s4  }
0x16: {  	[timem:s8], [sflag:s24] =	dma.local [hbm:s6], s22  }
0x17: {  	_ =	swait.ge [sflag:s24], s22  }
0x18: {  	s5 =	ssub.s32 $0x0, s22;
	[sflag:s24] =	ssyncset.done $0x0  }
0x19: {  	[sflag:s24] =	ssyncadd.s32 s5;
	_ =	sdelay $0x1  }
0x1a: {  	s25 =	simm.s32 $0x1B8B  }
0x1b: {  	_ =	swait.ge [sflag:s25], $0x1  }
0x1c: {  	[sflag:s25] =	ssyncset.done $0x0  }
0x1d: {  	s26 =	simm.s32 $0x1B8E;
	[sflag:s25] =	ssyncadd.s32 $0xFFFFFFFF  }
0x1e: {  	s27 =	simm.s32 $execute0_lowered;
	[smem:$0x3FD2] =	sst s26  }
0x1f: {  	s5 =	sshll.u32 s27, $0x1;
	_ =	strace $0x80000046;
	[dreg:$0x1] =	wrdreg $0xFFFFFFFF  }
0x20: {  	s28 =	simm.s32 $_size_execute0_lowered;
	s4 =	sadd.s32 s4, s5;
	[dreg:$0x0] =	wrdreg $0x0  }
0x21: {  	s5 =	sshll.u32 s28, $0x1;
	[dreg:$0x2] =	wrdreg s4  }
0x22: {  	[dreg:$0x3] =	wrdreg s5  }
0x23: {  	[dreg:$0x4] =	wrdreg $0xC0  }
0x24: {  	_ =	task [dreg:s8], $0x5FFFF  }
0x25: {  	[dreg:$0x1] =	wrdreg $0xFFFFFFFF  }
0x26: {  	[dreg:$0x0] =	wrdreg $0x60  }
0x27: {  	[dreg:$0x2] =	wrdreg s2  }
0x28: {  	[dreg:$0x3] =	wrdreg s20  }
0x29: {  	[dreg:$0x4] =	wrdreg $0x9  }
0x2a: {  	_ =	task.clear_ibuf [dreg:s8], $0x5FFFF;
	_ =	strace $0x90000046  }
0x2b: {  	s29 =	simm.s32 $0x9;
	_ =	strace $0x80000048  }
0x2c: {  	_ =	swait.ge [sflag:s29], $0x1  }
0x2d: {  	[sflag:s29] =	ssyncadd.s32 $0xFFFFFFFF  }
0x2e: {  	_ =	strace $0x90000048  }
0x2f: {  	_ =	sfence  }
0x30: {  	s30 =	sld [smem:$0x0];
	_ =	sdelay $0x2  }
0x31: {  	s31 =	sshll.u32 s1, $0xD;
	s1 =	sshrl.u32 s1, $0x2  }
0x32: {  	s3 =	sand.u32 $0x4000, s31;
	s1 =	sadd.s32 s1, s30  }
0x33: {  	s0 =	sor.u32 s3, s0;
	s1 =	sshll.u32 s1, $0x11  }
0x34: {  	s0 =	sor.u32 s1, s0  }
0x35: {  	s0 =	sadd.s32 $0x8F2B, s0  }
0x36: {  	[sflag:s0] =	ssyncadd.remote.s32 $0x1  }
0x37: {  	_ =	sfence.sel $0xFFFF  }
0x38: {  	[dreg:$0x0] =	wrdreg $0xFFFFFFFF;
	(pc) =	sbr.abs _section_cstart, $3  }
0x39: {  	[dreg:$0x1] =	wrdreg $0xFFFFFFFF  }
0x3a: {  	_ =	task.clear_ibuf [dreg:s8], $0x2FFFF;
	_ =	strace $0x9FFFFFFF  }
0x3b: {  	(tm) =	ssettm $0x7FFFFFFF  }
tec
execute0_lowered:
.L_overlay_start_1:
0x0: {  	(tag) =	ssettag $0x1  }
0x1: {  	s0 =	srdreg.scid  }
0x2: {  	s1 =	sshll.u32 s0, $0x4  }
0x3: {  	s2 =	rddreg [dreg:$0x0];
	s0 =	stileid.u32;
	s1 =	sand.u32 $0x10, s1  }
0x4: {  	s4 =	rddreg [dreg:$0x1];
	s1 =	sor.u32 s0, s1  }
0x5: {  	s7 =	simm.s32 $0x1;
	s8 =	simm.s32 $0x2;
	s3 =	sshll.u32 s1, $0x1  }
0x6: {  	s9 =	simm.s32 $0x0;
	s12 =	simm.s32 $0x0;
	s6 =	ssub.s32 $0x1000, s3  }
.Ltmp0:
0x7: {  	s11 =	simm.s32 $0x0;
	s5 =	sand.u32 $0x3E, s6;
	(pc) =	sbr.rel .LBB1_1-.Ltmp0, $4  }
0x8: {  	s1 =	rddreg [dreg:$0x2];
	_ =	strace $0x80000047;
	p0 =	sne.s32 s5, $0x0  }
0x9: {  	s6 =	sshrl.u32 s6, $0x6;
	s5 =	simm.s32 $0x1;
	s7 =	simm.s32 @!p0 $0x0  }
0xa: {  	s10 =	smov.u32 s3;
	[sflag:s5] =	ssyncpa.u1 $0x0;
	s6 =	sadd.s32 s7, s6  }
0xb: {  	[sflag:s8] =	ssyncpa.u1 $0x0;
	s8 =	simm.s32 $0x0;
	s7 =	sadd.s32 $0x1, s6  }
.LBB1_9:
0xc: {  	s14 =	sadd.s32 $0x40, s10  }
0xd: {  	p1 =	sgt.s32 s14, $0xFFF  }
0xe: {  	s14 =	smov.u32 @p1 s3;
	p1 =	sne.s32 s11, s7  }
.Ltmp1:
0xf: {  	p0 =	slt.u32 s11, $0x2;
	(pc) =	sbr.rel @!p1 .LBB1_10-.Ltmp1, $4  }
0x10: {  	s13 =	simm.s32 @!p0 $0x2  }
0x11: {  	s15 =	sadd.s32 $0x1, s11;
	_ =	swait.ge @!p0 [sflag:s13], $0x4000  }
0x12: {  	s12 =	smov.u32 s10;
	s9 =	sadd.s32 $0x4000, s9;
	[sflag:s13] =	ssyncset.done @!p0 $0x0  }
0x13: {  	s11 =	smov.u32 s15;
	s10 =	smov.u32 s14;
	[sflag:s13] =	ssyncadd.s32 @!p0 $0xFFFFC000  }
.LBB1_1:
0x14: {  	p0 =	sge.u32 s11, s6  }
0x15: {  	s13 =	sxor.u32 @!p0 $0xFFFFFFFF, s11  }
0x16: {  	s31 =	sadd.s32 $0xFFFFFFFF, s11;
	s14 =	sshll.u32 @!p0 s10, $0xA;
	s13 =	sshll.u32 @!p0 s13, $0xE  }
0x17: {  	s15 =	simm.s32 @!p0 $0x0;
	s14 =	sadd.s32 @!p0 s2, s14;
	s13 =	sand.u32 @!p0 $0x4000, s13  }
0x18: {  	[tilespmem:s13], [sflag:$0x1] =	stream.linear.gather @!p0 [hbm4b:s14+s15], $0x4000, $0x38;
	[tilespmem:$0x10000] =	vst v63  }
0x19: {  	p0 =	sge.u32 s31, s6  }
.Ltmp2:
0x1a: {  	_ = 	snop;
	(pc) =	sbr.rel @p0 .LBB1_9-.Ltmp2, $1  }
0x1b: {  	_ =	sdelay $0x3  }
0x1c: {  	s13 =	sshll.u32 s9, $0x2  }
0x1d: {  	_ =	swait.ge [sflag:s5], $0x4000;
	s14 =	sshll.u32 s11, $0xE;
	s16 =	simm.s32 $0x0  }
0x1e: {  	p1 =	por $0x1, $0x1;
	s13 =	sand.u32 $0x10000, s13;
	[sflag:s5] =	ssyncset.done $0x0  }
0x1f: {  	s14 =	sand.u32 $0x4000, s14;
	s15 =	sshrl.u32 s13, $0x2;
	[sflag:s5] =	ssyncadd.s32 $0xFFFFC000  }
0x20: {  	s13 =	sor.u32 $0x8000, s14;
	s14 =	sadd.s32 $0x8040, s15;
	s15 =	sadd.s32 $0x40, s15  }
.LBB1_3:
0x21: {  	s16 =	sshll.u32 s16, $0x2  }
0x22: {  	p0 =	por p1, p1;
	s17 =	sshra.s32 s16, $0x2  }
0x23: {  	s18 =	simm.s32 $0x0;
	s16 =	sadd.s32 s17, s14;
	s17 =	sadd.s32 s17, s15  }
.LBB1_4:
0x24: {  	v0 =	vmov s17;
	_ =	sdelay $0x3  }
0x25: {  	s20 =	simm.s32 $0x0  }
0x26: {  	v6 =	vld.idx.msk [tilespmem:v0+s20+$0x30 ss:$0x1], $0xffff  }
0x27: {  	v7 =	vld.idx.msk [tilespmem:v0+s20+$0xFFFFFFC0 ss:$0x1], $0xffff  }
0x28: {  	v5 =	vld.idx.msk [tilespmem:v0+s20+$0xFFFFFFD0 ss:$0x1], $0xffff  }
0x29: {  	v4 =	vld.idx.msk [tilespmem:v0+s20+$0xFFFFFFE0 ss:$0x1], $0xffff  }
0x2a: {  	v3 =	vld.idx.msk [tilespmem:v0+s20+$0xFFFFFFF0 ss:$0x1], $0xffff  }
0x2b: {  	v1 =	vld.idx.msk [tilespmem:v0+s20+$0x0 ss:$0x1], $0xffff  }
0x2c: {  	v2 =	vld.idx.msk [tilespmem:v0+s20+$0x10 ss:$0x1], $0xffff;
	[tilespmem:s16+$0x30] =	vst v6  }
0x2d: {  	s19 =	simm.s32 $0x80;
	s21 =	simm.s32 $0x400;
	[tilespmem:s16+$0xFFFFFFC0] =	vst v7;
	v6 =	vld.idx.msk [tilespmem:v0+s20+$0x20 ss:$0x1], $0xffff;
	s20 =	smov.u32 s16  }
.LBB1_5:
0x2e: {  	p1 =	sne.s32 s21, $0xE00;
	v7 =	vld.idx.msk [tilespmem:v0+s19+$0x30 ss:$0x1], $0xffff;
	[tilespmem:s20+$0xFFFFFFD0] =	vst v5  }
0x2f: {  	v8 =	vld.idx.msk [tilespmem:v0+s19+$0xFFFFFFC0 ss:$0x1], $0xffff;
	[tilespmem:s20+$0xFFFFFFE0] =	vst v4  }
0x30: {  	v5 =	vld.idx.msk [tilespmem:v0+s19+$0xFFFFFFD0 ss:$0x1], $0xffff;
	[tilespmem:s20+$0xFFFFFFF0] =	vst v3  }
.Ltmp3:
0x31: {  	v4 =	vld.idx.msk [tilespmem:v0+s19+$0xFFFFFFE0 ss:$0x1], $0xffff;
	[tilespmem:s20+$0x0] =	vst v1;
	(pc) =	sbr.rel @p1 .LBB1_5-.Ltmp3, $4  }
0x32: {  	v3 =	vld.idx.msk [tilespmem:v0+s19+$0xFFFFFFF0 ss:$0x1], $0xffff;
	[tilespmem:s20+$0x10] =	vst v2  }
0x33: {  	v1 =	vld.idx.msk [tilespmem:v0+s19+$0x0 ss:$0x1], $0xffff;
	[tilespmem:s20+$0x20] =	vst v6;
	s20 =	sadd.s32 $0x400, s20  }
0x34: {  	v2 =	vld.idx.msk [tilespmem:v0+s19+$0x10 ss:$0x1], $0xffff;
	[tilespmem:s20+$0x30] =	vst v7  }
0x35: {  	[tilespmem:s20+$0xFFFFFFC0] =	vst v8;
	v6 =	vld.idx.msk [tilespmem:v0+s19+$0x20 ss:$0x1], $0xffff;
	s19 =	sshra.s32 s21, $0x2;
	s21 =	sadd.s32 $0x200, s21  }
0x36: {  	_ =	sdelay $0x2  }
0x37: {  	[tilespmem:s20+$0xFFFFFFD0] =	vst v5  }
0x38: {  	v56 =	vld.idx.msk [tilespmem:v0+s19+$0x30 ss:$0x1], $0xffff;
	[tilespmem:s20+$0xFFFFFFE0] =	vst v4  }
0x39: {  	v57 =	vld.idx.msk [tilespmem:v0+s19+$0xFFFFFFC0 ss:$0x1], $0xffff;
	[tilespmem:s20+$0xFFFFFFF0] =	vst v3  }
0x3a: {  	v58 =	vld.idx.msk [tilespmem:v0+s19+$0xFFFFFFD0 ss:$0x1], $0xffff;
	[tilespmem:s20+$0x0] =	vst v1  }
0x3b: {  	v59 =	vld.idx.msk [tilespmem:v0+s19+$0xFFFFFFE0 ss:$0x1], $0xffff;
	[tilespmem:s20+$0x10] =	vst v2  }
0x3c: {  	v60 =	vld.idx.msk [tilespmem:v0+s19+$0xFFFFFFF0 ss:$0x1], $0xffff;
	s31 =	sadd.s32 $0x400, s20;
	[tilespmem:s20+$0x20] =	vst v6  }
0x3d: {  	v61 =	vld.idx.msk [tilespmem:v0+s19+$0x0 ss:$0x1], $0xffff;
	[tilespmem:s31+$0x30] =	vst v56  }
0x3e: {  	v62 =	vld.idx.msk [tilespmem:v0+s19+$0x10 ss:$0x1], $0xffff;
	s18 =	sadd.s32 $0x1, s18;
	[tilespmem:s31+$0xFFFFFFC0] =	vst v57  }
0x3f: {  	v63 =	vld.idx.msk [tilespmem:v0+s19+$0x20 ss:$0x1], $0xffff;
	p1 =	sne.s32 s18, $0x8;
	[tilespmem:s31+$0xFFFFFFD0] =	vst v58  }
.Ltmp4:
0x40: {  	[tilespmem:s31+$0xFFFFFFE0] =	vst v59;
	(pc) =	sbr.rel @p1 .LBB1_4-.Ltmp4, $4  }
0x41: {  	[tilespmem:s31+$0xFFFFFFF0] =	vst v60  }
0x42: {  	[tilespmem:s31+$0x0] =	vst v61  }
0x43: {  	[tilespmem:s31+$0x10] =	vst v62  }
0x44: {  	s16 =	sadd.s32 $0x80, s16;
	s17 =	sadd.s32 $0x400, s17;
	[tilespmem:s31+$0x20] =	vst v63  }
.Ltmp5:
0x45: {  	(pc) =	sbr.rel @p0 .LBB1_3-.Ltmp5, $2  }
0x46: {  	_ =	sdelay $0x2  }
0x47: {  	s16 =	simm.s32 $0x2000;
	p1 =	por $0x0, $0x0  }
.Ltmp6:
0x48: {  	(pc) =	sbr.rel .LBB1_9-.Ltmp6, $4  }
0x49: {  	_ = 	snop  }
0x4a: {  	s12 =	sshll.u32 s12, $0xA  }
0x4b: {  	s12 =	sadd.s32 s4, s12  }
0x4c: {  	[hbm4b:s12+s8] =	stream.linear.scatter [tilespmem:s13], [sflag:$0x2], $0x4000, $0x38;
	[tilespmem:$0x10000] =	vst v63  }
.LBB1_10:
0x4d: {  	_ =	sfence.sel $0x180000  }
0x4e: {  	s2 =	simm.s32 $0x1;
	[bflag:$0x0] =	sbarrier.arrive $0xFFFF  }
0x4f: {  	s31 =	simm.s32 $0x2;
	[sflag:s2] =	ssyncpa.u1 $0x1  }
0x50: {  	[sflag:s31] =	ssyncpa.u1 $0x1  }
0x51: {  	p0 =	sne.s32 s0, $0x0;
	_ =	strace $0x90000047  }
0x52: {  	s0 =	sadd.s32 @!p0 $0x100000, s1;
	[bflag:$0x2] =	sbarrier.arrive $0xFFFF  }
0x53: {  	[sflag:s0] =	ssyncadd.tile.s32 @!p0 $0x1;
	_ =	shalt  }
.Lfunc_end1:
_tile_overlayer_lowered:
.L_overlay_start_2:
0x54: {  	(tag) =	ssettag $0x2  }
0x55: {  	s0 =	rddreg [dreg:$0x0];
	s2 =	stileid.u32  }
0x56: {  	s1 =	rddreg [dreg:$0x1];
	p0 =	sne.s32 s2, $0x0  }
0x57: {  	s3 =	rddreg [dreg:$0x2];
	[bflag:$0x3] =	sbarrier.arrive $0xFFFF;
	s2 =	simm.s32 @!p0 $0x1C01  }
0x58: {  	[timem:s3], [sflag:s2] =	dma.local @!p0 [hbm:s0], s1  }
0x59: {  	s0 =	simm.s32 @!p0 $0x1  }
0x5a: {  	_ =	swait.ge @!p0 [sflag:s0], s1  }
0x5b: {  	s1 =	ssub.s32 @!p0 $0x0, s1;
	[sflag:s0] =	ssyncset.done @!p0 $0x0  }
0x5c: {  	[sflag:s0] =	ssyncadd.s32 @!p0 s1  }
0x5d: {  	[bflag:$0x3] =	sbarrier.arrive $0xFFFF  }
0x5e: {  	_ =	shalt  }

</sc_bundles>
